<compile_context>
chip_gen: v7x
topology: tpu7x:2x2x1
jax: 0.10.2.dev20260603
libtpu: 0.0.44.dev20260713+nightly
codegen_flags: <defaults>
</compile_context>

<pallas_src>
import dataclasses
import functools

import jax
import jax.numpy as jnp
from jax import lax
from jax.experimental import pallas as pl
from jax.experimental.pallas import tpu as pltpu
from jax.experimental.pallas import tpu_sc as plsc

N = 10000
E = 320000
NP = 10240
NC = 2
NS = 16
NW = NC * NS
EPW = E // NW
L = 16
NSL = NP // NS

_mesh = plsc.VectorSubcoreMesh(core_axis_name="c", subcore_axis_name="s")

_sc_params = pltpu.CompilerParams()
if "needs_layout_passes" in pltpu.CompilerParams.__dataclass_fields__:
    _sc_params = dataclasses.replace(_sc_params, needs_layout_passes=False)


def _fast_rsqrt(d):
    u = plsc.bitcast(d, jnp.int32)
    x = plsc.bitcast(jnp.int32(0x5F3759DF) - (u >> 1), jnp.float32)
    hd = 0.5 * d
    for _ in range(3):
        x = x * (1.5 - hd * x * x)
    return jnp.where(d > 0, x, 0.0)


def _zero_acc(acc4):
    zv = jnp.zeros((L,), jnp.float32)

    @plsc.parallel_loop(0, NP, step=L, unroll=8)
    def _(i):
        for f in range(4):
            acc4[f, pl.ds(i, L)] = zv


def _edge_pass_deg(row_v, col_v, acc4):
    ones = jnp.ones((L,), jnp.float32)
    three = jnp.full((L,), 3, jnp.int32)

    @plsc.parallel_loop(0, EPW, step=L, unroll=8)
    def _(i):
        r = row_v[pl.ds(i, L)]
        c = col_v[pl.ds(i, L)]
        plsc.addupdate_scatter(acc4, [three, r], ones, mask=r != c)


def _edge_pass_prop(row_v, col_v, z_v, acc4):
    @plsc.parallel_loop(0, EPW, step=L, unroll=8)
    def _(i):
        r = row_v[pl.ds(i, L)]
        c = col_v[pl.ds(i, L)]
        m = r != c
        for f in range(3):
            fs = jnp.full((L,), f, jnp.int32)
            v = plsc.load_gather(z_v, [fs, r])
            plsc.addupdate_scatter(acc4, [fs, c], v, mask=m)


def _reduce_acc_and_store(c, s, lo, acc4, accst_hbm, rbuf, sacc, out_ref):
    pltpu.sync_copy(acc4, accst_hbm.at[c, s])
    plsc.subcore_barrier()
    for k in range(4):
        pltpu.sync_copy(
            accst_hbm.at[c, pl.ds(4 * k, 4), :, pl.ds(lo, NSL)], rbuf)

        @plsc.parallel_loop(0, NSL, step=L, unroll=4)
        def _(j):
            for f in range(3):
                acc = rbuf[0, f, pl.ds(j, L)] if k == 0 \
                    else sacc[f, pl.ds(j, L)] + rbuf[0, f, pl.ds(j, L)]
                for t in range(1, 4):
                    acc = acc + rbuf[t, f, pl.ds(j, L)]
                sacc[f, pl.ds(j, L)] = acc

    pltpu.sync_copy(sacc, out_ref)


@functools.partial(
    pl.kernel,
    out_type=(jax.ShapeDtypeStruct((NC, 4, NP), jnp.float32),
              jax.ShapeDtypeStruct((NC, NP), jnp.float32),
              jax.ShapeDtypeStruct((NC, 3, NP), jnp.float32),
              jax.ShapeDtypeStruct((NC, NS, NP), jnp.float32),
              jax.ShapeDtypeStruct((NC, NS, 4, NP), jnp.float32)),
    mesh=_mesh,
    compiler_params=_sc_params,
    scratch_types=[
        pltpu.VMEM((EPW,), jnp.int32),
        pltpu.VMEM((EPW,), jnp.int32),
        pltpu.VMEM((4, NP), jnp.float32),
        pltpu.VMEM((3, NP), jnp.float32),
        pltpu.VMEM((NSL,), jnp.float32),
        pltpu.VMEM((3, NSL), jnp.float32),
        pltpu.VMEM((3, NSL), jnp.float32),
        pltpu.VMEM((4, 4, NSL), jnp.float32),
        pltpu.VMEM((4, NSL), jnp.float32),
        pltpu.SemaphoreType.DMA,
    ],
)
def _sc_layer1(row_hbm, col_hbm, y1_hbm,
               s1_hbm, dinv_hbm, zst_hbm, degst_hbm, accst_hbm,
               row_v, col_v, acc4, z_v, dacc, ybuf, zbuf, rbuf, sacc, sem):
    c = lax.axis_index("c")
    s = lax.axis_index("s")
    lo = s * NSL
    base_a = (2 * s + c) * EPW
    base_b = (2 * s + (1 - c)) * EPW

    c1 = pltpu.async_copy(row_hbm.at[pl.ds(base_b, EPW)], row_v, sem)
    c2 = pltpu.async_copy(col_hbm.at[pl.ds(base_b, EPW)], col_v, sem)
    c3 = pltpu.async_copy(y1_hbm.at[:, pl.ds(lo, NSL)], ybuf, sem)
    _zero_acc(acc4)
    c1.wait()
    c2.wait()
    c3.wait()
    _edge_pass_deg(row_v, col_v, acc4)
    c1 = pltpu.async_copy(row_hbm.at[pl.ds(base_a, EPW)], row_v, sem)
    c2 = pltpu.async_copy(col_hbm.at[pl.ds(base_a, EPW)], col_v, sem)
    c1.wait()
    c2.wait()
    _edge_pass_deg(row_v, col_v, acc4)

    pltpu.sync_copy(acc4.at[3], degst_hbm.at[c, s])
    plsc.subcore_barrier()
    cps = [pltpu.async_copy(
        degst_hbm.at[c, pl.ds(4 * k, 4), pl.ds(lo, NSL)], rbuf.at[k], sem)
        for k in range(4)]
    for cp in cps:
        cp.wait()
    for k in range(4):

        @plsc.parallel_loop(0, NSL, step=L, unroll=4)
        def _(j):
            d = rbuf[k, 0, pl.ds(j, L)] if k == 0 \
                else dacc[pl.ds(j, L)] + rbuf[k, 0, pl.ds(j, L)]
            for t in range(1, 4):
                d = d + rbuf[k, t, pl.ds(j, L)]
            dacc[pl.ds(j, L)] = d

    @plsc.parallel_loop(0, NSL, step=L, unroll=4)
    def _(j):
        dacc[pl.ds(j, L)] = _fast_rsqrt(dacc[pl.ds(j, L)])

    pltpu.sync_copy(dacc, dinv_hbm.at[c, pl.ds(lo, NSL)])

    @plsc.parallel_loop(0, NSL, step=L, unroll=4)
    def _(j):
        dv = dacc[pl.ds(j, L)]
        for f in range(3):
            zbuf[f, pl.ds(j, L)] = dv * ybuf[f, pl.ds(j, L)]

    pltpu.sync_copy(zbuf, zst_hbm.at[c, :, pl.ds(lo, NSL)])
    plsc.subcore_barrier()
    pltpu.sync_copy(zst_hbm.at[c], z_v)

    _edge_pass_prop(row_v, col_v, z_v, acc4)
    _reduce_acc_and_store(c, s, lo, acc4, accst_hbm, rbuf, sacc,
                          s1_hbm.at[c, :, pl.ds(lo, NSL)])


@functools.partial(
    pl.kernel,
    out_type=(jax.ShapeDtypeStruct((NC, NS, 4, NP), jnp.float32),
              jax.ShapeDtypeStruct((NC, 3, NP), jnp.float32),
              jax.ShapeDtypeStruct((NC, 3, NP), jnp.float32)),
    mesh=_mesh,
    compiler_params=_sc_params,
    scratch_types=[
        pltpu.VMEM((EPW,), jnp.int32),
        pltpu.VMEM((EPW,), jnp.int32),
        pltpu.VMEM((4, NP), jnp.float32),
        pltpu.VMEM((3, NP), jnp.float32),
        pltpu.VMEM((NSL,), jnp.float32),
        pltpu.VMEM((3, NSL), jnp.float32),
        pltpu.VMEM((3, NSL), jnp.float32),
        pltpu.VMEM((4, 4, NSL), jnp.float32),
        pltpu.SemaphoreType.DMA,
    ],
)
def _sc_layer2(row_hbm, col_hbm, s1_hbm, y0_hbm, dinv_hbm,
               accst_hbm, h1_hbm, zst_hbm,
               row_v, col_v, acc4, z_v, dvbuf, ybuf, hbuf, rbuf, sem):
    c = lax.axis_index("c")
    s = lax.axis_index("s")
    wid = c * NS + s
    lo = s * NSL
    base = wid * EPW

    c1 = pltpu.async_copy(row_hbm.at[pl.ds(base, EPW)], row_v, sem)
    c2 = pltpu.async_copy(col_hbm.at[pl.ds(base, EPW)], col_v, sem)
    c4 = pltpu.async_copy(s1_hbm.at[0, :, pl.ds(lo, NSL)], rbuf.at[0], sem)
    c5 = pltpu.async_copy(s1_hbm.at[1, :, pl.ds(lo, NSL)], rbuf.at[1], sem)
    c6 = pltpu.async_copy(dinv_hbm.at[c, pl.ds(lo, NSL)], dvbuf, sem)
    c7 = pltpu.async_copy(y0_hbm.at[:, pl.ds(lo, NSL)], ybuf, sem)
    _zero_acc(acc4)
    for cc in (c1, c2, c4, c5, c6, c7):
        cc.wait()

    @plsc.parallel_loop(0, NSL, step=L, unroll=4)
    def _(j):
        dv = dvbuf[pl.ds(j, L)]
        for f in range(3):
            s1 = rbuf[0, f, pl.ds(j, L)] + rbuf[1, f, pl.ds(j, L)]
            h1 = jnp.maximum(ybuf[f, pl.ds(j, L)] - dv * s1, 0.0)
            hbuf[f, pl.ds(j, L)] = h1
            ybuf[f, pl.ds(j, L)] = dv * h1

    pltpu.sync_copy(hbuf, h1_hbm.at[c, :, pl.ds(lo, NSL)])
    pltpu.sync_copy(ybuf, zst_hbm.at[c, :, pl.ds(lo, NSL)])
    plsc.subcore_barrier()
    pltpu.sync_copy(zst_hbm.at[c], z_v)

    _edge_pass_prop(row_v, col_v, z_v, acc4)
    pltpu.sync_copy(acc4, accst_hbm.at[c, s])


def _tc_mm1(x, Wcat, b1c):
    def body(x_ref, w_ref, b1_ref, y0_ref, y1_ref):
        yT = lax.dot_general(w_ref[...], x_ref[...], (((0,), (1,)), ((), ())),
                             preferred_element_type=jnp.float32)
        y0_ref[...] = yT[0:3, :] + b1_ref[...]
        y1_ref[...] = yT[3:6, :]

    return pl.pallas_call(
        body,
        grid=(1,),
        in_specs=[pl.BlockSpec((NP, 128), lambda i: (0, 0)),
                  pl.BlockSpec((128, 6), lambda i: (0, 0)),
                  pl.BlockSpec((3, 1), lambda i: (0, 0))],
        out_specs=(pl.BlockSpec((3, NP), lambda i: (0, 0)),
                   pl.BlockSpec((3, NP), lambda i: (0, 0))),
        out_shape=(jax.ShapeDtypeStruct((3, NP), jnp.float32),
                   jax.ShapeDtypeStruct((3, NP), jnp.float32)))(x, Wcat, b1c)


def _tc_final(s2p, h1p, dinvp, W2t0, W2t1, b2c, Wl, blr):
    def body(s2p_ref, h1_ref, dinv_ref, w20_ref, w21_ref, b2_ref, wl_ref,
             bl_ref, o_ref):
        s2 = jnp.sum(s2p_ref[...], axis=(0, 1))[0:3, :]
        p2 = -dinv_ref[0:1, :] * s2
        h1 = h1_ref[0]
        h2 = lax.dot_general(w20_ref[...], h1, (((1,), (0,)), ((), ())),
                             preferred_element_type=jnp.float32)
        h2 = h2 + lax.dot_general(w21_ref[...], p2, (((1,), (0,)), ((), ())),
                                  preferred_element_type=jnp.float32)
        h2 = jnp.maximum(h2 + b2_ref[...], 0.0)
        out = lax.dot_general(h2, wl_ref[...], (((0,), (0,)), ((), ())),
                              preferred_element_type=jnp.float32)
        o_ref[...] = out[:N] + bl_ref[...]

    return pl.pallas_call(
        body, out_shape=jax.ShapeDtypeStruct((N, 128), jnp.float32))(
            s2p, h1p, dinvp, W2t0, W2t1, b2c, Wl, blr)


def kernel(x, edge_index, W1_0, W1_1, b1, W2_0, W2_1, b2, Wl, bl):
    row = edge_index[0]
    col = edge_index[1]
    Wcat = jnp.concatenate([W1_0, W1_1], axis=1)
    b1c = b1.reshape(3, 1)
    W2t0 = W2_0.T
    W2t1 = W2_1.T
    b2c = b2.reshape(128, 1)
    blr = bl.reshape(1, 128)

    y0T, y1T = _tc_mm1(x, Wcat, b1c)
    s1p, dinvp, _, _, _ = _sc_layer1(row, col, y1T)
    s2acc, h1p, _ = _sc_layer2(row, col, s1p, y0T, dinvp)
    return _tc_final(s2acc, h1p, dinvp, W2t0, W2t1, b2c, Wl, blr)

# --- scband reference (transcript-rebuilt; emitter-appended) ---
"""Pipeline reference for scband-gcn-33036888441456 (READ-ONLY COPY).

The authoritative reference and input builder live on the scoring server;
editing this copy changes nothing except your own understanding.
"""

import jax, jax.numpy as jnp
import numpy as np

N = 10000
E = 320000
D_IN = 128
D_HID = 3
D_OUT = 128
D_TR = 128


def cheb_prop(x, row, col, w, n):
    # L_hat = (2/lambda_max)*L - I with lambda_max=2 and sym-normalized Laplacian
    # reduces to L_hat = -D^{-1/2} A D^{-1/2} (zero diagonal), self-loops removed via w
    deg = jax.ops.segment_sum(w, row, num_segments=n)
    dinv = jnp.where(deg > 0, 1.0 / jnp.sqrt(deg), 0.0)
    norm = -dinv[row] * w * dinv[col]
    return jax.ops.segment_sum(norm[:, None] * x[row], col, num_segments=n)


def cheb_conv(x, row, col, w, W0, W1, b):
    # K=2 Chebyshev: out = Tx_0 @ W0 + Tx_1 @ W1 + b, Tx_0 = x, Tx_1 = L_hat x
    tx0 = x
    tx1 = cheb_prop(x, row, col, w, x.shape[0])
    return tx0 @ W0 + tx1 @ W1 + b


def setup_inputs(seed: int = 0) -> dict:
    key = jax.random.key(seed)
    ks = jax.random.split(key, 12)
    x = jax.random.normal(ks[0], (N, D_IN), dtype=jnp.float32)
    edge_index = jax.random.randint(ks[1], (2, E), 0, N, dtype=jnp.int32)
    W1_0 = jax.random.normal(ks[2], (D_IN, D_HID), dtype=jnp.float32) * (1.0 / np.sqrt(D_IN))
    W1_1 = jax.random.normal(ks[3], (D_IN, D_HID), dtype=jnp.float32) * (1.0 / np.sqrt(D_IN))
    b1 = jnp.zeros((D_HID,), dtype=jnp.float32)
    W2_0 = jax.random.normal(ks[4], (D_HID, D_OUT), dtype=jnp.float32) * (1.0 / np.sqrt(D_HID))
    W2_1 = jax.random.normal(ks[5], (D_HID, D_OUT), dtype=jnp.float32) * (1.0 / np.sqrt(D_HID))
    b2 = jnp.zeros((D_OUT,), dtype=jnp.float32)
    Wl = jax.random.normal(ks[6], (D_OUT, D_TR), dtype=jnp.float32) * (1.0 / np.sqrt(D_OUT))
    bl = jnp.zeros((D_TR,), dtype=jnp.float32)
    return {"x": x, "edge_index": edge_index, "W1_0": W1_0, "W1_1": W1_1, "b1": b1,
            "W2_0": W2_0, "W2_1": W2_1, "b2": b2, "Wl": Wl, "bl": bl}


def reference(x, edge_index, W1_0, W1_1, b1, W2_0, W2_1, b2, Wl, bl):
    row, col = edge_index[0], edge_index[1]
    # remove_self_loops: zero out self-loop edges (excluded from degree and messages)
    w = jnp.where(row != col, 1.0, 0.0).astype(x.dtype)
    h = jax.nn.relu(cheb_conv(x, row, col, w, W1_0, W1_1, b1))
    h = jax.nn.relu(cheb_conv(h, row, col, w, W2_0, W2_1, b2))
    return h @ Wl + bl

if __name__ == "__main__":
    import jax
    _d = setup_inputs()
    print(jax.jit(kernel)(*tuple(_d.values())))

</pallas_src>

<mosaic_0001>
#map = affine_map<(d0, d1) -> (0)>
#map1 = affine_map<(d0, d1) -> (0, 0, 0)>
#map2 = affine_map<(d0, d1) -> (0, 0)>
#map3 = affine_map<(d0, d1) -> (0, 0, 0, 0)>
module attributes {stable_mosaic.version = 14 : i64} {
  func.func @_sc_layer2(%arg0: i32, %arg1: i32, %arg2: memref<320000xi32, #tpu.memory_space<hbm>>, %arg3: memref<320000xi32, #tpu.memory_space<hbm>>, %arg4: memref<2x4x10240xf32, #tpu.memory_space<hbm>>, %arg5: memref<3x10240xf32, #tpu.memory_space<hbm>>, %arg6: memref<2x10240xf32, #tpu.memory_space<hbm>>, %arg7: memref<2x16x4x10240xf32, #tpu.memory_space<hbm>>, %arg8: memref<2x3x10240xf32, #tpu.memory_space<hbm>>, %arg9: memref<2x3x10240xf32, #tpu.memory_space<hbm>>, %arg10: memref<10000xi32, #tpu.memory_space<vmem>>, %arg11: memref<10000xi32, #tpu.memory_space<vmem>>, %arg12: memref<4x10240xf32, #tpu.memory_space<vmem>>, %arg13: memref<3x10240xf32, #tpu.memory_space<vmem>>, %arg14: memref<640xf32, #tpu.memory_space<vmem>>, %arg15: memref<3x640xf32, #tpu.memory_space<vmem>>, %arg16: memref<3x640xf32, #tpu.memory_space<vmem>>, %arg17: memref<4x4x640xf32, #tpu.memory_space<vmem>>, %arg18: memref<!tpu.dma_semaphore, #tpu.memory_space<semaphore_mem>>) attributes {dimension_semantics = [#tpu.dimension_semantics<core_parallel>, #tpu.dimension_semantics<subcore_parallel>], iteration_bounds = array<i64: 2, 16>, scalar_prefetch = 0 : i64, scratch_operands = 9 : i64, tpu.core_type = #tpu.core_type<sc_vector_subcore>, window_params = [{transform_indices = #map}, {transform_indices = #map}, {transform_indices = #map1}, {transform_indices = #map2}, {transform_indices = #map2}, {transform_indices = #map3}, {transform_indices = #map1}, {transform_indices = #map1}]} {
    %mul3A = arith.constant 16 : i32
    %mul3A_0 = arith.muli %arg0, %mul3A : i32
    %add3A = arith.addi %mul3A_0, %arg1 : i32
    %mul3A_1 = arith.constant 640 : i32
    %mul3A_2 = arith.muli %arg1, %mul3A_1 : i32
    %mul3A_3 = arith.constant 10000 : i32
    %mul3A_4 = arith.muli %add3A, %mul3A_3 : i32
    %dma_start3A = tpu.memref_slice %arg2[%mul3A_4] : memref<320000xi32, #tpu.memory_space<hbm>> -> memref<10000xi32, #tpu.memory_space<hbm>>
    %dma_start3A_5 = tpu.memref_slice %arg2[%mul3A_4] : memref<320000xi32, #tpu.memory_space<hbm>> -> memref<10000xi32, #tpu.memory_space<hbm>>
    tpu.enqueue_dma source(%dma_start3A_5 : memref<10000xi32, #tpu.memory_space<hbm>>) target(%arg10 : memref<10000xi32, #tpu.memory_space<vmem>>) target_semaphore(%arg18 : memref<!tpu.dma_semaphore, #tpu.memory_space<semaphore_mem>>)
    %dma_start3A_6 = tpu.memref_slice %arg3[%mul3A_4] : memref<320000xi32, #tpu.memory_space<hbm>> -> memref<10000xi32, #tpu.memory_space<hbm>>
    %dma_start3A_7 = tpu.memref_slice %arg3[%mul3A_4] : memref<320000xi32, #tpu.memory_space<hbm>> -> memref<10000xi32, #tpu.memory_space<hbm>>
    tpu.enqueue_dma source(%dma_start3A_7 : memref<10000xi32, #tpu.memory_space<hbm>>) target(%arg11 : memref<10000xi32, #tpu.memory_space<vmem>>) target_semaphore(%arg18 : memref<!tpu.dma_semaphore, #tpu.memory_space<semaphore_mem>>)
    %dma_start3A_8 = arith.constant 0 : i32
    %dma_start3A_9 = arith.constant 0 : i32
    %dma_start3A_10 = arith.constant 0 : i32
    %dma_start3A_11 = arith.constant 0 : i32
    %dma_start3A_12 = tpu.memref_slice %arg17[%dma_start3A_9, %dma_start3A_10, %dma_start3A_11] : memref<4x4x640xf32, #tpu.memory_space<vmem>> -> memref<1x4x640xf32, #tpu.memory_space<vmem>>
    %dma_start3A_13 = tpu.memref_squeeze %dma_start3A_12 : memref<1x4x640xf32, #tpu.memory_space<vmem>> -> memref<4x640xf32, #tpu.memory_space<vmem>>
    %dma_start3A_14 = arith.constant 0 : i32
    %dma_start3A_15 = tpu.memref_slice %arg4[%dma_start3A_8, %dma_start3A_14, %mul3A_2] : memref<2x4x10240xf32, #tpu.memory_space<hbm>> -> memref<1x4x640xf32, #tpu.memory_space<hbm>>
    %dma_start3A_16 = tpu.memref_squeeze %dma_start3A_15 : memref<1x4x640xf32, #tpu.memory_space<hbm>> -> memref<4x640xf32, #tpu.memory_space<hbm>>
    %dma_start3A_17 = arith.constant 0 : i32
    %dma_start3A_18 = arith.constant 0 : i32
    %dma_start3A_19 = tpu.memref_slice %arg17[%dma_start3A_9, %dma_start3A_17, %dma_start3A_18] : memref<4x4x640xf32, #tpu.memory_space<vmem>> -> memref<1x4x640xf32, #tpu.memory_space<vmem>>
    %dma_start3A_20 = tpu.memref_squeeze %dma_start3A_19 : memref<1x4x640xf32, #tpu.memory_space<vmem>> -> memref<4x640xf32, #tpu.memory_space<vmem>>
    %dma_start3A_21 = arith.constant 0 : i32
    %dma_start3A_22 = tpu.memref_slice %arg4[%dma_start3A_8, %dma_start3A_21, %mul3A_2] : memref<2x4x10240xf32, #tpu.memory_space<hbm>> -> memref<1x4x640xf32, #tpu.memory_space<hbm>>
    %dma_start3A_23 = tpu.memref_squeeze %dma_start3A_22 : memref<1x4x640xf32, #tpu.memory_space<hbm>> -> memref<4x640xf32, #tpu.memory_space<hbm>>
    tpu.enqueue_dma source(%dma_start3A_23 : memref<4x640xf32, #tpu.memory_space<hbm>>) target(%dma_start3A_20 : memref<4x640xf32, #tpu.memory_space<vmem>>) target_semaphore(%arg18 : memref<!tpu.dma_semaphore, #tpu.memory_space<semaphore_mem>>)
    %dma_start3A_24 = arith.constant 1 : i32
    %dma_start3A_25 = arith.constant 1 : i32
    %dma_start3A_26 = arith.constant 0 : i32
    %dma_start3A_27 = arith.constant 0 : i32
    %dma_start3A_28 = tpu.memref_slice %arg17[%dma_start3A_25, %dma_start3A_26, %dma_start3A_27] : memref<4x4x640xf32, #tpu.memory_space<vmem>> -> memref<1x4x640xf32, #tpu.memory_space<vmem>>
    %dma_start3A_29 = tpu.memref_squeeze %dma_start3A_28 : memref<1x4x640xf32, #tpu.memory_space<vmem>> -> memref<4x640xf32, #tpu.memory_space<vmem>>
    %dma_start3A_30 = arith.constant 0 : i32
    %dma_start3A_31 = tpu.memref_slice %arg4[%dma_start3A_24, %dma_start3A_30, %mul3A_2] : memref<2x4x10240xf32, #tpu.memory_space<hbm>> -> memref<1x4x640xf32, #tpu.memory_space<hbm>>
    %dma_start3A_32 = tpu.memref_squeeze %dma_start3A_31 : memref<1x4x640xf32, #tpu.memory_space<hbm>> -> memref<4x640xf32, #tpu.memory_space<hbm>>
    %dma_start3A_33 = arith.constant 0 : i32
    %dma_start3A_34 = arith.constant 0 : i32
    %dma_start3A_35 = tpu.memref_slice %arg17[%dma_start3A_25, %dma_start3A_33, %dma_start3A_34] : memref<4x4x640xf32, #tpu.memory_space<vmem>> -> memref<1x4x640xf32, #tpu.memory_space<vmem>>
    %dma_start3A_36 = tpu.memref_squeeze %dma_start3A_35 : memref<1x4x640xf32, #tpu.memory_space<vmem>> -> memref<4x640xf32, #tpu.memory_space<vmem>>
    %dma_start3A_37 = arith.constant 0 : i32
    %dma_start3A_38 = tpu.memref_slice %arg4[%dma_start3A_24, %dma_start3A_37, %mul3A_2] : memref<2x4x10240xf32, #tpu.memory_space<hbm>> -> memref<1x4x640xf32, #tpu.memory_space<hbm>>
    %dma_start3A_39 = tpu.memref_squeeze %dma_start3A_38 : memref<1x4x640xf32, #tpu.memory_space<hbm>> -> memref<4x640xf32, #tpu.memory_space<hbm>>
    tpu.enqueue_dma source(%dma_start3A_39 : memref<4x640xf32, #tpu.memory_space<hbm>>) target(%dma_start3A_36 : memref<4x640xf32, #tpu.memory_space<vmem>>) target_semaphore(%arg18 : memref<!tpu.dma_semaphore, #tpu.memory_space<semaphore_mem>>)
    %dma_start3A_40 = tpu.memref_slice %arg6[%arg0, %mul3A_2] : memref<2x10240xf32, #tpu.memory_space<hbm>> -> memref<1x640xf32, #tpu.memory_space<hbm>>
    %dma_start3A_41 = tpu.memref_squeeze %dma_start3A_40 : memref<1x640xf32, #tpu.memory_space<hbm>> -> memref<640xf32, #tpu.memory_space<hbm>>
    %dma_start3A_42 = tpu.memref_slice %arg6[%arg0, %mul3A_2] : memref<2x10240xf32, #tpu.memory_space<hbm>> -> memref<1x640xf32, #tpu.memory_space<hbm>>
    %dma_start3A_43 = tpu.memref_squeeze %dma_start3A_42 : memref<1x640xf32, #tpu.memory_space<hbm>> -> memref<640xf32, #tpu.memory_space<hbm>>
    tpu.enqueue_dma source(%dma_start3A_43 : memref<640xf32, #tpu.memory_space<hbm>>) target(%arg14 : memref<640xf32, #tpu.memory_space<vmem>>) target_semaphore(%arg18 : memref<!tpu.dma_semaphore, #tpu.memory_space<semaphore_mem>>)
    %dma_start3A_44 = arith.constant 0 : i32
    %dma_start3A_45 = tpu.memref_slice %arg5[%dma_start3A_44, %mul3A_2] : memref<3x10240xf32, #tpu.memory_space<hbm>> -> memref<3x640xf32, #tpu.memory_space<hbm>>
    %dma_start3A_46 = arith.constant 0 : i32
    %dma_start3A_47 = tpu.memref_slice %arg5[%dma_start3A_46, %mul3A_2] : memref<3x10240xf32, #tpu.memory_space<hbm>> -> memref<3x640xf32, #tpu.memory_space<hbm>>
    tpu.enqueue_dma source(%dma_start3A_47 : memref<3x640xf32, #tpu.memory_space<hbm>>) target(%arg15 : memref<3x640xf32, #tpu.memory_space<vmem>>) target_semaphore(%arg18 : memref<!tpu.dma_semaphore, #tpu.memory_space<semaphore_mem>>)
    %broadcast_in_dim3A = arith.constant 0.000000e+00 : f32
    %broadcast_in_dim3A_48 = vector.broadcast %broadcast_in_dim3A : f32 to vector<16xf32>
    %parallel_loop3A = arith.constant 0 : i32
    %parallel_loop3A_49 = arith.constant 10240 : i32
    %parallel_loop3A_50 = arith.constant 16 : i32
    scf.for %parallel_loop3A_100 = %parallel_loop3A to %parallel_loop3A_49 step %parallel_loop3A_50  : i32 {
      %parallel_loop3A_101 = arith.constant 0 : i32
      %parallel_loop3A_102 = arith.index_cast %parallel_loop3A_101 : i32 to index
      %parallel_loop3A_103 = arith.index_cast %parallel_loop3A_100 : i32 to index
      %parallel_loop3A_104 = tpu.vector_load %arg12[%parallel_loop3A_102, %parallel_loop3A_103] {strides = array<i32>} : memref<4x10240xf32, #tpu.memory_space<vmem>>, vector<16xf32>,
      tpu.vector_store %arg12[%parallel_loop3A_102, %parallel_loop3A_103], %broadcast_in_dim3A_48 {strides = array<i32>} : memref<4x10240xf32, #tpu.memory_space<vmem>>, vector<16xf32>,
      %parallel_loop3A_105 = arith.constant 1 : i32
      %parallel_loop3A_106 = arith.index_cast %parallel_loop3A_105 : i32 to index
      %parallel_loop3A_107 = arith.index_cast %parallel_loop3A_100 : i32 to index
      %parallel_loop3A_108 = tpu.vector_load %arg12[%parallel_loop3A_106, %parallel_loop3A_107] {strides = array<i32>} : memref<4x10240xf32, #tpu.memory_space<vmem>>, vector<16xf32>,
      tpu.vector_store %arg12[%parallel_loop3A_106, %parallel_loop3A_107], %broadcast_in_dim3A_48 {strides = array<i32>} : memref<4x10240xf32, #tpu.memory_space<vmem>>, vector<16xf32>,
      %parallel_loop3A_109 = arith.constant 2 : i32
      %parallel_loop3A_110 = arith.index_cast %parallel_loop3A_109 : i32 to index
      %parallel_loop3A_111 = arith.index_cast %parallel_loop3A_100 : i32 to index
      %parallel_loop3A_112 = tpu.vector_load %arg12[%parallel_loop3A_110, %parallel_loop3A_111] {strides = array<i32>} : memref<4x10240xf32, #tpu.memory_space<vmem>>, vector<16xf32>,
      tpu.vector_store %arg12[%parallel_loop3A_110, %parallel_loop3A_111], %broadcast_in_dim3A_48 {strides = array<i32>} : memref<4x10240xf32, #tpu.memory_space<vmem>>, vector<16xf32>,
      %parallel_loop3A_113 = arith.constant 3 : i32
      %parallel_loop3A_114 = arith.index_cast %parallel_loop3A_113 : i32 to index
      %parallel_loop3A_115 = arith.index_cast %parallel_loop3A_100 : i32 to index
      %parallel_loop3A_116 = tpu.vector_load %arg12[%parallel_loop3A_114, %parallel_loop3A_115] {strides = array<i32>} : memref<4x10240xf32, #tpu.memory_space<vmem>>, vector<16xf32>,
      tpu.vector_store %arg12[%parallel_loop3A_114, %parallel_loop3A_115], %broadcast_in_dim3A_48 {strides = array<i32>} : memref<4x10240xf32, #tpu.memory_space<vmem>>, vector<16xf32>,
    } {sc.loop_unroll_factor = 8 : i64, sc.parallel_access}
    %dma_wait3A = tpu.memref_slice %arg2[%mul3A_4] : memref<320000xi32, #tpu.memory_space<hbm>> -> memref<10000xi32, #tpu.memory_space<hbm>>
    %dma_wait3A_51 = tpu.memref_slice %arg2[%mul3A_4] : memref<320000xi32, #tpu.memory_space<hbm>> -> memref<10000xi32, #tpu.memory_space<hbm>>
    tpu.wait_dma2 semaphore(%arg18 : memref<!tpu.dma_semaphore, #tpu.memory_space<semaphore_mem>>) src(%dma_wait3A_51 : memref<10000xi32, #tpu.memory_space<hbm>>) dst(%arg10 : memref<10000xi32, #tpu.memory_space<vmem>>)
    %dma_wait3A_52 = tpu.memref_slice %arg3[%mul3A_4] : memref<320000xi32, #tpu.memory_space<hbm>> -> memref<10000xi32, #tpu.memory_space<hbm>>
    %dma_wait3A_53 = tpu.memref_slice %arg3[%mul3A_4] : memref<320000xi32, #tpu.memory_space<hbm>> -> memref<10000xi32, #tpu.memory_space<hbm>>
    tpu.wait_dma2 semaphore(%arg18 : memref<!tpu.dma_semaphore, #tpu.memory_space<semaphore_mem>>) src(%dma_wait3A_53 : memref<10000xi32, #tpu.memory_space<hbm>>) dst(%arg11 : memref<10000xi32, #tpu.memory_space<vmem>>)
    %dma_wait3A_54 = arith.constant 0 : i32
    %dma_wait3A_55 = arith.constant 0 : i32
    %dma_wait3A_56 = arith.constant 0 : i32
    %dma_wait3A_57 = arith.constant 0 : i32
    %dma_wait3A_58 = tpu.memref_slice %arg17[%dma_wait3A_55, %dma_wait3A_56, %dma_wait3A_57] : memref<4x4x640xf32, #tpu.memory_space<vmem>> -> memref<1x4x640xf32, #tpu.memory_space<vmem>>
    %dma_wait3A_59 = tpu.memref_squeeze %dma_wait3A_58 : memref<1x4x640xf32, #tpu.memory_space<vmem>> -> memref<4x640xf32, #tpu.memory_space<vmem>>
    %dma_wait3A_60 = arith.constant 0 : i32
    %dma_wait3A_61 = tpu.memref_slice %arg4[%dma_wait3A_54, %dma_wait3A_60, %mul3A_2] : memref<2x4x10240xf32, #tpu.memory_space<hbm>> -> memref<1x4x640xf32, #tpu.memory_space<hbm>>
    %dma_wait3A_62 = tpu.memref_squeeze %dma_wait3A_61 : memref<1x4x640xf32, #tpu.memory_space<hbm>> -> memref<4x640xf32, #tpu.memory_space<hbm>>
    %dma_wait3A_63 = arith.constant 0 : i32
    %dma_wait3A_64 = arith.constant 0 : i32
    %dma_wait3A_65 = tpu.memref_slice %arg17[%dma_wait3A_55, %dma_wait3A_63, %dma_wait3A_64] : memref<4x4x640xf32, #tpu.memory_space<vmem>> -> memref<1x4x640xf32, #tpu.memory_space<vmem>>
    %dma_wait3A_66 = tpu.memref_squeeze %dma_wait3A_65 : memref<1x4x640xf32, #tpu.memory_space<vmem>> -> memref<4x640xf32, #tpu.memory_space<vmem>>
    %dma_wait3A_67 = arith.constant 0 : i32
    %dma_wait3A_68 = tpu.memref_slice %arg4[%dma_wait3A_54, %dma_wait3A_67, %mul3A_2] : memref<2x4x10240xf32, #tpu.memory_space<hbm>> -> memref<1x4x640xf32, #tpu.memory_space<hbm>>
    %dma_wait3A_69 = tpu.memref_squeeze %dma_wait3A_68 : memref<1x4x640xf32, #tpu.memory_space<hbm>> -> memref<4x640xf32, #tpu.memory_space<hbm>>
    tpu.wait_dma2 semaphore(%arg18 : memref<!tpu.dma_semaphore, #tpu.memory_space<semaphore_mem>>) src(%dma_wait3A_69 : memref<4x640xf32, #tpu.memory_space<hbm>>) dst(%dma_wait3A_66 : memref<4x640xf32, #tpu.memory_space<vmem>>)
    %dma_wait3A_70 = arith.constant 1 : i32
    %dma_wait3A_71 = arith.constant 1 : i32
    %dma_wait3A_72 = arith.constant 0 : i32
    %dma_wait3A_73 = arith.constant 0 : i32
    %dma_wait3A_74 = tpu.memref_slice %arg17[%dma_wait3A_71, %dma_wait3A_72, %dma_wait3A_73] : memref<4x4x640xf32, #tpu.memory_space<vmem>> -> memref<1x4x640xf32, #tpu.memory_space<vmem>>
    %dma_wait3A_75 = tpu.memref_squeeze %dma_wait3A_74 : memref<1x4x640xf32, #tpu.memory_space<vmem>> -> memref<4x640xf32, #tpu.memory_space<vmem>>
    %dma_wait3A_76 = arith.constant 0 : i32
    %dma_wait3A_77 = tpu.memref_slice %arg4[%dma_wait3A_70, %dma_wait3A_76, %mul3A_2] : memref<2x4x10240xf32, #tpu.memory_space<hbm>> -> memref<1x4x640xf32, #tpu.memory_space<hbm>>
    %dma_wait3A_78 = tpu.memref_squeeze %dma_wait3A_77 : memref<1x4x640xf32, #tpu.memory_space<hbm>> -> memref<4x640xf32, #tpu.memory_space<hbm>>
    %dma_wait3A_79 = arith.constant 0 : i32
    %dma_wait3A_80 = arith.constant 0 : i32
    %dma_wait3A_81 = tpu.memref_slice %arg17[%dma_wait3A_71, %dma_wait3A_79, %dma_wait3A_80] : memref<4x4x640xf32, #tpu.memory_space<vmem>> -> memref<1x4x640xf32, #tpu.memory_space<vmem>>
    %dma_wait3A_82 = tpu.memref_squeeze %dma_wait3A_81 : memref<1x4x640xf32, #tpu.memory_space<vmem>> -> memref<4x640xf32, #tpu.memory_space<vmem>>
    %dma_wait3A_83 = arith.constant 0 : i32
    %dma_wait3A_84 = tpu.memref_slice %arg4[%dma_wait3A_70, %dma_wait3A_83, %mul3A_2] : memref<2x4x10240xf32, #tpu.memory_space<hbm>> -> memref<1x4x640xf32, #tpu.memory_space<hbm>>
    %dma_wait3A_85 = tpu.memref_squeeze %dma_wait3A_84 : memref<1x4x640xf32, #tpu.memory_space<hbm>> -> memref<4x640xf32, #tpu.memory_space<hbm>>
    tpu.wait_dma2 semaphore(%arg18 : memref<!tpu.dma_semaphore, #tpu.memory_space<semaphore_mem>>) src(%dma_wait3A_85 : memref<4x640xf32, #tpu.memory_space<hbm>>) dst(%dma_wait3A_82 : memref<4x640xf32, #tpu.memory_space<vmem>>)
    %dma_wait3A_86 = tpu.memref_slice %arg6[%arg0, %mul3A_2] : memref<2x10240xf32, #tpu.memory_space<hbm>> -> memref<1x640xf32, #tpu.memory_space<hbm>>
    %dma_wait3A_87 = tpu.memref_squeeze %dma_wait3A_86 : memref<1x640xf32, #tpu.memory_space<hbm>> -> memref<640xf32, #tpu.memory_space<hbm>>
    %dma_wait3A_88 = tpu.memref_slice %arg6[%arg0, %mul3A_2] : memref<2x10240xf32, #tpu.memory_space<hbm>> -> memref<1x640xf32, #tpu.memory_space<hbm>>
    %dma_wait3A_89 = tpu.memref_squeeze %dma_wait3A_88 : memref<1x640xf32, #tpu.memory_space<hbm>> -> memref<640xf32, #tpu.memory_space<hbm>>
    tpu.wait_dma2 semaphore(%arg18 : memref<!tpu.dma_semaphore, #tpu.memory_space<semaphore_mem>>) src(%dma_wait3A_89 : memref<640xf32, #tpu.memory_space<hbm>>) dst(%arg14 : memref<640xf32, #tpu.memory_space<vmem>>)
    %dma_wait3A_90 = arith.constant 0 : i32
    %dma_wait3A_91 = tpu.memref_slice %arg5[%dma_wait3A_90, %mul3A_2] : memref<3x10240xf32, #tpu.memory_space<hbm>> -> memref<3x640xf32, #tpu.memory_space<hbm>>
    %dma_wait3A_92 = arith.constant 0 : i32
    %dma_wait3A_93 = tpu.memref_slice %arg5[%dma_wait3A_92, %mul3A_2] : memref<3x10240xf32, #tpu.memory_space<hbm>> -> memref<3x640xf32, #tpu.memory_space<hbm>>
    tpu.wait_dma2 semaphore(%arg18 : memref<!tpu.dma_semaphore, #tpu.memory_space<semaphore_mem>>) src(%dma_wait3A_93 : memref<3x640xf32, #tpu.memory_space<hbm>>) dst(%arg15 : memref<3x640xf32, #tpu.memory_space<vmem>>)
    %parallel_loop3A_94 = arith.constant 0 : i32
    %parallel_loop3A_95 = arith.constant 640 : i32
    %parallel_loop3A_96 = arith.constant 16 : i32
    scf.for %parallel_loop3A_100 = %parallel_loop3A_94 to %parallel_loop3A_95 step %parallel_loop3A_96  : i32 {
      %parallel_loop3A_101 = arith.index_cast %parallel_loop3A_100 : i32 to index
      %parallel_loop3A_102 = tpu.vector_load %arg14[%parallel_loop3A_101] {strides = array<i32>} : memref<640xf32, #tpu.memory_space<vmem>>, vector<16xf32>,
      %parallel_loop3A_103 = arith.constant 0 : i32
      %parallel_loop3A_104 = arith.constant 0 : i32
      %parallel_loop3A_105 = arith.index_cast %parallel_loop3A_103 : i32 to index
      %parallel_loop3A_106 = arith.index_cast %parallel_loop3A_104 : i32 to index
      %parallel_loop3A_107 = arith.index_cast %parallel_loop3A_100 : i32 to index
      %parallel_loop3A_108 = tpu.vector_load %arg17[%parallel_loop3A_105, %parallel_loop3A_106, %parallel_loop3A_107] {strides = array<i32>} : memref<4x4x640xf32, #tpu.memory_space<vmem>>, vector<16xf32>,
      %parallel_loop3A_109 = arith.constant 1 : i32
      %parallel_loop3A_110 = arith.constant 0 : i32
      %parallel_loop3A_111 = arith.index_cast %parallel_loop3A_109 : i32 to index
      %parallel_loop3A_112 = arith.index_cast %parallel_loop3A_110 : i32 to index
      %parallel_loop3A_113 = arith.index_cast %parallel_loop3A_100 : i32 to index
      %parallel_loop3A_114 = tpu.vector_load %arg17[%parallel_loop3A_111, %parallel_loop3A_112, %parallel_loop3A_113] {strides = array<i32>} : memref<4x4x640xf32, #tpu.memory_space<vmem>>, vector<16xf32>,
      %parallel_loop3A_115 = arith.addf %parallel_loop3A_108, %parallel_loop3A_114 : vector<16xf32>
      %parallel_loop3A_116 = arith.constant 0 : i32
      %parallel_loop3A_117 = arith.index_cast %parallel_loop3A_116 : i32 to index
      %parallel_loop3A_118 = arith.index_cast %parallel_loop3A_100 : i32 to index
      %parallel_loop3A_119 = tpu.vector_load %arg15[%parallel_loop3A_117, %parallel_loop3A_118] {strides = array<i32>} : memref<3x640xf32, #tpu.memory_space<vmem>>, vector<16xf32>,
      %parallel_loop3A_120 = arith.mulf %parallel_loop3A_102, %parallel_loop3A_115 : vector<16xf32>
      %parallel_loop3A_121 = arith.subf %parallel_loop3A_119, %parallel_loop3A_120 : vector<16xf32>
      %parallel_loop3A_122 = arith.constant 0.000000e+00 : f32
      %parallel_loop3A_123 = vector.broadcast %parallel_loop3A_122 : f32 to vector<16xf32>
      %parallel_loop3A_124 = arith.maximumf %parallel_loop3A_121, %parallel_loop3A_123 : vector<16xf32>
      %parallel_loop3A_125 = arith.constant 0 : i32
      %parallel_loop3A_126 = arith.index_cast %parallel_loop3A_125 : i32 to index
      %parallel_loop3A_127 = arith.index_cast %parallel_loop3A_100 : i32 to index
      %parallel_loop3A_128 = tpu.vector_load %arg16[%parallel_loop3A_126, %parallel_loop3A_127] {strides = array<i32>} : memref<3x640xf32, #tpu.memory_space<vmem>>, vector<16xf32>,
      tpu.vector_store %arg16[%parallel_loop3A_126, %parallel_loop3A_127], %parallel_loop3A_124 {strides = array<i32>} : memref<3x640xf32, #tpu.memory_space<vmem>>, vector<16xf32>,
      %parallel_loop3A_129 = arith.mulf %parallel_loop3A_102, %parallel_loop3A_124 : vector<16xf32>
      %parallel_loop3A_130 = arith.constant 0 : i32
      %parallel_loop3A_131 = arith.index_cast %parallel_loop3A_130 : i32 to index
      %parallel_loop3A_132 = arith.index_cast %parallel_loop3A_100 : i32 to index
      %parallel_loop3A_133 = tpu.vector_load %arg15[%parallel_loop3A_131, %parallel_loop3A_132] {strides = array<i32>} : memref<3x640xf32, #tpu.memory_space<vmem>>, vector<16xf32>,
      tpu.vector_store %arg15[%parallel_loop3A_131, %parallel_loop3A_132], %parallel_loop3A_129 {strides = array<i32>} : memref<3x640xf32, #tpu.memory_space<vmem>>, vector<16xf32>,
      %parallel_loop3A_134 = arith.constant 0 : i32
      %parallel_loop3A_135 = arith.constant 1 : i32
      %parallel_loop3A_136 = arith.index_cast %parallel_loop3A_134 : i32 to index
      %parallel_loop3A_137 = arith.index_cast %parallel_loop3A_135 : i32 to index
      %parallel_loop3A_138 = arith.index_cast %parallel_loop3A_100 : i32 to index
      %parallel_loop3A_139 = tpu.vector_load %arg17[%parallel_loop3A_136, %parallel_loop3A_137, %parallel_loop3A_138] {strides = array<i32>} : memref<4x4x640xf32, #tpu.memory_space<vmem>>, vector<16xf32>,
      %parallel_loop3A_140 = arith.constant 1 : i32
      %parallel_loop3A_141 = arith.constant 1 : i32
      %parallel_loop3A_142 = arith.index_cast %parallel_loop3A_140 : i32 to index
      %parallel_loop3A_143 = arith.index_cast %parallel_loop3A_141 : i32 to index
      %parallel_loop3A_144 = arith.index_cast %parallel_loop3A_100 : i32 to index
      %parallel_loop3A_145 = tpu.vector_load %arg17[%parallel_loop3A_142, %parallel_loop3A_143, %parallel_loop3A_144] {strides = array<i32>} : memref<4x4x640xf32, #tpu.memory_space<vmem>>, vector<16xf32>,
      %parallel_loop3A_146 = arith.addf %parallel_loop3A_139, %parallel_loop3A_145 : vector<16xf32>
      %parallel_loop3A_147 = arith.constant 1 : i32
      %parallel_loop3A_148 = arith.index_cast %parallel_loop3A_147 : i32 to index
      %parallel_loop3A_149 = arith.index_cast %parallel_loop3A_100 : i32 to index
      %parallel_loop3A_150 = tpu.vector_load %arg15[%parallel_loop3A_148, %parallel_loop3A_149] {strides = array<i32>} : memref<3x640xf32, #tpu.memory_space<vmem>>, vector<16xf32>,
      %parallel_loop3A_151 = arith.mulf %parallel_loop3A_102, %parallel_loop3A_146 : vector<16xf32>
      %parallel_loop3A_152 = arith.subf %parallel_loop3A_150, %parallel_loop3A_151 : vector<16xf32>
      %parallel_loop3A_153 = arith.constant 0.000000e+00 : f32
      %parallel_loop3A_154 = vector.broadcast %parallel_loop3A_153 : f32 to vector<16xf32>
      %parallel_loop3A_155 = arith.maximumf %parallel_loop3A_152, %parallel_loop3A_154 : vector<16xf32>
      %parallel_loop3A_156 = arith.constant 1 : i32
      %parallel_loop3A_157 = arith.index_cast %parallel_loop3A_156 : i32 to index
      %parallel_loop3A_158 = arith.index_cast %parallel_loop3A_100 : i32 to index
      %parallel_loop3A_159 = tpu.vector_load %arg16[%parallel_loop3A_157, %parallel_loop3A_158] {strides = array<i32>} : memref<3x640xf32, #tpu.memory_space<vmem>>, vector<16xf32>,
      tpu.vector_store %arg16[%parallel_loop3A_157, %parallel_loop3A_158], %parallel_loop3A_155 {strides = array<i32>} : memref<3x640xf32, #tpu.memory_space<vmem>>, vector<16xf32>,
      %parallel_loop3A_160 = arith.mulf %parallel_loop3A_102, %parallel_loop3A_155 : vector<16xf32>
      %parallel_loop3A_161 = arith.constant 1 : i32
      %parallel_loop3A_162 = arith.index_cast %parallel_loop3A_161 : i32 to index
      %parallel_loop3A_163 = arith.index_cast %parallel_loop3A_100 : i32 to index
      %parallel_loop3A_164 = tpu.vector_load %arg15[%parallel_loop3A_162, %parallel_loop3A_163] {strides = array<i32>} : memref<3x640xf32, #tpu.memory_space<vmem>>, vector<16xf32>,
      tpu.vector_store %arg15[%parallel_loop3A_162, %parallel_loop3A_163], %parallel_loop3A_160 {strides = array<i32>} : memref<3x640xf32, #tpu.memory_space<vmem>>, vector<16xf32>,
      %parallel_loop3A_165 = arith.constant 0 : i32
      %parallel_loop3A_166 = arith.constant 2 : i32
      %parallel_loop3A_167 = arith.index_cast %parallel_loop3A_165 : i32 to index
      %parallel_loop3A_168 = arith.index_cast %parallel_loop3A_166 : i32 to index
      %parallel_loop3A_169 = arith.index_cast %parallel_loop3A_100 : i32 to index
      %parallel_loop3A_170 = tpu.vector_load %arg17[%parallel_loop3A_167, %parallel_loop3A_168, %parallel_loop3A_169] {strides = array<i32>} : memref<4x4x640xf32, #tpu.memory_space<vmem>>, vector<16xf32>,
      %parallel_loop3A_171 = arith.constant 1 : i32
      %parallel_loop3A_172 = arith.constant 2 : i32
      %parallel_loop3A_173 = arith.index_cast %parallel_loop3A_171 : i32 to index
      %parallel_loop3A_174 = arith.index_cast %parallel_loop3A_172 : i32 to index
      %parallel_loop3A_175 = arith.index_cast %parallel_loop3A_100 : i32 to index
      %parallel_loop3A_176 = tpu.vector_load %arg17[%parallel_loop3A_173, %parallel_loop3A_174, %parallel_loop3A_175] {strides = array<i32>} : memref<4x4x640xf32, #tpu.memory_space<vmem>>, vector<16xf32>,
      %parallel_loop3A_177 = arith.addf %parallel_loop3A_170, %parallel_loop3A_176 : vector<16xf32>
      %parallel_loop3A_178 = arith.constant 2 : i32
      %parallel_loop3A_179 = arith.index_cast %parallel_loop3A_178 : i32 to index
      %parallel_loop3A_180 = arith.index_cast %parallel_loop3A_100 : i32 to index
      %parallel_loop3A_181 = tpu.vector_load %arg15[%parallel_loop3A_179, %parallel_loop3A_180] {strides = array<i32>} : memref<3x640xf32, #tpu.memory_space<vmem>>, vector<16xf32>,
      %parallel_loop3A_182 = arith.mulf %parallel_loop3A_102, %parallel_loop3A_177 : vector<16xf32>
      %parallel_loop3A_183 = arith.subf %parallel_loop3A_181, %parallel_loop3A_182 : vector<16xf32>
      %parallel_loop3A_184 = arith.constant 0.000000e+00 : f32
      %parallel_loop3A_185 = vector.broadcast %parallel_loop3A_184 : f32 to vector<16xf32>
      %parallel_loop3A_186 = arith.maximumf %parallel_loop3A_183, %parallel_loop3A_185 : vector<16xf32>
      %parallel_loop3A_187 = arith.constant 2 : i32
      %parallel_loop3A_188 = arith.index_cast %parallel_loop3A_187 : i32 to index
      %parallel_loop3A_189 = arith.index_cast %parallel_loop3A_100 : i32 to index
      %parallel_loop3A_190 = tpu.vector_load %arg16[%parallel_loop3A_188, %parallel_loop3A_189] {strides = array<i32>} : memref<3x640xf32, #tpu.memory_space<vmem>>, vector<16xf32>,
      tpu.vector_store %arg16[%parallel_loop3A_188, %parallel_loop3A_189], %parallel_loop3A_186 {strides = array<i32>} : memref<3x640xf32, #tpu.memory_space<vmem>>, vector<16xf32>,
      %parallel_loop3A_191 = arith.mulf %parallel_loop3A_102, %parallel_loop3A_186 : vector<16xf32>
      %parallel_loop3A_192 = arith.constant 2 : i32
      %parallel_loop3A_193 = arith.index_cast %parallel_loop3A_192 : i32 to index
      %parallel_loop3A_194 = arith.index_cast %parallel_loop3A_100 : i32 to index
      %parallel_loop3A_195 = tpu.vector_load %arg15[%parallel_loop3A_193, %parallel_loop3A_194] {strides = array<i32>} : memref<3x640xf32, #tpu.memory_space<vmem>>, vector<16xf32>,
      tpu.vector_store %arg15[%parallel_loop3A_193, %parallel_loop3A_194], %parallel_loop3A_191 {strides = array<i32>} : memref<3x640xf32, #tpu.memory_space<vmem>>, vector<16xf32>,
    } {sc.loop_unroll_factor = 4 : i64, sc.parallel_access}
    "tpu.region"() ({
      %run_scoped3A = tpu.sem_alloc : memref<!tpu.dma_semaphore, #tpu.memory_space<semaphore_mem>>
      %dma_start3A_100 = arith.constant 0 : i32
      %dma_start3A_101 = tpu.memref_slice %arg8[%arg0, %dma_start3A_100, %mul3A_2] : memref<2x3x10240xf32, #tpu.memory_space<hbm>> -> memref<1x3x640xf32, #tpu.memory_space<hbm>>
      %dma_start3A_102 = tpu.memref_squeeze %dma_start3A_101 : memref<1x3x640xf32, #tpu.memory_space<hbm>> -> memref<3x640xf32, #tpu.memory_space<hbm>>
      %dma_start3A_103 = arith.constant 0 : i32
      %dma_start3A_104 = tpu.memref_slice %arg8[%arg0, %dma_start3A_103, %mul3A_2] : memref<2x3x10240xf32, #tpu.memory_space<hbm>> -> memref<1x3x640xf32, #tpu.memory_space<hbm>>
      %dma_start3A_105 = tpu.memref_squeeze %dma_start3A_104 : memref<1x3x640xf32, #tpu.memory_space<hbm>> -> memref<3x640xf32, #tpu.memory_space<hbm>>
      tpu.enqueue_dma source(%arg16 : memref<3x640xf32, #tpu.memory_space<vmem>>) target(%dma_start3A_105 : memref<3x640xf32, #tpu.memory_space<hbm>>) target_semaphore(%run_scoped3A : memref<!tpu.dma_semaphore, #tpu.memory_space<semaphore_mem>>)
      %dma_wait3A_106 = arith.constant 0 : i32
      %dma_wait3A_107 = tpu.memref_slice %arg8[%arg0, %dma_wait3A_106, %mul3A_2] : memref<2x3x10240xf32, #tpu.memory_space<hbm>> -> memref<1x3x640xf32, #tpu.memory_space<hbm>>
      %dma_wait3A_108 = tpu.memref_squeeze %dma_wait3A_107 : memref<1x3x640xf32, #tpu.memory_space<hbm>> -> memref<3x640xf32, #tpu.memory_space<hbm>>
      %dma_wait3A_109 = arith.constant 0 : i32
      %dma_wait3A_110 = tpu.memref_slice %arg8[%arg0, %dma_wait3A_109, %mul3A_2] : memref<2x3x10240xf32, #tpu.memory_space<hbm>> -> memref<1x3x640xf32, #tpu.memory_space<hbm>>
      %dma_wait3A_111 = tpu.memref_squeeze %dma_wait3A_110 : memref<1x3x640xf32, #tpu.memory_space<hbm>> -> memref<3x640xf32, #tpu.memory_space<hbm>>
      tpu.wait_dma2 semaphore(%run_scoped3A : memref<!tpu.dma_semaphore, #tpu.memory_space<semaphore_mem>>) src(%arg16 : memref<3x640xf32, #tpu.memory_space<vmem>>) dst(%dma_wait3A_111 : memref<3x640xf32, #tpu.memory_space<hbm>>)
      tpu.yield
    }) : () -> ()
    "tpu.region"() ({
      %run_scoped3A = tpu.sem_alloc : memref<!tpu.dma_semaphore, #tpu.memory_space<semaphore_mem>>
      %dma_start3A_100 = arith.constant 0 : i32
      %dma_start3A_101 = tpu.memref_slice %arg9[%arg0, %dma_start3A_100, %mul3A_2] : memref<2x3x10240xf32, #tpu.memory_space<hbm>> -> memref<1x3x640xf32, #tpu.memory_space<hbm>>
      %dma_start3A_102 = tpu.memref_squeeze %dma_start3A_101 : memref<1x3x640xf32, #tpu.memory_space<hbm>> -> memref<3x640xf32, #tpu.memory_space<hbm>>
      %dma_start3A_103 = arith.constant 0 : i32
      %dma_start3A_104 = tpu.memref_slice %arg9[%arg0, %dma_start3A_103, %mul3A_2] : memref<2x3x10240xf32, #tpu.memory_space<hbm>> -> memref<1x3x640xf32, #tpu.memory_space<hbm>>
      %dma_start3A_105 = tpu.memref_squeeze %dma_start3A_104 : memref<1x3x640xf32, #tpu.memory_space<hbm>> -> memref<3x640xf32, #tpu.memory_space<hbm>>
      tpu.enqueue_dma source(%arg15 : memref<3x640xf32, #tpu.memory_space<vmem>>) target(%dma_start3A_105 : memref<3x640xf32, #tpu.memory_space<hbm>>) target_semaphore(%run_scoped3A : memref<!tpu.dma_semaphore, #tpu.memory_space<semaphore_mem>>)
      %dma_wait3A_106 = arith.constant 0 : i32
      %dma_wait3A_107 = tpu.memref_slice %arg9[%arg0, %dma_wait3A_106, %mul3A_2] : memref<2x3x10240xf32, #tpu.memory_space<hbm>> -> memref<1x3x640xf32, #tpu.memory_space<hbm>>
      %dma_wait3A_108 = tpu.memref_squeeze %dma_wait3A_107 : memref<1x3x640xf32, #tpu.memory_space<hbm>> -> memref<3x640xf32, #tpu.memory_space<hbm>>
      %dma_wait3A_109 = arith.constant 0 : i32
      %dma_wait3A_110 = tpu.memref_slice %arg9[%arg0, %dma_wait3A_109, %mul3A_2] : memref<2x3x10240xf32, #tpu.memory_space<hbm>> -> memref<1x3x640xf32, #tpu.memory_space<hbm>>
      %dma_wait3A_111 = tpu.memref_squeeze %dma_wait3A_110 : memref<1x3x640xf32, #tpu.memory_space<hbm>> -> memref<3x640xf32, #tpu.memory_space<hbm>>
      tpu.wait_dma2 semaphore(%run_scoped3A : memref<!tpu.dma_semaphore, #tpu.memory_space<semaphore_mem>>) src(%arg15 : memref<3x640xf32, #tpu.memory_space<vmem>>) dst(%dma_wait3A_111 : memref<3x640xf32, #tpu.memory_space<hbm>>)
      tpu.yield
    }) : () -> ()
    %barrier3A = arith.constant 0 : index
    tpu.barrier barrier_id(%barrier3A)
    "tpu.region"() ({
      %run_scoped3A = tpu.sem_alloc : memref<!tpu.dma_semaphore, #tpu.memory_space<semaphore_mem>>
      %dma_start3A_100 = arith.constant 0 : i32
      %dma_start3A_101 = arith.constant 0 : i32
      %dma_start3A_102 = tpu.memref_slice %arg9[%arg0, %dma_start3A_100, %dma_start3A_101] : memref<2x3x10240xf32, #tpu.memory_space<hbm>> -> memref<1x3x10240xf32, #tpu.memory_space<hbm>>
      %dma_start3A_103 = tpu.memref_squeeze %dma_start3A_102 : memref<1x3x10240xf32, #tpu.memory_space<hbm>> -> memref<3x10240xf32, #tpu.memory_space<hbm>>
      %dma_start3A_104 = arith.constant 0 : i32
      %dma_start3A_105 = arith.constant 0 : i32
      %dma_start3A_106 = tpu.memref_slice %arg9[%arg0, %dma_start3A_104, %dma_start3A_105] : memref<2x3x10240xf32, #tpu.memory_space<hbm>> -> memref<1x3x10240xf32, #tpu.memory_space<hbm>>
      %dma_start3A_107 = tpu.memref_squeeze %dma_start3A_106 : memref<1x3x10240xf32, #tpu.memory_space<hbm>> -> memref<3x10240xf32, #tpu.memory_space<hbm>>
      tpu.enqueue_dma source(%dma_start3A_107 : memref<3x10240xf32, #tpu.memory_space<hbm>>) target(%arg13 : memref<3x10240xf32, #tpu.memory_space<vmem>>) target_semaphore(%run_scoped3A : memref<!tpu.dma_semaphore, #tpu.memory_space<semaphore_mem>>)
      %dma_wait3A_108 = arith.constant 0 : i32
      %dma_wait3A_109 = arith.constant 0 : i32
      %dma_wait3A_110 = tpu.memref_slice %arg9[%arg0, %dma_wait3A_108, %dma_wait3A_109] : memref<2x3x10240xf32, #tpu.memory_space<hbm>> -> memref<1x3x10240xf32, #tpu.memory_space<hbm>>
      %dma_wait3A_111 = tpu.memref_squeeze %dma_wait3A_110 : memref<1x3x10240xf32, #tpu.memory_space<hbm>> -> memref<3x10240xf32, #tpu.memory_space<hbm>>
      %dma_wait3A_112 = arith.constant 0 : i32
      %dma_wait3A_113 = arith.constant 0 : i32
      %dma_wait3A_114 = tpu.memref_slice %arg9[%arg0, %dma_wait3A_112, %dma_wait3A_113] : memref<2x3x10240xf32, #tpu.memory_space<hbm>> -> memref<1x3x10240xf32, #tpu.memory_space<hbm>>
      %dma_wait3A_115 = tpu.memref_squeeze %dma_wait3A_114 : memref<1x3x10240xf32, #tpu.memory_space<hbm>> -> memref<3x10240xf32, #tpu.memory_space<hbm>>
      tpu.wait_dma2 semaphore(%run_scoped3A : memref<!tpu.dma_semaphore, #tpu.memory_space<semaphore_mem>>) src(%dma_wait3A_115 : memref<3x10240xf32, #tpu.memory_space<hbm>>) dst(%arg13 : memref<3x10240xf32, #tpu.memory_space<vmem>>)
      tpu.yield
    }) : () -> ()
    %parallel_loop3A_97 = arith.constant 0 : i32
    %parallel_loop3A_98 = arith.constant 10000 : i32
    %parallel_loop3A_99 = arith.constant 16 : i32
    scf.for %parallel_loop3A_100 = %parallel_loop3A_97 to %parallel_loop3A_98 step %parallel_loop3A_99  : i32 {
      %parallel_loop3A_101 = arith.index_cast %parallel_loop3A_100 : i32 to index
      %parallel_loop3A_102 = tpu.vector_load %arg10[%parallel_loop3A_101] {strides = array<i32>} : memref<10000xi32, #tpu.memory_space<vmem>>, vector<16xi32>,
      %parallel_loop3A_103 = arith.index_cast %parallel_loop3A_100 : i32 to index
      %parallel_loop3A_104 = tpu.vector_load %arg11[%parallel_loop3A_103] {strides = array<i32>} : memref<10000xi32, #tpu.memory_space<vmem>>, vector<16xi32>,
      %parallel_loop3A_105 = arith.cmpi ne, %parallel_loop3A_102, %parallel_loop3A_104 : vector<16xi32>
      %parallel_loop3A_106 = arith.constant 0 : i32
      %parallel_loop3A_107 = vector.broadcast %parallel_loop3A_106 : i32 to vector<16xi32>
      %parallel_loop3A_108 = tpu.vector_load_idx %arg13[%parallel_loop3A_107, %parallel_loop3A_102] : memref<3x10240xf32, #tpu.memory_space<vmem>>[vector<16xi32>, vector<16xi32>], vector<16xf32>,
      tpu.vector_store_idx %arg12[%parallel_loop3A_107, %parallel_loop3A_104], %parallel_loop3A_108 masked %parallel_loop3A_105 {add = true} : memref<4x10240xf32, #tpu.memory_space<vmem>>[vector<16xi32>, vector<16xi32>], vector<16xf32>, vector<16xi1>
      %parallel_loop3A_109 = arith.constant 1 : i32
      %parallel_loop3A_110 = vector.broadcast %parallel_loop3A_109 : i32 to vector<16xi32>
      %parallel_loop3A_111 = tpu.vector_load_idx %arg13[%parallel_loop3A_110, %parallel_loop3A_102] : memref<3x10240xf32, #tpu.memory_space<vmem>>[vector<16xi32>, vector<16xi32>], vector<16xf32>,
      tpu.vector_store_idx %arg12[%parallel_loop3A_110, %parallel_loop3A_104], %parallel_loop3A_111 masked %parallel_loop3A_105 {add = true} : memref<4x10240xf32, #tpu.memory_space<vmem>>[vector<16xi32>, vector<16xi32>], vector<16xf32>, vector<16xi1>
      %parallel_loop3A_112 = arith.constant 2 : i32
      %parallel_loop3A_113 = vector.broadcast %parallel_loop3A_112 : i32 to vector<16xi32>
      %parallel_loop3A_114 = tpu.vector_load_idx %arg13[%parallel_loop3A_113, %parallel_loop3A_102] : memref<3x10240xf32, #tpu.memory_space<vmem>>[vector<16xi32>, vector<16xi32>], vector<16xf32>,
      tpu.vector_store_idx %arg12[%parallel_loop3A_113, %parallel_loop3A_104], %parallel_loop3A_114 masked %parallel_loop3A_105 {add = true} : memref<4x10240xf32, #tpu.memory_space<vmem>>[vector<16xi32>, vector<16xi32>], vector<16xf32>, vector<16xi1>
    } {sc.loop_unroll_factor = 8 : i64, sc.parallel_access}
    "tpu.region"() ({
      %run_scoped3A = tpu.sem_alloc : memref<!tpu.dma_semaphore, #tpu.memory_space<semaphore_mem>>
      %dma_start3A_100 = arith.constant 0 : i32
      %dma_start3A_101 = arith.constant 0 : i32
      %dma_start3A_102 = tpu.memref_slice %arg7[%arg0, %arg1, %dma_start3A_100, %dma_start3A_101] : memref<2x16x4x10240xf32, #tpu.memory_space<hbm>> -> memref<1x1x4x10240xf32, #tpu.memory_space<hbm>>
      %dma_start3A_103 = tpu.memref_squeeze %dma_start3A_102 : memref<1x1x4x10240xf32, #tpu.memory_space<hbm>> -> memref<4x10240xf32, #tpu.memory_space<hbm>>
      %dma_start3A_104 = arith.constant 0 : i32
      %dma_start3A_105 = arith.constant 0 : i32
      %dma_start3A_106 = tpu.memref_slice %arg7[%arg0, %arg1, %dma_start3A_104, %dma_start3A_105] : memref<2x16x4x10240xf32, #tpu.memory_space<hbm>> -> memref<1x1x4x10240xf32, #tpu.memory_space<hbm>>
      %dma_start3A_107 = tpu.memref_squeeze %dma_start3A_106 : memref<1x1x4x10240xf32, #tpu.memory_space<hbm>> -> memref<4x10240xf32, #tpu.memory_space<hbm>>
      tpu.enqueue_dma source(%arg12 : memref<4x10240xf32, #tpu.memory_space<vmem>>) target(%dma_start3A_107 : memref<4x10240xf32, #tpu.memory_space<hbm>>) target_semaphore(%run_scoped3A : memref<!tpu.dma_semaphore, #tpu.memory_space<semaphore_mem>>)
      %dma_wait3A_108 = arith.constant 0 : i32
      %dma_wait3A_109 = arith.constant 0 : i32
      %dma_wait3A_110 = tpu.memref_slice %arg7[%arg0, %arg1, %dma_wait3A_108, %dma_wait3A_109] : memref<2x16x4x10240xf32, #tpu.memory_space<hbm>> -> memref<1x1x4x10240xf32, #tpu.memory_space<hbm>>
      %dma_wait3A_111 = tpu.memref_squeeze %dma_wait3A_110 : memref<1x1x4x10240xf32, #tpu.memory_space<hbm>> -> memref<4x10240xf32, #tpu.memory_space<hbm>>
      %dma_wait3A_112 = arith.constant 0 : i32
      %dma_wait3A_113 = arith.constant 0 : i32
      %dma_wait3A_114 = tpu.memref_slice %arg7[%arg0, %arg1, %dma_wait3A_112, %dma_wait3A_113] : memref<2x16x4x10240xf32, #tpu.memory_space<hbm>> -> memref<1x1x4x10240xf32, #tpu.memory_space<hbm>>
      %dma_wait3A_115 = tpu.memref_squeeze %dma_wait3A_114 : memref<1x1x4x10240xf32, #tpu.memory_space<hbm>> -> memref<4x10240xf32, #tpu.memory_space<hbm>>
      tpu.wait_dma2 semaphore(%run_scoped3A : memref<!tpu.dma_semaphore, #tpu.memory_space<semaphore_mem>>) src(%arg12 : memref<4x10240xf32, #tpu.memory_space<vmem>>) dst(%dma_wait3A_115 : memref<4x10240xf32, #tpu.memory_space<hbm>>)
      tpu.yield
    }) : () -> ()
    return
  }
}

#map = affine_map<(d0, d1) -> (0)>
#map1 = affine_map<(d0, d1) -> (0, 0)>
#map2 = affine_map<(d0, d1) -> (0, 0, 0)>
#map3 = affine_map<(d0, d1) -> (0, 0, 0, 0)>
module attributes {stable_mosaic.version = 14 : i64} {
  func.func @_sc_layer1(%arg0: i32, %arg1: i32, %arg2: memref<320000xi32, #tpu.memory_space<hbm>>, %arg3: memref<320000xi32, #tpu.memory_space<hbm>>, %arg4: memref<3x10240xf32, #tpu.memory_space<hbm>>, %arg5: memref<2x4x10240xf32, #tpu.memory_space<hbm>>, %arg6: memref<2x10240xf32, #tpu.memory_space<hbm>>, %arg7: memref<2x3x10240xf32, #tpu.memory_space<hbm>>, %arg8: memref<2x16x10240xf32, #tpu.memory_space<hbm>>, %arg9: memref<2x16x4x10240xf32, #tpu.memory_space<hbm>>, %arg10: memref<10000xi32, #tpu.memory_space<vmem>>, %arg11: memref<10000xi32, #tpu.memory_space<vmem>>, %arg12: memref<4x10240xf32, #tpu.memory_space<vmem>>, %arg13: memref<3x10240xf32, #tpu.memory_space<vmem>>, %arg14: memref<640xf32, #tpu.memory_space<vmem>>, %arg15: memref<3x640xf32, #tpu.memory_space<vmem>>, %arg16: memref<3x640xf32, #tpu.memory_space<vmem>>, %arg17: memref<4x4x640xf32, #tpu.memory_space<vmem>>, %arg18: memref<4x640xf32, #tpu.memory_space<vmem>>, %arg19: memref<!tpu.dma_semaphore, #tpu.memory_space<semaphore_mem>>) attributes {dimension_semantics = [#tpu.dimension_semantics<core_parallel>, #tpu.dimension_semantics<subcore_parallel>], iteration_bounds = array<i64: 2, 16>, scalar_prefetch = 0 : i64, scratch_operands = 10 : i64, tpu.core_type = #tpu.core_type<sc_vector_subcore>, window_params = [{transform_indices = #map}, {transform_indices = #map}, {transform_indices = #map1}, {transform_indices = #map2}, {transform_indices = #map1}, {transform_indices = #map2}, {transform_indices = #map2}, {transform_indices = #map3}]} {
    %mul3A = arith.constant 640 : i32
    %mul3A_0 = arith.muli %arg1, %mul3A : i32
    %mul3A_1 = arith.constant 2 : i32
    %mul3A_2 = arith.muli %mul3A_1, %arg1 : i32
    %add3A = arith.addi %mul3A_2, %arg0 : i32
    %mul3A_3 = arith.constant 10000 : i32
    %mul3A_4 = arith.muli %add3A, %mul3A_3 : i32
    %mul3A_5 = arith.constant 2 : i32
    %mul3A_6 = arith.muli %mul3A_5, %arg1 : i32
    %sub3A = arith.constant 1 : i32
    %sub3A_7 = arith.subi %sub3A, %arg0 : i32
    %add3A_8 = arith.addi %mul3A_6, %sub3A_7 : i32
    %mul3A_9 = arith.constant 10000 : i32
    %mul3A_10 = arith.muli %add3A_8, %mul3A_9 : i32
    %dma_start3A = tpu.memref_slice %arg2[%mul3A_10] : memref<320000xi32, #tpu.memory_space<hbm>> -> memref<10000xi32, #tpu.memory_space<hbm>>
    %dma_start3A_11 = tpu.memref_slice %arg2[%mul3A_10] : memref<320000xi32, #tpu.memory_space<hbm>> -> memref<10000xi32, #tpu.memory_space<hbm>>
    tpu.enqueue_dma source(%dma_start3A_11 : memref<10000xi32, #tpu.memory_space<hbm>>) target(%arg10 : memref<10000xi32, #tpu.memory_space<vmem>>) target_semaphore(%arg19 : memref<!tpu.dma_semaphore, #tpu.memory_space<semaphore_mem>>)
    %dma_start3A_12 = tpu.memref_slice %arg3[%mul3A_10] : memref<320000xi32, #tpu.memory_space<hbm>> -> memref<10000xi32, #tpu.memory_space<hbm>>
    %dma_start3A_13 = tpu.memref_slice %arg3[%mul3A_10] : memref<320000xi32, #tpu.memory_space<hbm>> -> memref<10000xi32, #tpu.memory_space<hbm>>
    tpu.enqueue_dma source(%dma_start3A_13 : memref<10000xi32, #tpu.memory_space<hbm>>) target(%arg11 : memref<10000xi32, #tpu.memory_space<vmem>>) target_semaphore(%arg19 : memref<!tpu.dma_semaphore, #tpu.memory_space<semaphore_mem>>)
    %dma_start3A_14 = arith.constant 0 : i32
    %dma_start3A_15 = tpu.memref_slice %arg4[%dma_start3A_14, %mul3A_0] : memref<3x10240xf32, #tpu.memory_space<hbm>> -> memref<3x640xf32, #tpu.memory_space<hbm>>
    %dma_start3A_16 = arith.constant 0 : i32
    %dma_start3A_17 = tpu.memref_slice %arg4[%dma_start3A_16, %mul3A_0] : memref<3x10240xf32, #tpu.memory_space<hbm>> -> memref<3x640xf32, #tpu.memory_space<hbm>>
    tpu.enqueue_dma source(%dma_start3A_17 : memref<3x640xf32, #tpu.memory_space<hbm>>) target(%arg15 : memref<3x640xf32, #tpu.memory_space<vmem>>) target_semaphore(%arg19 : memref<!tpu.dma_semaphore, #tpu.memory_space<semaphore_mem>>)
    %broadcast_in_dim3A = arith.constant 0.000000e+00 : f32
    %broadcast_in_dim3A_18 = vector.broadcast %broadcast_in_dim3A : f32 to vector<16xf32>
    %parallel_loop3A = arith.constant 0 : i32
    %parallel_loop3A_19 = arith.constant 10240 : i32
    %parallel_loop3A_20 = arith.constant 16 : i32
    scf.for %parallel_loop3A_205 = %parallel_loop3A to %parallel_loop3A_19 step %parallel_loop3A_20  : i32 {
      %parallel_loop3A_206 = arith.constant 0 : i32
      %parallel_loop3A_207 = arith.index_cast %parallel_loop3A_206 : i32 to index
      %parallel_loop3A_208 = arith.index_cast %parallel_loop3A_205 : i32 to index
      %parallel_loop3A_209 = tpu.vector_load %arg12[%parallel_loop3A_207, %parallel_loop3A_208] {strides = array<i32>} : memref<4x10240xf32, #tpu.memory_space<vmem>>, vector<16xf32>,
      tpu.vector_store %arg12[%parallel_loop3A_207, %parallel_loop3A_208], %broadcast_in_dim3A_18 {strides = array<i32>} : memref<4x10240xf32, #tpu.memory_space<vmem>>, vector<16xf32>,
      %parallel_loop3A_210 = arith.constant 1 : i32
      %parallel_loop3A_211 = arith.index_cast %parallel_loop3A_210 : i32 to index
      %parallel_loop3A_212 = arith.index_cast %parallel_loop3A_205 : i32 to index
      %parallel_loop3A_213 = tpu.vector_load %arg12[%parallel_loop3A_211, %parallel_loop3A_212] {strides = array<i32>} : memref<4x10240xf32, #tpu.memory_space<vmem>>, vector<16xf32>,
      tpu.vector_store %arg12[%parallel_loop3A_211, %parallel_loop3A_212], %broadcast_in_dim3A_18 {strides = array<i32>} : memref<4x10240xf32, #tpu.memory_space<vmem>>, vector<16xf32>,
      %parallel_loop3A_214 = arith.constant 2 : i32
      %parallel_loop3A_215 = arith.index_cast %parallel_loop3A_214 : i32 to index
      %parallel_loop3A_216 = arith.index_cast %parallel_loop3A_205 : i32 to index
      %parallel_loop3A_217 = tpu.vector_load %arg12[%parallel_loop3A_215, %parallel_loop3A_216] {strides = array<i32>} : memref<4x10240xf32, #tpu.memory_space<vmem>>, vector<16xf32>,
      tpu.vector_store %arg12[%parallel_loop3A_215, %parallel_loop3A_216], %broadcast_in_dim3A_18 {strides = array<i32>} : memref<4x10240xf32, #tpu.memory_space<vmem>>, vector<16xf32>,
      %parallel_loop3A_218 = arith.constant 3 : i32
      %parallel_loop3A_219 = arith.index_cast %parallel_loop3A_218 : i32 to index
      %parallel_loop3A_220 = arith.index_cast %parallel_loop3A_205 : i32 to index
      %parallel_loop3A_221 = tpu.vector_load %arg12[%parallel_loop3A_219, %parallel_loop3A_220] {strides = array<i32>} : memref<4x10240xf32, #tpu.memory_space<vmem>>, vector<16xf32>,
      tpu.vector_store %arg12[%parallel_loop3A_219, %parallel_loop3A_220], %broadcast_in_dim3A_18 {strides = array<i32>} : memref<4x10240xf32, #tpu.memory_space<vmem>>, vector<16xf32>,
    } {sc.loop_unroll_factor = 8 : i64, sc.parallel_access}
    %dma_wait3A = tpu.memref_slice %arg2[%mul3A_10] : memref<320000xi32, #tpu.memory_space<hbm>> -> memref<10000xi32, #tpu.memory_space<hbm>>
    %dma_wait3A_21 = tpu.memref_slice %arg2[%mul3A_10] : memref<320000xi32, #tpu.memory_space<hbm>> -> memref<10000xi32, #tpu.memory_space<hbm>>
    tpu.wait_dma2 semaphore(%arg19 : memref<!tpu.dma_semaphore, #tpu.memory_space<semaphore_mem>>) src(%dma_wait3A_21 : memref<10000xi32, #tpu.memory_space<hbm>>) dst(%arg10 : memref<10000xi32, #tpu.memory_space<vmem>>)
    %dma_wait3A_22 = tpu.memref_slice %arg3[%mul3A_10] : memref<320000xi32, #tpu.memory_space<hbm>> -> memref<10000xi32, #tpu.memory_space<hbm>>
    %dma_wait3A_23 = tpu.memref_slice %arg3[%mul3A_10] : memref<320000xi32, #tpu.memory_space<hbm>> -> memref<10000xi32, #tpu.memory_space<hbm>>
    tpu.wait_dma2 semaphore(%arg19 : memref<!tpu.dma_semaphore, #tpu.memory_space<semaphore_mem>>) src(%dma_wait3A_23 : memref<10000xi32, #tpu.memory_space<hbm>>) dst(%arg11 : memref<10000xi32, #tpu.memory_space<vmem>>)
    %dma_wait3A_24 = arith.constant 0 : i32
    %dma_wait3A_25 = tpu.memref_slice %arg4[%dma_wait3A_24, %mul3A_0] : memref<3x10240xf32, #tpu.memory_space<hbm>> -> memref<3x640xf32, #tpu.memory_space<hbm>>
    %dma_wait3A_26 = arith.constant 0 : i32
    %dma_wait3A_27 = tpu.memref_slice %arg4[%dma_wait3A_26, %mul3A_0] : memref<3x10240xf32, #tpu.memory_space<hbm>> -> memref<3x640xf32, #tpu.memory_space<hbm>>
    tpu.wait_dma2 semaphore(%arg19 : memref<!tpu.dma_semaphore, #tpu.memory_space<semaphore_mem>>) src(%dma_wait3A_27 : memref<3x640xf32, #tpu.memory_space<hbm>>) dst(%arg15 : memref<3x640xf32, #tpu.memory_space<vmem>>)
    %broadcast_in_dim3A_28 = arith.constant 1.000000e+00 : f32
    %broadcast_in_dim3A_29 = vector.broadcast %broadcast_in_dim3A_28 : f32 to vector<16xf32>
    %broadcast_in_dim3A_30 = arith.constant 3 : i32
    %broadcast_in_dim3A_31 = vector.broadcast %broadcast_in_dim3A_30 : i32 to vector<16xi32>
    %parallel_loop3A_32 = arith.constant 0 : i32
    %parallel_loop3A_33 = arith.constant 10000 : i32
    %parallel_loop3A_34 = arith.constant 16 : i32
    scf.for %parallel_loop3A_205 = %parallel_loop3A_32 to %parallel_loop3A_33 step %parallel_loop3A_34  : i32 {
      %parallel_loop3A_206 = arith.index_cast %parallel_loop3A_205 : i32 to index
      %parallel_loop3A_207 = tpu.vector_load %arg10[%parallel_loop3A_206] {strides = array<i32>} : memref<10000xi32, #tpu.memory_space<vmem>>, vector<16xi32>,
      %parallel_loop3A_208 = arith.index_cast %parallel_loop3A_205 : i32 to index
      %parallel_loop3A_209 = tpu.vector_load %arg11[%parallel_loop3A_208] {strides = array<i32>} : memref<10000xi32, #tpu.memory_space<vmem>>, vector<16xi32>,
      %parallel_loop3A_210 = arith.cmpi ne, %parallel_loop3A_207, %parallel_loop3A_209 : vector<16xi32>
      tpu.vector_store_idx %arg12[%broadcast_in_dim3A_31, %parallel_loop3A_207], %broadcast_in_dim3A_29 masked %parallel_loop3A_210 {add = true} : memref<4x10240xf32, #tpu.memory_space<vmem>>[vector<16xi32>, vector<16xi32>], vector<16xf32>, vector<16xi1>
    } {sc.loop_unroll_factor = 8 : i64, sc.parallel_access}
    %dma_start3A_35 = tpu.memref_slice %arg2[%mul3A_4] : memref<320000xi32, #tpu.memory_space<hbm>> -> memref<10000xi32, #tpu.memory_space<hbm>>
    %dma_start3A_36 = tpu.memref_slice %arg2[%mul3A_4] : memref<320000xi32, #tpu.memory_space<hbm>> -> memref<10000xi32, #tpu.memory_space<hbm>>
    tpu.enqueue_dma source(%dma_start3A_36 : memref<10000xi32, #tpu.memory_space<hbm>>) target(%arg10 : memref<10000xi32, #tpu.memory_space<vmem>>) target_semaphore(%arg19 : memref<!tpu.dma_semaphore, #tpu.memory_space<semaphore_mem>>)
    %dma_start3A_37 = tpu.memref_slice %arg3[%mul3A_4] : memref<320000xi32, #tpu.memory_space<hbm>> -> memref<10000xi32, #tpu.memory_space<hbm>>
    %dma_start3A_38 = tpu.memref_slice %arg3[%mul3A_4] : memref<320000xi32, #tpu.memory_space<hbm>> -> memref<10000xi32, #tpu.memory_space<hbm>>
    tpu.enqueue_dma source(%dma_start3A_38 : memref<10000xi32, #tpu.memory_space<hbm>>) target(%arg11 : memref<10000xi32, #tpu.memory_space<vmem>>) target_semaphore(%arg19 : memref<!tpu.dma_semaphore, #tpu.memory_space<semaphore_mem>>)
    %dma_wait3A_39 = tpu.memref_slice %arg2[%mul3A_4] : memref<320000xi32, #tpu.memory_space<hbm>> -> memref<10000xi32, #tpu.memory_space<hbm>>
    %dma_wait3A_40 = tpu.memref_slice %arg2[%mul3A_4] : memref<320000xi32, #tpu.memory_space<hbm>> -> memref<10000xi32, #tpu.memory_space<hbm>>
    tpu.wait_dma2 semaphore(%arg19 : memref<!tpu.dma_semaphore, #tpu.memory_space<semaphore_mem>>) src(%dma_wait3A_40 : memref<10000xi32, #tpu.memory_space<hbm>>) dst(%arg10 : memref<10000xi32, #tpu.memory_space<vmem>>)
    %dma_wait3A_41 = tpu.memref_slice %arg3[%mul3A_4] : memref<320000xi32, #tpu.memory_space<hbm>> -> memref<10000xi32, #tpu.memory_space<hbm>>
    %dma_wait3A_42 = tpu.memref_slice %arg3[%mul3A_4] : memref<320000xi32, #tpu.memory_space<hbm>> -> memref<10000xi32, #tpu.memory_space<hbm>>
    tpu.wait_dma2 semaphore(%arg19 : memref<!tpu.dma_semaphore, #tpu.memory_space<semaphore_mem>>) src(%dma_wait3A_42 : memref<10000xi32, #tpu.memory_space<hbm>>) dst(%arg11 : memref<10000xi32, #tpu.memory_space<vmem>>)
    %broadcast_in_dim3A_43 = arith.constant 1.000000e+00 : f32
    %broadcast_in_dim3A_44 = vector.broadcast %broadcast_in_dim3A_43 : f32 to vector<16xf32>
    %broadcast_in_dim3A_45 = arith.constant 3 : i32
    %broadcast_in_dim3A_46 = vector.broadcast %broadcast_in_dim3A_45 : i32 to vector<16xi32>
    %parallel_loop3A_47 = arith.constant 0 : i32
    %parallel_loop3A_48 = arith.constant 10000 : i32
    %parallel_loop3A_49 = arith.constant 16 : i32
    scf.for %parallel_loop3A_205 = %parallel_loop3A_47 to %parallel_loop3A_48 step %parallel_loop3A_49  : i32 {
      %parallel_loop3A_206 = arith.index_cast %parallel_loop3A_205 : i32 to index
      %parallel_loop3A_207 = tpu.vector_load %arg10[%parallel_loop3A_206] {strides = array<i32>} : memref<10000xi32, #tpu.memory_space<vmem>>, vector<16xi32>,
      %parallel_loop3A_208 = arith.index_cast %parallel_loop3A_205 : i32 to index
      %parallel_loop3A_209 = tpu.vector_load %arg11[%parallel_loop3A_208] {strides = array<i32>} : memref<10000xi32, #tpu.memory_space<vmem>>, vector<16xi32>,
      %parallel_loop3A_210 = arith.cmpi ne, %parallel_loop3A_207, %parallel_loop3A_209 : vector<16xi32>
      tpu.vector_store_idx %arg12[%broadcast_in_dim3A_46, %parallel_loop3A_207], %broadcast_in_dim3A_44 masked %parallel_loop3A_210 {add = true} : memref<4x10240xf32, #tpu.memory_space<vmem>>[vector<16xi32>, vector<16xi32>], vector<16xf32>, vector<16xi1>
    } {sc.loop_unroll_factor = 8 : i64, sc.parallel_access}
    %run_scoped3A = arith.constant 3 : i32
    "tpu.region"() ({
      %run_scoped3A_205 = tpu.sem_alloc : memref<!tpu.dma_semaphore, #tpu.memory_space<semaphore_mem>>
      %dma_start3A_206 = arith.constant 0 : i32
      %dma_start3A_207 = tpu.memref_slice %arg12[%run_scoped3A, %dma_start3A_206] : memref<4x10240xf32, #tpu.memory_space<vmem>> -> memref<1x10240xf32, #tpu.memory_space<vmem>>
      %dma_start3A_208 = tpu.memref_squeeze %dma_start3A_207 : memref<1x10240xf32, #tpu.memory_space<vmem>> -> memref<10240xf32, #tpu.memory_space<vmem>>
      %dma_start3A_209 = arith.constant 0 : i32
      %dma_start3A_210 = tpu.memref_slice %arg8[%arg0, %arg1, %dma_start3A_209] : memref<2x16x10240xf32, #tpu.memory_space<hbm>> -> memref<1x1x10240xf32, #tpu.memory_space<hbm>>
      %dma_start3A_211 = tpu.memref_squeeze %dma_start3A_210 : memref<1x1x10240xf32, #tpu.memory_space<hbm>> -> memref<10240xf32, #tpu.memory_space<hbm>>
      %dma_start3A_212 = arith.constant 0 : i32
      %dma_start3A_213 = tpu.memref_slice %arg8[%arg0, %arg1, %dma_start3A_212] : memref<2x16x10240xf32, #tpu.memory_space<hbm>> -> memref<1x1x10240xf32, #tpu.memory_space<hbm>>
      %dma_start3A_214 = tpu.memref_squeeze %dma_start3A_213 : memref<1x1x10240xf32, #tpu.memory_space<hbm>> -> memref<10240xf32, #tpu.memory_space<hbm>>
      %dma_start3A_215 = arith.constant 0 : i32
      %dma_start3A_216 = tpu.memref_slice %arg12[%run_scoped3A, %dma_start3A_215] : memref<4x10240xf32, #tpu.memory_space<vmem>> -> memref<1x10240xf32, #tpu.memory_space<vmem>>
      %dma_start3A_217 = tpu.memref_squeeze %dma_start3A_216 : memref<1x10240xf32, #tpu.memory_space<vmem>> -> memref<10240xf32, #tpu.memory_space<vmem>>
      tpu.enqueue_dma source(%dma_start3A_217 : memref<10240xf32, #tpu.memory_space<vmem>>) target(%dma_start3A_214 : memref<10240xf32, #tpu.memory_space<hbm>>) target_semaphore(%run_scoped3A_205 : memref<!tpu.dma_semaphore, #tpu.memory_space<semaphore_mem>>)
      %dma_wait3A_218 = arith.constant 0 : i32
      %dma_wait3A_219 = tpu.memref_slice %arg12[%run_scoped3A, %dma_wait3A_218] : memref<4x10240xf32, #tpu.memory_space<vmem>> -> memref<1x10240xf32, #tpu.memory_space<vmem>>
      %dma_wait3A_220 = tpu.memref_squeeze %dma_wait3A_219 : memref<1x10240xf32, #tpu.memory_space<vmem>> -> memref<10240xf32, #tpu.memory_space<vmem>>
      %dma_wait3A_221 = arith.constant 0 : i32
      %dma_wait3A_222 = tpu.memref_slice %arg8[%arg0, %arg1, %dma_wait3A_221] : memref<2x16x10240xf32, #tpu.memory_space<hbm>> -> memref<1x1x10240xf32, #tpu.memory_space<hbm>>
      %dma_wait3A_223 = tpu.memref_squeeze %dma_wait3A_222 : memref<1x1x10240xf32, #tpu.memory_space<hbm>> -> memref<10240xf32, #tpu.memory_space<hbm>>
      %dma_wait3A_224 = arith.constant 0 : i32
      %dma_wait3A_225 = tpu.memref_slice %arg8[%arg0, %arg1, %dma_wait3A_224] : memref<2x16x10240xf32, #tpu.memory_space<hbm>> -> memref<1x1x10240xf32, #tpu.memory_space<hbm>>
      %dma_wait3A_226 = tpu.memref_squeeze %dma_wait3A_225 : memref<1x1x10240xf32, #tpu.memory_space<hbm>> -> memref<10240xf32, #tpu.memory_space<hbm>>
      %dma_wait3A_227 = arith.constant 0 : i32
      %dma_wait3A_228 = tpu.memref_slice %arg12[%run_scoped3A, %dma_wait3A_227] : memref<4x10240xf32, #tpu.memory_space<vmem>> -> memref<1x10240xf32, #tpu.memory_space<vmem>>
      %dma_wait3A_229 = tpu.memref_squeeze %dma_wait3A_228 : memref<1x10240xf32, #tpu.memory_space<vmem>> -> memref<10240xf32, #tpu.memory_space<vmem>>
      tpu.wait_dma2 semaphore(%run_scoped3A_205 : memref<!tpu.dma_semaphore, #tpu.memory_space<semaphore_mem>>) src(%dma_wait3A_229 : memref<10240xf32, #tpu.memory_space<vmem>>) dst(%dma_wait3A_226 : memref<10240xf32, #tpu.memory_space<hbm>>)
      tpu.yield
    }) : () -> ()
    %barrier3A = arith.constant 0 : index
    tpu.barrier barrier_id(%barrier3A)
    %dma_start3A_50 = arith.constant 0 : i32
    %dma_start3A_51 = arith.constant 0 : i32
    %dma_start3A_52 = arith.constant 0 : i32
    %dma_start3A_53 = tpu.memref_slice %arg17[%dma_start3A_50, %dma_start3A_51, %dma_start3A_52] : memref<4x4x640xf32, #tpu.memory_space<vmem>> -> memref<1x4x640xf32, #tpu.memory_space<vmem>>
    %dma_start3A_54 = tpu.memref_squeeze %dma_start3A_53 : memref<1x4x640xf32, #tpu.memory_space<vmem>> -> memref<4x640xf32, #tpu.memory_space<vmem>>
    %dma_start3A_55 = arith.constant 0 : i32
    %dma_start3A_56 = tpu.memref_slice %arg8[%arg0, %dma_start3A_55, %mul3A_0] : memref<2x16x10240xf32, #tpu.memory_space<hbm>> -> memref<1x4x640xf32, #tpu.memory_space<hbm>>
    %dma_start3A_57 = tpu.memref_squeeze %dma_start3A_56 : memref<1x4x640xf32, #tpu.memory_space<hbm>> -> memref<4x640xf32, #tpu.memory_space<hbm>>
    %dma_start3A_58 = arith.constant 0 : i32
    %dma_start3A_59 = arith.constant 0 : i32
    %dma_start3A_60 = tpu.memref_slice %arg17[%dma_start3A_50, %dma_start3A_58, %dma_start3A_59] : memref<4x4x640xf32, #tpu.memory_space<vmem>> -> memref<1x4x640xf32, #tpu.memory_space<vmem>>
    %dma_start3A_61 = tpu.memref_squeeze %dma_start3A_60 : memref<1x4x640xf32, #tpu.memory_space<vmem>> -> memref<4x640xf32, #tpu.memory_space<vmem>>
    %dma_start3A_62 = arith.constant 0 : i32
    %dma_start3A_63 = tpu.memref_slice %arg8[%arg0, %dma_start3A_62, %mul3A_0] : memref<2x16x10240xf32, #tpu.memory_space<hbm>> -> memref<1x4x640xf32, #tpu.memory_space<hbm>>
    %dma_start3A_64 = tpu.memref_squeeze %dma_start3A_63 : memref<1x4x640xf32, #tpu.memory_space<hbm>> -> memref<4x640xf32, #tpu.memory_space<hbm>>
    tpu.enqueue_dma source(%dma_start3A_64 : memref<4x640xf32, #tpu.memory_space<hbm>>) target(%dma_start3A_61 : memref<4x640xf32, #tpu.memory_space<vmem>>) target_semaphore(%arg19 : memref<!tpu.dma_semaphore, #tpu.memory_space<semaphore_mem>>)
    %dma_start3A_65 = arith.constant 1 : i32
    %dma_start3A_66 = arith.constant 0 : i32
    %dma_start3A_67 = arith.constant 0 : i32
    %dma_start3A_68 = tpu.memref_slice %arg17[%dma_start3A_65, %dma_start3A_66, %dma_start3A_67] : memref<4x4x640xf32, #tpu.memory_space<vmem>> -> memref<1x4x640xf32, #tpu.memory_space<vmem>>
    %dma_start3A_69 = tpu.memref_squeeze %dma_start3A_68 : memref<1x4x640xf32, #tpu.memory_space<vmem>> -> memref<4x640xf32, #tpu.memory_space<vmem>>
    %dma_start3A_70 = arith.constant 4 : i32
    %dma_start3A_71 = tpu.memref_slice %arg8[%arg0, %dma_start3A_70, %mul3A_0] : memref<2x16x10240xf32, #tpu.memory_space<hbm>> -> memref<1x4x640xf32, #tpu.memory_space<hbm>>
    %dma_start3A_72 = tpu.memref_squeeze %dma_start3A_71 : memref<1x4x640xf32, #tpu.memory_space<hbm>> -> memref<4x640xf32, #tpu.memory_space<hbm>>
    %dma_start3A_73 = arith.constant 0 : i32
    %dma_start3A_74 = arith.constant 0 : i32
    %dma_start3A_75 = tpu.memref_slice %arg17[%dma_start3A_65, %dma_start3A_73, %dma_start3A_74] : memref<4x4x640xf32, #tpu.memory_space<vmem>> -> memref<1x4x640xf32, #tpu.memory_space<vmem>>
    %dma_start3A_76 = tpu.memref_squeeze %dma_start3A_75 : memref<1x4x640xf32, #tpu.memory_space<vmem>> -> memref<4x640xf32, #tpu.memory_space<vmem>>
    %dma_start3A_77 = arith.constant 4 : i32
    %dma_start3A_78 = tpu.memref_slice %arg8[%arg0, %dma_start3A_77, %mul3A_0] : memref<2x16x10240xf32, #tpu.memory_space<hbm>> -> memref<1x4x640xf32, #tpu.memory_space<hbm>>
    %dma_start3A_79 = tpu.memref_squeeze %dma_start3A_78 : memref<1x4x640xf32, #tpu.memory_space<hbm>> -> memref<4x640xf32, #tpu.memory_space<hbm>>
    tpu.enqueue_dma source(%dma_start3A_79 : memref<4x640xf32, #tpu.memory_space<hbm>>) target(%dma_start3A_76 : memref<4x640xf32, #tpu.memory_space<vmem>>) target_semaphore(%arg19 : memref<!tpu.dma_semaphore, #tpu.memory_space<semaphore_mem>>)
    %dma_start3A_80 = arith.constant 2 : i32
    %dma_start3A_81 = arith.constant 0 : i32
    %dma_start3A_82 = arith.constant 0 : i32
    %dma_start3A_83 = tpu.memref_slice %arg17[%dma_start3A_80, %dma_start3A_81, %dma_start3A_82] : memref<4x4x640xf32, #tpu.memory_space<vmem>> -> memref<1x4x640xf32, #tpu.memory_space<vmem>>
    %dma_start3A_84 = tpu.memref_squeeze %dma_start3A_83 : memref<1x4x640xf32, #tpu.memory_space<vmem>> -> memref<4x640xf32, #tpu.memory_space<vmem>>
    %dma_start3A_85 = arith.constant 8 : i32
    %dma_start3A_86 = tpu.memref_slice %arg8[%arg0, %dma_start3A_85, %mul3A_0] : memref<2x16x10240xf32, #tpu.memory_space<hbm>> -> memref<1x4x640xf32, #tpu.memory_space<hbm>>
    %dma_start3A_87 = tpu.memref_squeeze %dma_start3A_86 : memref<1x4x640xf32, #tpu.memory_space<hbm>> -> memref<4x640xf32, #tpu.memory_space<hbm>>
    %dma_start3A_88 = arith.constant 0 : i32
    %dma_start3A_89 = arith.constant 0 : i32
    %dma_start3A_90 = tpu.memref_slice %arg17[%dma_start3A_80, %dma_start3A_88, %dma_start3A_89] : memref<4x4x640xf32, #tpu.memory_space<vmem>> -> memref<1x4x640xf32, #tpu.memory_space<vmem>>
    %dma_start3A_91 = tpu.memref_squeeze %dma_start3A_90 : memref<1x4x640xf32, #tpu.memory_space<vmem>> -> memref<4x640xf32, #tpu.memory_space<vmem>>
    %dma_start3A_92 = arith.constant 8 : i32
    %dma_start3A_93 = tpu.memref_slice %arg8[%arg0, %dma_start3A_92, %mul3A_0] : memref<2x16x10240xf32, #tpu.memory_space<hbm>> -> memref<1x4x640xf32, #tpu.memory_space<hbm>>
    %dma_start3A_94 = tpu.memref_squeeze %dma_start3A_93 : memref<1x4x640xf32, #tpu.memory_space<hbm>> -> memref<4x640xf32, #tpu.memory_space<hbm>>
    tpu.enqueue_dma source(%dma_start3A_94 : memref<4x640xf32, #tpu.memory_space<hbm>>) target(%dma_start3A_91 : memref<4x640xf32, #tpu.memory_space<vmem>>) target_semaphore(%arg19 : memref<!tpu.dma_semaphore, #tpu.memory_space<semaphore_mem>>)
    %dma_start3A_95 = arith.constant 3 : i32
    %dma_start3A_96 = arith.constant 0 : i32
    %dma_start3A_97 = arith.constant 0 : i32
    %dma_start3A_98 = tpu.memref_slice %arg17[%dma_start3A_95, %dma_start3A_96, %dma_start3A_97] : memref<4x4x640xf32, #tpu.memory_space<vmem>> -> memref<1x4x640xf32, #tpu.memory_space<vmem>>
    %dma_start3A_99 = tpu.memref_squeeze %dma_start3A_98 : memref<1x4x640xf32, #tpu.memory_space<vmem>> -> memref<4x640xf32, #tpu.memory_space<vmem>>
    %dma_start3A_100 = arith.constant 12 : i32
    %dma_start3A_101 = tpu.memref_slice %arg8[%arg0, %dma_start3A_100, %mul3A_0] : memref<2x16x10240xf32, #tpu.memory_space<hbm>> -> memref<1x4x640xf32, #tpu.memory_space<hbm>>
    %dma_start3A_102 = tpu.memref_squeeze %dma_start3A_101 : memref<1x4x640xf32, #tpu.memory_space<hbm>> -> memref<4x640xf32, #tpu.memory_space<hbm>>
    %dma_start3A_103 = arith.constant 0 : i32
    %dma_start3A_104 = arith.constant 0 : i32
    %dma_start3A_105 = tpu.memref_slice %arg17[%dma_start3A_95, %dma_start3A_103, %dma_start3A_104] : memref<4x4x640xf32, #tpu.memory_space<vmem>> -> memref<1x4x640xf32, #tpu.memory_space<vmem>>
    %dma_start3A_106 = tpu.memref_squeeze %dma_start3A_105 : memref<1x4x640xf32, #tpu.memory_space<vmem>> -> memref<4x640xf32, #tpu.memory_space<vmem>>
    %dma_start3A_107 = arith.constant 12 : i32
    %dma_start3A_108 = tpu.memref_slice %arg8[%arg0, %dma_start3A_107, %mul3A_0] : memref<2x16x10240xf32, #tpu.memory_space<hbm>> -> memref<1x4x640xf32, #tpu.memory_space<hbm>>
    %dma_start3A_109 = tpu.memref_squeeze %dma_start3A_108 : memref<1x4x640xf32, #tpu.memory_space<hbm>> -> memref<4x640xf32, #tpu.memory_space<hbm>>
    tpu.enqueue_dma source(%dma_start3A_109 : memref<4x640xf32, #tpu.memory_space<hbm>>) target(%dma_start3A_106 : memref<4x640xf32, #tpu.memory_space<vmem>>) target_semaphore(%arg19 : memref<!tpu.dma_semaphore, #tpu.memory_space<semaphore_mem>>)
    %dma_wait3A_110 = arith.constant 0 : i32
    %dma_wait3A_111 = arith.constant 0 : i32
    %dma_wait3A_112 = arith.constant 0 : i32
    %dma_wait3A_113 = tpu.memref_slice %arg17[%dma_wait3A_110, %dma_wait3A_111, %dma_wait3A_112] : memref<4x4x640xf32, #tpu.memory_space<vmem>> -> memref<1x4x640xf32, #tpu.memory_space<vmem>>
    %dma_wait3A_114 = tpu.memref_squeeze %dma_wait3A_113 : memref<1x4x640xf32, #tpu.memory_space<vmem>> -> memref<4x640xf32, #tpu.memory_space<vmem>>
    %dma_wait3A_115 = arith.constant 0 : i32
    %dma_wait3A_116 = tpu.memref_slice %arg8[%arg0, %dma_wait3A_115, %mul3A_0] : memref<2x16x10240xf32, #tpu.memory_space<hbm>> -> memref<1x4x640xf32, #tpu.memory_space<hbm>>
    %dma_wait3A_117 = tpu.memref_squeeze %dma_wait3A_116 : memref<1x4x640xf32, #tpu.memory_space<hbm>> -> memref<4x640xf32, #tpu.memory_space<hbm>>
    %dma_wait3A_118 = arith.constant 0 : i32
    %dma_wait3A_119 = arith.constant 0 : i32
    %dma_wait3A_120 = tpu.memref_slice %arg17[%dma_wait3A_110, %dma_wait3A_118, %dma_wait3A_119] : memref<4x4x640xf32, #tpu.memory_space<vmem>> -> memref<1x4x640xf32, #tpu.memory_space<vmem>>
    %dma_wait3A_121 = tpu.memref_squeeze %dma_wait3A_120 : memref<1x4x640xf32, #tpu.memory_space<vmem>> -> memref<4x640xf32, #tpu.memory_space<vmem>>
    %dma_wait3A_122 = arith.constant 0 : i32
    %dma_wait3A_123 = tpu.memref_slice %arg8[%arg0, %dma_wait3A_122, %mul3A_0] : memref<2x16x10240xf32, #tpu.memory_space<hbm>> -> memref<1x4x640xf32, #tpu.memory_space<hbm>>
    %dma_wait3A_124 = tpu.memref_squeeze %dma_wait3A_123 : memref<1x4x640xf32, #tpu.memory_space<hbm>> -> memref<4x640xf32, #tpu.memory_space<hbm>>
    tpu.wait_dma2 semaphore(%arg19 : memref<!tpu.dma_semaphore, #tpu.memory_space<semaphore_mem>>) src(%dma_wait3A_124 : memref<4x640xf32, #tpu.memory_space<hbm>>) dst(%dma_wait3A_121 : memref<4x640xf32, #tpu.memory_space<vmem>>)
    %dma_wait3A_125 = arith.constant 1 : i32
    %dma_wait3A_126 = arith.constant 0 : i32
    %dma_wait3A_127 = arith.constant 0 : i32
    %dma_wait3A_128 = tpu.memref_slice %arg17[%dma_wait3A_125, %dma_wait3A_126, %dma_wait3A_127] : memref<4x4x640xf32, #tpu.memory_space<vmem>> -> memref<1x4x640xf32, #tpu.memory_space<vmem>>
    %dma_wait3A_129 = tpu.memref_squeeze %dma_wait3A_128 : memref<1x4x640xf32, #tpu.memory_space<vmem>> -> memref<4x640xf32, #tpu.memory_space<vmem>>
    %dma_wait3A_130 = arith.constant 4 : i32
    %dma_wait3A_131 = tpu.memref_slice %arg8[%arg0, %dma_wait3A_130, %mul3A_0] : memref<2x16x10240xf32, #tpu.memory_space<hbm>> -> memref<1x4x640xf32, #tpu.memory_space<hbm>>
    %dma_wait3A_132 = tpu.memref_squeeze %dma_wait3A_131 : memref<1x4x640xf32, #tpu.memory_space<hbm>> -> memref<4x640xf32, #tpu.memory_space<hbm>>
    %dma_wait3A_133 = arith.constant 0 : i32
    %dma_wait3A_134 = arith.constant 0 : i32
    %dma_wait3A_135 = tpu.memref_slice %arg17[%dma_wait3A_125, %dma_wait3A_133, %dma_wait3A_134] : memref<4x4x640xf32, #tpu.memory_space<vmem>> -> memref<1x4x640xf32, #tpu.memory_space<vmem>>
    %dma_wait3A_136 = tpu.memref_squeeze %dma_wait3A_135 : memref<1x4x640xf32, #tpu.memory_space<vmem>> -> memref<4x640xf32, #tpu.memory_space<vmem>>
    %dma_wait3A_137 = arith.constant 4 : i32
    %dma_wait3A_138 = tpu.memref_slice %arg8[%arg0, %dma_wait3A_137, %mul3A_0] : memref<2x16x10240xf32, #tpu.memory_space<hbm>> -> memref<1x4x640xf32, #tpu.memory_space<hbm>>
    %dma_wait3A_139 = tpu.memref_squeeze %dma_wait3A_138 : memref<1x4x640xf32, #tpu.memory_space<hbm>> -> memref<4x640xf32, #tpu.memory_space<hbm>>
    tpu.wait_dma2 semaphore(%arg19 : memref<!tpu.dma_semaphore, #tpu.memory_space<semaphore_mem>>) src(%dma_wait3A_139 : memref<4x640xf32, #tpu.memory_space<hbm>>) dst(%dma_wait3A_136 : memref<4x640xf32, #tpu.memory_space<vmem>>)
    %dma_wait3A_140 = arith.constant 2 : i32
    %dma_wait3A_141 = arith.constant 0 : i32
    %dma_wait3A_142 = arith.constant 0 : i32
    %dma_wait3A_143 = tpu.memref_slice %arg17[%dma_wait3A_140, %dma_wait3A_141, %dma_wait3A_142] : memref<4x4x640xf32, #tpu.memory_space<vmem>> -> memref<1x4x640xf32, #tpu.memory_space<vmem>>
    %dma_wait3A_144 = tpu.memref_squeeze %dma_wait3A_143 : memref<1x4x640xf32, #tpu.memory_space<vmem>> -> memref<4x640xf32, #tpu.memory_space<vmem>>
    %dma_wait3A_145 = arith.constant 8 : i32
    %dma_wait3A_146 = tpu.memref_slice %arg8[%arg0, %dma_wait3A_145, %mul3A_0] : memref<2x16x10240xf32, #tpu.memory_space<hbm>> -> memref<1x4x640xf32, #tpu.memory_space<hbm>>
    %dma_wait3A_147 = tpu.memref_squeeze %dma_wait3A_146 : memref<1x4x640xf32, #tpu.memory_space<hbm>> -> memref<4x640xf32, #tpu.memory_space<hbm>>
    %dma_wait3A_148 = arith.constant 0 : i32
    %dma_wait3A_149 = arith.constant 0 : i32
    %dma_wait3A_150 = tpu.memref_slice %arg17[%dma_wait3A_140, %dma_wait3A_148, %dma_wait3A_149] : memref<4x4x640xf32, #tpu.memory_space<vmem>> -> memref<1x4x640xf32, #tpu.memory_space<vmem>>
    %dma_wait3A_151 = tpu.memref_squeeze %dma_wait3A_150 : memref<1x4x640xf32, #tpu.memory_space<vmem>> -> memref<4x640xf32, #tpu.memory_space<vmem>>
    %dma_wait3A_152 = arith.constant 8 : i32
    %dma_wait3A_153 = tpu.memref_slice %arg8[%arg0, %dma_wait3A_152, %mul3A_0] : memref<2x16x10240xf32, #tpu.memory_space<hbm>> -> memref<1x4x640xf32, #tpu.memory_space<hbm>>
    %dma_wait3A_154 = tpu.memref_squeeze %dma_wait3A_153 : memref<1x4x640xf32, #tpu.memory_space<hbm>> -> memref<4x640xf32, #tpu.memory_space<hbm>>
    tpu.wait_dma2 semaphore(%arg19 : memref<!tpu.dma_semaphore, #tpu.memory_space<semaphore_mem>>) src(%dma_wait3A_154 : memref<4x640xf32, #tpu.memory_space<hbm>>) dst(%dma_wait3A_151 : memref<4x640xf32, #tpu.memory_space<vmem>>)
    %dma_wait3A_155 = arith.constant 3 : i32
    %dma_wait3A_156 = arith.constant 0 : i32
    %dma_wait3A_157 = arith.constant 0 : i32
    %dma_wait3A_158 = tpu.memref_slice %arg17[%dma_wait3A_155, %dma_wait3A_156, %dma_wait3A_157] : memref<4x4x640xf32, #tpu.memory_space<vmem>> -> memref<1x4x640xf32, #tpu.memory_space<vmem>>
    %dma_wait3A_159 = tpu.memref_squeeze %dma_wait3A_158 : memref<1x4x640xf32, #tpu.memory_space<vmem>> -> memref<4x640xf32, #tpu.memory_space<vmem>>
    %dma_wait3A_160 = arith.constant 12 : i32
    %dma_wait3A_161 = tpu.memref_slice %arg8[%arg0, %dma_wait3A_160, %mul3A_0] : memref<2x16x10240xf32, #tpu.memory_space<hbm>> -> memref<1x4x640xf32, #tpu.memory_space<hbm>>
    %dma_wait3A_162 = tpu.memref_squeeze %dma_wait3A_161 : memref<1x4x640xf32, #tpu.memory_space<hbm>> -> memref<4x640xf32, #tpu.memory_space<hbm>>
    %dma_wait3A_163 = arith.constant 0 : i32
    %dma_wait3A_164 = arith.constant 0 : i32
    %dma_wait3A_165 = tpu.memref_slice %arg17[%dma_wait3A_155, %dma_wait3A_163, %dma_wait3A_164] : memref<4x4x640xf32, #tpu.memory_space<vmem>> -> memref<1x4x640xf32, #tpu.memory_space<vmem>>
    %dma_wait3A_166 = tpu.memref_squeeze %dma_wait3A_165 : memref<1x4x640xf32, #tpu.memory_space<vmem>> -> memref<4x640xf32, #tpu.memory_space<vmem>>
    %dma_wait3A_167 = arith.constant 12 : i32
    %dma_wait3A_168 = tpu.memref_slice %arg8[%arg0, %dma_wait3A_167, %mul3A_0] : memref<2x16x10240xf32, #tpu.memory_space<hbm>> -> memref<1x4x640xf32, #tpu.memory_space<hbm>>
    %dma_wait3A_169 = tpu.memref_squeeze %dma_wait3A_168 : memref<1x4x640xf32, #tpu.memory_space<hbm>> -> memref<4x640xf32, #tpu.memory_space<hbm>>
    tpu.wait_dma2 semaphore(%arg19 : memref<!tpu.dma_semaphore, #tpu.memory_space<semaphore_mem>>) src(%dma_wait3A_169 : memref<4x640xf32, #tpu.memory_space<hbm>>) dst(%dma_wait3A_166 : memref<4x640xf32, #tpu.memory_space<vmem>>)
    %parallel_loop3A_170 = arith.constant 0 : i32
    %parallel_loop3A_171 = arith.constant 640 : i32
    %parallel_loop3A_172 = arith.constant 16 : i32
    scf.for %parallel_loop3A_205 = %parallel_loop3A_170 to %parallel_loop3A_171 step %parallel_loop3A_172  : i32 {
      %parallel_loop3A_206 = arith.constant 0 : i32
      %parallel_loop3A_207 = arith.constant 0 : i32
      %parallel_loop3A_208 = arith.index_cast %parallel_loop3A_206 : i32 to index
      %parallel_loop3A_209 = arith.index_cast %parallel_loop3A_207 : i32 to index
      %parallel_loop3A_210 = arith.index_cast %parallel_loop3A_205 : i32 to index
      %parallel_loop3A_211 = tpu.vector_load %arg17[%parallel_loop3A_208, %parallel_loop3A_209, %parallel_loop3A_210] {strides = array<i32>} : memref<4x4x640xf32, #tpu.memory_space<vmem>>, vector<16xf32>,
      %parallel_loop3A_212 = arith.constant 0 : i32
      %parallel_loop3A_213 = arith.constant 1 : i32
      %parallel_loop3A_214 = arith.index_cast %parallel_loop3A_212 : i32 to index
      %parallel_loop3A_215 = arith.index_cast %parallel_loop3A_213 : i32 to index
      %parallel_loop3A_216 = arith.index_cast %parallel_loop3A_205 : i32 to index
      %parallel_loop3A_217 = tpu.vector_load %arg17[%parallel_loop3A_214, %parallel_loop3A_215, %parallel_loop3A_216] {strides = array<i32>} : memref<4x4x640xf32, #tpu.memory_space<vmem>>, vector<16xf32>,
      %parallel_loop3A_218 = arith.addf %parallel_loop3A_211, %parallel_loop3A_217 : vector<16xf32>
      %parallel_loop3A_219 = arith.constant 0 : i32
      %parallel_loop3A_220 = arith.constant 2 : i32
      %parallel_loop3A_221 = arith.index_cast %parallel_loop3A_219 : i32 to index
      %parallel_loop3A_222 = arith.index_cast %parallel_loop3A_220 : i32 to index
      %parallel_loop3A_223 = arith.index_cast %parallel_loop3A_205 : i32 to index
      %parallel_loop3A_224 = tpu.vector_load %arg17[%parallel_loop3A_221, %parallel_loop3A_222, %parallel_loop3A_223] {strides = array<i32>} : memref<4x4x640xf32, #tpu.memory_space<vmem>>, vector<16xf32>,
      %parallel_loop3A_225 = arith.addf %parallel_loop3A_218, %parallel_loop3A_224 : vector<16xf32>
      %parallel_loop3A_226 = arith.constant 0 : i32
      %parallel_loop3A_227 = arith.constant 3 : i32
      %parallel_loop3A_228 = arith.index_cast %parallel_loop3A_226 : i32 to index
      %parallel_loop3A_229 = arith.index_cast %parallel_loop3A_227 : i32 to index
      %parallel_loop3A_230 = arith.index_cast %parallel_loop3A_205 : i32 to index
      %parallel_loop3A_231 = tpu.vector_load %arg17[%parallel_loop3A_228, %parallel_loop3A_229, %parallel_loop3A_230] {strides = array<i32>} : memref<4x4x640xf32, #tpu.memory_space<vmem>>, vector<16xf32>,
      %parallel_loop3A_232 = arith.addf %parallel_loop3A_225, %parallel_loop3A_231 : vector<16xf32>
      %parallel_loop3A_233 = arith.index_cast %parallel_loop3A_205 : i32 to index
      %parallel_loop3A_234 = tpu.vector_load %arg14[%parallel_loop3A_233] {strides = array<i32>} : memref<640xf32, #tpu.memory_space<vmem>>, vector<16xf32>,
      tpu.vector_store %arg14[%parallel_loop3A_233], %parallel_loop3A_232 {strides = array<i32>} : memref<640xf32, #tpu.memory_space<vmem>>, vector<16xf32>,
    } {sc.loop_unroll_factor = 4 : i64, sc.parallel_access}
    %parallel_loop3A_173 = arith.constant 0 : i32
    %parallel_loop3A_174 = arith.constant 640 : i32
    %parallel_loop3A_175 = arith.constant 16 : i32
    scf.for %parallel_loop3A_205 = %parallel_loop3A_173 to %parallel_loop3A_174 step %parallel_loop3A_175  : i32 {
      %parallel_loop3A_206 = arith.index_cast %parallel_loop3A_205 : i32 to index
      %parallel_loop3A_207 = tpu.vector_load %arg14[%parallel_loop3A_206] {strides = array<i32>} : memref<640xf32, #tpu.memory_space<vmem>>, vector<16xf32>,
      %parallel_loop3A_208 = arith.constant 1 : i32
      %parallel_loop3A_209 = arith.constant 0 : i32
      %parallel_loop3A_210 = arith.index_cast %parallel_loop3A_208 : i32 to index
      %parallel_loop3A_211 = arith.index_cast %parallel_loop3A_209 : i32 to index
      %parallel_loop3A_212 = arith.index_cast %parallel_loop3A_205 : i32 to index
      %parallel_loop3A_213 = tpu.vector_load %arg17[%parallel_loop3A_210, %parallel_loop3A_211, %parallel_loop3A_212] {strides = array<i32>} : memref<4x4x640xf32, #tpu.memory_space<vmem>>, vector<16xf32>,
      %parallel_loop3A_214 = arith.addf %parallel_loop3A_207, %parallel_loop3A_213 : vector<16xf32>
      %parallel_loop3A_215 = arith.constant 1 : i32
      %parallel_loop3A_216 = arith.constant 1 : i32
      %parallel_loop3A_217 = arith.index_cast %parallel_loop3A_215 : i32 to index
      %parallel_loop3A_218 = arith.index_cast %parallel_loop3A_216 : i32 to index
      %parallel_loop3A_219 = arith.index_cast %parallel_loop3A_205 : i32 to index
      %parallel_loop3A_220 = tpu.vector_load %arg17[%parallel_loop3A_217, %parallel_loop3A_218, %parallel_loop3A_219] {strides = array<i32>} : memref<4x4x640xf32, #tpu.memory_space<vmem>>, vector<16xf32>,
      %parallel_loop3A_221 = arith.addf %parallel_loop3A_214, %parallel_loop3A_220 : vector<16xf32>
      %parallel_loop3A_222 = arith.constant 1 : i32
      %parallel_loop3A_223 = arith.constant 2 : i32
      %parallel_loop3A_224 = arith.index_cast %parallel_loop3A_222 : i32 to index
      %parallel_loop3A_225 = arith.index_cast %parallel_loop3A_223 : i32 to index
      %parallel_loop3A_226 = arith.index_cast %parallel_loop3A_205 : i32 to index
      %parallel_loop3A_227 = tpu.vector_load %arg17[%parallel_loop3A_224, %parallel_loop3A_225, %parallel_loop3A_226] {strides = array<i32>} : memref<4x4x640xf32, #tpu.memory_space<vmem>>, vector<16xf32>,
      %parallel_loop3A_228 = arith.addf %parallel_loop3A_221, %parallel_loop3A_227 : vector<16xf32>
      %parallel_loop3A_229 = arith.constant 1 : i32
      %parallel_loop3A_230 = arith.constant 3 : i32
      %parallel_loop3A_231 = arith.index_cast %parallel_loop3A_229 : i32 to index
      %parallel_loop3A_232 = arith.index_cast %parallel_loop3A_230 : i32 to index
      %parallel_loop3A_233 = arith.index_cast %parallel_loop3A_205 : i32 to index
      %parallel_loop3A_234 = tpu.vector_load %arg17[%parallel_loop3A_231, %parallel_loop3A_232, %parallel_loop3A_233] {strides = array<i32>} : memref<4x4x640xf32, #tpu.memory_space<vmem>>, vector<16xf32>,
      %parallel_loop3A_235 = arith.addf %parallel_loop3A_228, %parallel_loop3A_234 : vector<16xf32>
      %parallel_loop3A_236 = arith.index_cast %parallel_loop3A_205 : i32 to index
      %parallel_loop3A_237 = tpu.vector_load %arg14[%parallel_loop3A_236] {strides = array<i32>} : memref<640xf32, #tpu.memory_space<vmem>>, vector<16xf32>,
      tpu.vector_store %arg14[%parallel_loop3A_236], %parallel_loop3A_235 {strides = array<i32>} : memref<640xf32, #tpu.memory_space<vmem>>, vector<16xf32>,
    } {sc.loop_unroll_factor = 4 : i64, sc.parallel_access}
    %parallel_loop3A_176 = arith.constant 0 : i32
    %parallel_loop3A_177 = arith.constant 640 : i32
    %parallel_loop3A_178 = arith.constant 16 : i32
    scf.for %parallel_loop3A_205 = %parallel_loop3A_176 to %parallel_loop3A_177 step %parallel_loop3A_178  : i32 {
      %parallel_loop3A_206 = arith.index_cast %parallel_loop3A_205 : i32 to index
      %parallel_loop3A_207 = tpu.vector_load %arg14[%parallel_loop3A_206] {strides = array<i32>} : memref<640xf32, #tpu.memory_space<vmem>>, vector<16xf32>,
      %parallel_loop3A_208 = arith.constant 2 : i32
      %parallel_loop3A_209 = arith.constant 0 : i32
      %parallel_loop3A_210 = arith.index_cast %parallel_loop3A_208 : i32 to index
      %parallel_loop3A_211 = arith.index_cast %parallel_loop3A_209 : i32 to index
      %parallel_loop3A_212 = arith.index_cast %parallel_loop3A_205 : i32 to index
      %parallel_loop3A_213 = tpu.vector_load %arg17[%parallel_loop3A_210, %parallel_loop3A_211, %parallel_loop3A_212] {strides = array<i32>} : memref<4x4x640xf32, #tpu.memory_space<vmem>>, vector<16xf32>,
      %parallel_loop3A_214 = arith.addf %parallel_loop3A_207, %parallel_loop3A_213 : vector<16xf32>
      %parallel_loop3A_215 = arith.constant 2 : i32
      %parallel_loop3A_216 = arith.constant 1 : i32
      %parallel_loop3A_217 = arith.index_cast %parallel_loop3A_215 : i32 to index
      %parallel_loop3A_218 = arith.index_cast %parallel_loop3A_216 : i32 to index
      %parallel_loop3A_219 = arith.index_cast %parallel_loop3A_205 : i32 to index
      %parallel_loop3A_220 = tpu.vector_load %arg17[%parallel_loop3A_217, %parallel_loop3A_218, %parallel_loop3A_219] {strides = array<i32>} : memref<4x4x640xf32, #tpu.memory_space<vmem>>, vector<16xf32>,
      %parallel_loop3A_221 = arith.addf %parallel_loop3A_214, %parallel_loop3A_220 : vector<16xf32>
      %parallel_loop3A_222 = arith.constant 2 : i32
      %parallel_loop3A_223 = arith.constant 2 : i32
      %parallel_loop3A_224 = arith.index_cast %parallel_loop3A_222 : i32 to index
      %parallel_loop3A_225 = arith.index_cast %parallel_loop3A_223 : i32 to index
      %parallel_loop3A_226 = arith.index_cast %parallel_loop3A_205 : i32 to index
      %parallel_loop3A_227 = tpu.vector_load %arg17[%parallel_loop3A_224, %parallel_loop3A_225, %parallel_loop3A_226] {strides = array<i32>} : memref<4x4x640xf32, #tpu.memory_space<vmem>>, vector<16xf32>,
      %parallel_loop3A_228 = arith.addf %parallel_loop3A_221, %parallel_loop3A_227 : vector<16xf32>
      %parallel_loop3A_229 = arith.constant 2 : i32
      %parallel_loop3A_230 = arith.constant 3 : i32
      %parallel_loop3A_231 = arith.index_cast %parallel_loop3A_229 : i32 to index
      %parallel_loop3A_232 = arith.index_cast %parallel_loop3A_230 : i32 to index
      %parallel_loop3A_233 = arith.index_cast %parallel_loop3A_205 : i32 to index
      %parallel_loop3A_234 = tpu.vector_load %arg17[%parallel_loop3A_231, %parallel_loop3A_232, %parallel_loop3A_233] {strides = array<i32>} : memref<4x4x640xf32, #tpu.memory_space<vmem>>, vector<16xf32>,
      %parallel_loop3A_235 = arith.addf %parallel_loop3A_228, %parallel_loop3A_234 : vector<16xf32>
      %parallel_loop3A_236 = arith.index_cast %parallel_loop3A_205 : i32 to index
      %parallel_loop3A_237 = tpu.vector_load %arg14[%parallel_loop3A_236] {strides = array<i32>} : memref<640xf32, #tpu.memory_space<vmem>>, vector<16xf32>,
      tpu.vector_store %arg14[%parallel_loop3A_236], %parallel_loop3A_235 {strides = array<i32>} : memref<640xf32, #tpu.memory_space<vmem>>, vector<16xf32>,
    } {sc.loop_unroll_factor = 4 : i64, sc.parallel_access}
    %parallel_loop3A_179 = arith.constant 0 : i32
    %parallel_loop3A_180 = arith.constant 640 : i32
    %parallel_loop3A_181 = arith.constant 16 : i32
    scf.for %parallel_loop3A_205 = %parallel_loop3A_179 to %parallel_loop3A_180 step %parallel_loop3A_181  : i32 {
      %parallel_loop3A_206 = arith.index_cast %parallel_loop3A_205 : i32 to index
      %parallel_loop3A_207 = tpu.vector_load %arg14[%parallel_loop3A_206] {strides = array<i32>} : memref<640xf32, #tpu.memory_space<vmem>>, vector<16xf32>,
      %parallel_loop3A_208 = arith.constant 3 : i32
      %parallel_loop3A_209 = arith.constant 0 : i32
      %parallel_loop3A_210 = arith.index_cast %parallel_loop3A_208 : i32 to index
      %parallel_loop3A_211 = arith.index_cast %parallel_loop3A_209 : i32 to index
      %parallel_loop3A_212 = arith.index_cast %parallel_loop3A_205 : i32 to index
      %parallel_loop3A_213 = tpu.vector_load %arg17[%parallel_loop3A_210, %parallel_loop3A_211, %parallel_loop3A_212] {strides = array<i32>} : memref<4x4x640xf32, #tpu.memory_space<vmem>>, vector<16xf32>,
      %parallel_loop3A_214 = arith.addf %parallel_loop3A_207, %parallel_loop3A_213 : vector<16xf32>
      %parallel_loop3A_215 = arith.constant 3 : i32
      %parallel_loop3A_216 = arith.constant 1 : i32
      %parallel_loop3A_217 = arith.index_cast %parallel_loop3A_215 : i32 to index
      %parallel_loop3A_218 = arith.index_cast %parallel_loop3A_216 : i32 to index
      %parallel_loop3A_219 = arith.index_cast %parallel_loop3A_205 : i32 to index
      %parallel_loop3A_220 = tpu.vector_load %arg17[%parallel_loop3A_217, %parallel_loop3A_218, %parallel_loop3A_219] {strides = array<i32>} : memref<4x4x640xf32, #tpu.memory_space<vmem>>, vector<16xf32>,
      %parallel_loop3A_221 = arith.addf %parallel_loop3A_214, %parallel_loop3A_220 : vector<16xf32>
      %parallel_loop3A_222 = arith.constant 3 : i32
      %parallel_loop3A_223 = arith.constant 2 : i32
      %parallel_loop3A_224 = arith.index_cast %parallel_loop3A_222 : i32 to index
      %parallel_loop3A_225 = arith.index_cast %parallel_loop3A_223 : i32 to index
      %parallel_loop3A_226 = arith.index_cast %parallel_loop3A_205 : i32 to index
      %parallel_loop3A_227 = tpu.vector_load %arg17[%parallel_loop3A_224, %parallel_loop3A_225, %parallel_loop3A_226] {strides = array<i32>} : memref<4x4x640xf32, #tpu.memory_space<vmem>>, vector<16xf32>,
      %parallel_loop3A_228 = arith.addf %parallel_loop3A_221, %parallel_loop3A_227 : vector<16xf32>
      %parallel_loop3A_229 = arith.constant 3 : i32
      %parallel_loop3A_230 = arith.constant 3 : i32
      %parallel_loop3A_231 = arith.index_cast %parallel_loop3A_229 : i32 to index
      %parallel_loop3A_232 = arith.index_cast %parallel_loop3A_230 : i32 to index
      %parallel_loop3A_233 = arith.index_cast %parallel_loop3A_205 : i32 to index
      %parallel_loop3A_234 = tpu.vector_load %arg17[%parallel_loop3A_231, %parallel_loop3A_232, %parallel_loop3A_233] {strides = array<i32>} : memref<4x4x640xf32, #tpu.memory_space<vmem>>, vector<16xf32>,
      %parallel_loop3A_235 = arith.addf %parallel_loop3A_228, %parallel_loop3A_234 : vector<16xf32>
      %parallel_loop3A_236 = arith.index_cast %parallel_loop3A_205 : i32 to index
      %parallel_loop3A_237 = tpu.vector_load %arg14[%parallel_loop3A_236] {strides = array<i32>} : memref<640xf32, #tpu.memory_space<vmem>>, vector<16xf32>,
      tpu.vector_store %arg14[%parallel_loop3A_236], %parallel_loop3A_235 {strides = array<i32>} : memref<640xf32, #tpu.memory_space<vmem>>, vector<16xf32>,
    } {sc.loop_unroll_factor = 4 : i64, sc.parallel_access}
    %parallel_loop3A_182 = arith.constant 0 : i32
    %parallel_loop3A_183 = arith.constant 640 : i32
    %parallel_loop3A_184 = arith.constant 16 : i32
    scf.for %parallel_loop3A_205 = %parallel_loop3A_182 to %parallel_loop3A_183 step %parallel_loop3A_184  : i32 {
      %parallel_loop3A_206 = arith.index_cast %parallel_loop3A_205 : i32 to index
      %parallel_loop3A_207 = tpu.vector_load %arg14[%parallel_loop3A_206] {strides = array<i32>} : memref<640xf32, #tpu.memory_space<vmem>>, vector<16xf32>,
      %parallel_loop3A_208 = vector.bitcast %parallel_loop3A_207 : vector<16xf32> to vector<16xi32>
      %parallel_loop3A_209 = arith.constant 1 : i32
      %parallel_loop3A_210 = vector.broadcast %parallel_loop3A_209 : i32 to vector<16xi32>
      %parallel_loop3A_211 = arith.shrsi %parallel_loop3A_208, %parallel_loop3A_210 : vector<16xi32>
      %parallel_loop3A_212 = arith.constant 1597463007 : i32
      %parallel_loop3A_213 = vector.broadcast %parallel_loop3A_212 : i32 to vector<16xi32>
      %parallel_loop3A_214 = arith.subi %parallel_loop3A_213, %parallel_loop3A_211 : vector<16xi32>
      %parallel_loop3A_215 = vector.bitcast %parallel_loop3A_214 : vector<16xi32> to vector<16xf32>
      %parallel_loop3A_216 = arith.constant 5.000000e-01 : f32
      %parallel_loop3A_217 = vector.broadcast %parallel_loop3A_216 : f32 to vector<16xf32>
      %parallel_loop3A_218 = arith.mulf %parallel_loop3A_217, %parallel_loop3A_207 : vector<16xf32>
      %parallel_loop3A_219 = arith.mulf %parallel_loop3A_218, %parallel_loop3A_215 : vector<16xf32>
      %parallel_loop3A_220 = arith.mulf %parallel_loop3A_219, %parallel_loop3A_215 : vector<16xf32>
      %parallel_loop3A_221 = arith.constant 1.500000e+00 : f32
      %parallel_loop3A_222 = vector.broadcast %parallel_loop3A_221 : f32 to vector<16xf32>
      %parallel_loop3A_223 = arith.subf %parallel_loop3A_222, %parallel_loop3A_220 : vector<16xf32>
      %parallel_loop3A_224 = arith.mulf %parallel_loop3A_215, %parallel_loop3A_223 : vector<16xf32>
      %parallel_loop3A_225 = arith.mulf %parallel_loop3A_218, %parallel_loop3A_224 : vector<16xf32>
      %parallel_loop3A_226 = arith.mulf %parallel_loop3A_225, %parallel_loop3A_224 : vector<16xf32>
      %parallel_loop3A_227 = arith.constant 1.500000e+00 : f32
      %parallel_loop3A_228 = vector.broadcast %parallel_loop3A_227 : f32 to vector<16xf32>
      %parallel_loop3A_229 = arith.subf %parallel_loop3A_228, %parallel_loop3A_226 : vector<16xf32>
      %parallel_loop3A_230 = arith.mulf %parallel_loop3A_224, %parallel_loop3A_229 : vector<16xf32>
      %parallel_loop3A_231 = arith.mulf %parallel_loop3A_218, %parallel_loop3A_230 : vector<16xf32>
      %parallel_loop3A_232 = arith.mulf %parallel_loop3A_231, %parallel_loop3A_230 : vector<16xf32>
      %parallel_loop3A_233 = arith.constant 1.500000e+00 : f32
      %parallel_loop3A_234 = vector.broadcast %parallel_loop3A_233 : f32 to vector<16xf32>
      %parallel_loop3A_235 = arith.subf %parallel_loop3A_234, %parallel_loop3A_232 : vector<16xf32>
      %parallel_loop3A_236 = arith.mulf %parallel_loop3A_230, %parallel_loop3A_235 : vector<16xf32>
      %parallel_loop3A_237 = arith.constant 0.000000e+00 : f32
      %parallel_loop3A_238 = vector.broadcast %parallel_loop3A_237 : f32 to vector<16xf32>
      %parallel_loop3A_239 = arith.cmpf ogt, %parallel_loop3A_207, %parallel_loop3A_238 : vector<16xf32>
      %parallel_loop3A_240 = arith.constant 0.000000e+00 : f32
      %parallel_loop3A_241 = vector.broadcast %parallel_loop3A_240 : f32 to vector<16xf32>
      %parallel_loop3A_242 = arith.select %parallel_loop3A_239, %parallel_loop3A_236, %parallel_loop3A_241 : vector<16xi1>, vector<16xf32>
      %parallel_loop3A_243 = arith.index_cast %parallel_loop3A_205 : i32 to index
      %parallel_loop3A_244 = tpu.vector_load %arg14[%parallel_loop3A_243] {strides = array<i32>} : memref<640xf32, #tpu.memory_space<vmem>>, vector<16xf32>,
      tpu.vector_store %arg14[%parallel_loop3A_243], %parallel_loop3A_242 {strides = array<i32>} : memref<640xf32, #tpu.memory_space<vmem>>, vector<16xf32>,
    } {sc.loop_unroll_factor = 4 : i64, sc.parallel_access}
    "tpu.region"() ({
      %run_scoped3A_205 = tpu.sem_alloc : memref<!tpu.dma_semaphore, #tpu.memory_space<semaphore_mem>>
      %dma_start3A_206 = tpu.memref_slice %arg6[%arg0, %mul3A_0] : memref<2x10240xf32, #tpu.memory_space<hbm>> -> memref<1x640xf32, #tpu.memory_space<hbm>>
      %dma_start3A_207 = tpu.memref_squeeze %dma_start3A_206 : memref<1x640xf32, #tpu.memory_space<hbm>> -> memref<640xf32, #tpu.memory_space<hbm>>
      %dma_start3A_208 = tpu.memref_slice %arg6[%arg0, %mul3A_0] : memref<2x10240xf32, #tpu.memory_space<hbm>> -> memref<1x640xf32, #tpu.memory_space<hbm>>
      %dma_start3A_209 = tpu.memref_squeeze %dma_start3A_208 : memref<1x640xf32, #tpu.memory_space<hbm>> -> memref<640xf32, #tpu.memory_space<hbm>>
      tpu.enqueue_dma source(%arg14 : memref<640xf32, #tpu.memory_space<vmem>>) target(%dma_start3A_209 : memref<640xf32, #tpu.memory_space<hbm>>) target_semaphore(%run_scoped3A_205 : memref<!tpu.dma_semaphore, #tpu.memory_space<semaphore_mem>>)
      %dma_wait3A_210 = tpu.memref_slice %arg6[%arg0, %mul3A_0] : memref<2x10240xf32, #tpu.memory_space<hbm>> -> memref<1x640xf32, #tpu.memory_space<hbm>>
      %dma_wait3A_211 = tpu.memref_squeeze %dma_wait3A_210 : memref<1x640xf32, #tpu.memory_space<hbm>> -> memref<640xf32, #tpu.memory_space<hbm>>
      %dma_wait3A_212 = tpu.memref_slice %arg6[%arg0, %mul3A_0] : memref<2x10240xf32, #tpu.memory_space<hbm>> -> memref<1x640xf32, #tpu.memory_space<hbm>>
      %dma_wait3A_213 = tpu.memref_squeeze %dma_wait3A_212 : memref<1x640xf32, #tpu.memory_space<hbm>> -> memref<640xf32, #tpu.memory_space<hbm>>
      tpu.wait_dma2 semaphore(%run_scoped3A_205 : memref<!tpu.dma_semaphore, #tpu.memory_space<semaphore_mem>>) src(%arg14 : memref<640xf32, #tpu.memory_space<vmem>>) dst(%dma_wait3A_213 : memref<640xf32, #tpu.memory_space<hbm>>)
      tpu.yield
    }) : () -> ()
    %parallel_loop3A_185 = arith.constant 0 : i32
    %parallel_loop3A_186 = arith.constant 640 : i32
    %parallel_loop3A_187 = arith.constant 16 : i32
    scf.for %parallel_loop3A_205 = %parallel_loop3A_185 to %parallel_loop3A_186 step %parallel_loop3A_187  : i32 {
      %parallel_loop3A_206 = arith.index_cast %parallel_loop3A_205 : i32 to index
      %parallel_loop3A_207 = tpu.vector_load %arg14[%parallel_loop3A_206] {strides = array<i32>} : memref<640xf32, #tpu.memory_space<vmem>>, vector<16xf32>,
      %parallel_loop3A_208 = arith.constant 0 : i32
      %parallel_loop3A_209 = arith.index_cast %parallel_loop3A_208 : i32 to index
      %parallel_loop3A_210 = arith.index_cast %parallel_loop3A_205 : i32 to index
      %parallel_loop3A_211 = tpu.vector_load %arg15[%parallel_loop3A_209, %parallel_loop3A_210] {strides = array<i32>} : memref<3x640xf32, #tpu.memory_space<vmem>>, vector<16xf32>,
      %parallel_loop3A_212 = arith.mulf %parallel_loop3A_207, %parallel_loop3A_211 : vector<16xf32>
      %parallel_loop3A_213 = arith.constant 0 : i32
      %parallel_loop3A_214 = arith.index_cast %parallel_loop3A_213 : i32 to index
      %parallel_loop3A_215 = arith.index_cast %parallel_loop3A_205 : i32 to index
      %parallel_loop3A_216 = tpu.vector_load %arg16[%parallel_loop3A_214, %parallel_loop3A_215] {strides = array<i32>} : memref<3x640xf32, #tpu.memory_space<vmem>>, vector<16xf32>,
      tpu.vector_store %arg16[%parallel_loop3A_214, %parallel_loop3A_215], %parallel_loop3A_212 {strides = array<i32>} : memref<3x640xf32, #tpu.memory_space<vmem>>, vector<16xf32>,
      %parallel_loop3A_217 = arith.constant 1 : i32
      %parallel_loop3A_218 = arith.index_cast %parallel_loop3A_217 : i32 to index
      %parallel_loop3A_219 = arith.index_cast %parallel_loop3A_205 : i32 to index
      %parallel_loop3A_220 = tpu.vector_load %arg15[%parallel_loop3A_218, %parallel_loop3A_219] {strides = array<i32>} : memref<3x640xf32, #tpu.memory_space<vmem>>, vector<16xf32>,
      %parallel_loop3A_221 = arith.mulf %parallel_loop3A_207, %parallel_loop3A_220 : vector<16xf32>
      %parallel_loop3A_222 = arith.constant 1 : i32
      %parallel_loop3A_223 = arith.index_cast %parallel_loop3A_222 : i32 to index
      %parallel_loop3A_224 = arith.index_cast %parallel_loop3A_205 : i32 to index
      %parallel_loop3A_225 = tpu.vector_load %arg16[%parallel_loop3A_223, %parallel_loop3A_224] {strides = array<i32>} : memref<3x640xf32, #tpu.memory_space<vmem>>, vector<16xf32>,
      tpu.vector_store %arg16[%parallel_loop3A_223, %parallel_loop3A_224], %parallel_loop3A_221 {strides = array<i32>} : memref<3x640xf32, #tpu.memory_space<vmem>>, vector<16xf32>,
      %parallel_loop3A_226 = arith.constant 2 : i32
      %parallel_loop3A_227 = arith.index_cast %parallel_loop3A_226 : i32 to index
      %parallel_loop3A_228 = arith.index_cast %parallel_loop3A_205 : i32 to index
      %parallel_loop3A_229 = tpu.vector_load %arg15[%parallel_loop3A_227, %parallel_loop3A_228] {strides = array<i32>} : memref<3x640xf32, #tpu.memory_space<vmem>>, vector<16xf32>,
      %parallel_loop3A_230 = arith.mulf %parallel_loop3A_207, %parallel_loop3A_229 : vector<16xf32>
      %parallel_loop3A_231 = arith.constant 2 : i32
      %parallel_loop3A_232 = arith.index_cast %parallel_loop3A_231 : i32 to index
      %parallel_loop3A_233 = arith.index_cast %parallel_loop3A_205 : i32 to index
      %parallel_loop3A_234 = tpu.vector_load %arg16[%parallel_loop3A_232, %parallel_loop3A_233] {strides = array<i32>} : memref<3x640xf32, #tpu.memory_space<vmem>>, vector<16xf32>,
      tpu.vector_store %arg16[%parallel_loop3A_232, %parallel_loop3A_233], %parallel_loop3A_230 {strides = array<i32>} : memref<3x640xf32, #tpu.memory_space<vmem>>, vector<16xf32>,
    } {sc.loop_unroll_factor = 4 : i64, sc.parallel_access}
    "tpu.region"() ({
      %run_scoped3A_205 = tpu.sem_alloc : memref<!tpu.dma_semaphore, #tpu.memory_space<semaphore_mem>>
      %dma_start3A_206 = arith.constant 0 : i32
      %dma_start3A_207 = tpu.memref_slice %arg7[%arg0, %dma_start3A_206, %mul3A_0] : memref<2x3x10240xf32, #tpu.memory_space<hbm>> -> memref<1x3x640xf32, #tpu.memory_space<hbm>>
      %dma_start3A_208 = tpu.memref_squeeze %dma_start3A_207 : memref<1x3x640xf32, #tpu.memory_space<hbm>> -> memref<3x640xf32, #tpu.memory_space<hbm>>
      %dma_start3A_209 = arith.constant 0 : i32
      %dma_start3A_210 = tpu.memref_slice %arg7[%arg0, %dma_start3A_209, %mul3A_0] : memref<2x3x10240xf32, #tpu.memory_space<hbm>> -> memref<1x3x640xf32, #tpu.memory_space<hbm>>
      %dma_start3A_211 = tpu.memref_squeeze %dma_start3A_210 : memref<1x3x640xf32, #tpu.memory_space<hbm>> -> memref<3x640xf32, #tpu.memory_space<hbm>>
      tpu.enqueue_dma source(%arg16 : memref<3x640xf32, #tpu.memory_space<vmem>>) target(%dma_start3A_211 : memref<3x640xf32, #tpu.memory_space<hbm>>) target_semaphore(%run_scoped3A_205 : memref<!tpu.dma_semaphore, #tpu.memory_space<semaphore_mem>>)
      %dma_wait3A_212 = arith.constant 0 : i32
      %dma_wait3A_213 = tpu.memref_slice %arg7[%arg0, %dma_wait3A_212, %mul3A_0] : memref<2x3x10240xf32, #tpu.memory_space<hbm>> -> memref<1x3x640xf32, #tpu.memory_space<hbm>>
      %dma_wait3A_214 = tpu.memref_squeeze %dma_wait3A_213 : memref<1x3x640xf32, #tpu.memory_space<hbm>> -> memref<3x640xf32, #tpu.memory_space<hbm>>
      %dma_wait3A_215 = arith.constant 0 : i32
      %dma_wait3A_216 = tpu.memref_slice %arg7[%arg0, %dma_wait3A_215, %mul3A_0] : memref<2x3x10240xf32, #tpu.memory_space<hbm>> -> memref<1x3x640xf32, #tpu.memory_space<hbm>>
      %dma_wait3A_217 = tpu.memref_squeeze %dma_wait3A_216 : memref<1x3x640xf32, #tpu.memory_space<hbm>> -> memref<3x640xf32, #tpu.memory_space<hbm>>
      tpu.wait_dma2 semaphore(%run_scoped3A_205 : memref<!tpu.dma_semaphore, #tpu.memory_space<semaphore_mem>>) src(%arg16 : memref<3x640xf32, #tpu.memory_space<vmem>>) dst(%dma_wait3A_217 : memref<3x640xf32, #tpu.memory_space<hbm>>)
      tpu.yield
    }) : () -> ()
    %barrier3A_188 = arith.constant 0 : index
    tpu.barrier barrier_id(%barrier3A_188)
    "tpu.region"() ({
      %run_scoped3A_205 = tpu.sem_alloc : memref<!tpu.dma_semaphore, #tpu.memory_space<semaphore_mem>>
      %dma_start3A_206 = arith.constant 0 : i32
      %dma_start3A_207 = arith.constant 0 : i32
      %dma_start3A_208 = tpu.memref_slice %arg7[%arg0, %dma_start3A_206, %dma_start3A_207] : memref<2x3x10240xf32, #tpu.memory_space<hbm>> -> memref<1x3x10240xf32, #tpu.memory_space<hbm>>
      %dma_start3A_209 = tpu.memref_squeeze %dma_start3A_208 : memref<1x3x10240xf32, #tpu.memory_space<hbm>> -> memref<3x10240xf32, #tpu.memory_space<hbm>>
      %dma_start3A_210 = arith.constant 0 : i32
      %dma_start3A_211 = arith.constant 0 : i32
      %dma_start3A_212 = tpu.memref_slice %arg7[%arg0, %dma_start3A_210, %dma_start3A_211] : memref<2x3x10240xf32, #tpu.memory_space<hbm>> -> memref<1x3x10240xf32, #tpu.memory_space<hbm>>
      %dma_start3A_213 = tpu.memref_squeeze %dma_start3A_212 : memref<1x3x10240xf32, #tpu.memory_space<hbm>> -> memref<3x10240xf32, #tpu.memory_space<hbm>>
      tpu.enqueue_dma source(%dma_start3A_213 : memref<3x10240xf32, #tpu.memory_space<hbm>>) target(%arg13 : memref<3x10240xf32, #tpu.memory_space<vmem>>) target_semaphore(%run_scoped3A_205 : memref<!tpu.dma_semaphore, #tpu.memory_space<semaphore_mem>>)
      %dma_wait3A_214 = arith.constant 0 : i32
      %dma_wait3A_215 = arith.constant 0 : i32
      %dma_wait3A_216 = tpu.memref_slice %arg7[%arg0, %dma_wait3A_214, %dma_wait3A_215] : memref<2x3x10240xf32, #tpu.memory_space<hbm>> -> memref<1x3x10240xf32, #tpu.memory_space<hbm>>
      %dma_wait3A_217 = tpu.memref_squeeze %dma_wait3A_216 : memref<1x3x10240xf32, #tpu.memory_space<hbm>> -> memref<3x10240xf32, #tpu.memory_space<hbm>>
      %dma_wait3A_218 = arith.constant 0 : i32
      %dma_wait3A_219 = arith.constant 0 : i32
      %dma_wait3A_220 = tpu.memref_slice %arg7[%arg0, %dma_wait3A_218, %dma_wait3A_219] : memref<2x3x10240xf32, #tpu.memory_space<hbm>> -> memref<1x3x10240xf32, #tpu.memory_space<hbm>>
      %dma_wait3A_221 = tpu.memref_squeeze %dma_wait3A_220 : memref<1x3x10240xf32, #tpu.memory_space<hbm>> -> memref<3x10240xf32, #tpu.memory_space<hbm>>
      tpu.wait_dma2 semaphore(%run_scoped3A_205 : memref<!tpu.dma_semaphore, #tpu.memory_space<semaphore_mem>>) src(%dma_wait3A_221 : memref<3x10240xf32, #tpu.memory_space<hbm>>) dst(%arg13 : memref<3x10240xf32, #tpu.memory_space<vmem>>)
      tpu.yield
    }) : () -> ()
    %parallel_loop3A_189 = arith.constant 0 : i32
    %parallel_loop3A_190 = arith.constant 10000 : i32
    %parallel_loop3A_191 = arith.constant 16 : i32
    scf.for %parallel_loop3A_205 = %parallel_loop3A_189 to %parallel_loop3A_190 step %parallel_loop3A_191  : i32 {
      %parallel_loop3A_206 = arith.index_cast %parallel_loop3A_205 : i32 to index
      %parallel_loop3A_207 = tpu.vector_load %arg10[%parallel_loop3A_206] {strides = array<i32>} : memref<10000xi32, #tpu.memory_space<vmem>>, vector<16xi32>,
      %parallel_loop3A_208 = arith.index_cast %parallel_loop3A_205 : i32 to index
      %parallel_loop3A_209 = tpu.vector_load %arg11[%parallel_loop3A_208] {strides = array<i32>} : memref<10000xi32, #tpu.memory_space<vmem>>, vector<16xi32>,
      %parallel_loop3A_210 = arith.cmpi ne, %parallel_loop3A_207, %parallel_loop3A_209 : vector<16xi32>
      %parallel_loop3A_211 = arith.constant 0 : i32
      %parallel_loop3A_212 = vector.broadcast %parallel_loop3A_211 : i32 to vector<16xi32>
      %parallel_loop3A_213 = tpu.vector_load_idx %arg13[%parallel_loop3A_212, %parallel_loop3A_207] : memref<3x10240xf32, #tpu.memory_space<vmem>>[vector<16xi32>, vector<16xi32>], vector<16xf32>,
      tpu.vector_store_idx %arg12[%parallel_loop3A_212, %parallel_loop3A_209], %parallel_loop3A_213 masked %parallel_loop3A_210 {add = true} : memref<4x10240xf32, #tpu.memory_space<vmem>>[vector<16xi32>, vector<16xi32>], vector<16xf32>, vector<16xi1>
      %parallel_loop3A_214 = arith.constant 1 : i32
      %parallel_loop3A_215 = vector.broadcast %parallel_loop3A_214 : i32 to vector<16xi32>
      %parallel_loop3A_216 = tpu.vector_load_idx %arg13[%parallel_loop3A_215, %parallel_loop3A_207] : memref<3x10240xf32, #tpu.memory_space<vmem>>[vector<16xi32>, vector<16xi32>], vector<16xf32>,
      tpu.vector_store_idx %arg12[%parallel_loop3A_215, %parallel_loop3A_209], %parallel_loop3A_216 masked %parallel_loop3A_210 {add = true} : memref<4x10240xf32, #tpu.memory_space<vmem>>[vector<16xi32>, vector<16xi32>], vector<16xf32>, vector<16xi1>
      %parallel_loop3A_217 = arith.constant 2 : i32
      %parallel_loop3A_218 = vector.broadcast %parallel_loop3A_217 : i32 to vector<16xi32>
      %parallel_loop3A_219 = tpu.vector_load_idx %arg13[%parallel_loop3A_218, %parallel_loop3A_207] : memref<3x10240xf32, #tpu.memory_space<vmem>>[vector<16xi32>, vector<16xi32>], vector<16xf32>,
      tpu.vector_store_idx %arg12[%parallel_loop3A_218, %parallel_loop3A_209], %parallel_loop3A_219 masked %parallel_loop3A_210 {add = true} : memref<4x10240xf32, #tpu.memory_space<vmem>>[vector<16xi32>, vector<16xi32>], vector<16xf32>, vector<16xi1>
    } {sc.loop_unroll_factor = 8 : i64, sc.parallel_access}
    "tpu.region"() ({
      %run_scoped3A_205 = tpu.sem_alloc : memref<!tpu.dma_semaphore, #tpu.memory_space<semaphore_mem>>
      %dma_start3A_206 = arith.constant 0 : i32
      %dma_start3A_207 = arith.constant 0 : i32
      %dma_start3A_208 = tpu.memref_slice %arg9[%arg0, %arg1, %dma_start3A_206, %dma_start3A_207] : memref<2x16x4x10240xf32, #tpu.memory_space<hbm>> -> memref<1x1x4x10240xf32, #tpu.memory_space<hbm>>
      %dma_start3A_209 = tpu.memref_squeeze %dma_start3A_208 : memref<1x1x4x10240xf32, #tpu.memory_space<hbm>> -> memref<4x10240xf32, #tpu.memory_space<hbm>>
      %dma_start3A_210 = arith.constant 0 : i32
      %dma_start3A_211 = arith.constant 0 : i32
      %dma_start3A_212 = tpu.memref_slice %arg9[%arg0, %arg1, %dma_start3A_210, %dma_start3A_211] : memref<2x16x4x10240xf32, #tpu.memory_space<hbm>> -> memref<1x1x4x10240xf32, #tpu.memory_space<hbm>>
      %dma_start3A_213 = tpu.memref_squeeze %dma_start3A_212 : memref<1x1x4x10240xf32, #tpu.memory_space<hbm>> -> memref<4x10240xf32, #tpu.memory_space<hbm>>
      tpu.enqueue_dma source(%arg12 : memref<4x10240xf32, #tpu.memory_space<vmem>>) target(%dma_start3A_213 : memref<4x10240xf32, #tpu.memory_space<hbm>>) target_semaphore(%run_scoped3A_205 : memref<!tpu.dma_semaphore, #tpu.memory_space<semaphore_mem>>)
      %dma_wait3A_214 = arith.constant 0 : i32
      %dma_wait3A_215 = arith.constant 0 : i32
      %dma_wait3A_216 = tpu.memref_slice %arg9[%arg0, %arg1, %dma_wait3A_214, %dma_wait3A_215] : memref<2x16x4x10240xf32, #tpu.memory_space<hbm>> -> memref<1x1x4x10240xf32, #tpu.memory_space<hbm>>
      %dma_wait3A_217 = tpu.memref_squeeze %dma_wait3A_216 : memref<1x1x4x10240xf32, #tpu.memory_space<hbm>> -> memref<4x10240xf32, #tpu.memory_space<hbm>>
      %dma_wait3A_218 = arith.constant 0 : i32
      %dma_wait3A_219 = arith.constant 0 : i32
      %dma_wait3A_220 = tpu.memref_slice %arg9[%arg0, %arg1, %dma_wait3A_218, %dma_wait3A_219] : memref<2x16x4x10240xf32, #tpu.memory_space<hbm>> -> memref<1x1x4x10240xf32, #tpu.memory_space<hbm>>
      %dma_wait3A_221 = tpu.memref_squeeze %dma_wait3A_220 : memref<1x1x4x10240xf32, #tpu.memory_space<hbm>> -> memref<4x10240xf32, #tpu.memory_space<hbm>>
      tpu.wait_dma2 semaphore(%run_scoped3A_205 : memref<!tpu.dma_semaphore, #tpu.memory_space<semaphore_mem>>) src(%arg12 : memref<4x10240xf32, #tpu.memory_space<vmem>>) dst(%dma_wait3A_221 : memref<4x10240xf32, #tpu.memory_space<hbm>>)
      tpu.yield
    }) : () -> ()
    %barrier3A_192 = arith.constant 0 : index
    tpu.barrier barrier_id(%barrier3A_192)
    "tpu.region"() ({
      %run_scoped3A_205 = tpu.sem_alloc : memref<!tpu.dma_semaphore, #tpu.memory_space<semaphore_mem>>
      %dma_start3A_206 = arith.constant 0 : i32
      %dma_start3A_207 = arith.constant 0 : i32
      %dma_start3A_208 = tpu.memref_slice %arg9[%arg0, %dma_start3A_206, %dma_start3A_207, %mul3A_0] : memref<2x16x4x10240xf32, #tpu.memory_space<hbm>> -> memref<1x4x4x640xf32, #tpu.memory_space<hbm>>
      %dma_start3A_209 = tpu.memref_squeeze %dma_start3A_208 : memref<1x4x4x640xf32, #tpu.memory_space<hbm>> -> memref<4x4x640xf32, #tpu.memory_space<hbm>>
      %dma_start3A_210 = arith.constant 0 : i32
      %dma_start3A_211 = arith.constant 0 : i32
      %dma_start3A_212 = tpu.memref_slice %arg9[%arg0, %dma_start3A_210, %dma_start3A_211, %mul3A_0] : memref<2x16x4x10240xf32, #tpu.memory_space<hbm>> -> memref<1x4x4x640xf32, #tpu.memory_space<hbm>>
      %dma_start3A_213 = tpu.memref_squeeze %dma_start3A_212 : memref<1x4x4x640xf32, #tpu.memory_space<hbm>> -> memref<4x4x640xf32, #tpu.memory_space<hbm>>
      tpu.enqueue_dma source(%dma_start3A_213 : memref<4x4x640xf32, #tpu.memory_space<hbm>>) target(%arg17 : memref<4x4x640xf32, #tpu.memory_space<vmem>>) target_semaphore(%run_scoped3A_205 : memref<!tpu.dma_semaphore, #tpu.memory_space<semaphore_mem>>)
      %dma_wait3A_214 = arith.constant 0 : i32
      %dma_wait3A_215 = arith.constant 0 : i32
      %dma_wait3A_216 = tpu.memref_slice %arg9[%arg0, %dma_wait3A_214, %dma_wait3A_215, %mul3A_0] : memref<2x16x4x10240xf32, #tpu.memory_space<hbm>> -> memref<1x4x4x640xf32, #tpu.memory_space<hbm>>
      %dma_wait3A_217 = tpu.memref_squeeze %dma_wait3A_216 : memref<1x4x4x640xf32, #tpu.memory_space<hbm>> -> memref<4x4x640xf32, #tpu.memory_space<hbm>>
      %dma_wait3A_218 = arith.constant 0 : i32
      %dma_wait3A_219 = arith.constant 0 : i32
      %dma_wait3A_220 = tpu.memref_slice %arg9[%arg0, %dma_wait3A_218, %dma_wait3A_219, %mul3A_0] : memref<2x16x4x10240xf32, #tpu.memory_space<hbm>> -> memref<1x4x4x640xf32, #tpu.memory_space<hbm>>
      %dma_wait3A_221 = tpu.memref_squeeze %dma_wait3A_220 : memref<1x4x4x640xf32, #tpu.memory_space<hbm>> -> memref<4x4x640xf32, #tpu.memory_space<hbm>>
      tpu.wait_dma2 semaphore(%run_scoped3A_205 : memref<!tpu.dma_semaphore, #tpu.memory_space<semaphore_mem>>) src(%dma_wait3A_221 : memref<4x4x640xf32, #tpu.memory_space<hbm>>) dst(%arg17 : memref<4x4x640xf32, #tpu.memory_space<vmem>>)
      tpu.yield
    }) : () -> ()
    %parallel_loop3A_193 = arith.constant 0 : i32
    %parallel_loop3A_194 = arith.constant 640 : i32
    %parallel_loop3A_195 = arith.constant 16 : i32
    scf.for %parallel_loop3A_205 = %parallel_loop3A_193 to %parallel_loop3A_194 step %parallel_loop3A_195  : i32 {
      %parallel_loop3A_206 = arith.constant 0 : i32
      %parallel_loop3A_207 = arith.constant 0 : i32
      %parallel_loop3A_208 = arith.index_cast %parallel_loop3A_206 : i32 to index
      %parallel_loop3A_209 = arith.index_cast %parallel_loop3A_207 : i32 to index
      %parallel_loop3A_210 = arith.index_cast %parallel_loop3A_205 : i32 to index
      %parallel_loop3A_211 = tpu.vector_load %arg17[%parallel_loop3A_208, %parallel_loop3A_209, %parallel_loop3A_210] {strides = array<i32>} : memref<4x4x640xf32, #tpu.memory_space<vmem>>, vector<16xf32>,
      %parallel_loop3A_212 = arith.constant 1 : i32
      %parallel_loop3A_213 = arith.constant 0 : i32
      %parallel_loop3A_214 = arith.index_cast %parallel_loop3A_212 : i32 to index
      %parallel_loop3A_215 = arith.index_cast %parallel_loop3A_213 : i32 to index
      %parallel_loop3A_216 = arith.index_cast %parallel_loop3A_205 : i32 to index
      %parallel_loop3A_217 = tpu.vector_load %arg17[%parallel_loop3A_214, %parallel_loop3A_215, %parallel_loop3A_216] {strides = array<i32>} : memref<4x4x640xf32, #tpu.memory_space<vmem>>, vector<16xf32>,
      %parallel_loop3A_218 = arith.addf %parallel_loop3A_211, %parallel_loop3A_217 : vector<16xf32>
      %parallel_loop3A_219 = arith.constant 2 : i32
      %parallel_loop3A_220 = arith.constant 0 : i32
      %parallel_loop3A_221 = arith.index_cast %parallel_loop3A_219 : i32 to index
      %parallel_loop3A_222 = arith.index_cast %parallel_loop3A_220 : i32 to index
      %parallel_loop3A_223 = arith.index_cast %parallel_loop3A_205 : i32 to index
      %parallel_loop3A_224 = tpu.vector_load %arg17[%parallel_loop3A_221, %parallel_loop3A_222, %parallel_loop3A_223] {strides = array<i32>} : memref<4x4x640xf32, #tpu.memory_space<vmem>>, vector<16xf32>,
      %parallel_loop3A_225 = arith.addf %parallel_loop3A_218, %parallel_loop3A_224 : vector<16xf32>
      %parallel_loop3A_226 = arith.constant 3 : i32
      %parallel_loop3A_227 = arith.constant 0 : i32
      %parallel_loop3A_228 = arith.index_cast %parallel_loop3A_226 : i32 to index
      %parallel_loop3A_229 = arith.index_cast %parallel_loop3A_227 : i32 to index
      %parallel_loop3A_230 = arith.index_cast %parallel_loop3A_205 : i32 to index
      %parallel_loop3A_231 = tpu.vector_load %arg17[%parallel_loop3A_228, %parallel_loop3A_229, %parallel_loop3A_230] {strides = array<i32>} : memref<4x4x640xf32, #tpu.memory_space<vmem>>, vector<16xf32>,
      %parallel_loop3A_232 = arith.addf %parallel_loop3A_225, %parallel_loop3A_231 : vector<16xf32>
      %parallel_loop3A_233 = arith.constant 0 : i32
      %parallel_loop3A_234 = arith.index_cast %parallel_loop3A_233 : i32 to index
      %parallel_loop3A_235 = arith.index_cast %parallel_loop3A_205 : i32 to index
      %parallel_loop3A_236 = tpu.vector_load %arg18[%parallel_loop3A_234, %parallel_loop3A_235] {strides = array<i32>} : memref<4x640xf32, #tpu.memory_space<vmem>>, vector<16xf32>,
      tpu.vector_store %arg18[%parallel_loop3A_234, %parallel_loop3A_235], %parallel_loop3A_232 {strides = array<i32>} : memref<4x640xf32, #tpu.memory_space<vmem>>, vector<16xf32>,
      %parallel_loop3A_237 = arith.constant 0 : i32
      %parallel_loop3A_238 = arith.constant 1 : i32
      %parallel_loop3A_239 = arith.index_cast %parallel_loop3A_237 : i32 to index
      %parallel_loop3A_240 = arith.index_cast %parallel_loop3A_238 : i32 to index
      %parallel_loop3A_241 = arith.index_cast %parallel_loop3A_205 : i32 to index
      %parallel_loop3A_242 = tpu.vector_load %arg17[%parallel_loop3A_239, %parallel_loop3A_240, %parallel_loop3A_241] {strides = array<i32>} : memref<4x4x640xf32, #tpu.memory_space<vmem>>, vector<16xf32>,
      %parallel_loop3A_243 = arith.constant 1 : i32
      %parallel_loop3A_244 = arith.constant 1 : i32
      %parallel_loop3A_245 = arith.index_cast %parallel_loop3A_243 : i32 to index
      %parallel_loop3A_246 = arith.index_cast %parallel_loop3A_244 : i32 to index
      %parallel_loop3A_247 = arith.index_cast %parallel_loop3A_205 : i32 to index
      %parallel_loop3A_248 = tpu.vector_load %arg17[%parallel_loop3A_245, %parallel_loop3A_246, %parallel_loop3A_247] {strides = array<i32>} : memref<4x4x640xf32, #tpu.memory_space<vmem>>, vector<16xf32>,
      %parallel_loop3A_249 = arith.addf %parallel_loop3A_242, %parallel_loop3A_248 : vector<16xf32>
      %parallel_loop3A_250 = arith.constant 2 : i32
      %parallel_loop3A_251 = arith.constant 1 : i32
      %parallel_loop3A_252 = arith.index_cast %parallel_loop3A_250 : i32 to index
      %parallel_loop3A_253 = arith.index_cast %parallel_loop3A_251 : i32 to index
      %parallel_loop3A_254 = arith.index_cast %parallel_loop3A_205 : i32 to index
      %parallel_loop3A_255 = tpu.vector_load %arg17[%parallel_loop3A_252, %parallel_loop3A_253, %parallel_loop3A_254] {strides = array<i32>} : memref<4x4x640xf32, #tpu.memory_space<vmem>>, vector<16xf32>,
      %parallel_loop3A_256 = arith.addf %parallel_loop3A_249, %parallel_loop3A_255 : vector<16xf32>
      %parallel_loop3A_257 = arith.constant 3 : i32
      %parallel_loop3A_258 = arith.constant 1 : i32
      %parallel_loop3A_259 = arith.index_cast %parallel_loop3A_257 : i32 to index
      %parallel_loop3A_260 = arith.index_cast %parallel_loop3A_258 : i32 to index
      %parallel_loop3A_261 = arith.index_cast %parallel_loop3A_205 : i32 to index
      %parallel_loop3A_262 = tpu.vector_load %arg17[%parallel_loop3A_259, %parallel_loop3A_260, %parallel_loop3A_261] {strides = array<i32>} : memref<4x4x640xf32, #tpu.memory_space<vmem>>, vector<16xf32>,
      %parallel_loop3A_263 = arith.addf %parallel_loop3A_256, %parallel_loop3A_262 : vector<16xf32>
      %parallel_loop3A_264 = arith.constant 1 : i32
      %parallel_loop3A_265 = arith.index_cast %parallel_loop3A_264 : i32 to index
      %parallel_loop3A_266 = arith.index_cast %parallel_loop3A_205 : i32 to index
      %parallel_loop3A_267 = tpu.vector_load %arg18[%parallel_loop3A_265, %parallel_loop3A_266] {strides = array<i32>} : memref<4x640xf32, #tpu.memory_space<vmem>>, vector<16xf32>,
      tpu.vector_store %arg18[%parallel_loop3A_265, %parallel_loop3A_266], %parallel_loop3A_263 {strides = array<i32>} : memref<4x640xf32, #tpu.memory_space<vmem>>, vector<16xf32>,
      %parallel_loop3A_268 = arith.constant 0 : i32
      %parallel_loop3A_269 = arith.constant 2 : i32
      %parallel_loop3A_270 = arith.index_cast %parallel_loop3A_268 : i32 to index
      %parallel_loop3A_271 = arith.index_cast %parallel_loop3A_269 : i32 to index
      %parallel_loop3A_272 = arith.index_cast %parallel_loop3A_205 : i32 to index
      %parallel_loop3A_273 = tpu.vector_load %arg17[%parallel_loop3A_270, %parallel_loop3A_271, %parallel_loop3A_272] {strides = array<i32>} : memref<4x4x640xf32, #tpu.memory_space<vmem>>, vector<16xf32>,
      %parallel_loop3A_274 = arith.constant 1 : i32
      %parallel_loop3A_275 = arith.constant 2 : i32
      %parallel_loop3A_276 = arith.index_cast %parallel_loop3A_274 : i32 to index
      %parallel_loop3A_277 = arith.index_cast %parallel_loop3A_275 : i32 to index
      %parallel_loop3A_278 = arith.index_cast %parallel_loop3A_205 : i32 to index
      %parallel_loop3A_279 = tpu.vector_load %arg17[%parallel_loop3A_276, %parallel_loop3A_277, %parallel_loop3A_278] {strides = array<i32>} : memref<4x4x640xf32, #tpu.memory_space<vmem>>, vector<16xf32>,
      %parallel_loop3A_280 = arith.addf %parallel_loop3A_273, %parallel_loop3A_279 : vector<16xf32>
      %parallel_loop3A_281 = arith.constant 2 : i32
      %parallel_loop3A_282 = arith.constant 2 : i32
      %parallel_loop3A_283 = arith.index_cast %parallel_loop3A_281 : i32 to index
      %parallel_loop3A_284 = arith.index_cast %parallel_loop3A_282 : i32 to index
      %parallel_loop3A_285 = arith.index_cast %parallel_loop3A_205 : i32 to index
      %parallel_loop3A_286 = tpu.vector_load %arg17[%parallel_loop3A_283, %parallel_loop3A_284, %parallel_loop3A_285] {strides = array<i32>} : memref<4x4x640xf32, #tpu.memory_space<vmem>>, vector<16xf32>,
      %parallel_loop3A_287 = arith.addf %parallel_loop3A_280, %parallel_loop3A_286 : vector<16xf32>
      %parallel_loop3A_288 = arith.constant 3 : i32
      %parallel_loop3A_289 = arith.constant 2 : i32
      %parallel_loop3A_290 = arith.index_cast %parallel_loop3A_288 : i32 to index
      %parallel_loop3A_291 = arith.index_cast %parallel_loop3A_289 : i32 to index
      %parallel_loop3A_292 = arith.index_cast %parallel_loop3A_205 : i32 to index
      %parallel_loop3A_293 = tpu.vector_load %arg17[%parallel_loop3A_290, %parallel_loop3A_291, %parallel_loop3A_292] {strides = array<i32>} : memref<4x4x640xf32, #tpu.memory_space<vmem>>, vector<16xf32>,
      %parallel_loop3A_294 = arith.addf %parallel_loop3A_287, %parallel_loop3A_293 : vector<16xf32>
      %parallel_loop3A_295 = arith.constant 2 : i32
      %parallel_loop3A_296 = arith.index_cast %parallel_loop3A_295 : i32 to index
      %parallel_loop3A_297 = arith.index_cast %parallel_loop3A_205 : i32 to index
      %parallel_loop3A_298 = tpu.vector_load %arg18[%parallel_loop3A_296, %parallel_loop3A_297] {strides = array<i32>} : memref<4x640xf32, #tpu.memory_space<vmem>>, vector<16xf32>,
      tpu.vector_store %arg18[%parallel_loop3A_296, %parallel_loop3A_297], %parallel_loop3A_294 {strides = array<i32>} : memref<4x640xf32, #tpu.memory_space<vmem>>, vector<16xf32>,
    } {sc.loop_unroll_factor = 4 : i64, sc.parallel_access}
    "tpu.region"() ({
      %run_scoped3A_205 = tpu.sem_alloc : memref<!tpu.dma_semaphore, #tpu.memory_space<semaphore_mem>>
      %dma_start3A_206 = arith.constant 4 : i32
      %dma_start3A_207 = arith.constant 0 : i32
      %dma_start3A_208 = tpu.memref_slice %arg9[%arg0, %dma_start3A_206, %dma_start3A_207, %mul3A_0] : memref<2x16x4x10240xf32, #tpu.memory_space<hbm>> -> memref<1x4x4x640xf32, #tpu.memory_space<hbm>>
      %dma_start3A_209 = tpu.memref_squeeze %dma_start3A_208 : memref<1x4x4x640xf32, #tpu.memory_space<hbm>> -> memref<4x4x640xf32, #tpu.memory_space<hbm>>
      %dma_start3A_210 = arith.constant 4 : i32
      %dma_start3A_211 = arith.constant 0 : i32
      %dma_start3A_212 = tpu.memref_slice %arg9[%arg0, %dma_start3A_210, %dma_start3A_211, %mul3A_0] : memref<2x16x4x10240xf32, #tpu.memory_space<hbm>> -> memref<1x4x4x640xf32, #tpu.memory_space<hbm>>
      %dma_start3A_213 = tpu.memref_squeeze %dma_start3A_212 : memref<1x4x4x640xf32, #tpu.memory_space<hbm>> -> memref<4x4x640xf32, #tpu.memory_space<hbm>>
      tpu.enqueue_dma source(%dma_start3A_213 : memref<4x4x640xf32, #tpu.memory_space<hbm>>) target(%arg17 : memref<4x4x640xf32, #tpu.memory_space<vmem>>) target_semaphore(%run_scoped3A_205 : memref<!tpu.dma_semaphore, #tpu.memory_space<semaphore_mem>>)
      %dma_wait3A_214 = arith.constant 4 : i32
      %dma_wait3A_215 = arith.constant 0 : i32
      %dma_wait3A_216 = tpu.memref_slice %arg9[%arg0, %dma_wait3A_214, %dma_wait3A_215, %mul3A_0] : memref<2x16x4x10240xf32, #tpu.memory_space<hbm>> -> memref<1x4x4x640xf32, #tpu.memory_space<hbm>>
      %dma_wait3A_217 = tpu.memref_squeeze %dma_wait3A_216 : memref<1x4x4x640xf32, #tpu.memory_space<hbm>> -> memref<4x4x640xf32, #tpu.memory_space<hbm>>
      %dma_wait3A_218 = arith.constant 4 : i32
      %dma_wait3A_219 = arith.constant 0 : i32
      %dma_wait3A_220 = tpu.memref_slice %arg9[%arg0, %dma_wait3A_218, %dma_wait3A_219, %mul3A_0] : memref<2x16x4x10240xf32, #tpu.memory_space<hbm>> -> memref<1x4x4x640xf32, #tpu.memory_space<hbm>>
      %dma_wait3A_221 = tpu.memref_squeeze %dma_wait3A_220 : memref<1x4x4x640xf32, #tpu.memory_space<hbm>> -> memref<4x4x640xf32, #tpu.memory_space<hbm>>
      tpu.wait_dma2 semaphore(%run_scoped3A_205 : memref<!tpu.dma_semaphore, #tpu.memory_space<semaphore_mem>>) src(%dma_wait3A_221 : memref<4x4x640xf32, #tpu.memory_space<hbm>>) dst(%arg17 : memref<4x4x640xf32, #tpu.memory_space<vmem>>)
      tpu.yield
    }) : () -> ()
    %parallel_loop3A_196 = arith.constant 0 : i32
    %parallel_loop3A_197 = arith.constant 640 : i32
    %parallel_loop3A_198 = arith.constant 16 : i32
    scf.for %parallel_loop3A_205 = %parallel_loop3A_196 to %parallel_loop3A_197 step %parallel_loop3A_198  : i32 {
      %parallel_loop3A_206 = arith.constant 0 : i32
      %parallel_loop3A_207 = arith.index_cast %parallel_loop3A_206 : i32 to index
      %parallel_loop3A_208 = arith.index_cast %parallel_loop3A_205 : i32 to index
      %parallel_loop3A_209 = tpu.vector_load %arg18[%parallel_loop3A_207, %parallel_loop3A_208] {strides = array<i32>} : memref<4x640xf32, #tpu.memory_space<vmem>>, vector<16xf32>,
      %parallel_loop3A_210 = arith.constant 0 : i32
      %parallel_loop3A_211 = arith.constant 0 : i32
      %parallel_loop3A_212 = arith.index_cast %parallel_loop3A_210 : i32 to index
      %parallel_loop3A_213 = arith.index_cast %parallel_loop3A_211 : i32 to index
      %parallel_loop3A_214 = arith.index_cast %parallel_loop3A_205 : i32 to index
      %parallel_loop3A_215 = tpu.vector_load %arg17[%parallel_loop3A_212, %parallel_loop3A_213, %parallel_loop3A_214] {strides = array<i32>} : memref<4x4x640xf32, #tpu.memory_space<vmem>>, vector<16xf32>,
      %parallel_loop3A_216 = arith.addf %parallel_loop3A_209, %parallel_loop3A_215 : vector<16xf32>
      %parallel_loop3A_217 = arith.constant 1 : i32
      %parallel_loop3A_218 = arith.constant 0 : i32
      %parallel_loop3A_219 = arith.index_cast %parallel_loop3A_217 : i32 to index
      %parallel_loop3A_220 = arith.index_cast %parallel_loop3A_218 : i32 to index
      %parallel_loop3A_221 = arith.index_cast %parallel_loop3A_205 : i32 to index
      %parallel_loop3A_222 = tpu.vector_load %arg17[%parallel_loop3A_219, %parallel_loop3A_220, %parallel_loop3A_221] {strides = array<i32>} : memref<4x4x640xf32, #tpu.memory_space<vmem>>, vector<16xf32>,
      %parallel_loop3A_223 = arith.addf %parallel_loop3A_216, %parallel_loop3A_222 : vector<16xf32>
      %parallel_loop3A_224 = arith.constant 2 : i32
      %parallel_loop3A_225 = arith.constant 0 : i32
      %parallel_loop3A_226 = arith.index_cast %parallel_loop3A_224 : i32 to index
      %parallel_loop3A_227 = arith.index_cast %parallel_loop3A_225 : i32 to index
      %parallel_loop3A_228 = arith.index_cast %parallel_loop3A_205 : i32 to index
      %parallel_loop3A_229 = tpu.vector_load %arg17[%parallel_loop3A_226, %parallel_loop3A_227, %parallel_loop3A_228] {strides = array<i32>} : memref<4x4x640xf32, #tpu.memory_space<vmem>>, vector<16xf32>,
      %parallel_loop3A_230 = arith.addf %parallel_loop3A_223, %parallel_loop3A_229 : vector<16xf32>
      %parallel_loop3A_231 = arith.constant 3 : i32
      %parallel_loop3A_232 = arith.constant 0 : i32
      %parallel_loop3A_233 = arith.index_cast %parallel_loop3A_231 : i32 to index
      %parallel_loop3A_234 = arith.index_cast %parallel_loop3A_232 : i32 to index
      %parallel_loop3A_235 = arith.index_cast %parallel_loop3A_205 : i32 to index
      %parallel_loop3A_236 = tpu.vector_load %arg17[%parallel_loop3A_233, %parallel_loop3A_234, %parallel_loop3A_235] {strides = array<i32>} : memref<4x4x640xf32, #tpu.memory_space<vmem>>, vector<16xf32>,
      %parallel_loop3A_237 = arith.addf %parallel_loop3A_230, %parallel_loop3A_236 : vector<16xf32>
      %parallel_loop3A_238 = arith.constant 0 : i32
      %parallel_loop3A_239 = arith.index_cast %parallel_loop3A_238 : i32 to index
      %parallel_loop3A_240 = arith.index_cast %parallel_loop3A_205 : i32 to index
      %parallel_loop3A_241 = tpu.vector_load %arg18[%parallel_loop3A_239, %parallel_loop3A_240] {strides = array<i32>} : memref<4x640xf32, #tpu.memory_space<vmem>>, vector<16xf32>,
      tpu.vector_store %arg18[%parallel_loop3A_239, %parallel_loop3A_240], %parallel_loop3A_237 {strides = array<i32>} : memref<4x640xf32, #tpu.memory_space<vmem>>, vector<16xf32>,
      %parallel_loop3A_242 = arith.constant 1 : i32
      %parallel_loop3A_243 = arith.index_cast %parallel_loop3A_242 : i32 to index
      %parallel_loop3A_244 = arith.index_cast %parallel_loop3A_205 : i32 to index
      %parallel_loop3A_245 = tpu.vector_load %arg18[%parallel_loop3A_243, %parallel_loop3A_244] {strides = array<i32>} : memref<4x640xf32, #tpu.memory_space<vmem>>, vector<16xf32>,
      %parallel_loop3A_246 = arith.constant 0 : i32
      %parallel_loop3A_247 = arith.constant 1 : i32
      %parallel_loop3A_248 = arith.index_cast %parallel_loop3A_246 : i32 to index
      %parallel_loop3A_249 = arith.index_cast %parallel_loop3A_247 : i32 to index
      %parallel_loop3A_250 = arith.index_cast %parallel_loop3A_205 : i32 to index
      %parallel_loop3A_251 = tpu.vector_load %arg17[%parallel_loop3A_248, %parallel_loop3A_249, %parallel_loop3A_250] {strides = array<i32>} : memref<4x4x640xf32, #tpu.memory_space<vmem>>, vector<16xf32>,
      %parallel_loop3A_252 = arith.addf %parallel_loop3A_245, %parallel_loop3A_251 : vector<16xf32>
      %parallel_loop3A_253 = arith.constant 1 : i32
      %parallel_loop3A_254 = arith.constant 1 : i32
      %parallel_loop3A_255 = arith.index_cast %parallel_loop3A_253 : i32 to index
      %parallel_loop3A_256 = arith.index_cast %parallel_loop3A_254 : i32 to index
      %parallel_loop3A_257 = arith.index_cast %parallel_loop3A_205 : i32 to index
      %parallel_loop3A_258 = tpu.vector_load %arg17[%parallel_loop3A_255, %parallel_loop3A_256, %parallel_loop3A_257] {strides = array<i32>} : memref<4x4x640xf32, #tpu.memory_space<vmem>>, vector<16xf32>,
      %parallel_loop3A_259 = arith.addf %parallel_loop3A_252, %parallel_loop3A_258 : vector<16xf32>
      %parallel_loop3A_260 = arith.constant 2 : i32
      %parallel_loop3A_261 = arith.constant 1 : i32
      %parallel_loop3A_262 = arith.index_cast %parallel_loop3A_260 : i32 to index
      %parallel_loop3A_263 = arith.index_cast %parallel_loop3A_261 : i32 to index
      %parallel_loop3A_264 = arith.index_cast %parallel_loop3A_205 : i32 to index
      %parallel_loop3A_265 = tpu.vector_load %arg17[%parallel_loop3A_262, %parallel_loop3A_263, %parallel_loop3A_264] {strides = array<i32>} : memref<4x4x640xf32, #tpu.memory_space<vmem>>, vector<16xf32>,
      %parallel_loop3A_266 = arith.addf %parallel_loop3A_259, %parallel_loop3A_265 : vector<16xf32>
      %parallel_loop3A_267 = arith.constant 3 : i32
      %parallel_loop3A_268 = arith.constant 1 : i32
      %parallel_loop3A_269 = arith.index_cast %parallel_loop3A_267 : i32 to index
      %parallel_loop3A_270 = arith.index_cast %parallel_loop3A_268 : i32 to index
      %parallel_loop3A_271 = arith.index_cast %parallel_loop3A_205 : i32 to index
      %parallel_loop3A_272 = tpu.vector_load %arg17[%parallel_loop3A_269, %parallel_loop3A_270, %parallel_loop3A_271] {strides = array<i32>} : memref<4x4x640xf32, #tpu.memory_space<vmem>>, vector<16xf32>,
      %parallel_loop3A_273 = arith.addf %parallel_loop3A_266, %parallel_loop3A_272 : vector<16xf32>
      %parallel_loop3A_274 = arith.constant 1 : i32
      %parallel_loop3A_275 = arith.index_cast %parallel_loop3A_274 : i32 to index
      %parallel_loop3A_276 = arith.index_cast %parallel_loop3A_205 : i32 to index
      %parallel_loop3A_277 = tpu.vector_load %arg18[%parallel_loop3A_275, %parallel_loop3A_276] {strides = array<i32>} : memref<4x640xf32, #tpu.memory_space<vmem>>, vector<16xf32>,
      tpu.vector_store %arg18[%parallel_loop3A_275, %parallel_loop3A_276], %parallel_loop3A_273 {strides = array<i32>} : memref<4x640xf32, #tpu.memory_space<vmem>>, vector<16xf32>,
      %parallel_loop3A_278 = arith.constant 2 : i32
      %parallel_loop3A_279 = arith.index_cast %parallel_loop3A_278 : i32 to index
      %parallel_loop3A_280 = arith.index_cast %parallel_loop3A_205 : i32 to index
      %parallel_loop3A_281 = tpu.vector_load %arg18[%parallel_loop3A_279, %parallel_loop3A_280] {strides = array<i32>} : memref<4x640xf32, #tpu.memory_space<vmem>>, vector<16xf32>,
      %parallel_loop3A_282 = arith.constant 0 : i32
      %parallel_loop3A_283 = arith.constant 2 : i32
      %parallel_loop3A_284 = arith.index_cast %parallel_loop3A_282 : i32 to index
      %parallel_loop3A_285 = arith.index_cast %parallel_loop3A_283 : i32 to index
      %parallel_loop3A_286 = arith.index_cast %parallel_loop3A_205 : i32 to index
      %parallel_loop3A_287 = tpu.vector_load %arg17[%parallel_loop3A_284, %parallel_loop3A_285, %parallel_loop3A_286] {strides = array<i32>} : memref<4x4x640xf32, #tpu.memory_space<vmem>>, vector<16xf32>,
      %parallel_loop3A_288 = arith.addf %parallel_loop3A_281, %parallel_loop3A_287 : vector<16xf32>
      %parallel_loop3A_289 = arith.constant 1 : i32
      %parallel_loop3A_290 = arith.constant 2 : i32
      %parallel_loop3A_291 = arith.index_cast %parallel_loop3A_289 : i32 to index
      %parallel_loop3A_292 = arith.index_cast %parallel_loop3A_290 : i32 to index
      %parallel_loop3A_293 = arith.index_cast %parallel_loop3A_205 : i32 to index
      %parallel_loop3A_294 = tpu.vector_load %arg17[%parallel_loop3A_291, %parallel_loop3A_292, %parallel_loop3A_293] {strides = array<i32>} : memref<4x4x640xf32, #tpu.memory_space<vmem>>, vector<16xf32>,
      %parallel_loop3A_295 = arith.addf %parallel_loop3A_288, %parallel_loop3A_294 : vector<16xf32>
      %parallel_loop3A_296 = arith.constant 2 : i32
      %parallel_loop3A_297 = arith.constant 2 : i32
      %parallel_loop3A_298 = arith.index_cast %parallel_loop3A_296 : i32 to index
      %parallel_loop3A_299 = arith.index_cast %parallel_loop3A_297 : i32 to index
      %parallel_loop3A_300 = arith.index_cast %parallel_loop3A_205 : i32 to index
      %parallel_loop3A_301 = tpu.vector_load %arg17[%parallel_loop3A_298, %parallel_loop3A_299, %parallel_loop3A_300] {strides = array<i32>} : memref<4x4x640xf32, #tpu.memory_space<vmem>>, vector<16xf32>,
      %parallel_loop3A_302 = arith.addf %parallel_loop3A_295, %parallel_loop3A_301 : vector<16xf32>
      %parallel_loop3A_303 = arith.constant 3 : i32
      %parallel_loop3A_304 = arith.constant 2 : i32
      %parallel_loop3A_305 = arith.index_cast %parallel_loop3A_303 : i32 to index
      %parallel_loop3A_306 = arith.index_cast %parallel_loop3A_304 : i32 to index
      %parallel_loop3A_307 = arith.index_cast %parallel_loop3A_205 : i32 to index
      %parallel_loop3A_308 = tpu.vector_load %arg17[%parallel_loop3A_305, %parallel_loop3A_306, %parallel_loop3A_307] {strides = array<i32>} : memref<4x4x640xf32, #tpu.memory_space<vmem>>, vector<16xf32>,
      %parallel_loop3A_309 = arith.addf %parallel_loop3A_302, %parallel_loop3A_308 : vector<16xf32>
      %parallel_loop3A_310 = arith.constant 2 : i32
      %parallel_loop3A_311 = arith.index_cast %parallel_loop3A_310 : i32 to index
      %parallel_loop3A_312 = arith.index_cast %parallel_loop3A_205 : i32 to index
      %parallel_loop3A_313 = tpu.vector_load %arg18[%parallel_loop3A_311, %parallel_loop3A_312] {strides = array<i32>} : memref<4x640xf32, #tpu.memory_space<vmem>>, vector<16xf32>,
      tpu.vector_store %arg18[%parallel_loop3A_311, %parallel_loop3A_312], %parallel_loop3A_309 {strides = array<i32>} : memref<4x640xf32, #tpu.memory_space<vmem>>, vector<16xf32>,
    } {sc.loop_unroll_factor = 4 : i64, sc.parallel_access}
    "tpu.region"() ({
      %run_scoped3A_205 = tpu.sem_alloc : memref<!tpu.dma_semaphore, #tpu.memory_space<semaphore_mem>>
      %dma_start3A_206 = arith.constant 8 : i32
      %dma_start3A_207 = arith.constant 0 : i32
      %dma_start3A_208 = tpu.memref_slice %arg9[%arg0, %dma_start3A_206, %dma_start3A_207, %mul3A_0] : memref<2x16x4x10240xf32, #tpu.memory_space<hbm>> -> memref<1x4x4x640xf32, #tpu.memory_space<hbm>>
      %dma_start3A_209 = tpu.memref_squeeze %dma_start3A_208 : memref<1x4x4x640xf32, #tpu.memory_space<hbm>> -> memref<4x4x640xf32, #tpu.memory_space<hbm>>
      %dma_start3A_210 = arith.constant 8 : i32
      %dma_start3A_211 = arith.constant 0 : i32
      %dma_start3A_212 = tpu.memref_slice %arg9[%arg0, %dma_start3A_210, %dma_start3A_211, %mul3A_0] : memref<2x16x4x10240xf32, #tpu.memory_space<hbm>> -> memref<1x4x4x640xf32, #tpu.memory_space<hbm>>
      %dma_start3A_213 = tpu.memref_squeeze %dma_start3A_212 : memref<1x4x4x640xf32, #tpu.memory_space<hbm>> -> memref<4x4x640xf32, #tpu.memory_space<hbm>>
      tpu.enqueue_dma source(%dma_start3A_213 : memref<4x4x640xf32, #tpu.memory_space<hbm>>) target(%arg17 : memref<4x4x640xf32, #tpu.memory_space<vmem>>) target_semaphore(%run_scoped3A_205 : memref<!tpu.dma_semaphore, #tpu.memory_space<semaphore_mem>>)
      %dma_wait3A_214 = arith.constant 8 : i32
      %dma_wait3A_215 = arith.constant 0 : i32
      %dma_wait3A_216 = tpu.memref_slice %arg9[%arg0, %dma_wait3A_214, %dma_wait3A_215, %mul3A_0] : memref<2x16x4x10240xf32, #tpu.memory_space<hbm>> -> memref<1x4x4x640xf32, #tpu.memory_space<hbm>>
      %dma_wait3A_217 = tpu.memref_squeeze %dma_wait3A_216 : memref<1x4x4x640xf32, #tpu.memory_space<hbm>> -> memref<4x4x640xf32, #tpu.memory_space<hbm>>
      %dma_wait3A_218 = arith.constant 8 : i32
      %dma_wait3A_219 = arith.constant 0 : i32
      %dma_wait3A_220 = tpu.memref_slice %arg9[%arg0, %dma_wait3A_218, %dma_wait3A_219, %mul3A_0] : memref<2x16x4x10240xf32, #tpu.memory_space<hbm>> -> memref<1x4x4x640xf32, #tpu.memory_space<hbm>>
      %dma_wait3A_221 = tpu.memref_squeeze %dma_wait3A_220 : memref<1x4x4x640xf32, #tpu.memory_space<hbm>> -> memref<4x4x640xf32, #tpu.memory_space<hbm>>
      tpu.wait_dma2 semaphore(%run_scoped3A_205 : memref<!tpu.dma_semaphore, #tpu.memory_space<semaphore_mem>>) src(%dma_wait3A_221 : memref<4x4x640xf32, #tpu.memory_space<hbm>>) dst(%arg17 : memref<4x4x640xf32, #tpu.memory_space<vmem>>)
      tpu.yield
    }) : () -> ()
    %parallel_loop3A_199 = arith.constant 0 : i32
    %parallel_loop3A_200 = arith.constant 640 : i32
    %parallel_loop3A_201 = arith.constant 16 : i32
    scf.for %parallel_loop3A_205 = %parallel_loop3A_199 to %parallel_loop3A_200 step %parallel_loop3A_201  : i32 {
      %parallel_loop3A_206 = arith.constant 0 : i32
      %parallel_loop3A_207 = arith.index_cast %parallel_loop3A_206 : i32 to index
      %parallel_loop3A_208 = arith.index_cast %parallel_loop3A_205 : i32 to index
      %parallel_loop3A_209 = tpu.vector_load %arg18[%parallel_loop3A_207, %parallel_loop3A_208] {strides = array<i32>} : memref<4x640xf32, #tpu.memory_space<vmem>>, vector<16xf32>,
      %parallel_loop3A_210 = arith.constant 0 : i32
      %parallel_loop3A_211 = arith.constant 0 : i32
      %parallel_loop3A_212 = arith.index_cast %parallel_loop3A_210 : i32 to index
      %parallel_loop3A_213 = arith.index_cast %parallel_loop3A_211 : i32 to index
      %parallel_loop3A_214 = arith.index_cast %parallel_loop3A_205 : i32 to index
      %parallel_loop3A_215 = tpu.vector_load %arg17[%parallel_loop3A_212, %parallel_loop3A_213, %parallel_loop3A_214] {strides = array<i32>} : memref<4x4x640xf32, #tpu.memory_space<vmem>>, vector<16xf32>,
      %parallel_loop3A_216 = arith.addf %parallel_loop3A_209, %parallel_loop3A_215 : vector<16xf32>
      %parallel_loop3A_217 = arith.constant 1 : i32
      %parallel_loop3A_218 = arith.constant 0 : i32
      %parallel_loop3A_219 = arith.index_cast %parallel_loop3A_217 : i32 to index
      %parallel_loop3A_220 = arith.index_cast %parallel_loop3A_218 : i32 to index
      %parallel_loop3A_221 = arith.index_cast %parallel_loop3A_205 : i32 to index
      %parallel_loop3A_222 = tpu.vector_load %arg17[%parallel_loop3A_219, %parallel_loop3A_220, %parallel_loop3A_221] {strides = array<i32>} : memref<4x4x640xf32, #tpu.memory_space<vmem>>, vector<16xf32>,
      %parallel_loop3A_223 = arith.addf %parallel_loop3A_216, %parallel_loop3A_222 : vector<16xf32>
      %parallel_loop3A_224 = arith.constant 2 : i32
      %parallel_loop3A_225 = arith.constant 0 : i32
      %parallel_loop3A_226 = arith.index_cast %parallel_loop3A_224 : i32 to index
      %parallel_loop3A_227 = arith.index_cast %parallel_loop3A_225 : i32 to index
      %parallel_loop3A_228 = arith.index_cast %parallel_loop3A_205 : i32 to index
      %parallel_loop3A_229 = tpu.vector_load %arg17[%parallel_loop3A_226, %parallel_loop3A_227, %parallel_loop3A_228] {strides = array<i32>} : memref<4x4x640xf32, #tpu.memory_space<vmem>>, vector<16xf32>,
      %parallel_loop3A_230 = arith.addf %parallel_loop3A_223, %parallel_loop3A_229 : vector<16xf32>
      %parallel_loop3A_231 = arith.constant 3 : i32
      %parallel_loop3A_232 = arith.constant 0 : i32
      %parallel_loop3A_233 = arith.index_cast %parallel_loop3A_231 : i32 to index
      %parallel_loop3A_234 = arith.index_cast %parallel_loop3A_232 : i32 to index
      %parallel_loop3A_235 = arith.index_cast %parallel_loop3A_205 : i32 to index
      %parallel_loop3A_236 = tpu.vector_load %arg17[%parallel_loop3A_233, %parallel_loop3A_234, %parallel_loop3A_235] {strides = array<i32>} : memref<4x4x640xf32, #tpu.memory_space<vmem>>, vector<16xf32>,
      %parallel_loop3A_237 = arith.addf %parallel_loop3A_230, %parallel_loop3A_236 : vector<16xf32>
      %parallel_loop3A_238 = arith.constant 0 : i32
      %parallel_loop3A_239 = arith.index_cast %parallel_loop3A_238 : i32 to index
      %parallel_loop3A_240 = arith.index_cast %parallel_loop3A_205 : i32 to index
      %parallel_loop3A_241 = tpu.vector_load %arg18[%parallel_loop3A_239, %parallel_loop3A_240] {strides = array<i32>} : memref<4x640xf32, #tpu.memory_space<vmem>>, vector<16xf32>,
      tpu.vector_store %arg18[%parallel_loop3A_239, %parallel_loop3A_240], %parallel_loop3A_237 {strides = array<i32>} : memref<4x640xf32, #tpu.memory_space<vmem>>, vector<16xf32>,
      %parallel_loop3A_242 = arith.constant 1 : i32
      %parallel_loop3A_243 = arith.index_cast %parallel_loop3A_242 : i32 to index
      %parallel_loop3A_244 = arith.index_cast %parallel_loop3A_205 : i32 to index
      %parallel_loop3A_245 = tpu.vector_load %arg18[%parallel_loop3A_243, %parallel_loop3A_244] {strides = array<i32>} : memref<4x640xf32, #tpu.memory_space<vmem>>, vector<16xf32>,
      %parallel_loop3A_246 = arith.constant 0 : i32
      %parallel_loop3A_247 = arith.constant 1 : i32
      %parallel_loop3A_248 = arith.index_cast %parallel_loop3A_246 : i32 to index
      %parallel_loop3A_249 = arith.index_cast %parallel_loop3A_247 : i32 to index
      %parallel_loop3A_250 = arith.index_cast %parallel_loop3A_205 : i32 to index
      %parallel_loop3A_251 = tpu.vector_load %arg17[%parallel_loop3A_248, %parallel_loop3A_249, %parallel_loop3A_250] {strides = array<i32>} : memref<4x4x640xf32, #tpu.memory_space<vmem>>, vector<16xf32>,
      %parallel_loop3A_252 = arith.addf %parallel_loop3A_245, %parallel_loop3A_251 : vector<16xf32>
      %parallel_loop3A_253 = arith.constant 1 : i32
      %parallel_loop3A_254 = arith.constant 1 : i32
      %parallel_loop3A_255 = arith.index_cast %parallel_loop3A_253 : i32 to index
      %parallel_loop3A_256 = arith.index_cast %parallel_loop3A_254 : i32 to index
      %parallel_loop3A_257 = arith.index_cast %parallel_loop3A_205 : i32 to index
      %parallel_loop3A_258 = tpu.vector_load %arg17[%parallel_loop3A_255, %parallel_loop3A_256, %parallel_loop3A_257] {strides = array<i32>} : memref<4x4x640xf32, #tpu.memory_space<vmem>>, vector<16xf32>,
      %parallel_loop3A_259 = arith.addf %parallel_loop3A_252, %parallel_loop3A_258 : vector<16xf32>
      %parallel_loop3A_260 = arith.constant 2 : i32
      %parallel_loop3A_261 = arith.constant 1 : i32
      %parallel_loop3A_262 = arith.index_cast %parallel_loop3A_260 : i32 to index
      %parallel_loop3A_263 = arith.index_cast %parallel_loop3A_261 : i32 to index
      %parallel_loop3A_264 = arith.index_cast %parallel_loop3A_205 : i32 to index
      %parallel_loop3A_265 = tpu.vector_load %arg17[%parallel_loop3A_262, %parallel_loop3A_263, %parallel_loop3A_264] {strides = array<i32>} : memref<4x4x640xf32, #tpu.memory_space<vmem>>, vector<16xf32>,
      %parallel_loop3A_266 = arith.addf %parallel_loop3A_259, %parallel_loop3A_265 : vector<16xf32>
      %parallel_loop3A_267 = arith.constant 3 : i32
      %parallel_loop3A_268 = arith.constant 1 : i32
      %parallel_loop3A_269 = arith.index_cast %parallel_loop3A_267 : i32 to index
      %parallel_loop3A_270 = arith.index_cast %parallel_loop3A_268 : i32 to index
      %parallel_loop3A_271 = arith.index_cast %parallel_loop3A_205 : i32 to index
      %parallel_loop3A_272 = tpu.vector_load %arg17[%parallel_loop3A_269, %parallel_loop3A_270, %parallel_loop3A_271] {strides = array<i32>} : memref<4x4x640xf32, #tpu.memory_space<vmem>>, vector<16xf32>,
      %parallel_loop3A_273 = arith.addf %parallel_loop3A_266, %parallel_loop3A_272 : vector<16xf32>
      %parallel_loop3A_274 = arith.constant 1 : i32
      %parallel_loop3A_275 = arith.index_cast %parallel_loop3A_274 : i32 to index
      %parallel_loop3A_276 = arith.index_cast %parallel_loop3A_205 : i32 to index
      %parallel_loop3A_277 = tpu.vector_load %arg18[%parallel_loop3A_275, %parallel_loop3A_276] {strides = array<i32>} : memref<4x640xf32, #tpu.memory_space<vmem>>, vector<16xf32>,
      tpu.vector_store %arg18[%parallel_loop3A_275, %parallel_loop3A_276], %parallel_loop3A_273 {strides = array<i32>} : memref<4x640xf32, #tpu.memory_space<vmem>>, vector<16xf32>,
      %parallel_loop3A_278 = arith.constant 2 : i32
      %parallel_loop3A_279 = arith.index_cast %parallel_loop3A_278 : i32 to index
      %parallel_loop3A_280 = arith.index_cast %parallel_loop3A_205 : i32 to index
      %parallel_loop3A_281 = tpu.vector_load %arg18[%parallel_loop3A_279, %parallel_loop3A_280] {strides = array<i32>} : memref<4x640xf32, #tpu.memory_space<vmem>>, vector<16xf32>,
      %parallel_loop3A_282 = arith.constant 0 : i32
      %parallel_loop3A_283 = arith.constant 2 : i32
      %parallel_loop3A_284 = arith.index_cast %parallel_loop3A_282 : i32 to index
      %parallel_loop3A_285 = arith.index_cast %parallel_loop3A_283 : i32 to index
      %parallel_loop3A_286 = arith.index_cast %parallel_loop3A_205 : i32 to index
      %parallel_loop3A_287 = tpu.vector_load %arg17[%parallel_loop3A_284, %parallel_loop3A_285, %parallel_loop3A_286] {strides = array<i32>} : memref<4x4x640xf32, #tpu.memory_space<vmem>>, vector<16xf32>,
      %parallel_loop3A_288 = arith.addf %parallel_loop3A_281, %parallel_loop3A_287 : vector<16xf32>
      %parallel_loop3A_289 = arith.constant 1 : i32
      %parallel_loop3A_290 = arith.constant 2 : i32
      %parallel_loop3A_291 = arith.index_cast %parallel_loop3A_289 : i32 to index
      %parallel_loop3A_292 = arith.index_cast %parallel_loop3A_290 : i32 to index
      %parallel_loop3A_293 = arith.index_cast %parallel_loop3A_205 : i32 to index
      %parallel_loop3A_294 = tpu.vector_load %arg17[%parallel_loop3A_291, %parallel_loop3A_292, %parallel_loop3A_293] {strides = array<i32>} : memref<4x4x640xf32, #tpu.memory_space<vmem>>, vector<16xf32>,
      %parallel_loop3A_295 = arith.addf %parallel_loop3A_288, %parallel_loop3A_294 : vector<16xf32>
      %parallel_loop3A_296 = arith.constant 2 : i32
      %parallel_loop3A_297 = arith.constant 2 : i32
      %parallel_loop3A_298 = arith.index_cast %parallel_loop3A_296 : i32 to index
      %parallel_loop3A_299 = arith.index_cast %parallel_loop3A_297 : i32 to index
      %parallel_loop3A_300 = arith.index_cast %parallel_loop3A_205 : i32 to index
      %parallel_loop3A_301 = tpu.vector_load %arg17[%parallel_loop3A_298, %parallel_loop3A_299, %parallel_loop3A_300] {strides = array<i32>} : memref<4x4x640xf32, #tpu.memory_space<vmem>>, vector<16xf32>,
      %parallel_loop3A_302 = arith.addf %parallel_loop3A_295, %parallel_loop3A_301 : vector<16xf32>
      %parallel_loop3A_303 = arith.constant 3 : i32
      %parallel_loop3A_304 = arith.constant 2 : i32
      %parallel_loop3A_305 = arith.index_cast %parallel_loop3A_303 : i32 to index
      %parallel_loop3A_306 = arith.index_cast %parallel_loop3A_304 : i32 to index
      %parallel_loop3A_307 = arith.index_cast %parallel_loop3A_205 : i32 to index
      %parallel_loop3A_308 = tpu.vector_load %arg17[%parallel_loop3A_305, %parallel_loop3A_306, %parallel_loop3A_307] {strides = array<i32>} : memref<4x4x640xf32, #tpu.memory_space<vmem>>, vector<16xf32>,
      %parallel_loop3A_309 = arith.addf %parallel_loop3A_302, %parallel_loop3A_308 : vector<16xf32>
      %parallel_loop3A_310 = arith.constant 2 : i32
      %parallel_loop3A_311 = arith.index_cast %parallel_loop3A_310 : i32 to index
      %parallel_loop3A_312 = arith.index_cast %parallel_loop3A_205 : i32 to index
      %parallel_loop3A_313 = tpu.vector_load %arg18[%parallel_loop3A_311, %parallel_loop3A_312] {strides = array<i32>} : memref<4x640xf32, #tpu.memory_space<vmem>>, vector<16xf32>,
      tpu.vector_store %arg18[%parallel_loop3A_311, %parallel_loop3A_312], %parallel_loop3A_309 {strides = array<i32>} : memref<4x640xf32, #tpu.memory_space<vmem>>, vector<16xf32>,
    } {sc.loop_unroll_factor = 4 : i64, sc.parallel_access}
    "tpu.region"() ({
      %run_scoped3A_205 = tpu.sem_alloc : memref<!tpu.dma_semaphore, #tpu.memory_space<semaphore_mem>>
      %dma_start3A_206 = arith.constant 12 : i32
      %dma_start3A_207 = arith.constant 0 : i32
      %dma_start3A_208 = tpu.memref_slice %arg9[%arg0, %dma_start3A_206, %dma_start3A_207, %mul3A_0] : memref<2x16x4x10240xf32, #tpu.memory_space<hbm>> -> memref<1x4x4x640xf32, #tpu.memory_space<hbm>>
      %dma_start3A_209 = tpu.memref_squeeze %dma_start3A_208 : memref<1x4x4x640xf32, #tpu.memory_space<hbm>> -> memref<4x4x640xf32, #tpu.memory_space<hbm>>
      %dma_start3A_210 = arith.constant 12 : i32
      %dma_start3A_211 = arith.constant 0 : i32
      %dma_start3A_212 = tpu.memref_slice %arg9[%arg0, %dma_start3A_210, %dma_start3A_211, %mul3A_0] : memref<2x16x4x10240xf32, #tpu.memory_space<hbm>> -> memref<1x4x4x640xf32, #tpu.memory_space<hbm>>
      %dma_start3A_213 = tpu.memref_squeeze %dma_start3A_212 : memref<1x4x4x640xf32, #tpu.memory_space<hbm>> -> memref<4x4x640xf32, #tpu.memory_space<hbm>>
      tpu.enqueue_dma source(%dma_start3A_213 : memref<4x4x640xf32, #tpu.memory_space<hbm>>) target(%arg17 : memref<4x4x640xf32, #tpu.memory_space<vmem>>) target_semaphore(%run_scoped3A_205 : memref<!tpu.dma_semaphore, #tpu.memory_space<semaphore_mem>>)
      %dma_wait3A_214 = arith.constant 12 : i32
      %dma_wait3A_215 = arith.constant 0 : i32
      %dma_wait3A_216 = tpu.memref_slice %arg9[%arg0, %dma_wait3A_214, %dma_wait3A_215, %mul3A_0] : memref<2x16x4x10240xf32, #tpu.memory_space<hbm>> -> memref<1x4x4x640xf32, #tpu.memory_space<hbm>>
      %dma_wait3A_217 = tpu.memref_squeeze %dma_wait3A_216 : memref<1x4x4x640xf32, #tpu.memory_space<hbm>> -> memref<4x4x640xf32, #tpu.memory_space<hbm>>
      %dma_wait3A_218 = arith.constant 12 : i32
      %dma_wait3A_219 = arith.constant 0 : i32
      %dma_wait3A_220 = tpu.memref_slice %arg9[%arg0, %dma_wait3A_218, %dma_wait3A_219, %mul3A_0] : memref<2x16x4x10240xf32, #tpu.memory_space<hbm>> -> memref<1x4x4x640xf32, #tpu.memory_space<hbm>>
      %dma_wait3A_221 = tpu.memref_squeeze %dma_wait3A_220 : memref<1x4x4x640xf32, #tpu.memory_space<hbm>> -> memref<4x4x640xf32, #tpu.memory_space<hbm>>
      tpu.wait_dma2 semaphore(%run_scoped3A_205 : memref<!tpu.dma_semaphore, #tpu.memory_space<semaphore_mem>>) src(%dma_wait3A_221 : memref<4x4x640xf32, #tpu.memory_space<hbm>>) dst(%arg17 : memref<4x4x640xf32, #tpu.memory_space<vmem>>)
      tpu.yield
    }) : () -> ()
    %parallel_loop3A_202 = arith.constant 0 : i32
    %parallel_loop3A_203 = arith.constant 640 : i32
    %parallel_loop3A_204 = arith.constant 16 : i32
    scf.for %parallel_loop3A_205 = %parallel_loop3A_202 to %parallel_loop3A_203 step %parallel_loop3A_204  : i32 {
      %parallel_loop3A_206 = arith.constant 0 : i32
      %parallel_loop3A_207 = arith.index_cast %parallel_loop3A_206 : i32 to index
      %parallel_loop3A_208 = arith.index_cast %parallel_loop3A_205 : i32 to index
      %parallel_loop3A_209 = tpu.vector_load %arg18[%parallel_loop3A_207, %parallel_loop3A_208] {strides = array<i32>} : memref<4x640xf32, #tpu.memory_space<vmem>>, vector<16xf32>,
      %parallel_loop3A_210 = arith.constant 0 : i32
      %parallel_loop3A_211 = arith.constant 0 : i32
      %parallel_loop3A_212 = arith.index_cast %parallel_loop3A_210 : i32 to index
      %parallel_loop3A_213 = arith.index_cast %parallel_loop3A_211 : i32 to index
      %parallel_loop3A_214 = arith.index_cast %parallel_loop3A_205 : i32 to index
      %parallel_loop3A_215 = tpu.vector_load %arg17[%parallel_loop3A_212, %parallel_loop3A_213, %parallel_loop3A_214] {strides = array<i32>} : memref<4x4x640xf32, #tpu.memory_space<vmem>>, vector<16xf32>,
      %parallel_loop3A_216 = arith.addf %parallel_loop3A_209, %parallel_loop3A_215 : vector<16xf32>
      %parallel_loop3A_217 = arith.constant 1 : i32
      %parallel_loop3A_218 = arith.constant 0 : i32
      %parallel_loop3A_219 = arith.index_cast %parallel_loop3A_217 : i32 to index
      %parallel_loop3A_220 = arith.index_cast %parallel_loop3A_218 : i32 to index
      %parallel_loop3A_221 = arith.index_cast %parallel_loop3A_205 : i32 to index
      %parallel_loop3A_222 = tpu.vector_load %arg17[%parallel_loop3A_219, %parallel_loop3A_220, %parallel_loop3A_221] {strides = array<i32>} : memref<4x4x640xf32, #tpu.memory_space<vmem>>, vector<16xf32>,
      %parallel_loop3A_223 = arith.addf %parallel_loop3A_216, %parallel_loop3A_222 : vector<16xf32>
      %parallel_loop3A_224 = arith.constant 2 : i32
      %parallel_loop3A_225 = arith.constant 0 : i32
      %parallel_loop3A_226 = arith.index_cast %parallel_loop3A_224 : i32 to index
      %parallel_loop3A_227 = arith.index_cast %parallel_loop3A_225 : i32 to index
      %parallel_loop3A_228 = arith.index_cast %parallel_loop3A_205 : i32 to index
      %parallel_loop3A_229 = tpu.vector_load %arg17[%parallel_loop3A_226, %parallel_loop3A_227, %parallel_loop3A_228] {strides = array<i32>} : memref<4x4x640xf32, #tpu.memory_space<vmem>>, vector<16xf32>,
      %parallel_loop3A_230 = arith.addf %parallel_loop3A_223, %parallel_loop3A_229 : vector<16xf32>
      %parallel_loop3A_231 = arith.constant 3 : i32
      %parallel_loop3A_232 = arith.constant 0 : i32
      %parallel_loop3A_233 = arith.index_cast %parallel_loop3A_231 : i32 to index
      %parallel_loop3A_234 = arith.index_cast %parallel_loop3A_232 : i32 to index
      %parallel_loop3A_235 = arith.index_cast %parallel_loop3A_205 : i32 to index
      %parallel_loop3A_236 = tpu.vector_load %arg17[%parallel_loop3A_233, %parallel_loop3A_234, %parallel_loop3A_235] {strides = array<i32>} : memref<4x4x640xf32, #tpu.memory_space<vmem>>, vector<16xf32>,
      %parallel_loop3A_237 = arith.addf %parallel_loop3A_230, %parallel_loop3A_236 : vector<16xf32>
      %parallel_loop3A_238 = arith.constant 0 : i32
      %parallel_loop3A_239 = arith.index_cast %parallel_loop3A_238 : i32 to index
      %parallel_loop3A_240 = arith.index_cast %parallel_loop3A_205 : i32 to index
      %parallel_loop3A_241 = tpu.vector_load %arg18[%parallel_loop3A_239, %parallel_loop3A_240] {strides = array<i32>} : memref<4x640xf32, #tpu.memory_space<vmem>>, vector<16xf32>,
      tpu.vector_store %arg18[%parallel_loop3A_239, %parallel_loop3A_240], %parallel_loop3A_237 {strides = array<i32>} : memref<4x640xf32, #tpu.memory_space<vmem>>, vector<16xf32>,
      %parallel_loop3A_242 = arith.constant 1 : i32
      %parallel_loop3A_243 = arith.index_cast %parallel_loop3A_242 : i32 to index
      %parallel_loop3A_244 = arith.index_cast %parallel_loop3A_205 : i32 to index
      %parallel_loop3A_245 = tpu.vector_load %arg18[%parallel_loop3A_243, %parallel_loop3A_244] {strides = array<i32>} : memref<4x640xf32, #tpu.memory_space<vmem>>, vector<16xf32>,
      %parallel_loop3A_246 = arith.constant 0 : i32
      %parallel_loop3A_247 = arith.constant 1 : i32
      %parallel_loop3A_248 = arith.index_cast %parallel_loop3A_246 : i32 to index
      %parallel_loop3A_249 = arith.index_cast %parallel_loop3A_247 : i32 to index
      %parallel_loop3A_250 = arith.index_cast %parallel_loop3A_205 : i32 to index
      %parallel_loop3A_251 = tpu.vector_load %arg17[%parallel_loop3A_248, %parallel_loop3A_249, %parallel_loop3A_250] {strides = array<i32>} : memref<4x4x640xf32, #tpu.memory_space<vmem>>, vector<16xf32>,
      %parallel_loop3A_252 = arith.addf %parallel_loop3A_245, %parallel_loop3A_251 : vector<16xf32>
      %parallel_loop3A_253 = arith.constant 1 : i32
      %parallel_loop3A_254 = arith.constant 1 : i32
      %parallel_loop3A_255 = arith.index_cast %parallel_loop3A_253 : i32 to index
      %parallel_loop3A_256 = arith.index_cast %parallel_loop3A_254 : i32 to index
      %parallel_loop3A_257 = arith.index_cast %parallel_loop3A_205 : i32 to index
      %parallel_loop3A_258 = tpu.vector_load %arg17[%parallel_loop3A_255, %parallel_loop3A_256, %parallel_loop3A_257] {strides = array<i32>} : memref<4x4x640xf32, #tpu.memory_space<vmem>>, vector<16xf32>,
      %parallel_loop3A_259 = arith.addf %parallel_loop3A_252, %parallel_loop3A_258 : vector<16xf32>
      %parallel_loop3A_260 = arith.constant 2 : i32
      %parallel_loop3A_261 = arith.constant 1 : i32
      %parallel_loop3A_262 = arith.index_cast %parallel_loop3A_260 : i32 to index
      %parallel_loop3A_263 = arith.index_cast %parallel_loop3A_261 : i32 to index
      %parallel_loop3A_264 = arith.index_cast %parallel_loop3A_205 : i32 to index
      %parallel_loop3A_265 = tpu.vector_load %arg17[%parallel_loop3A_262, %parallel_loop3A_263, %parallel_loop3A_264] {strides = array<i32>} : memref<4x4x640xf32, #tpu.memory_space<vmem>>, vector<16xf32>,
      %parallel_loop3A_266 = arith.addf %parallel_loop3A_259, %parallel_loop3A_265 : vector<16xf32>
      %parallel_loop3A_267 = arith.constant 3 : i32
      %parallel_loop3A_268 = arith.constant 1 : i32
      %parallel_loop3A_269 = arith.index_cast %parallel_loop3A_267 : i32 to index
      %parallel_loop3A_270 = arith.index_cast %parallel_loop3A_268 : i32 to index
      %parallel_loop3A_271 = arith.index_cast %parallel_loop3A_205 : i32 to index
      %parallel_loop3A_272 = tpu.vector_load %arg17[%parallel_loop3A_269, %parallel_loop3A_270, %parallel_loop3A_271] {strides = array<i32>} : memref<4x4x640xf32, #tpu.memory_space<vmem>>, vector<16xf32>,
      %parallel_loop3A_273 = arith.addf %parallel_loop3A_266, %parallel_loop3A_272 : vector<16xf32>
      %parallel_loop3A_274 = arith.constant 1 : i32
      %parallel_loop3A_275 = arith.index_cast %parallel_loop3A_274 : i32 to index
      %parallel_loop3A_276 = arith.index_cast %parallel_loop3A_205 : i32 to index
      %parallel_loop3A_277 = tpu.vector_load %arg18[%parallel_loop3A_275, %parallel_loop3A_276] {strides = array<i32>} : memref<4x640xf32, #tpu.memory_space<vmem>>, vector<16xf32>,
      tpu.vector_store %arg18[%parallel_loop3A_275, %parallel_loop3A_276], %parallel_loop3A_273 {strides = array<i32>} : memref<4x640xf32, #tpu.memory_space<vmem>>, vector<16xf32>,
      %parallel_loop3A_278 = arith.constant 2 : i32
      %parallel_loop3A_279 = arith.index_cast %parallel_loop3A_278 : i32 to index
      %parallel_loop3A_280 = arith.index_cast %parallel_loop3A_205 : i32 to index
      %parallel_loop3A_281 = tpu.vector_load %arg18[%parallel_loop3A_279, %parallel_loop3A_280] {strides = array<i32>} : memref<4x640xf32, #tpu.memory_space<vmem>>, vector<16xf32>,
      %parallel_loop3A_282 = arith.constant 0 : i32
      %parallel_loop3A_283 = arith.constant 2 : i32
      %parallel_loop3A_284 = arith.index_cast %parallel_loop3A_282 : i32 to index
      %parallel_loop3A_285 = arith.index_cast %parallel_loop3A_283 : i32 to index
      %parallel_loop3A_286 = arith.index_cast %parallel_loop3A_205 : i32 to index
      %parallel_loop3A_287 = tpu.vector_load %arg17[%parallel_loop3A_284, %parallel_loop3A_285, %parallel_loop3A_286] {strides = array<i32>} : memref<4x4x640xf32, #tpu.memory_space<vmem>>, vector<16xf32>,
      %parallel_loop3A_288 = arith.addf %parallel_loop3A_281, %parallel_loop3A_287 : vector<16xf32>
      %parallel_loop3A_289 = arith.constant 1 : i32
      %parallel_loop3A_290 = arith.constant 2 : i32
      %parallel_loop3A_291 = arith.index_cast %parallel_loop3A_289 : i32 to index
      %parallel_loop3A_292 = arith.index_cast %parallel_loop3A_290 : i32 to index
      %parallel_loop3A_293 = arith.index_cast %parallel_loop3A_205 : i32 to index
      %parallel_loop3A_294 = tpu.vector_load %arg17[%parallel_loop3A_291, %parallel_loop3A_292, %parallel_loop3A_293] {strides = array<i32>} : memref<4x4x640xf32, #tpu.memory_space<vmem>>, vector<16xf32>,
      %parallel_loop3A_295 = arith.addf %parallel_loop3A_288, %parallel_loop3A_294 : vector<16xf32>
      %parallel_loop3A_296 = arith.constant 2 : i32
      %parallel_loop3A_297 = arith.constant 2 : i32
      %parallel_loop3A_298 = arith.index_cast %parallel_loop3A_296 : i32 to index
      %parallel_loop3A_299 = arith.index_cast %parallel_loop3A_297 : i32 to index
      %parallel_loop3A_300 = arith.index_cast %parallel_loop3A_205 : i32 to index
      %parallel_loop3A_301 = tpu.vector_load %arg17[%parallel_loop3A_298, %parallel_loop3A_299, %parallel_loop3A_300] {strides = array<i32>} : memref<4x4x640xf32, #tpu.memory_space<vmem>>, vector<16xf32>,
      %parallel_loop3A_302 = arith.addf %parallel_loop3A_295, %parallel_loop3A_301 : vector<16xf32>
      %parallel_loop3A_303 = arith.constant 3 : i32
      %parallel_loop3A_304 = arith.constant 2 : i32
      %parallel_loop3A_305 = arith.index_cast %parallel_loop3A_303 : i32 to index
      %parallel_loop3A_306 = arith.index_cast %parallel_loop3A_304 : i32 to index
      %parallel_loop3A_307 = arith.index_cast %parallel_loop3A_205 : i32 to index
      %parallel_loop3A_308 = tpu.vector_load %arg17[%parallel_loop3A_305, %parallel_loop3A_306, %parallel_loop3A_307] {strides = array<i32>} : memref<4x4x640xf32, #tpu.memory_space<vmem>>, vector<16xf32>,
      %parallel_loop3A_309 = arith.addf %parallel_loop3A_302, %parallel_loop3A_308 : vector<16xf32>
      %parallel_loop3A_310 = arith.constant 2 : i32
      %parallel_loop3A_311 = arith.index_cast %parallel_loop3A_310 : i32 to index
      %parallel_loop3A_312 = arith.index_cast %parallel_loop3A_205 : i32 to index
      %parallel_loop3A_313 = tpu.vector_load %arg18[%parallel_loop3A_311, %parallel_loop3A_312] {strides = array<i32>} : memref<4x640xf32, #tpu.memory_space<vmem>>, vector<16xf32>,
      tpu.vector_store %arg18[%parallel_loop3A_311, %parallel_loop3A_312], %parallel_loop3A_309 {strides = array<i32>} : memref<4x640xf32, #tpu.memory_space<vmem>>, vector<16xf32>,
    } {sc.loop_unroll_factor = 4 : i64, sc.parallel_access}
    "tpu.region"() ({
      %run_scoped3A_205 = tpu.sem_alloc : memref<!tpu.dma_semaphore, #tpu.memory_space<semaphore_mem>>
      %dma_start3A_206 = arith.constant 0 : i32
      %dma_start3A_207 = tpu.memref_slice %arg5[%arg0, %dma_start3A_206, %mul3A_0] : memref<2x4x10240xf32, #tpu.memory_space<hbm>> -> memref<1x4x640xf32, #tpu.memory_space<hbm>>
      %dma_start3A_208 = tpu.memref_squeeze %dma_start3A_207 : memref<1x4x640xf32, #tpu.memory_space<hbm>> -> memref<4x640xf32, #tpu.memory_space<hbm>>
      %dma_start3A_209 = arith.constant 0 : i32
      %dma_start3A_210 = tpu.memref_slice %arg5[%arg0, %dma_start3A_209, %mul3A_0] : memref<2x4x10240xf32, #tpu.memory_space<hbm>> -> memref<1x4x640xf32, #tpu.memory_space<hbm>>
      %dma_start3A_211 = tpu.memref_squeeze %dma_start3A_210 : memref<1x4x640xf32, #tpu.memory_space<hbm>> -> memref<4x640xf32, #tpu.memory_space<hbm>>
      tpu.enqueue_dma source(%arg18 : memref<4x640xf32, #tpu.memory_space<vmem>>) target(%dma_start3A_211 : memref<4x640xf32, #tpu.memory_space<hbm>>) target_semaphore(%run_scoped3A_205 : memref<!tpu.dma_semaphore, #tpu.memory_space<semaphore_mem>>)
      %dma_wait3A_212 = arith.constant 0 : i32
      %dma_wait3A_213 = tpu.memref_slice %arg5[%arg0, %dma_wait3A_212, %mul3A_0] : memref<2x4x10240xf32, #tpu.memory_space<hbm>> -> memref<1x4x640xf32, #tpu.memory_space<hbm>>
      %dma_wait3A_214 = tpu.memref_squeeze %dma_wait3A_213 : memref<1x4x640xf32, #tpu.memory_space<hbm>> -> memref<4x640xf32, #tpu.memory_space<hbm>>
      %dma_wait3A_215 = arith.constant 0 : i32
      %dma_wait3A_216 = tpu.memref_slice %arg5[%arg0, %dma_wait3A_215, %mul3A_0] : memref<2x4x10240xf32, #tpu.memory_space<hbm>> -> memref<1x4x640xf32, #tpu.memory_space<hbm>>
      %dma_wait3A_217 = tpu.memref_squeeze %dma_wait3A_216 : memref<1x4x640xf32, #tpu.memory_space<hbm>> -> memref<4x640xf32, #tpu.memory_space<hbm>>
      tpu.wait_dma2 semaphore(%run_scoped3A_205 : memref<!tpu.dma_semaphore, #tpu.memory_space<semaphore_mem>>) src(%arg18 : memref<4x640xf32, #tpu.memory_space<vmem>>) dst(%dma_wait3A_217 : memref<4x640xf32, #tpu.memory_space<hbm>>)
      tpu.yield
    }) : () -> ()
    return
  }
}

module attributes {stable_mosaic.version = 14 : i64} {
  func.func @body(%arg0: i32, %arg1: memref<10240x128xf32, #tpu.memory_space<vmem>>, %arg2: memref<128x6xf32, #tpu.memory_space<vmem>>, %arg3: memref<3x1xf32, #tpu.memory_space<vmem>>, %arg4: memref<3x10240xf32, #tpu.memory_space<vmem>>, %arg5: memref<3x10240xf32, #tpu.memory_space<vmem>>) attributes {dimension_semantics = [#tpu.dimension_semantics<arbitrary>], iteration_bounds = array<i64: 1>, scalar_prefetch = 0 : i64, scratch_operands = 0 : i64, tpu.core_type = #tpu.core_type<tc>, window_params = [{transform_indices = @transform_0, window_bounds = array<i64: 10240, 128>}, {pipeline_mode = #tpu.pipeline_mode<synchronous>, transform_indices = @transform_1, window_bounds = array<i64: 128, 6>}, {pipeline_mode = #tpu.pipeline_mode<synchronous>, transform_indices = @transform_2, window_bounds = array<i64: 3, 1>}, {pipeline_mode = #tpu.pipeline_mode<synchronous>, transform_indices = @transform_3, window_bounds = array<i64: 3, 10240>}, {pipeline_mode = #tpu.pipeline_mode<synchronous>, transform_indices = @transform_4, window_bounds = array<i64: 3, 10240>}]} {
    %get3A = arith.constant 0 : index
    %get3A_0 = arith.constant 0 : index
    %get3A_1 = vector.load %arg2[%get3A, %get3A_0] : memref<128x6xf32, #tpu.memory_space<vmem>>, vector<128x6xf32>
    %get3A_2 = arith.constant 0 : index
    %get3A_3 = arith.constant 0 : index
    %get3A_4 = vector.load %arg1[%get3A_2, %get3A_3] : memref<10240x128xf32, #tpu.memory_space<vmem>>, vector<10240x128xf32>
    %dot_general3A = arith.constant dense<0.000000e+00> : vector<6x10240xf32>
    %dot_general3A_5 = tpu.matmul %get3A_1, %get3A_4, %dot_general3A {dimension_numbers = #tpu.dot_dimension_numbers<[0], [1], [1], [0], [0, 1, 1, 0], [], []>, transpose_lhs_hint = false} : vector<128x6xf32>, vector<10240x128xf32>, vector<6x10240xf32> -> vector<6x10240xf32>
    %slice3A = vector.extract_strided_slice %dot_general3A_5 {offsets = [0, 0], sizes = [3, 10240], strides = [1, 1]} : vector<6x10240xf32> to vector<3x10240xf32>
    %get3A_6 = arith.constant 0 : index
    %get3A_7 = arith.constant 0 : index
    %get3A_8 = vector.load %arg3[%get3A_6, %get3A_7] : memref<3x1xf32, #tpu.memory_space<vmem>>, vector<3x1xf32>
    %add3A = vector.broadcast %get3A_8 : vector<3x1xf32> to vector<3x10240xf32>
    %add3A_9 = arith.addf %slice3A, %add3A : vector<3x10240xf32>
    %swap3A = arith.constant 0 : index
    %swap3A_10 = arith.constant 0 : index
    %swap3A_11 = vector.load %arg4[%swap3A, %swap3A_10] : memref<3x10240xf32, #tpu.memory_space<vmem>>, vector<3x10240xf32>
    tpu.vector_store %arg4[%swap3A, %swap3A_10], %add3A_9 {strides = array<i32>} : memref<3x10240xf32, #tpu.memory_space<vmem>>, vector<3x10240xf32>,
    %slice3A_12 = vector.extract_strided_slice %dot_general3A_5 {offsets = [3, 0], sizes = [3, 10240], strides = [1, 1]} : vector<6x10240xf32> to vector<3x10240xf32>
    %swap3A_13 = arith.constant 0 : index
    %swap3A_14 = arith.constant 0 : index
    %swap3A_15 = vector.load %arg5[%swap3A_13, %swap3A_14] : memref<3x10240xf32, #tpu.memory_space<vmem>>, vector<3x10240xf32>
    tpu.vector_store %arg5[%swap3A_13, %swap3A_14], %slice3A_12 {strides = array<i32>} : memref<3x10240xf32, #tpu.memory_space<vmem>>, vector<3x10240xf32>,
    return
  }
  func.func @transform_0(%arg0: i32) -> (i32, i32) {
    %c0_i32 = arith.constant 0 : i32
    %c0_i32_0 = arith.constant 0 : i32
    %c0_i32_1 = arith.constant 0 : i32
    return %c0_i32, %c0_i32_0 : i32, i32
  }
  func.func @transform_1(%arg0: i32) -> (i32, i32) {
    %c0_i32 = arith.constant 0 : i32
    %c0_i32_0 = arith.constant 0 : i32
    %c0_i32_1 = arith.constant 0 : i32
    return %c0_i32, %c0_i32_0 : i32, i32
  }
  func.func @transform_2(%arg0: i32) -> (i32, i32) {
    %c0_i32 = arith.constant 0 : i32
    %c0_i32_0 = arith.constant 0 : i32
    %c0_i32_1 = arith.constant 0 : i32
    return %c0_i32, %c0_i32_0 : i32, i32
  }
  func.func @transform_3(%arg0: i32) -> (i32, i32) {
    %c0_i32 = arith.constant 0 : i32
    %c0_i32_0 = arith.constant 0 : i32
    %c0_i32_1 = arith.constant 0 : i32
    return %c0_i32, %c0_i32_0 : i32, i32
  }
  func.func @transform_4(%arg0: i32) -> (i32, i32) {
    %c0_i32 = arith.constant 0 : i32
    %c0_i32_0 = arith.constant 0 : i32
    %c0_i32_1 = arith.constant 0 : i32
    return %c0_i32, %c0_i32_0 : i32, i32
  }
}

module attributes {stable_mosaic.version = 14 : i64} {
  func.func @body(%arg0: memref<2x16x4x10240xf32, #tpu.memory_space<vmem>>, %arg1: memref<2x3x10240xf32, #tpu.memory_space<vmem>>, %arg2: memref<2x10240xf32, #tpu.memory_space<vmem>>, %arg3: memref<128x3xf32, #tpu.memory_space<vmem>>, %arg4: memref<128x3xf32, #tpu.memory_space<vmem>>, %arg5: memref<128x1xf32, #tpu.memory_space<vmem>>, %arg6: memref<128x128xf32, #tpu.memory_space<vmem>>, %arg7: memref<1x128xf32, #tpu.memory_space<vmem>>, %arg8: memref<10000x128xf32, #tpu.memory_space<vmem>>) attributes {dimension_semantics = [], scalar_prefetch = 0 : i64, scratch_operands = 0 : i64, tpu.core_type = #tpu.core_type<tc>} {
    %get3A = arith.constant 0 : index
    %get3A_0 = arith.constant 0 : index
    %get3A_1 = arith.constant 0 : index
    %get3A_2 = arith.constant 0 : index
    %get3A_3 = vector.load %arg0[%get3A, %get3A_0, %get3A_1, %get3A_2] : memref<2x16x4x10240xf32, #tpu.memory_space<vmem>>, vector<2x16x4x10240xf32>
    %reduce_sum3A = arith.constant dense<0.000000e+00> : vector<4x10240xf32>
    %reduce_sum3A_4 = vector.multi_reduction <add>, %get3A_3, %reduce_sum3A [0, 1] : vector<2x16x4x10240xf32> to vector<4x10240xf32>
    %slice3A = vector.extract_strided_slice %reduce_sum3A_4 {offsets = [0, 0], sizes = [3, 10240], strides = [1, 1]} : vector<4x10240xf32> to vector<3x10240xf32>
    %get3A_5 = arith.constant 0 : index
    %get3A_6 = arith.constant 0 : index
    %get3A_7 = vector.load %arg2[%get3A_5, %get3A_6] : memref<2x10240xf32, #tpu.memory_space<vmem>>, vector<1x10240xf32>
    %neg3A = arith.constant 0.000000e+00 : f32
    %neg3A_8 = vector.broadcast %neg3A : f32 to vector<1x10240xf32>
    %neg3A_9 = arith.subf %neg3A_8, %get3A_7 : vector<1x10240xf32>
    %mul3A = vector.broadcast %neg3A_9 : vector<1x10240xf32> to vector<3x10240xf32>
    %mul3A_10 = arith.mulf %mul3A, %slice3A : vector<3x10240xf32>
    %get3A_11 = arith.constant 0 : index
    %get3A_12 = arith.constant 0 : index
    %get3A_13 = arith.constant 0 : index
    %get3A_14 = vector.load %arg1[%get3A_11, %get3A_12, %get3A_13] : memref<2x3x10240xf32, #tpu.memory_space<vmem>>, vector<1x3x10240xf32>
    %get3A_15 = vector.shape_cast %get3A_14 : vector<1x3x10240xf32> to vector<3x10240xf32>
    %get3A_16 = arith.constant 0 : index
    %get3A_17 = arith.constant 0 : index
    %get3A_18 = vector.load %arg3[%get3A_16, %get3A_17] : memref<128x3xf32, #tpu.memory_space<vmem>>, vector<128x3xf32>
    %dot_general3A = arith.constant dense<0.000000e+00> : vector<128x10240xf32>
    %dot_general3A_19 = tpu.matmul %get3A_18, %get3A_15, %dot_general3A {dimension_numbers = #tpu.dot_dimension_numbers<[1], [0], [0], [1], [0, 0, 1, 1], [], []>, transpose_lhs_hint = false} : vector<128x3xf32>, vector<3x10240xf32>, vector<128x10240xf32> -> vector<128x10240xf32>
    %get3A_20 = arith.constant 0 : index
    %get3A_21 = arith.constant 0 : index
    %get3A_22 = vector.load %arg4[%get3A_20, %get3A_21] : memref<128x3xf32, #tpu.memory_space<vmem>>, vector<128x3xf32>
    %dot_general3A_23 = arith.constant dense<0.000000e+00> : vector<128x10240xf32>
    %dot_general3A_24 = tpu.matmul %get3A_22, %mul3A_10, %dot_general3A_23 {dimension_numbers = #tpu.dot_dimension_numbers<[1], [0], [0], [1], [0, 0, 1, 1], [], []>, transpose_lhs_hint = false} : vector<128x3xf32>, vector<3x10240xf32>, vector<128x10240xf32> -> vector<128x10240xf32>
    %add3A = arith.addf %dot_general3A_19, %dot_general3A_24 : vector<128x10240xf32>
    %get3A_25 = arith.constant 0 : index
    %get3A_26 = arith.constant 0 : index
    %get3A_27 = vector.load %arg5[%get3A_25, %get3A_26] : memref<128x1xf32, #tpu.memory_space<vmem>>, vector<128x1xf32>
    %add3A_28 = vector.broadcast %get3A_27 : vector<128x1xf32> to vector<128x10240xf32>
    %add3A_29 = arith.addf %add3A, %add3A_28 : vector<128x10240xf32>
    %max3A = arith.constant 0.000000e+00 : f32
    %max3A_30 = vector.broadcast %max3A : f32 to vector<128x10240xf32>
    %max3A_31 = arith.maximumf %add3A_29, %max3A_30 : vector<128x10240xf32>
    %get3A_32 = arith.constant 0 : index
    %get3A_33 = arith.constant 0 : index
    %get3A_34 = vector.load %arg6[%get3A_32, %get3A_33] : memref<128x128xf32, #tpu.memory_space<vmem>>, vector<128x128xf32>
    %dot_general3A_35 = arith.constant dense<0.000000e+00> : vector<10240x128xf32>
    %dot_general3A_36 = tpu.matmul %max3A_31, %get3A_34, %dot_general3A_35 {dimension_numbers = #tpu.dot_dimension_numbers<[0], [0], [1], [1], [0, 1, 1, 1], [], []>, transpose_lhs_hint = false} : vector<128x10240xf32>, vector<128x128xf32>, vector<10240x128xf32> -> vector<10240x128xf32>
    %slice3A_37 = vector.extract_strided_slice %dot_general3A_36 {offsets = [0, 0], sizes = [10000, 128], strides = [1, 1]} : vector<10240x128xf32> to vector<10000x128xf32>
    %get3A_38 = arith.constant 0 : index
    %get3A_39 = arith.constant 0 : index
    %get3A_40 = vector.load %arg7[%get3A_38, %get3A_39] : memref<1x128xf32, #tpu.memory_space<vmem>>, vector<1x128xf32>
    %add3A_41 = vector.broadcast %get3A_40 : vector<1x128xf32> to vector<10000x128xf32>
    %add3A_42 = arith.addf %slice3A_37, %add3A_41 : vector<10000x128xf32>
    %swap3A = arith.constant 0 : index
    %swap3A_43 = arith.constant 0 : index
    %swap3A_44 = vector.load %arg8[%swap3A, %swap3A_43] : memref<10000x128xf32, #tpu.memory_space<vmem>>, vector<10000x128xf32>
    tpu.vector_store %arg8[%swap3A, %swap3A_43], %add3A_42 {strides = array<i32>} : memref<10000x128xf32, #tpu.memory_space<vmem>>, vector<10000x128xf32>,
    return
  }
}

</mosaic_0001>

<sc_bundles>
// kernel: kernel.6.cloned.1.call-start
scs
__scs_entry_jumppad:
0x0: {  	(pc) =	sbr.rel $0x88, $3  }
0x1: {  	(tag) =	ssettag $0x0;
	lr =	simm.s32 $0x1  }
0x2: {  	[smem:$0x3F97] =	sst lr;
	_ =	strace $0xD0000000  }
0x3: {  	_ = 	snop  }
0x4: {  	_ = 	snop  }
0x5: {  	_ = 	snop  }
0x6: {  	_ = 	snop  }
0x7: {  	_ = 	snop  }
__scs_overlays_trampoline_lowered:
0x8: {  	[smem:$0x3FA6] =	sst s0  }
0x9: {  	[smem:$0x3FA7] =	sst s1  }
0xa: {  	[smem:$0x3FA8] =	sst s2  }
0xb: {  	[smem:$0x3FA9] =	sst s3  }
0xc: {  	[smem:$0x3FAA] =	sst s4  }
0xd: {  	[smem:$0x3FAB] =	sst s5  }
0xe: {  	[smem:$0x3FAC] =	sst s6  }
0xf: {  	[smem:$0x3FAD] =	sst s7  }
0x10: {  	[smem:$0x3FAE] =	sst s8  }
0x11: {  	[smem:$0x3FAF] =	sst s9;
	s0 =	simm.s32 @!p0 $0x0  }
0x12: {  	s1 =	sld [smem:$0x3F95];
	s0 =	simm.s32 @p0 $0x1  }
0x13: {  	[smem:$0x3FB0] =	sst s0;
	s0 =	simm.s32 @!p1 $0x0  }
0x14: {  	s2 =	sld [smem:$0x3F94];
	s0 =	simm.s32 @p1 $0x1  }
0x15: {  	[smem:$0x3FB1] =	sst s0;
	s0 =	simm.s32 @!p2 $0x0  }
0x16: {  	s3 =	sld [smem:$0x3FDB];
	s0 =	simm.s32 @p2 $0x1  }
0x17: {  	s4 =	simm.s32 $0x1BF5;
	[smem:$0x3FB3] =	sst s0  }
0x18: {  	s0 =	sld [smem:$0x3F96];
	_ =	swait.ge [sflag:s4], $0x0  }
0x19: {  	s7 =	sld [smem:$0x3F97]  }
0x1a: {  	s8 =	sadd.s32 $0xFFFFE003, lr  }
0x1b: {  	s9 =	sadd.s32 $0xFFFFFEF7, lr;
	s5 =	simm.s32 $0xFFFFFFFF;
	p2 =	slt.u32 s8, $0xFFFFF086  }
0x1c: {  	p1 =	slt.u32 s9, $0xF7A;
	s5 =	simm.s32 @!p2 $0x0  }
0x1d: {  	s5 =	simm.s32 @p1 $0x1;
	p0 =	seq.s32 s7, s2  }
0x1e: {  	s7 =	smul.u32 @!p0 $0xF7A, s2;
	p2 =	seq.s32 @!p0 s5, $0x0  }
0x1f: {  	s9 =	smul.u32 $0xF7A, s1;
	s8 =	simm.s32 @!p0 $0x1BF5;
	p2 =	por !p2, p0  }
0x20: {  	[sflag:s8] =	ssyncset.s32 @!p0 $0xFFFFF086;
	s6 =	sadd.s32 @!p0 s3, s7;
	s7 =	simm.s32 @!p0 $0x108  }
0x21: {  	s3 =	sadd.s32 s3, s9;
	s6 =	sadd.s32 @!p0 $0x88, s6;
	s7 =	simm.s32 @p2 $0x1082  }
0x22: {  	[simem:s7], [sflag:s8] =	dma.local @!p0 [hbm:s6], $0xF7A  }
0x23: {  	s9 =	sor.u32 $0xD0000000, s2;
	s6 =	simm.s32 $0x108;
	_ =	swait.ge @!p0 [sflag:s8], $0x0  }
0x24: {  	s3 =	sadd.s32 $0x88, s3;
	s6 =	simm.s32 @!p1 $0x1082;
	[sflag:s4] =	ssyncset.s32 $0xFFFFF086  }
0x25: {  	[simem:s6], [sflag:s4] =	dma.local [hbm:s3], $0xF7A  }
0x26: {  	[smem:$0x3F97] =	sst s1;
	(tag) =	ssettag s2;
	_ =	strace s9  }
0x27: {  	s1 =	sld [smem:$0x3FA7]  }
0x28: {  	s2 =	sld [smem:$0x3FA8]  }
0x29: {  	s4 =	sld [smem:$0x3FAA]  }
0x2a: {  	p0 =	seq.s32 s5, $0x0;
	s5 =	sld [smem:$0x3FAB]  }
0x2b: {  	s6 =	sld [smem:$0x3FAC]  }
0x2c: {  	s7 =	sld [smem:$0x3FAD]  }
0x2d: {  	s3 =	simm.s32 $0x108;
	s8 =	sld [smem:$0x3FAE]  }
0x2e: {  	s3 =	simm.s32 @!p0 $0x1082;
	s9 =	sld [smem:$0x3FAF]  }
0x2f: {  	lr =	sadd.s32 s0, s3;
	s0 =	sld [smem:$0x3FA6]  }
0x30: {  	s3 =	sld [smem:$0x3FA9]  }
0x31: {  	[smem:$0x3FB2] =	sst s10  }
0x32: {  	s10 =	sld [smem:$0x3FB0];
	_ =	sdelay $0x3  }
0x33: {  	p0 =	seq.s32 s10, $0x1;
	s10 =	sld [smem:$0x3FB2];
	_ =	sdelay $0x3  }
0x34: {  	[smem:$0x3FB2] =	sst s10  }
0x35: {  	s10 =	sld [smem:$0x3FB1];
	_ =	sdelay $0x3  }
0x36: {  	p1 =	seq.s32 s10, $0x1;
	s10 =	sld [smem:$0x3FB2];
	_ =	sdelay $0x3  }
0x37: {  	[smem:$0x3FB2] =	sst s10  }
0x38: {  	s10 =	sld [smem:$0x3FB3]  }
0x39: {  	_ = 	snop;
	(pc) =	sbr.ind lr, $3  }
0x3a: {  	_ = 	snop  }
0x3b: {  	_ = 	snop  }
0x3c: {  	p2 =	seq.s32 s10, $0x1;
	s10 =	sld [smem:$0x3FB2]  }
0x3d: {  	_ =	shalt  }
0x3e: {  	_ =	shalt  }
0x3f: {  	_ =	shalt  }
0x40: {  	_ =	shalt  }
0x41: {  	_ =	shalt  }
0x42: {  	_ =	shalt  }
0x43: {  	_ =	shalt  }
0x44: {  	_ =	shalt  }
0x45: {  	_ =	shalt  }
0x46: {  	_ =	shalt  }
0x47: {  	_ =	shalt  }
0x48: {  	_ =	shalt  }
0x49: {  	_ =	shalt  }
0x4a: {  	_ =	shalt  }
0x4b: {  	_ =	shalt  }
0x4c: {  	_ =	shalt  }
0x4d: {  	_ =	shalt  }
0x4e: {  	_ =	shalt  }
0x4f: {  	_ =	shalt  }
0x50: {  	_ =	shalt  }
0x51: {  	_ =	shalt  }
0x52: {  	_ =	shalt  }
0x53: {  	_ =	shalt  }
0x54: {  	_ =	shalt  }
0x55: {  	_ =	shalt  }
0x56: {  	_ =	shalt  }
0x57: {  	_ =	shalt  }
0x58: {  	_ =	shalt  }
0x59: {  	_ =	shalt  }
0x5a: {  	_ =	shalt  }
0x5b: {  	_ =	shalt  }
0x5c: {  	_ =	shalt  }
0x5d: {  	_ =	shalt  }
0x5e: {  	_ =	shalt  }
0x5f: {  	_ =	shalt  }
0x60: {  	_ =	shalt  }
0x61: {  	_ =	shalt  }
0x62: {  	_ =	shalt  }
0x63: {  	_ =	shalt  }
0x64: {  	_ =	shalt  }
0x65: {  	_ =	shalt  }
0x66: {  	_ =	shalt  }
0x67: {  	_ =	shalt  }
0x68: {  	_ =	shalt  }
0x69: {  	_ =	shalt  }
0x6a: {  	_ =	shalt  }
0x6b: {  	_ =	shalt  }
0x6c: {  	_ =	shalt  }
0x6d: {  	_ =	shalt  }
0x6e: {  	_ =	shalt  }
0x6f: {  	_ =	shalt  }
0x70: {  	_ =	shalt  }
0x71: {  	_ =	shalt  }
0x72: {  	_ =	shalt  }
0x73: {  	_ =	shalt  }
0x74: {  	_ =	shalt  }
0x75: {  	_ =	shalt  }
0x76: {  	_ =	shalt  }
0x77: {  	_ =	shalt  }
0x78: {  	_ =	shalt  }
0x79: {  	_ =	shalt  }
0x7a: {  	_ =	shalt  }
0x7b: {  	_ =	shalt  }
0x7c: {  	_ =	shalt  }
0x7d: {  	_ =	shalt  }
0x7e: {  	_ =	shalt  }
0x7f: {  	_ =	shalt  }
0x80: {  	_ =	shalt  }
0x81: {  	_ =	shalt  }
0x82: {  	_ =	shalt  }
0x83: {  	_ =	shalt  }
0x84: {  	_ =	shalt  }
0x85: {  	_ =	shalt  }
0x86: {  	_ =	shalt  }
0x87: {  	_ =	shalt  }
.Lfunc_end0:
.L_simem_size_0:
called_computation_lowered:
.L_overlay_start_0:
0x88: {  	s2 =	sld [smem:$0x3FD9]  }
0x89: {  	s3 =	sld [smem:$0x3FFE];
	_ =	sdelay $0x1  }
0x8a: {  	s1 =	srdreg.scid  }
0x8b: {  	s0 =	sand.u32 $0x1, s1  }
0x8c: {  	s17 =	sshll.u32 s0, $0xA;
	s2 =	sadd.s32 s3, s2  }
0x8d: {  	s2 =	sadd.s32 s2, s17  }
0x8e: {  	[smem:$0x3FBE] =	sst s2  }
0x8f: {  	_ = 	snop  }
0x90: {  	s2 =	sld [smem:$0x3FD0];
	(tm) =	ssettm $0x1  }
0x91: {  	s18 =	sld [smem:$0x3FFB];
	_ =	sdelay $0x3  }
0x92: {  	_ =	strace s18  }
0x93: {  	s3 =	sld [smem:$0x3FFC];
	_ =	sdelay $0x3  }
0x94: {  	_ =	strace s3  }
0x95: {  	s3 =	sld [smem:$0x3FFD];
	_ =	sdelay $0x3  }
0x96: {  	_ =	strace s3  }
0x97: {  	_ =	strace $0x8FFFFFFF  }
0x98: {  	s19 =	sld [smem:$0x3FDB];
	_ =	sdelay $0x1  }
0x99: {  	s4 =	simm.s32 $_scs_section_size  }
0x9a: {  	s5 =	simm.s32 $_size__tile_overlayer_lowered;
	s6 =	simm.s32 $_tile_overlayer_lowered  }
0x9b: {  	s22 =	simm.s32 $0x1BFF;
	s21 =	sshll.u32 s6, $0x1;
	s3 =	sadd.s32 s4, s19  }
0x9c: {  	s7 =	simm.s32 $0x0;
	s20 =	sshll.u32 s5, $0x1;
	s5 =	sadd.s32 s21, s3  }
0x9d: {  	[timem:s7], [sflag:s22] =	dma.local [hbm:s5], s20  }
0x9e: {  	_ =	swait.ge [sflag:s22], s20  }
0x9f: {  	s4 =	ssub.s32 $0x0, s20;
	[sflag:s22] =	ssyncset.done $0x0  }
0xa0: {  	[sflag:s22] =	ssyncadd.s32 s4;
	_ =	sdelay $0x1  }
0xa1: {  	s23 =	simm.s32 $0x1B8B  }
0xa2: {  	_ =	swait.ge [sflag:s23], $0x1  }
0xa3: {  	[sflag:s23] =	ssyncset.done $0x0  }
0xa4: {  	s25 =	simm.s32 $0x1B8E;
	s24 =	sld [smem:$0x3FFE];
	[sflag:s23] =	ssyncadd.s32 $0xFFFFFFFF  }
0xa5: {  	s26 =	simm.s32 $execute0_lowered;
	[smem:$0x3FD2] =	sst s25  }
0xa6: {  	s5 =	sshll.u32 s26, $0x1;
	_ =	strace $0x80000046;
	[dreg:$0x1] =	wrdreg $0xFFFFFFFF  }
0xa7: {  	s28 =	simm.s32 $_size_execute0_lowered;
	s3 =	sadd.s32 s3, s5;
	[dreg:$0x0] =	wrdreg $0x0  }
0xa8: {  	s5 =	sshll.u32 s28, $0x1;
	[dreg:$0x2] =	wrdreg s3  }
0xa9: {  	[dreg:$0x3] =	wrdreg s5  }
0xaa: {  	[dreg:$0x4] =	wrdreg $0xC0  }
0xab: {  	_ =	task [dreg:s7], $0x5FFFF  }
0xac: {  	[dreg:$0x1] =	wrdreg $0xFFFFFFFF  }
0xad: {  	[dreg:$0x0] =	wrdreg $0x60  }
0xae: {  	[dreg:$0x2] =	wrdreg s24  }
0xaf: {  	[dreg:$0x3] =	wrdreg s2  }
0xb0: {  	[dreg:$0x4] =	wrdreg $0x9  }
0xb1: {  	_ =	task.clear_ibuf [dreg:s7], $0x5FFFF;
	_ =	strace $0x90000046  }
0xb2: {  	s29 =	simm.s32 $0x9;
	_ =	strace $0x80000048  }
0xb3: {  	_ =	swait.ge [sflag:s29], $0x1  }
0xb4: {  	[sflag:s29] =	ssyncadd.s32 $0xFFFFFFFF  }
0xb5: {  	_ =	strace $0x90000048  }
0xb6: {  	_ =	sfence  }
0xb7: {  	s30 =	sld [smem:$0x0];
	_ =	sdelay $0x2  }
0xb8: {  	s31 =	sshll.u32 s1, $0xD;
	s1 =	sshrl.u32 s1, $0x2  }
0xb9: {  	s3 =	sand.u32 $0x4000, s31;
	s1 =	sadd.s32 s1, s30  }
0xba: {  	s0 =	sor.u32 s3, s0;
	s1 =	sshll.u32 s1, $0x11  }
0xbb: {  	s0 =	sor.u32 s1, s0  }
0xbc: {  	s0 =	sadd.s32 $0x8F2B, s0  }
0xbd: {  	[sflag:s0] =	ssyncadd.remote.s32 $0x1  }
0xbe: {  	_ =	sfence.sel $0xFFFF  }
0xbf: {  	[dreg:$0x0] =	wrdreg $0xFFFFFFFF;
	(pc) =	sbr.abs _section_cstart, $3  }
0xc0: {  	[dreg:$0x1] =	wrdreg $0xFFFFFFFF  }
0xc1: {  	_ =	task.clear_ibuf [dreg:s7], $0x2FFFF;
	_ =	strace $0x9FFFFFFF  }
0xc2: {  	(tm) =	ssettm $0x7FFFFFFF  }
0xc3: {  	_ =	shalt  }
tec
execute0_lowered:
.L_overlay_start_1:
0x0: {  	(tag) =	ssettag $0x1  }
0x1: {  	s0 =	rddreg [dreg:$0x0]  }
0x2: {  	s1 =	rddreg [dreg:$0x1]  }
0x3: {  	s28 =	simm.s32 $0x0;
	s18 =	stileid.u32;
	s2 =	srdreg.scid  }
0x4: {  	[smem:$0x7FF] =	sst s28;
	s3 =	smul.u32 $0xA00, s18;
	s2 =	sand.u32 $0x1, s2  }
0x5: {  	s5 =	sadd.s32 $0xBE00, s0;
	s6 =	sadd.s32 $0x2000, s0;
	s9 =	smul.u32 $0x500, s18  }
0x6: {  	s11 =	sshll.u32 s18, $0x1;
	s14 =	sadd.s32 $0x18400, s0;
	s22 =	smul.u32 $0x1400, s18  }
0x7: {  	s16 =	sshrl.u32 s18, $0x3;
	s21 =	sshll.u32 s18, $0x7;
	s4 =	smul.u32 $0xA000, s2  }
0x8: {  	_ =	strace $0x80000047;
	s10 =	sshll.u32 s2, $0x7;
	s20 =	smul.u32 $0x28000, s2  }
0x9: {  	s19 =	ssub.s32 s11, s2;
	s13 =	ssub.s32 $0x2, s2;
	s16 =	smul.u32 $0x14000, s16  }
0xa: {  	s11 =	sor.u32 s2, s11;
	s2 =	smul.u32 $0xA0000, s2;
	s7 =	sshrl.u32 s3, $0x3  }
0xb: {  	s9 =	sor.u32 s10, s9;
	s10 =	smul.u32 $0x2710, s19;
	s15 =	sshrl.u32 s13, $0x1  }
0xc: {  	s11 =	smul.u32 $0x4E2, s11;
	s7 =	sadd.s32 s7, s0;
	s8 =	sadd.s32 s3, s4  }
0xd: {  	s13 =	ssub.s32 s13, s15;
	s24 =	sadd.s32 s22, s20;
	s15 =	sadd.s32 $0x40, s1  }
0xe: {  	s8 =	sshrl.u32 s8, $0x3;
	s7 =	sadd.s32 $0x15C00, s7;
	s26 =	sshrl.u32 s24, $0x3  }
0xf: {  	s10 =	sadd.s32 $0x2710, s10;
	[dreg:$0x1f] =	wrdreg s7;
	s7 =	sadd.s32 s26, s15  }
0x10: {  	s10 =	sshrl.u32 s10, $0x3;
	s19 =	sadd.s32 s14, s8;
	[smem:$0x7F0] =	sst s7  }
0x11: {  	s9 =	sshrl.u32 s9, $0x3;
	s17 =	sadd.s32 s5, s10;
	[smem:$0x7F4] =	sst s19  }
0x12: {  	s16 =	sadd.s32 s20, s16;
	s10 =	sadd.s32 s6, s10;
	[dreg:$0x1d] =	wrdreg s17  }
0x13: {  	s3 =	sor.u32 s3, s2;
	s5 =	sadd.s32 s5, s11;
	[dreg:$0x1e] =	wrdreg s10  }
0x14: {  	s9 =	sadd.s32 s9, s0;
	s6 =	sadd.s32 s6, s11;
	[smem:$0x7ED] =	sst s5  }
0x15: {  	s20 =	sshrl.u32 s3, $0x3;
	s11 =	sadd.s32 s1, s26;
	[smem:$0x7EE] =	sst s6  }
0x16: {  	s12 =	sadd.s32 s8, s0;
	s10 =	sand.u32 $0x380, s21;
	[smem:$0x7EF] =	sst s11  }
0x17: {  	s17 =	smul.u32 $0xA000, s18;
	s18 =	sadd.s32 $0x45400, s9;
	s21 =	sshrl.u32 s4, $0x3  }
0x18: {  	s23 =	sor.u32 s10, s16;
	[smem:$0x7F3] =	sst s18;
	s3 =	sadd.s32 s14, s21  }
0x19: {  	s16 =	sadd.s32 $0x2800, s26;
	s26 =	smax.u32 s13, $0x1;
	[smem:$0x7F5] =	sst s3  }
0x1a: {  	s25 =	sshrl.u32 s23, $0x3;
	s5 =	sadd.s32 s16, s15;
	[smem:$0x7FC] =	sst s26  }
0x1b: {  	s10 =	sadd.s32 s1, s25;
	s1 =	sadd.s32 s1, s16;
	[smem:$0x7F2] =	sst s5  }
0x1c: {  	s25 =	sadd.s32 $0x42C00, s12;
	[smem:$0x7F1] =	sst s1  }
0x1d: {  	s29 =	simm.s32 $0x4F00;
	s0 =	sadd.s32 $0x1AC00, s0;
	[smem:$0x7FB] =	sst s25  }
0x1e: {  	s1 =	sadd.s32 s17, s2;
	s2 =	sadd.s32 s0, s20;
	[smem:$0x7FD] =	sst s10  }
0x1f: {  	s30 =	simm.s32 $0x2;
	s22 =	sadd.s32 $0x5000, s2;
	[smem:$0x7F9] =	sst s2  }
0x20: {  	s31 =	simm.s32 $0xEF00;
	s23 =	sadd.s32 $0xA000, s2;
	[smem:$0x7F7] =	sst s22  }
0x21: {  	s1 =	sshrl.u32 s1, $0x3;
	s24 =	sadd.s32 $0xF000, s2;
	[smem:$0x7F8] =	sst s23  }
0x22: {  	s6 =	simm.s32 $0x1;
	s0 =	sadd.s32 s0, s1;
	[smem:$0x7FA] =	sst s24  }
0x23: {  	v0 =	vimm.f32 $0.0e+00;
	v1 =	vimm.f32 $1.000000000e+00;
	s3 =	simm.s32 $0x2780;
	s1 =	simm.s32 $0x0;
	[smem:$0x7F6] =	sst s0  }
.LBB2_1:
0x24: {  	[smem:$0x7EC] =	sst s1  }
0x25: {  	s0 =	rddreg [dreg:$0x1d]  }
0x26: {  	[tilespmem:s28], [sflag:$0x1] =	stream.linear.gather [hbm4b:s0+s28], $0x2710, $0x38;
	[tilespmem:$0x1D780] =	vst v63  }
0x27: {  	s24 =	rddreg [dreg:$0x1e]  }
0x28: {  	[tilespmem:s3], [sflag:$0x1] =	stream.linear.gather [hbm4b:s24+s28], $0x2710, $0x38;
	[tilespmem:$0x1D780] =	vst v63  }
0x29: {  	s25 =	rddreg [dreg:$0x1f];
	s26 =	simm.s32 $0x19180;
	s0 =	simm.s32 $0x5000  }
0x2a: {  	[tilespmem:s26], [sflag:$0x1] =	stream.linear.gather [hbm4b:s25+s28], $0xA00, $0x38;
	[tilespmem:$0x1D780] =	vst v63  }
0x2b: {  	[tilespmem:s0+$0xFFFFFF00] =	vst v0  }
0x2c: {  	[tilespmem:s0+$0xF0] =	vst v0  }
0x2d: {  	[tilespmem:s0+$0x70] =	vst v0  }
0x2e: {  	[tilespmem:s0+$0xFFFFFFF0] =	vst v0  }
0x2f: {  	[tilespmem:s0+$0xFFFFFF70] =	vst v0  }
0x30: {  	[tilespmem:s0+$0xE0] =	vst v0  }
0x31: {  	[tilespmem:s0+$0x60] =	vst v0  }
0x32: {  	[tilespmem:s0+$0xFFFFFFE0] =	vst v0  }
0x33: {  	[tilespmem:s0+$0xFFFFFF60] =	vst v0  }
0x34: {  	[tilespmem:s0+$0xD0] =	vst v0  }
0x35: {  	[tilespmem:s0+$0x50] =	vst v0  }
0x36: {  	[tilespmem:s0+$0xFFFFFFD0] =	vst v0  }
0x37: {  	[tilespmem:s0+$0xFFFFFF50] =	vst v0  }
0x38: {  	[tilespmem:s0+$0xC0] =	vst v0  }
0x39: {  	[tilespmem:s0+$0x40] =	vst v0  }
0x3a: {  	[tilespmem:s0+$0xFFFFFFC0] =	vst v0  }
0x3b: {  	[tilespmem:s0+$0xFFFFFF40] =	vst v0  }
0x3c: {  	[tilespmem:s0+$0xB0] =	vst v0  }
0x3d: {  	[tilespmem:s0+$0x30] =	vst v0  }
0x3e: {  	[tilespmem:s0+$0xFFFFFFB0] =	vst v0  }
0x3f: {  	[tilespmem:s0+$0xFFFFFF30] =	vst v0  }
0x40: {  	[tilespmem:s0+$0xA0] =	vst v0  }
0x41: {  	[tilespmem:s0+$0x20] =	vst v0  }
0x42: {  	[tilespmem:s0+$0xFFFFFFA0] =	vst v0  }
0x43: {  	[tilespmem:s0+$0xFFFFFF20] =	vst v0  }
0x44: {  	[tilespmem:s0+$0x90] =	vst v0  }
0x45: {  	[tilespmem:s0+$0x10] =	vst v0  }
0x46: {  	[tilespmem:s0+$0xFFFFFF90] =	vst v0  }
0x47: {  	[tilespmem:s0+$0xFFFFFF10] =	vst v0  }
0x48: {  	[tilespmem:s0+$0x80] =	vst v0  }
0x49: {  	s1 =	simm.s32 $0x0;
	[tilespmem:s0+$0x0] =	vst v0  }
.LBB2_2:
0x4a: {  	s1 =	sadd.s32 $0x80, s1;
	[tilespmem:s0+$0xFFFFFF80] =	vst v0;
	s0 =	sadd.s32 $0x200, s0  }
0x4b: {  	[tilespmem:s0+$0xFFFFFF00] =	vst v0;
	p0 =	slt.u32 s1, $0x2780  }
0x4c: {  	[tilespmem:s0+$0xF0] =	vst v0  }
0x4d: {  	[tilespmem:s0+$0x70] =	vst v0  }
0x4e: {  	[tilespmem:s0+$0xFFFFFFF0] =	vst v0  }
0x4f: {  	[tilespmem:s0+$0xFFFFFF70] =	vst v0  }
0x50: {  	[tilespmem:s0+$0xE0] =	vst v0  }
0x51: {  	[tilespmem:s0+$0x60] =	vst v0  }
0x52: {  	[tilespmem:s0+$0xFFFFFFE0] =	vst v0  }
0x53: {  	[tilespmem:s0+$0xFFFFFF60] =	vst v0  }
0x54: {  	[tilespmem:s0+$0xD0] =	vst v0  }
0x55: {  	[tilespmem:s0+$0x50] =	vst v0  }
0x56: {  	[tilespmem:s0+$0xFFFFFFD0] =	vst v0  }
0x57: {  	[tilespmem:s0+$0xFFFFFF50] =	vst v0  }
0x58: {  	[tilespmem:s0+$0xC0] =	vst v0  }
0x59: {  	[tilespmem:s0+$0x40] =	vst v0  }
0x5a: {  	[tilespmem:s0+$0xFFFFFFC0] =	vst v0  }
0x5b: {  	[tilespmem:s0+$0xFFFFFF40] =	vst v0  }
0x5c: {  	[tilespmem:s0+$0xB0] =	vst v0  }
0x5d: {  	[tilespmem:s0+$0x30] =	vst v0  }
0x5e: {  	[tilespmem:s0+$0xFFFFFFB0] =	vst v0  }
0x5f: {  	[tilespmem:s0+$0xFFFFFF30] =	vst v0  }
0x60: {  	[tilespmem:s0+$0xA0] =	vst v0  }
0x61: {  	[tilespmem:s0+$0x20] =	vst v0  }
0x62: {  	[tilespmem:s0+$0xFFFFFFA0] =	vst v0  }
0x63: {  	[tilespmem:s0+$0xFFFFFF20] =	vst v0  }
0x64: {  	[tilespmem:s0+$0x90] =	vst v0  }
.Ltmp0:
0x65: {  	[tilespmem:s0+$0x10] =	vst v0;
	(pc) =	sbr.rel @p0 .LBB2_2-.Ltmp0, $4  }
0x66: {  	[tilespmem:s0+$0xFFFFFF90] =	vst v0  }
0x67: {  	[tilespmem:s0+$0xFFFFFF10] =	vst v0  }
0x68: {  	[tilespmem:s0+$0x80] =	vst v0  }
0x69: {  	[tilespmem:s0+$0x0] =	vst v0  }
0x6a: {  	[tilespmem:s0+$0xFFFFFF80] =	vst v0  }
0x6b: {  	_ =	swait.ge [sflag:s6], $0x2710  }
0x6c: {  	[sflag:s6] =	ssyncset.done $0x0  }
0x6d: {  	[sflag:s6] =	ssyncadd.s32 $0xFFFFD8F0  }
0x6e: {  	_ =	swait.ge [sflag:s6], $0x2710  }
0x6f: {  	[sflag:s6] =	ssyncset.done $0x0  }
0x70: {  	[sflag:s6] =	ssyncadd.s32 $0xFFFFD8F0  }
0x71: {  	_ =	swait.ge [sflag:s6], $0xA00  }
0x72: {  	[sflag:s6] =	ssyncset.done $0x0  }
0x73: {  	s1 =	simm.s32 $0x27C0;
	[sflag:s6] =	ssyncadd.s32 $0xFFFFF600  }
0x74: {  	v5 =	vld [tilespmem:s1+$0xFFFFFFC0]  }
0x75: {  	v7 =	vld [tilespmem:s1+$0x10]  }
0x76: {  	s26 =	simm.s32 $0x40;
	v4 =	vld [tilespmem:s1+$0xFFFFFFD0]  }
0x77: {  	v2 =	vld [tilespmem:s26+$0xFFFFFFE0]  }
0x78: {  	v6 =	vld [tilespmem:s26+$0xFFFFFFD0]  }
0x79: {  	v9 =	vld [tilespmem:s26+$0x10]  }
0x7a: {  	v10 =	vld [tilespmem:s26+$0xFFFFFFC0]  }
0x7b: {  	v8 =	vld [tilespmem:s1+$0x20]  }
0x7c: {  	v12 =	vld [tilespmem:s26+$0x20];
	_ =	sdelay $0x1  }
0x7d: {  	v11 =	vshll.u32 v6, $0x2;
	v13 =	vshll.u32 v2, $0x2  }
0x7e: {  	v3 =	vld [tilespmem:s26+$0x30];
	vm2 =	vne.s32 v6, v4;
	v4 =	vshll.u32 v9, $0x2;
	v6 =	vand.u32 $0x7F, v6  }
0x7f: {  	v15 =	vand.u32 $0x7F, v2;
	vm0 =	vne.s32 v9, v7;
	vm3 =	vne.s32 v10, v5;
	v5 =	vld [tilespmem:s1+$0xFFFFFFF0]  }
0x80: {  	v17 =	vshll.u32 v10, $0x2;
	vm1 =	vne.s32 v12, v8;
	v7 =	vld [tilespmem:s26+$0xFFFFFFF0];
	v11 =	vand.u32 $0xFFFFFE00, v11  }
0x81: {  	v19 =	vand.u32 $0x7F, v9;
	v14 =	vshll.u32 v12, $0x2;
	v11 =	vor.u32 v11, v6;
	v6 =	vld [tilespmem:s26+$0x0]  }
0x82: {  	v16 =	vand.u32 $0x7F, v10;
	v13 =	vand.u32 $0xFFFFFE00, v13;
	v8 =	vor.u32 $0x180, v11;
	v11 =	vld [tilespmem:s1+$0x0]  }
0x83: {  	v9 =	vld [tilespmem:s1+$0xFFFFFFE0];
	v18 =	vand.u32 $0xFFFFFE00, v4;
	v17 =	vand.u32 $0xFFFFFE00, v17;
	v10 =	vor.u32 v13, v15  }
0x84: {  	s0 =	simm.s32 $0x0;
	s2 =	simm.s32 $0xC0;
	v4 =	vld [tilespmem:s1+$0x30];
	v15 =	vand.u32 $0x7F, v12;
	v13 =	vor.u32 v18, v19;
	v12 =	vshll.u32 v3, $0x2;
	s1 =	simm.s32 $0x2840  }
.LBB2_4:
0x85: {  	v18 =	vld [tilespmem:s1+$0xFFFFFFC0];
	s0 =	sadd.s32 $0x80, s0;
	v16 =	vor.u32 v17, v16;
	v14 =	vand.u32 $0xFFFFFE00, v14  }
0x86: {  	v10 =	vor.u32 $0x180, v10;
	v17 =	vld [tilespmem:s1+$0x10];
	p0 =	slt.u32 s0, $0x2680;
	v16 =	vor.u32 $0x180, v16;
	v14 =	vor.u32 v14, v15  }
0x87: {  	[tilespmem:v8+s29+$0x0] =	vst.idx.add.f32.msk vm2, v1;
	vm2 =	vne.s32 v6, v11;
	v8 =	vand.u32 $0x7F, v6;
	v11 =	vor.u32 $0x180, v14  }
0x88: {  	v13 =	vor.u32 $0x180, v13;
	v12 =	vand.u32 $0xFFFFFE00, v12;
	v15 =	vand.u32 $0x7F, v3;
	v14 =	vld [tilespmem:s2+$0x30]  }
0x89: {  	v19 =	vld [tilespmem:s2+$0xFFFFFFC0];
	vm4 =	vne.s32 v2, v9;
	v2 =	vshll.u32 v7, $0x2;
	v9 =	vor.u32 v12, v15  }
0x8a: {  	vm5 =	vne.s32 v3, v4;
	v6 =	vshll.u32 v6, $0x2;
	v12 =	vld [tilespmem:s1+$0xFFFFFFD0];
	v4 =	vor.u32 $0x180, v9  }
0x8b: {  	v6 =	vand.u32 $0xFFFFFE00, v6;
	v15 =	vand.u32 $0x7F, v7;
	v9 =	vand.u32 $0xFFFFFE00, v2;
	[tilespmem:v16+s29+$0x0] =	vst.idx.add.f32.msk vm3, v1  }
0x8c: {  	vm3 =	vne.s32 v7, v5;
	v5 =	vor.u32 v9, v15;
	v7 =	vor.u32 v6, v8;
	v2 =	vld [tilespmem:s2+$0xFFFFFFE0]  }
0x8d: {  	v6 =	vor.u32 $0x180, v7;
	[tilespmem:v13+s29+$0x0] =	vst.idx.add.f32.msk vm0, v1;
	v3 =	vmov v14  }
0x8e: {  	v5 =	vor.u32 $0x180, v5;
	[tilespmem:v11+s29+$0x0] =	vst.idx.add.f32.msk vm1, v1  }
0x8f: {  	v7 =	vld [tilespmem:s2+$0xFFFFFFD0]  }
0x90: {  	v8 =	vld [tilespmem:s1+$0x20]  }
0x91: {  	v9 =	vld [tilespmem:s2+$0x10]  }
0x92: {  	[tilespmem:v6+s29+$0x0] =	vst.idx.add.f32.msk vm2, v1  }
0x93: {  	[tilespmem:v5+s29+$0x0] =	vst.idx.add.f32.msk vm3, v1  }
0x94: {  	v13 =	vld [tilespmem:s2+$0x20]  }
0x95: {  	v6 =	vshll.u32 v2, $0x2;
	v5 =	vshll.u32 v7, $0x2;
	[tilespmem:v4+s29+$0x0] =	vst.idx.add.f32.msk vm5, v1  }
0x96: {  	vm2 =	vne.s32 v7, v12;
	v5 =	vand.u32 $0xFFFFFE00, v5;
	v4 =	vshll.u32 v9, $0x2;
	[tilespmem:v10+s29+$0x0] =	vst.idx.add.f32.msk vm4, v1  }
0x97: {  	v7 =	vand.u32 $0x7F, v7;
	v10 =	vand.u32 $0xFFFFFE00, v6;
	v12 =	vand.u32 $0xFFFFFE00, v4;
	v4 =	vld [tilespmem:s1+$0x30]  }
.Ltmp1:
0x98: {  	v15 =	vand.u32 $0x7F, v2;
	v7 =	vor.u32 v5, v7;
	vm0 =	vne.s32 v9, v17;
	v6 =	vld [tilespmem:s2+$0x0];
	(pc) =	sbr.rel @p0 .LBB2_4-.Ltmp1, $4  }
0x99: {  	vm3 =	vne.s32 v19, v18;
	v17 =	vshll.u32 v19, $0x2;
	v5 =	vld [tilespmem:s1+$0xFFFFFFF0];
	vm1 =	vne.s32 v13, v8  }
0x9a: {  	v18 =	vand.u32 $0x7F, v9;
	v8 =	vor.u32 $0x180, v7;
	v14 =	vshll.u32 v13, $0x2;
	v11 =	vld [tilespmem:s1+$0x0]  }
0x9b: {  	v16 =	vand.u32 $0x7F, v19;
	v10 =	vor.u32 v10, v15;
	v15 =	vand.u32 $0x7F, v13;
	v7 =	vld [tilespmem:s2+$0xFFFFFFF0]  }
0x9c: {  	v17 =	vand.u32 $0xFFFFFE00, v17;
	v13 =	vor.u32 v12, v18;
	v12 =	vshll.u32 v3, $0x2;
	s2 =	sadd.s32 $0x80, s2;
	v9 =	vld [tilespmem:s1+$0xFFFFFFE0];
	s1 =	sadd.s32 $0x80, s1  }
0x9d: {  	v16 =	vor.u32 v17, v16  }
0x9e: {  	v14 =	vand.u32 $0xFFFFFE00, v14;
	v13 =	vor.u32 $0x180, v13;
	v16 =	vor.u32 $0x180, v16  }
0x9f: {  	vm4 =	vne.s32 v6, v11;
	v11 =	vand.u32 $0x7F, v6;
	v6 =	vshll.u32 v6, $0x2  }
0xa0: {  	v14 =	vor.u32 v14, v15;
	v15 =	vand.u32 $0x7F, v3;
	v6 =	vand.u32 $0xFFFFFE00, v6  }
0xa1: {  	v14 =	vor.u32 $0x180, v14;
	v6 =	vor.u32 v6, v11;
	v11 =	vshll.u32 v7, $0x2  }
0xa2: {  	vm5 =	vne.s32 v7, v5;
	v5 =	vand.u32 $0x7F, v7;
	v7 =	vand.u32 $0xFFFFFE00, v11  }
0xa3: {  	v11 =	vand.u32 $0xFFFFFE00, v12;
	v6 =	vor.u32 $0x180, v6;
	v5 =	vor.u32 v7, v5  }
0xa4: {  	[tilespmem:v8+s29+$0x0] =	vst.idx.add.f32.msk vm2, v1;
	vm2 =	vne.s32 v3, v4;
	v7 =	vor.u32 v11, v15;
	v3 =	vor.u32 $0x180, v5  }
0xa5: {  	[tilespmem:v16+s29+$0x0] =	vst.idx.add.f32.msk vm3, v1;
	vm3 =	vne.s32 v2, v9;
	v2 =	vor.u32 $0x180, v7  }
0xa6: {  	v4 =	vor.u32 $0x180, v10;
	[tilespmem:v13+s29+$0x0] =	vst.idx.add.f32.msk vm0, v1  }
0xa7: {  	[tilespmem:v14+s29+$0x0] =	vst.idx.add.f32.msk vm1, v1  }
0xa8: {  	[tilespmem:v6+s29+$0x0] =	vst.idx.add.f32.msk vm4, v1  }
0xa9: {  	[tilespmem:v3+s29+$0x0] =	vst.idx.add.f32.msk vm5, v1  }
0xaa: {  	[tilespmem:v2+s29+$0x0] =	vst.idx.add.f32.msk vm2, v1  }
0xab: {  	[tilespmem:v4+s29+$0x0] =	vst.idx.add.f32.msk vm3, v1  }
0xac: {  	v2 =	vld [tilespmem:$0x2700];
	_ =	sdelay $0x1  }
0xad: {  	v3 =	vld [tilespmem:$0x4E80];
	_ =	sdelay $0x2  }
0xae: {  	v4 =	vshll.u32 v2, $0x2  }
0xaf: {  	v5 =	vand.u32 $0x7F, v2;
	v4 =	vand.u32 $0xFFFFFE00, v4  }
0xb0: {  	vm0 =	vne.s32 v2, v3;
	v2 =	vor.u32 v4, v5  }
0xb1: {  	v2 =	vor.u32 $0x180, v2;
	_ =	sdelay $0x2  }
0xb2: {  	s0 =	sld [smem:$0x7ED];
	_ =	sdelay $0x1  }
0xb3: {  	s25 =	sld [smem:$0x7EE];
	[tilespmem:v2+s29+$0x0] =	vst.idx.add.f32.msk vm0, v1  }
0xb4: {  	[tilespmem:s28], [sflag:$0x1] =	stream.linear.gather [hbm4b:s0+s28], $0x2710, $0x38;
	[tilespmem:$0x1D780] =	vst v63  }
0xb5: {  	_ = 	snop  }
0xb6: {  	[tilespmem:s3], [sflag:$0x1] =	stream.linear.gather [hbm4b:s25+s28], $0x2710, $0x38;
	[tilespmem:$0x1D780] =	vst v63  }
0xb7: {  	_ =	swait.ge [sflag:s6], $0x2710  }
0xb8: {  	[sflag:s6] =	ssyncset.done $0x0  }
0xb9: {  	[sflag:s6] =	ssyncadd.s32 $0xFFFFD8F0  }
0xba: {  	_ =	swait.ge [sflag:s6], $0x2710  }
0xbb: {  	[sflag:s6] =	ssyncset.done $0x0  }
0xbc: {  	s1 =	simm.s32 $0x27C0;
	[sflag:s6] =	ssyncadd.s32 $0xFFFFD8F0  }
0xbd: {  	v5 =	vld [tilespmem:s1+$0xFFFFFFC0]  }
0xbe: {  	v7 =	vld [tilespmem:s1+$0x10]  }
0xbf: {  	s26 =	simm.s32 $0x40;
	v4 =	vld [tilespmem:s1+$0xFFFFFFD0]  }
0xc0: {  	v2 =	vld [tilespmem:s26+$0xFFFFFFE0]  }
0xc1: {  	v6 =	vld [tilespmem:s26+$0xFFFFFFD0]  }
0xc2: {  	v9 =	vld [tilespmem:s26+$0x10]  }
0xc3: {  	v10 =	vld [tilespmem:s26+$0xFFFFFFC0]  }
0xc4: {  	v8 =	vld [tilespmem:s1+$0x20]  }
0xc5: {  	v12 =	vld [tilespmem:s26+$0x20];
	_ =	sdelay $0x1  }
0xc6: {  	v11 =	vshll.u32 v6, $0x2;
	v13 =	vshll.u32 v2, $0x2  }
0xc7: {  	v3 =	vld [tilespmem:s26+$0x30];
	vm2 =	vne.s32 v6, v4;
	v4 =	vshll.u32 v9, $0x2;
	v6 =	vand.u32 $0x7F, v6  }
0xc8: {  	v15 =	vand.u32 $0x7F, v2;
	vm0 =	vne.s32 v9, v7;
	vm3 =	vne.s32 v10, v5;
	v5 =	vld [tilespmem:s1+$0xFFFFFFF0]  }
0xc9: {  	v17 =	vshll.u32 v10, $0x2;
	vm1 =	vne.s32 v12, v8;
	v7 =	vld [tilespmem:s26+$0xFFFFFFF0];
	v11 =	vand.u32 $0xFFFFFE00, v11  }
0xca: {  	v19 =	vand.u32 $0x7F, v9;
	v14 =	vshll.u32 v12, $0x2;
	v11 =	vor.u32 v11, v6;
	v6 =	vld [tilespmem:s26+$0x0]  }
0xcb: {  	v16 =	vand.u32 $0x7F, v10;
	v13 =	vand.u32 $0xFFFFFE00, v13;
	v8 =	vor.u32 $0x180, v11;
	v11 =	vld [tilespmem:s1+$0x0]  }
0xcc: {  	v9 =	vld [tilespmem:s1+$0xFFFFFFE0];
	v18 =	vand.u32 $0xFFFFFE00, v4;
	v17 =	vand.u32 $0xFFFFFE00, v17;
	v10 =	vor.u32 v13, v15  }
0xcd: {  	s2 =	simm.s32 $0xC0;
	s0 =	simm.s32 $0x0;
	v4 =	vld [tilespmem:s1+$0x30];
	v15 =	vand.u32 $0x7F, v12;
	v13 =	vor.u32 v18, v19;
	v12 =	vshll.u32 v3, $0x2;
	s1 =	simm.s32 $0x2840  }
.LBB2_6:
0xce: {  	v18 =	vld [tilespmem:s1+$0xFFFFFFC0];
	s0 =	sadd.s32 $0x80, s0;
	v16 =	vor.u32 v17, v16;
	v14 =	vand.u32 $0xFFFFFE00, v14  }
0xcf: {  	v10 =	vor.u32 $0x180, v10;
	v17 =	vld [tilespmem:s1+$0x10];
	p0 =	slt.u32 s0, $0x2680;
	v16 =	vor.u32 $0x180, v16;
	v14 =	vor.u32 v14, v15  }
0xd0: {  	[tilespmem:v8+s29+$0x0] =	vst.idx.add.f32.msk vm2, v1;
	vm2 =	vne.s32 v6, v11;
	v8 =	vand.u32 $0x7F, v6;
	v11 =	vor.u32 $0x180, v14  }
0xd1: {  	v13 =	vor.u32 $0x180, v13;
	v12 =	vand.u32 $0xFFFFFE00, v12;
	v15 =	vand.u32 $0x7F, v3;
	v14 =	vld [tilespmem:s2+$0x30]  }
0xd2: {  	v19 =	vld [tilespmem:s2+$0xFFFFFFC0];
	vm4 =	vne.s32 v2, v9;
	v2 =	vshll.u32 v7, $0x2;
	v9 =	vor.u32 v12, v15  }
0xd3: {  	vm5 =	vne.s32 v3, v4;
	v6 =	vshll.u32 v6, $0x2;
	v12 =	vld [tilespmem:s1+$0xFFFFFFD0];
	v4 =	vor.u32 $0x180, v9  }
0xd4: {  	v6 =	vand.u32 $0xFFFFFE00, v6;
	v15 =	vand.u32 $0x7F, v7;
	v9 =	vand.u32 $0xFFFFFE00, v2;
	[tilespmem:v16+s29+$0x0] =	vst.idx.add.f32.msk vm3, v1  }
0xd5: {  	vm3 =	vne.s32 v7, v5;
	v5 =	vor.u32 v9, v15;
	v7 =	vor.u32 v6, v8;
	v2 =	vld [tilespmem:s2+$0xFFFFFFE0]  }
0xd6: {  	v6 =	vor.u32 $0x180, v7;
	[tilespmem:v13+s29+$0x0] =	vst.idx.add.f32.msk vm0, v1;
	v3 =	vmov v14  }
0xd7: {  	v5 =	vor.u32 $0x180, v5;
	[tilespmem:v11+s29+$0x0] =	vst.idx.add.f32.msk vm1, v1  }
0xd8: {  	v7 =	vld [tilespmem:s2+$0xFFFFFFD0]  }
0xd9: {  	v8 =	vld [tilespmem:s1+$0x20]  }
0xda: {  	v9 =	vld [tilespmem:s2+$0x10]  }
0xdb: {  	[tilespmem:v6+s29+$0x0] =	vst.idx.add.f32.msk vm2, v1  }
0xdc: {  	[tilespmem:v5+s29+$0x0] =	vst.idx.add.f32.msk vm3, v1  }
0xdd: {  	v13 =	vld [tilespmem:s2+$0x20]  }
0xde: {  	v6 =	vshll.u32 v2, $0x2;
	v5 =	vshll.u32 v7, $0x2;
	[tilespmem:v4+s29+$0x0] =	vst.idx.add.f32.msk vm5, v1  }
0xdf: {  	vm2 =	vne.s32 v7, v12;
	v5 =	vand.u32 $0xFFFFFE00, v5;
	v4 =	vshll.u32 v9, $0x2;
	[tilespmem:v10+s29+$0x0] =	vst.idx.add.f32.msk vm4, v1  }
0xe0: {  	v7 =	vand.u32 $0x7F, v7;
	v10 =	vand.u32 $0xFFFFFE00, v6;
	v12 =	vand.u32 $0xFFFFFE00, v4;
	v4 =	vld [tilespmem:s1+$0x30]  }
.Ltmp2:
0xe1: {  	v15 =	vand.u32 $0x7F, v2;
	v7 =	vor.u32 v5, v7;
	vm0 =	vne.s32 v9, v17;
	v6 =	vld [tilespmem:s2+$0x0];
	(pc) =	sbr.rel @p0 .LBB2_6-.Ltmp2, $4  }
0xe2: {  	vm3 =	vne.s32 v19, v18;
	v17 =	vshll.u32 v19, $0x2;
	v5 =	vld [tilespmem:s1+$0xFFFFFFF0];
	vm1 =	vne.s32 v13, v8  }
0xe3: {  	v18 =	vand.u32 $0x7F, v9;
	v8 =	vor.u32 $0x180, v7;
	v14 =	vshll.u32 v13, $0x2;
	v11 =	vld [tilespmem:s1+$0x0]  }
0xe4: {  	v16 =	vand.u32 $0x7F, v19;
	v10 =	vor.u32 v10, v15;
	v15 =	vand.u32 $0x7F, v13;
	v7 =	vld [tilespmem:s2+$0xFFFFFFF0]  }
0xe5: {  	v17 =	vand.u32 $0xFFFFFE00, v17;
	v13 =	vor.u32 v12, v18;
	v12 =	vshll.u32 v3, $0x2;
	s2 =	sadd.s32 $0x80, s2;
	v9 =	vld [tilespmem:s1+$0xFFFFFFE0];
	s1 =	sadd.s32 $0x80, s1  }
0xe6: {  	v16 =	vor.u32 v17, v16;
	v14 =	vand.u32 $0xFFFFFE00, v14;
	v53 =	vand.u32 $0x7F, v6  }
0xe7: {  	v54 =	vshll.u32 v6, $0x2;
	v13 =	vor.u32 $0x180, v13;
	v55 =	vand.u32 $0x7F, v3  }
0xe8: {  	v59 =	vand.u32 $0xFFFFFE00, v12;
	vm13 =	vne.s32 v3, v4;
	v16 =	vor.u32 $0x180, v16  }
0xe9: {  	v14 =	vor.u32 v14, v15;
	vm4 =	vne.s32 v6, v11;
	v6 =	vand.u32 $0xFFFFFE00, v54  }
0xea: {  	v60 =	vor.u32 v59, v55;
	v14 =	vor.u32 $0x180, v14;
	v6 =	vor.u32 v6, v53  }
0xeb: {  	v56 =	vshll.u32 v7, $0x2;
	v57 =	vand.u32 $0x7F, v7;
	v6 =	vor.u32 $0x180, v6  }
0xec: {  	[tilespmem:v8+s29+$0x0] =	vst.idx.add.f32.msk vm2, v1;
	v58 =	vand.u32 $0xFFFFFE00, v56;
	vm14 =	vne.s32 v2, v9;
	v2 =	vor.u32 $0x180, v60  }
0xed: {  	v61 =	vor.u32 $0x180, v10;
	vm5 =	vne.s32 v7, v5;
	v5 =	vor.u32 v58, v57;
	[tilespmem:v13+s29+$0x0] =	vst.idx.add.f32.msk vm0, v1  }
0xee: {  	v3 =	vor.u32 $0x180, v5;
	[tilespmem:v16+s29+$0x0] =	vst.idx.add.f32.msk vm3, v1  }
0xef: {  	[tilespmem:v14+s29+$0x0] =	vst.idx.add.f32.msk vm1, v1  }
0xf0: {  	[tilespmem:v6+s29+$0x0] =	vst.idx.add.f32.msk vm4, v1  }
0xf1: {  	[tilespmem:v2+s29+$0x0] =	vst.idx.add.f32.msk vm13, v1  }
0xf2: {  	[tilespmem:v61+s29+$0x0] =	vst.idx.add.f32.msk vm14, v1  }
0xf3: {  	[tilespmem:v3+s29+$0x0] =	vst.idx.add.f32.msk vm5, v1  }
0xf4: {  	v2 =	vld [tilespmem:$0x2700];
	_ =	sdelay $0x1  }
0xf5: {  	v3 =	vld [tilespmem:$0x4E80];
	_ =	sdelay $0x2  }
0xf6: {  	v62 =	vshll.u32 v2, $0x2  }
0xf7: {  	v63 =	vand.u32 $0x7F, v2;
	v4 =	vand.u32 $0xFFFFFE00, v62  }
0xf8: {  	vm15 =	vne.s32 v2, v3;
	v2 =	vor.u32 v4, v63  }
0xf9: {  	v2 =	vor.u32 $0x180, v2;
	_ =	sdelay $0x3  }
0xfa: {  	s0 =	simm.s32 $0x5080  }
0xfb: {  	s1 =	simm.s32 $0x80;
	s3 =	sadd.s32 $0x0, s10;
	s2 =	simm.s32 $0x5280;
	[tilespmem:v2+s29+$0x0] =	vst.idx.add.f32.msk vm15, v1  }
.LBB2_8:
0xfc: {  	[hbm4b:s3+s28] =	stream.linear.scatter [tilespmem:s0], [sflag:$0x2], $0x80, $0x38;
	[tilespmem:$0x1D780] =	vst v63  }
0xfd: {  	s3 =	smov.u32 s1;
	s0 =	smov.u32 s2;
	p0 =	sne.s32 s1, $0x2780  }
.Ltmp3:
0xfe: {  	s1 =	sadd.s32 $0x80, s1;
	(pc) =	sbr.rel @p0 .LBB2_8-.Ltmp3, $2  }
0xff: {  	_ =	sdelay $0x2  }
0x100: {  	s2 =	sadd.s32 $0x200, s2;
	s3 =	sadd.s32 s3, s10  }
0x101: {  	[hbm4b:s3+s28] =	stream.linear.scatter [tilespmem:s0], [sflag:$0x2], $0x80, $0x38;
	[tilespmem:$0x1D780] =	vst v63  }
0x102: {  	_ =	swait.ge [sflag:s30], $0x2800  }
0x103: {  	[sflag:s30] =	ssyncset.done $0x0  }
0x104: {  	[sflag:s30] =	ssyncadd.s32 $0xFFFFD800  }
0x105: {  	[bflag:$0x0] =	sbarrier.arrive $0xFFFF  }
0x106: {  	s16 =	sld [smem:$0x7EF]  }
0x107: {  	s1 =	simm.s32 $0x200  }
0x108: {  	s2 =	simm.s32 $0x400;
	s17 =	simm.s32 $0x1A580;
	s18 =	sld [smem:$0x7F0]  }
0x109: {  	[tilespmem:s17], [sflag:$0x1] =	stream.strided.gather [hbm4b:s16+s1], $0xA00, s2, s1, $0x38;
	[tilespmem:$0x1D780] =	vst v63  }
0x10a: {  	s19 =	simm.s32 $0x1AF80;
	s20 =	sld [smem:$0x7F1]  }
0x10b: {  	[tilespmem:s19], [sflag:$0x1] =	stream.strided.gather [hbm4b:s18+s1], $0xA00, s2, s1, $0x38;
	[tilespmem:$0x1D780] =	vst v63  }
0x10c: {  	s21 =	simm.s32 $0x1B980;
	s22 =	sld [smem:$0x7F2]  }
0x10d: {  	[tilespmem:s21], [sflag:$0x1] =	stream.strided.gather [hbm4b:s20+s1], $0xA00, s2, s1, $0x38;
	[tilespmem:$0x1D780] =	vst v63  }
0x10e: {  	s23 =	simm.s32 $0x1C380  }
0x10f: {  	[tilespmem:s23], [sflag:$0x1] =	stream.strided.gather [hbm4b:s22+s1], $0xA00, s2, s1, $0x38;
	[tilespmem:$0x1D780] =	vst v63  }
0x110: {  	_ =	swait.ge [sflag:s6], $0xA00  }
0x111: {  	[sflag:s6] =	ssyncset.done $0x0  }
0x112: {  	[sflag:s6] =	ssyncadd.s32 $0xFFFFF600  }
0x113: {  	_ =	swait.ge [sflag:s6], $0xA00  }
0x114: {  	[sflag:s6] =	ssyncset.done $0x0  }
0x115: {  	[sflag:s6] =	ssyncadd.s32 $0xFFFFF600  }
0x116: {  	_ =	swait.ge [sflag:s6], $0xA00  }
0x117: {  	[sflag:s6] =	ssyncset.done $0x0  }
0x118: {  	s3 =	simm.s32 $0x0;
	s0 =	simm.s32 $0x0;
	[sflag:s6] =	ssyncadd.s32 $0xFFFFF600  }
0x119: {  	s24 =	sand.u32 $0x40, s0;
	s4 =	sand.u32 $0xE00, s3;
	_ =	swait.ge [sflag:s6], $0xA00  }
0x11a: {  	s5 =	sadd.s32 $0x1A580, s4;
	s9 =	sor.u32 $0x30, s24;
	[sflag:s6] =	ssyncset.done $0x0  }
0x11b: {  	s25 =	sor.u32 s9, s5;
	[sflag:s6] =	ssyncadd.s32 $0xFFFFF600  }
0x11c: {  	s8 =	sor.u32 $0x10, s24;
	v2 =	vld [tilespmem:s25+$0x0]  }
0x11d: {  	s2 =	sor.u32 s8, s5;
	v4 =	vld [tilespmem:s25+$0x80]  }
0x11e: {  	v7 =	vld [tilespmem:s2+$0x0]  }
0x11f: {  	v5 =	vld [tilespmem:s25+$0x100]  }
0x120: {  	s11 =	sor.u32 $0x20, s24;
	v9 =	vld [tilespmem:s2+$0x80]  }
0x121: {  	s7 =	sor.u32 s11, s5;
	v10 =	vld [tilespmem:s25+$0x180]  }
0x122: {  	v3 =	vld [tilespmem:s7+$0x0];
	v4 =	vadd.f32 v4, v2  }
0x123: {  	s6 =	sor.u32 s24, s5;
	v8 =	vld [tilespmem:s7+$0x80]  }
0x124: {  	s26 =	sand.u32 $0x380, s0;
	v6 =	vld [tilespmem:s6+$0x80];
	v11 =	vadd.f32 v5, v4  }
0x125: {  	s1 =	sadd.s32 $0x18F00, s26;
	v2 =	vld [tilespmem:s6+$0x0]  }
0x126: {  	s10 =	sor.u32 s8, s1;
	s8 =	sor.u32 s11, s1;
	s11 =	sor.u32 s9, s1;
	v5 =	vld [tilespmem:s2+$0x100];
	v4 =	vadd.f32 v9, v7;
	v9 =	vadd.f32 v10, v11  }
0x127: {  	s9 =	simm.s32 $0x0;
	s1 =	simm.s32 $0x0;
	s5 =	simm.s32 $0x0;
	v7 =	vld [tilespmem:s7+$0x100]  }
.LBB2_10:
0x128: {  	s0 =	sadd.s32 $0x40, s0;
	v10 =	vld [tilespmem:s6+$0x100];
	v3 =	vadd.f32 v8, v3;
	[tilespmem:s11+$0x0] =	vst v9;
	s9 =	sadd.s32 $0x100, s9  }
0x129: {  	s11 =	sand.u32 $0x40, s0;
	s12 =	sand.u32 $0xE00, s9;
	s13 =	sshra.s32 s9, $0x2;
	v8 =	vld [tilespmem:s2+$0x180]  }
0x12a: {  	s12 =	sadd.s32 $0x1A580, s12;
	s14 =	sor.u32 $0x10, s11;
	s15 =	sor.u32 $0x30, s11;
	v2 =	vadd.f32 v6, v2;
	v6 =	vld [tilespmem:s7+$0x180]  }
0x12b: {  	s16 =	sor.u32 $0x20, s11;
	s2 =	sor.u32 s14, s12;
	s17 =	sor.u32 s15, s12;
	v9 =	vld [tilespmem:s6+$0x180];
	v4 =	vadd.f32 v5, v4  }
0x12c: {  	p0 =	slt.u32 s0, $0x240;
	s6 =	sor.u32 s11, s12;
	s7 =	sor.u32 s16, s12;
	v5 =	vld [tilespmem:s17+$0x0];
	v3 =	vadd.f32 v7, v3  }
0x12d: {  	v7 =	vld [tilespmem:s17+$0x80];
	v2 =	vadd.f32 v10, v2  }
0x12e: {  	v10 =	vld [tilespmem:s2+$0x0];
	v4 =	vadd.f32 v8, v4  }
0x12f: {  	v11 =	vld [tilespmem:s17+$0x100];
	v3 =	vadd.f32 v6, v3  }
0x130: {  	v12 =	vld [tilespmem:s2+$0x80];
	v2 =	vadd.f32 v9, v2;
	[tilespmem:s10+$0x0] =	vst v4  }
0x131: {  	v9 =	vld [tilespmem:s17+$0x180];
	[tilespmem:s8+$0x0] =	vst v3  }
0x132: {  	v3 =	vld [tilespmem:s7+$0x0];
	v4 =	vadd.f32 v7, v5;
	[tilespmem:s1+$0x18F00] =	vst v2;
	s1 =	smov.u32 s13  }
.Ltmp4:
0x133: {  	v8 =	vld [tilespmem:s7+$0x80];
	(pc) =	sbr.rel @p0 .LBB2_10-.Ltmp4, $4  }
0x134: {  	v2 =	vld [tilespmem:s6+$0x0];
	v7 =	vadd.f32 v11, v4  }
0x135: {  	s8 =	sand.u32 $0x380, s0;
	v6 =	vld [tilespmem:s6+$0x80];
	v4 =	vadd.f32 v12, v10  }
0x136: {  	s11 =	sadd.s32 $0x18F00, s8;
	v5 =	vld [tilespmem:s2+$0x100];
	v9 =	vadd.f32 v9, v7  }
0x137: {  	s10 =	sor.u32 s14, s11;
	s8 =	sor.u32 s16, s11;
	s11 =	sor.u32 s15, s11;
	v7 =	vld [tilespmem:s7+$0x100]  }
0x138: {  	v10 =	vld [tilespmem:s6+$0x100]  }
0x139: {  	v11 =	vld [tilespmem:s2+$0x180]  }
0x13a: {  	v12 =	vld [tilespmem:s7+$0x180]  }
0x13b: {  	v3 =	vadd.f32 v8, v3;
	v8 =	vld [tilespmem:s6+$0x180]  }
0x13c: {  	v2 =	vadd.f32 v6, v2;
	v4 =	vadd.f32 v5, v4  }
0x13d: {  	v3 =	vadd.f32 v7, v3  }
0x13e: {  	v2 =	vadd.f32 v10, v2;
	v4 =	vadd.f32 v11, v4  }
0x13f: {  	[tilespmem:s11+$0x0] =	vst v9;
	s6 =	simm.s32 $0x0;
	v3 =	vadd.f32 v12, v3  }
0x140: {  	s0 =	sand.u32 $0x40, s6;
	s9 =	sand.u32 $0x380, s6;
	v2 =	vadd.f32 v8, v2;
	[tilespmem:s10+$0x0] =	vst v4  }
0x141: {  	s2 =	sadd.s32 $0x18F00, s9;
	s10 =	sor.u32 $0x30, s0;
	[tilespmem:s8+$0x0] =	vst v3  }
0x142: {  	s11 =	sadd.s32 $0x1AF80, s4;
	s16 =	sor.u32 s10, s2;
	[tilespmem:s1+$0x18F00] =	vst v2  }
0x143: {  	s12 =	sor.u32 $0x10, s0;
	s9 =	sor.u32 s10, s11;
	v2 =	vld [tilespmem:s16+$0x0]  }
0x144: {  	s17 =	sor.u32 $0x1B000, s4;
	s7 =	sor.u32 s12, s2;
	v3 =	vld [tilespmem:s9+$0x0]  }
0x145: {  	s18 =	sor.u32 s10, s17;
	v5 =	vld [tilespmem:s7+$0x0]  }
0x146: {  	s14 =	sor.u32 $0x1B080, s4;
	s13 =	sor.u32 s12, s11;
	v4 =	vld [tilespmem:s18+$0x0]  }
0x147: {  	s15 =	sor.u32 $0x20, s0;
	s19 =	sor.u32 s10, s14;
	v7 =	vld [tilespmem:s13+$0x0]  }
0x148: {  	s21 =	sor.u32 s15, s11;
	v6 =	vld [tilespmem:s19+$0x0]  }
0x149: {  	s20 =	sor.u32 $0x1B100, s4;
	s1 =	sor.u32 s0, s11;
	v9 =	vld [tilespmem:s21+$0x0]  }
0x14a: {  	s4 =	sor.u32 s10, s20;
	v10 =	vld [tilespmem:s1+$0x0];
	v2 =	vadd.f32 v3, v2  }
0x14b: {  	v3 =	vld [tilespmem:s4+$0x0]  }
0x14c: {  	s9 =	sor.u32 s15, s2;
	v11 =	vld [tilespmem:s5+$0x18F00];
	v2 =	vadd.f32 v4, v2  }
0x14d: {  	s22 =	sor.u32 s12, s17;
	v8 =	vld [tilespmem:s9+$0x0]  }
0x14e: {  	s23 =	sor.u32 s15, s17;
	v2 =	vadd.f32 v6, v2;
	v6 =	vld [tilespmem:s22+$0x0]  }
0x14f: {  	s24 =	sor.u32 s0, s17;
	v4 =	vld [tilespmem:s23+$0x0]  }
0x150: {  	s25 =	sor.u32 s12, s14;
	v63 =	vadd.f32 v3, v2;
	v3 =	vld [tilespmem:s24+$0x0]  }
0x151: {  	s26 =	sor.u32 s15, s14;
	s10 =	sor.u32 s0, s14;
	v7 =	vadd.f32 v7, v5;
	v2 =	vld [tilespmem:s25+$0x0]  }
0x152: {  	s8 =	sor.u32 s12, s20;
	s1 =	sor.u32 s0, s20;
	s2 =	sor.u32 s15, s20;
	v5 =	vld [tilespmem:s26+$0x0];
	v8 =	vadd.f32 v9, v8;
	v9 =	vadd.f32 v10, v11;
	[tilespmem:s16+$0x0] =	vst v63  }
.LBB2_12:
0x153: {  	s6 =	sadd.s32 $0x40, s6;
	v10 =	vld [tilespmem:s10+$0x0];
	v6 =	vadd.f32 v6, v7  }
0x154: {  	s3 =	sadd.s32 $0x100, s3;
	s4 =	sand.u32 $0x40, s6;
	s0 =	sand.u32 $0x380, s6;
	v7 =	vld [tilespmem:s8+$0x0];
	v4 =	vadd.f32 v4, v8  }
0x155: {  	s8 =	sand.u32 $0xE00, s3;
	s10 =	sadd.s32 $0x18F00, s0;
	s11 =	sor.u32 $0x30, s4;
	v3 =	vadd.f32 v3, v9;
	v8 =	vld [tilespmem:s2+$0x0]  }
0x156: {  	s2 =	sadd.s32 $0x1AF80, s8;
	s12 =	sor.u32 $0x10, s4;
	s0 =	sor.u32 s11, s10;
	v9 =	vld [tilespmem:s1+$0x0];
	v2 =	vadd.f32 v2, v6  }
0x157: {  	s14 =	sor.u32 $0x20, s4;
	s13 =	sor.u32 s12, s10;
	s1 =	sor.u32 s11, s2;
	v6 =	vld [tilespmem:s0+$0x0];
	v4 =	vadd.f32 v5, v4  }
0x158: {  	s15 =	sor.u32 $0x1B000, s8;
	s16 =	sor.u32 s12, s2;
	s17 =	sor.u32 s14, s10;
	v5 =	vld [tilespmem:s1+$0x0];
	v3 =	vadd.f32 v10, v3  }
0x159: {  	s18 =	sor.u32 s4, s2;
	s19 =	sor.u32 s14, s2;
	s1 =	sor.u32 s11, s15;
	v10 =	vld [tilespmem:s13+$0x0];
	v2 =	vadd.f32 v7, v2  }
0x15a: {  	s20 =	sshra.s32 s3, $0x2;
	s2 =	sor.u32 $0x1B080, s8;
	s21 =	sor.u32 s12, s15;
	v7 =	vld [tilespmem:s1+$0x0];
	v4 =	vadd.f32 v8, v4  }
0x15b: {  	s22 =	sor.u32 s4, s15;
	s15 =	sor.u32 s14, s15;
	s1 =	sor.u32 s11, s2;
	v8 =	vld [tilespmem:s16+$0x0];
	v3 =	vadd.f32 v9, v3;
	[tilespmem:s7+$0x0] =	vst v2  }
0x15c: {  	s23 =	sor.u32 s14, s2;
	s7 =	sor.u32 $0x1B100, s8;
	s16 =	sor.u32 s12, s2;
	v2 =	vld [tilespmem:s1+$0x0];
	[tilespmem:s9+$0x0] =	vst v4  }
0x15d: {  	s10 =	sor.u32 s4, s2;
	s8 =	sor.u32 s12, s7;
	s9 =	sor.u32 s11, s7;
	v9 =	vld [tilespmem:s17+$0x0];
	v4 =	vadd.f32 v5, v6;
	[tilespmem:s5+$0x18F00] =	vst v3  }
0x15e: {  	p0 =	slt.u32 s6, $0x240;
	s1 =	sor.u32 s4, s7;
	s2 =	sor.u32 s14, s7;
	v3 =	vld [tilespmem:s9+$0x0]  }
0x15f: {  	s7 =	smov.u32 s13;
	s5 =	smov.u32 s20;
	s9 =	smov.u32 s17;
	v5 =	vld [tilespmem:s19+$0x0];
	v4 =	vadd.f32 v7, v4  }
0x160: {  	v11 =	vld [tilespmem:s18+$0x0];
	v7 =	vadd.f32 v8, v10  }
0x161: {  	v10 =	vld [tilespmem:s5+$0x18F00];
	v2 =	vadd.f32 v2, v4  }
.Ltmp5:
0x162: {  	v6 =	vld [tilespmem:s21+$0x0];
	(pc) =	sbr.rel @p0 .LBB2_12-.Ltmp5, $4  }
0x163: {  	v4 =	vld [tilespmem:s15+$0x0];
	v12 =	vadd.f32 v3, v2  }
0x164: {  	v3 =	vld [tilespmem:s22+$0x0];
	v8 =	vadd.f32 v5, v9  }
0x165: {  	s4 =	simm.s32 $0x0;
	v2 =	vld [tilespmem:s16+$0x0];
	[tilespmem:s0+$0x0] =	vst v12  }
0x166: {  	v9 =	vadd.f32 v11, v10;
	v5 =	vld [tilespmem:s23+$0x0]  }
0x167: {  	v10 =	vld [tilespmem:s10+$0x0]  }
0x168: {  	v11 =	vld [tilespmem:s8+$0x0]  }
0x169: {  	v6 =	vadd.f32 v6, v7;
	v7 =	vld [tilespmem:s2+$0x0]  }
0x16a: {  	v4 =	vadd.f32 v4, v8;
	v8 =	vld [tilespmem:s1+$0x0]  }
0x16b: {  	v3 =	vadd.f32 v3, v9;
	v2 =	vadd.f32 v2, v6  }
0x16c: {  	v4 =	vadd.f32 v5, v4  }
0x16d: {  	v3 =	vadd.f32 v10, v3;
	v2 =	vadd.f32 v11, v2  }
0x16e: {  	s6 =	simm.s32 $0x0;
	v4 =	vadd.f32 v7, v4  }
0x16f: {  	s0 =	sand.u32 $0x40, s6;
	s8 =	sand.u32 $0x380, s6;
	v3 =	vadd.f32 v8, v3;
	[tilespmem:s7+$0x0] =	vst v2  }
0x170: {  	s3 =	sand.u32 $0xE00, s4;
	s1 =	sadd.s32 $0x18F00, s8;
	s10 =	sor.u32 $0x30, s0;
	[tilespmem:s9+$0x0] =	vst v4  }
0x171: {  	s15 =	sadd.s32 $0x1B980, s3;
	s13 =	sor.u32 s10, s1;
	[tilespmem:s5+$0x18F00] =	vst v3  }
0x172: {  	s8 =	sor.u32 $0x10, s0;
	s16 =	sor.u32 s10, s15;
	v2 =	vld [tilespmem:s13+$0x0]  }
0x173: {  	s17 =	sadd.s32 $0x1BA00, s3;
	s7 =	sor.u32 s8, s1;
	v3 =	vld [tilespmem:s16+$0x0]  }
0x174: {  	s18 =	sor.u32 s10, s17;
	v5 =	vld [tilespmem:s7+$0x0]  }
0x175: {  	s12 =	sadd.s32 $0x1BA80, s3;
	s11 =	sor.u32 s8, s15;
	v4 =	vld [tilespmem:s18+$0x0]  }
0x176: {  	s14 =	sor.u32 $0x20, s0;
	s19 =	sor.u32 s10, s12;
	v7 =	vld [tilespmem:s11+$0x0]  }
0x177: {  	s9 =	sor.u32 s14, s1;
	v6 =	vld [tilespmem:s19+$0x0]  }
0x178: {  	s20 =	sadd.s32 $0x1BB00, s3;
	s21 =	sor.u32 s14, s15;
	v8 =	vld [tilespmem:s9+$0x0]  }
0x179: {  	s2 =	sor.u32 s10, s20;
	v9 =	vld [tilespmem:s21+$0x0];
	v2 =	vadd.f32 v3, v2  }
0x17a: {  	s22 =	sor.u32 s0, s15;
	v3 =	vld [tilespmem:s2+$0x0]  }
0x17b: {  	s5 =	simm.s32 $0x0;
	v10 =	vld [tilespmem:s22+$0x0];
	v2 =	vadd.f32 v4, v2  }
0x17c: {  	s23 =	sor.u32 s8, s17;
	v11 =	vld [tilespmem:s5+$0x18F00]  }
0x17d: {  	s24 =	sor.u32 s14, s17;
	v2 =	vadd.f32 v6, v2;
	v6 =	vld [tilespmem:s23+$0x0]  }
0x17e: {  	s25 =	sor.u32 s0, s17;
	v4 =	vld [tilespmem:s24+$0x0]  }
0x17f: {  	s26 =	sor.u32 s8, s12;
	s15 =	sor.u32 s14, s12;
	v12 =	vadd.f32 v3, v2;
	v2 =	vld [tilespmem:s25+$0x0]  }
0x180: {  	s12 =	sor.u32 s0, s12;
	s10 =	sor.u32 s8, s20;
	s8 =	sor.u32 s0, s20;
	v7 =	vadd.f32 v7, v5;
	v3 =	vld [tilespmem:s26+$0x0]  }
0x181: {  	s0 =	simm.s32 $0x0;
	s1 =	simm.s32 $0x0;
	s11 =	sor.u32 s14, s20;
	v8 =	vadd.f32 v9, v8;
	v9 =	vadd.f32 v10, v11;
	v5 =	vld [tilespmem:s15+$0x0];
	[tilespmem:s13+$0x0] =	vst v12  }
.LBB2_14:
0x182: {  	s6 =	sadd.s32 $0x40, s6;
	v10 =	vld [tilespmem:s12+$0x0];
	v6 =	vadd.f32 v6, v7  }
0x183: {  	s1 =	sadd.s32 $0x100, s1;
	s13 =	sand.u32 $0x40, s6;
	s2 =	sand.u32 $0x380, s6;
	v7 =	vld [tilespmem:s10+$0x0];
	v4 =	vadd.f32 v4, v8  }
0x184: {  	s10 =	sand.u32 $0xE00, s1;
	s12 =	sadd.s32 $0x18F00, s2;
	s14 =	sor.u32 $0x30, s13;
	v2 =	vadd.f32 v2, v9;
	v8 =	vld [tilespmem:s11+$0x0]  }
0x185: {  	s11 =	sadd.s32 $0x1B980, s10;
	s15 =	sor.u32 $0x10, s13;
	s2 =	sor.u32 s14, s12;
	v9 =	vld [tilespmem:s8+$0x0];
	v3 =	vadd.f32 v3, v6  }
0x186: {  	s17 =	sor.u32 $0x20, s13;
	s16 =	sor.u32 s15, s12;
	s8 =	sor.u32 s14, s11;
	v6 =	vld [tilespmem:s2+$0x0];
	v4 =	vadd.f32 v5, v4  }
0x187: {  	s18 =	sadd.s32 $0x1BA00, s10;
	s19 =	sor.u32 s15, s11;
	s20 =	sor.u32 s17, s12;
	v5 =	vld [tilespmem:s8+$0x0];
	v2 =	vadd.f32 v10, v2  }
0x188: {  	s21 =	sor.u32 s13, s11;
	s22 =	sor.u32 s17, s11;
	s8 =	sor.u32 s14, s18;
	v10 =	vld [tilespmem:s16+$0x0];
	v3 =	vadd.f32 v7, v3  }
0x189: {  	s23 =	sshra.s32 s1, $0x2;
	s11 =	sadd.s32 $0x1BA80, s10;
	s24 =	sor.u32 s15, s18;
	v7 =	vld [tilespmem:s8+$0x0];
	v4 =	vadd.f32 v8, v4  }
0x18a: {  	s25 =	sor.u32 s13, s18;
	s18 =	sor.u32 s17, s18;
	s8 =	sor.u32 s14, s11;
	v8 =	vld [tilespmem:s19+$0x0];
	v2 =	vadd.f32 v9, v2;
	[tilespmem:s7+$0x0] =	vst v3  }
0x18b: {  	s26 =	sor.u32 s17, s11;
	s7 =	sadd.s32 $0x1BB00, s10;
	s19 =	sor.u32 s15, s11;
	v3 =	vld [tilespmem:s8+$0x0];
	[tilespmem:s9+$0x0] =	vst v4  }
0x18c: {  	s12 =	sor.u32 s13, s11;
	s10 =	sor.u32 s15, s7;
	s9 =	sor.u32 s14, s7;
	v9 =	vld [tilespmem:s20+$0x0];
	v4 =	vadd.f32 v5, v6;
	[tilespmem:s0+$0x18F00] =	vst v2  }
0x18d: {  	p0 =	slt.u32 s6, $0x240;
	s8 =	sor.u32 s13, s7;
	s11 =	sor.u32 s17, s7;
	v2 =	vld [tilespmem:s9+$0x0]  }
0x18e: {  	s7 =	smov.u32 s16;
	s0 =	smov.u32 s23;
	s9 =	smov.u32 s20;
	v5 =	vld [tilespmem:s22+$0x0];
	v4 =	vadd.f32 v7, v4  }
0x18f: {  	v11 =	vld [tilespmem:s21+$0x0];
	v7 =	vadd.f32 v8, v10  }
0x190: {  	v10 =	vld [tilespmem:s0+$0x18F00];
	v3 =	vadd.f32 v3, v4  }
.Ltmp6:
0x191: {  	v6 =	vld [tilespmem:s24+$0x0];
	(pc) =	sbr.rel @p0 .LBB2_14-.Ltmp6, $4  }
0x192: {  	v4 =	vld [tilespmem:s18+$0x0];
	v12 =	vadd.f32 v2, v3  }
0x193: {  	v2 =	vld [tilespmem:s25+$0x0];
	v8 =	vadd.f32 v5, v9  }
0x194: {  	v3 =	vld [tilespmem:s19+$0x0];
	[tilespmem:s2+$0x0] =	vst v12  }
0x195: {  	v9 =	vadd.f32 v11, v10;
	v5 =	vld [tilespmem:s26+$0x0]  }
0x196: {  	v10 =	vld [tilespmem:s12+$0x0]  }
0x197: {  	v11 =	vld [tilespmem:s10+$0x0]  }
0x198: {  	v6 =	vadd.f32 v6, v7;
	v7 =	vld [tilespmem:s11+$0x0]  }
0x199: {  	v4 =	vadd.f32 v4, v8;
	v8 =	vld [tilespmem:s8+$0x0]  }
0x19a: {  	v2 =	vadd.f32 v2, v9;
	v3 =	vadd.f32 v3, v6  }
0x19b: {  	v4 =	vadd.f32 v5, v4  }
0x19c: {  	v2 =	vadd.f32 v10, v2;
	v3 =	vadd.f32 v11, v3  }
0x19d: {  	s6 =	simm.s32 $0x0;
	v4 =	vadd.f32 v7, v4  }
0x19e: {  	s1 =	sand.u32 $0x40, s6;
	s2 =	sand.u32 $0x380, s6;
	v2 =	vadd.f32 v8, v2;
	[tilespmem:s7+$0x0] =	vst v3  }
0x19f: {  	s2 =	sadd.s32 $0x18F00, s2;
	s26 =	sor.u32 $0x30, s1;
	[tilespmem:s9+$0x0] =	vst v4  }
0x1a0: {  	s10 =	sadd.s32 $0x1C380, s3;
	s11 =	sor.u32 s26, s2;
	[tilespmem:s0+$0x18F00] =	vst v2  }
0x1a1: {  	s12 =	sor.u32 $0x10, s1;
	s15 =	sor.u32 s26, s10;
	v2 =	vld [tilespmem:s11+$0x0]  }
0x1a2: {  	s16 =	sadd.s32 $0x1C400, s3;
	s7 =	sor.u32 s12, s2;
	v3 =	vld [tilespmem:s15+$0x0]  }
0x1a3: {  	s17 =	sor.u32 s26, s16;
	v5 =	vld [tilespmem:s7+$0x0]  }
0x1a4: {  	s14 =	sadd.s32 $0x1C480, s3;
	s13 =	sor.u32 s12, s10;
	v4 =	vld [tilespmem:s17+$0x0]  }
0x1a5: {  	s18 =	sor.u32 s26, s14;
	v7 =	vld [tilespmem:s13+$0x0]  }
0x1a6: {  	s0 =	sor.u32 s1, s10;
	v6 =	vld [tilespmem:s18+$0x0]  }
0x1a7: {  	s19 =	sadd.s32 $0x1C500, s3;
	v10 =	vld [tilespmem:s0+$0x0]  }
0x1a8: {  	s20 =	sor.u32 s26, s19;
	s15 =	sor.u32 $0x20, s1;
	v11 =	vld [tilespmem:s5+$0x18F00];
	v2 =	vadd.f32 v3, v2  }
0x1a9: {  	s9 =	sor.u32 s15, s2;
	v3 =	vld [tilespmem:s20+$0x0]  }
0x1aa: {  	s21 =	sor.u32 s15, s10;
	v8 =	vld [tilespmem:s9+$0x0];
	v2 =	vadd.f32 v4, v2  }
0x1ab: {  	s22 =	sor.u32 s12, s16;
	v9 =	vld [tilespmem:s21+$0x0]  }
0x1ac: {  	s23 =	sor.u32 s15, s16;
	v2 =	vadd.f32 v6, v2;
	v6 =	vld [tilespmem:s22+$0x0]  }
0x1ad: {  	s24 =	sor.u32 s1, s16;
	v4 =	vld [tilespmem:s23+$0x0]  }
0x1ae: {  	s25 =	sor.u32 s12, s14;
	v12 =	vadd.f32 v3, v2;
	v2 =	vld [tilespmem:s24+$0x0]  }
0x1af: {  	s3 =	simm.s32 $0x18F20;
	s26 =	sor.u32 s15, s14;
	s10 =	sor.u32 s1, s14;
	v7 =	vadd.f32 v7, v5;
	v3 =	vld [tilespmem:s25+$0x0]  }
0x1b0: {  	s2 =	sor.u32 s12, s19;
	s1 =	sor.u32 s1, s19;
	s8 =	sor.u32 s15, s19;
	v5 =	vld [tilespmem:s26+$0x0];
	v8 =	vadd.f32 v9, v8;
	v9 =	vadd.f32 v10, v11;
	[tilespmem:s11+$0x0] =	vst v12  }
.LBB2_16:
0x1b1: {  	s6 =	sadd.s32 $0x40, s6;
	v10 =	vld [tilespmem:s10+$0x0];
	v6 =	vadd.f32 v6, v7  }
0x1b2: {  	s4 =	sadd.s32 $0x100, s4;
	s11 =	sand.u32 $0x40, s6;
	s0 =	sand.u32 $0x380, s6;
	v7 =	vld [tilespmem:s2+$0x0];
	v4 =	vadd.f32 v4, v8  }
0x1b3: {  	s2 =	sand.u32 $0xE00, s4;
	s10 =	sadd.s32 $0x18F00, s0;
	s12 =	sor.u32 $0x30, s11;
	v2 =	vadd.f32 v2, v9;
	v8 =	vld [tilespmem:s8+$0x0]  }
0x1b4: {  	s8 =	sadd.s32 $0x1C380, s2;
	s13 =	sor.u32 $0x10, s11;
	s0 =	sor.u32 s12, s10;
	v9 =	vld [tilespmem:s1+$0x0];
	v3 =	vadd.f32 v3, v6  }
0x1b5: {  	s15 =	sor.u32 $0x20, s11;
	s14 =	sor.u32 s13, s10;
	s1 =	sor.u32 s12, s8;
	v6 =	vld [tilespmem:s0+$0x0];
	v4 =	vadd.f32 v5, v4  }
0x1b6: {  	s16 =	sadd.s32 $0x1C400, s2;
	s17 =	sor.u32 s13, s8;
	s18 =	sor.u32 s15, s10;
	v5 =	vld [tilespmem:s1+$0x0];
	v2 =	vadd.f32 v10, v2  }
0x1b7: {  	s19 =	sor.u32 s11, s8;
	s20 =	sor.u32 s15, s8;
	s1 =	sor.u32 s12, s16;
	v10 =	vld [tilespmem:s14+$0x0];
	v3 =	vadd.f32 v7, v3  }
0x1b8: {  	s21 =	sshra.s32 s4, $0x2;
	s8 =	sadd.s32 $0x1C480, s2;
	s22 =	sor.u32 s13, s16;
	v7 =	vld [tilespmem:s1+$0x0];
	v4 =	vadd.f32 v8, v4  }
0x1b9: {  	s23 =	sor.u32 s11, s16;
	s16 =	sor.u32 s15, s16;
	s1 =	sor.u32 s12, s8;
	v8 =	vld [tilespmem:s17+$0x0];
	v2 =	vadd.f32 v9, v2;
	[tilespmem:s7+$0x0] =	vst v3  }
0x1ba: {  	s24 =	sor.u32 s15, s8;
	s7 =	sadd.s32 $0x1C500, s2;
	s17 =	sor.u32 s13, s8;
	v3 =	vld [tilespmem:s1+$0x0];
	[tilespmem:s9+$0x0] =	vst v4  }
0x1bb: {  	s10 =	sor.u32 s11, s8;
	s2 =	sor.u32 s13, s7;
	s9 =	sor.u32 s12, s7;
	v9 =	vld [tilespmem:s18+$0x0];
	v4 =	vadd.f32 v5, v6;
	[tilespmem:s5+$0x18F00] =	vst v2  }
0x1bc: {  	p0 =	slt.u32 s6, $0x240;
	s1 =	sor.u32 s11, s7;
	s8 =	sor.u32 s15, s7;
	v2 =	vld [tilespmem:s9+$0x0]  }
0x1bd: {  	s7 =	smov.u32 s14;
	s5 =	smov.u32 s21;
	s9 =	smov.u32 s18;
	v5 =	vld [tilespmem:s20+$0x0];
	v4 =	vadd.f32 v7, v4  }
0x1be: {  	v11 =	vld [tilespmem:s19+$0x0];
	v7 =	vadd.f32 v8, v10  }
0x1bf: {  	v10 =	vld [tilespmem:s5+$0x18F00];
	v3 =	vadd.f32 v3, v4  }
.Ltmp7:
0x1c0: {  	v6 =	vld [tilespmem:s22+$0x0];
	(pc) =	sbr.rel @p0 .LBB2_16-.Ltmp7, $4  }
0x1c1: {  	v4 =	vld [tilespmem:s16+$0x0];
	v12 =	vadd.f32 v2, v3  }
0x1c2: {  	v2 =	vld [tilespmem:s23+$0x0];
	v8 =	vadd.f32 v5, v9  }
0x1c3: {  	v3 =	vld [tilespmem:s17+$0x0];
	[tilespmem:s0+$0x0] =	vst v12  }
0x1c4: {  	v9 =	vadd.f32 v11, v10;
	v5 =	vld [tilespmem:s24+$0x0]  }
0x1c5: {  	v10 =	vld [tilespmem:s10+$0x0]  }
0x1c6: {  	v11 =	vld [tilespmem:s2+$0x0]  }
0x1c7: {  	v6 =	vadd.f32 v6, v7;
	v7 =	vld [tilespmem:s8+$0x0]  }
0x1c8: {  	v4 =	vadd.f32 v4, v8;
	v8 =	vld [tilespmem:s1+$0x0]  }
0x1c9: {  	v2 =	vadd.f32 v2, v9;
	v3 =	vadd.f32 v3, v6  }
0x1ca: {  	v4 =	vadd.f32 v5, v4  }
0x1cb: {  	v2 =	vadd.f32 v10, v2;
	v3 =	vadd.f32 v11, v3  }
0x1cc: {  	v4 =	vadd.f32 v7, v4  }
0x1cd: {  	v2 =	vadd.f32 v8, v2;
	[tilespmem:s7+$0x0] =	vst v3  }
0x1ce: {  	[tilespmem:s9+$0x0] =	vst v4  }
0x1cf: {  	[tilespmem:s5+$0x18F00] =	vst v2  }
0x1d0: {  	v15 =	vld [tilespmem:s3+$0xFFFFFFF0];
	_ =	sdelay $0x4  }
0x1d1: {  	v2 =	vshra.s32 v15, $0x1;
	v3 =	vmul.f32 $5.000000000e-01, v15  }
0x1d2: {  	v5 =	vsub.s32 $0x5F3759DF, v2  }
0x1d3: {  	v2 =	vmul.f32 v5, v3;
	_ =	sdelay $0x1  }
0x1d4: {  	v6 =	vmul.f32 v5, v2  }
0x1d5: {  	v2 =	vld [tilespmem:s3+$0xFFFFFFE0]  }
0x1d6: {  	v4 =	vld [tilespmem:s3+$0x10];
	v6 =	vsub.f32 $1.500000000e+00, v6;
	_ =	sdelay $0x1  }
0x1d7: {  	v5 =	vmul.f32 v5, v6;
	_ =	sdelay $0x1  }
0x1d8: {  	v7 =	vshra.s32 v2, $0x1;
	v6 =	vmul.f32 $5.000000000e-01, v2;
	v8 =	vmul.f32 v5, v3  }
0x1d9: {  	v9 =	vshra.s32 v4, $0x1;
	v16 =	vmul.f32 $5.000000000e-01, v4;
	v10 =	vsub.s32 $0x5F3759DF, v7  }
0x1da: {  	v9 =	vsub.s32 $0x5F3759DF, v9;
	v7 =	vmul.f32 v10, v6;
	v11 =	vmul.f32 v8, v5  }
0x1db: {  	v12 =	vmul.f32 v9, v16;
	v8 =	vld [tilespmem:s3+$0x0]  }
0x1dc: {  	s4 =	simm.s32 $0x18F60;
	v13 =	vmul.f32 v10, v7;
	v11 =	vsub.f32 $1.500000000e+00, v11  }
0x1dd: {  	v12 =	vmul.f32 v9, v12;
	v7 =	vld [tilespmem:s4+$0xFFFFFFF0]  }
0x1de: {  	v13 =	vsub.f32 $1.500000000e+00, v13;
	v11 =	vmul.f32 v11, v5  }
0x1df: {  	v5 =	vsub.f32 $1.500000000e+00, v12  }
0x1e0: {  	v14 =	vshra.s32 v8, $0x1;
	v12 =	vmul.f32 v10, v13;
	v13 =	vmul.f32 v11, v3  }
0x1e1: {  	v10 =	vmul.f32 $5.000000000e-01, v8;
	v17 =	vmul.f32 v9, v5;
	v5 =	vld [tilespmem:s4+$0x10];
	v18 =	vsub.s32 $0x5F3759DF, v14  }
0x1e2: {  	v3 =	vld [tilespmem:s4+$0xFFFFFFE0];
	v14 =	vmul.f32 $5.000000000e-01, v7;
	v9 =	vmul.f32 v13, v11;
	v13 =	vshra.s32 v7, $0x1  }
0x1e3: {  	v20 =	vmul.f32 v18, v10;
	v19 =	vmul.f32 v17, v16;
	v21 =	vsub.s32 $0x5F3759DF, v13  }
0x1e4: {  	v22 =	vmul.f32 v12, v6;
	v9 =	vsub.f32 $1.500000000e+00, v9;
	v13 =	vmul.f32 v21, v14  }
0x1e5: {  	v20 =	vmul.f32 v18, v20;
	v19 =	vmul.f32 v19, v17  }
0x1e6: {  	v23 =	vshra.s32 v5, $0x1;
	v24 =	vmul.f32 v9, v11;
	v9 =	vmul.f32 v21, v13  }
0x1e7: {  	v25 =	vshra.s32 v3, $0x1;
	v11 =	vmul.f32 $5.000000000e-01, v5;
	v13 =	vmul.f32 $5.000000000e-01, v3  }
0x1e8: {  	v23 =	vsub.s32 $0x5F3759DF, v23;
	v25 =	vsub.s32 $0x5F3759DF, v25;
	v26 =	vsub.f32 $1.500000000e+00, v9  }
0x1e9: {  	v27 =	vmul.f32 v23, v11;
	v28 =	vmul.f32 v25, v13  }
0x1ea: {  	v22 =	vmul.f32 v22, v12;
	v20 =	vsub.f32 $1.500000000e+00, v20;
	v9 =	vld [tilespmem:s4+$0x0];
	v26 =	vmul.f32 v21, v26  }
0x1eb: {  	v21 =	vsub.f32 $1.500000000e+00, v19;
	v28 =	vmul.f32 v25, v28;
	v27 =	vmul.f32 v23, v27  }
0x1ec: {  	vm0 =	vgt.f32 v15, $0.0e+00;
	v19 =	vmul.f32 v18, v20;
	v15 =	vmul.f32 v26, v14  }
0x1ed: {  	v20 =	vsub.f32 $1.500000000e+00, v28;
	v27 =	vsub.f32 $1.500000000e+00, v27;
	v17 =	vmul.f32 v21, v17  }
0x1ee: {  	v24 =	vnsel vm0, $0x0, v24;
	v29 =	vmul.f32 v19, v10;
	v63 =	vmul.f32 v15, v26  }
0x1ef: {  	v18 =	vshra.s32 v9, $0x1;
	v21 =	vmul.f32 v25, v20;
	v15 =	vmul.f32 v23, v27  }
0x1f0: {  	v25 =	vmul.f32 v29, v19;
	v27 =	vmul.f32 v17, v16;
	v20 =	vsub.f32 $1.500000000e+00, v63  }
0x1f1: {  	v23 =	vsub.f32 $1.500000000e+00, v22;
	v16 =	vmul.f32 $5.000000000e-01, v9;
	v22 =	vmul.f32 v15, v11  }
0x1f2: {  	s0 =	simm.s32 $0x40;
	s5 =	simm.s32 $0x18FA0;
	[tilespmem:s3+$0xFFFFFFF0] =	vst v24;
	v25 =	vsub.f32 $1.500000000e+00, v25;
	v24 =	vmul.f32 v27, v17;
	v20 =	vmul.f32 v20, v26  }
.LBB2_18:
0x1f3: {  	v26 =	vld [tilespmem:s5+$0xFFFFFFF0];
	s0 =	sadd.s32 $0x40, s0;
	v27 =	vmul.f32 v21, v13;
	v23 =	vmul.f32 v23, v12;
	vm0 =	vgt.f32 v8, $0.0e+00;
	v8 =	vmovc v9;
	v12 =	vmovc v21  }
0x1f4: {  	v28 =	vsub.s32 $0x5F3759DF, v18;
	v21 =	vld [tilespmem:s5+$0x10];
	p0 =	slt.u32 s0, $0x240;
	v14 =	vmul.f32 v20, v14;
	v25 =	vmul.f32 v25, v19  }
0x1f5: {  	v18 =	vmul.f32 v28, v16;
	v19 =	vsub.f32 $1.500000000e+00, v24;
	v29 =	vld [tilespmem:s5+$0xFFFFFFE0];
	v27 =	vmul.f32 v27, v12  }
0x1f6: {  	vm1 =	vgt.f32 v4, $0.0e+00;
	v4 =	vmovc v5;
	v24 =	vmul.f32 v23, v6;
	v6 =	vmovc v13;
	v9 =	vld [tilespmem:s5+$0x0];
	v14 =	vmul.f32 v14, v20  }
0x1f7: {  	vm2 =	vgt.f32 v7, $0.0e+00;
	v30 =	vmul.f32 v22, v15;
	v13 =	vmul.f32 v28, v18  }
0x1f8: {  	v17 =	vmul.f32 v19, v17;
	v18 =	vshra.s32 v26, $0x1;
	v22 =	vsub.f32 $1.500000000e+00, v14;
	v7 =	vmovc v26  }
0x1f9: {  	v26 =	vsub.f32 $1.500000000e+00, v30;
	v14 =	vmul.f32 $5.000000000e-01, v7;
	v19 =	vshra.s32 v21, $0x1;
	v5 =	vmovc v21  }
0x1fa: {  	v30 =	vsub.s32 $0x5F3759DF, v18;
	v21 =	vshra.s32 v29, $0x1;
	v20 =	vmul.f32 v22, v20  }
0x1fb: {  	v31 =	vsub.s32 $0x5F3759DF, v19;
	v19 =	vmul.f32 v24, v23;
	v22 =	vmul.f32 v30, v14  }
0x1fc: {  	v32 =	vmul.f32 v25, v10;
	v10 =	vmovc v16;
	v24 =	vmul.f32 $5.000000000e-01, v5;
	v18 =	vshra.s32 v9, $0x1  }
0x1fd: {  	v33 =	vsub.f32 $1.500000000e+00, v19;
	v16 =	vmul.f32 v30, v22;
	v22 =	vsub.f32 $1.500000000e+00, v13  }
0x1fe: {  	v32 =	vmul.f32 v32, v25;
	v21 =	vsub.s32 $0x5F3759DF, v21;
	v13 =	vmul.f32 $5.000000000e-01, v29  }
0x1ff: {  	v34 =	vmul.f32 v31, v24;
	v16 =	vsub.f32 $1.500000000e+00, v16;
	v19 =	vmul.f32 v28, v22  }
0x200: {  	v17 =	vnsel vm1, $0x0, v17;
	v22 =	vmul.f32 v21, v13;
	v28 =	vsub.f32 $1.500000000e+00, v32  }
0x201: {  	v30 =	vmul.f32 v30, v16;
	v16 =	vnsel vm2, $0x0, v20;
	v20 =	vmul.f32 v33, v23;
	[tilespmem:s3+$0x10] =	vst v17  }
0x202: {  	vm1 =	vgt.f32 v2, $0.0e+00;
	v2 =	vmovc v3;
	v17 =	vmul.f32 v21, v22;
	v22 =	vmul.f32 v31, v34;
	[tilespmem:s4+$0xFFFFFFF0] =	vst v16  }
0x203: {  	v3 =	vmovc v29;
	v23 =	vmul.f32 v28, v25;
	v16 =	vmul.f32 v30, v14;
	v20 =	vnsel vm1, $0x0, v20  }
0x204: {  	v25 =	vsub.f32 $1.500000000e+00, v17;
	v22 =	vsub.f32 $1.500000000e+00, v22;
	v17 =	vmul.f32 v26, v15;
	[tilespmem:s3+$0xFFFFFFE0] =	vst v20  }
.Ltmp8:
0x205: {  	v26 =	vnsel vm0, $0x0, v23;
	v20 =	vmul.f32 v19, v10;
	v16 =	vmul.f32 v16, v30;
	(pc) =	sbr.rel @p0 .LBB2_18-.Ltmp8, $4  }
0x206: {  	v23 =	vsub.f32 $1.500000000e+00, v27;
	v21 =	vmul.f32 v21, v25;
	v15 =	vmul.f32 v31, v22;
	[tilespmem:s3+$0x0] =	vst v26;
	s3 =	smov.u32 s4;
	s4 =	smov.u32 s5  }
0x207: {  	v27 =	vmul.f32 v17, v11;
	v11 =	vmovc v24;
	v26 =	vmul.f32 v20, v19;
	v25 =	vsub.f32 $1.500000000e+00, v16  }
0x208: {  	v16 =	vmul.f32 $5.000000000e-01, v9;
	v22 =	vmul.f32 v15, v11  }
0x209: {  	s5 =	sadd.s32 $0x40, s5;
	v24 =	vmul.f32 v27, v17;
	v20 =	vmul.f32 v25, v30;
	v25 =	vsub.f32 $1.500000000e+00, v26  }
0x20a: {  	v18 =	vsub.s32 $0x5F3759DF, v18  }
0x20b: {  	v26 =	vmul.f32 v18, v16;
	_ =	sdelay $0x1  }
0x20c: {  	v26 =	vmul.f32 v18, v26;
	_ =	sdelay $0x1  }
0x20d: {  	v26 =	vsub.f32 $1.500000000e+00, v26  }
0x20e: {  	v12 =	vmul.f32 v23, v12  }
0x20f: {  	v60 =	vmul.f32 v21, v13;
	v18 =	vmul.f32 v18, v26  }
0x210: {  	vm0 =	vgt.f32 v8, $0.0e+00;
	v8 =	vmul.f32 v22, v15;
	v14 =	vmul.f32 v20, v14  }
0x211: {  	vm1 =	vgt.f32 v4, $0.0e+00;
	v19 =	vmul.f32 v25, v19;
	v61 =	vmul.f32 v18, v16  }
0x212: {  	v24 =	vsub.f32 $1.500000000e+00, v24;
	v23 =	vmul.f32 v60, v21;
	v6 =	vmul.f32 v12, v6  }
0x213: {  	v4 =	vsub.f32 $1.500000000e+00, v8;
	v14 =	vmul.f32 v14, v20;
	v8 =	vmul.f32 v61, v18  }
0x214: {  	v17 =	vmul.f32 v24, v17;
	v10 =	vmul.f32 v19, v10;
	v62 =	vsub.f32 $1.500000000e+00, v23  }
0x215: {  	v6 =	vmul.f32 v6, v12;
	v4 =	vmul.f32 v4, v15;
	v8 =	vsub.f32 $1.500000000e+00, v8  }
0x216: {  	v14 =	vsub.f32 $1.500000000e+00, v14;
	v10 =	vmul.f32 v10, v19;
	v15 =	vmul.f32 v62, v21  }
0x217: {  	vm2 =	vgt.f32 v7, $0.0e+00;
	v7 =	vmul.f32 v4, v11;
	v8 =	vmul.f32 v8, v18  }
0x218: {  	vm12 =	vgt.f32 v2, $0.0e+00;
	v11 =	vmul.f32 v14, v20;
	v13 =	vmul.f32 v15, v13  }
0x219: {  	v6 =	vsub.f32 $1.500000000e+00, v6;
	v7 =	vmul.f32 v7, v4;
	v14 =	vmul.f32 v8, v16  }
0x21a: {  	v63 =	vnsel vm1, $0x0, v17;
	v10 =	vsub.f32 $1.500000000e+00, v10;
	v13 =	vmul.f32 v13, v15  }
0x21b: {  	v6 =	vmul.f32 v6, v12;
	v7 =	vsub.f32 $1.500000000e+00, v7;
	v12 =	vmul.f32 v14, v8  }
0x21c: {  	[tilespmem:s3+$0x10] =	vst v63;
	v11 =	vnsel vm2, $0x0, v11;
	v2 =	vmul.f32 v10, v19;
	v10 =	vsub.f32 $1.500000000e+00, v13  }
0x21d: {  	[tilespmem:s4+$0xFFFFFFF0] =	vst v11;
	v6 =	vnsel vm12, $0x0, v6;
	v4 =	vmul.f32 v7, v4;
	v7 =	vsub.f32 $1.500000000e+00, v12  }
0x21e: {  	vm13 =	vgt.f32 v5, $0.0e+00;
	[tilespmem:s3+$0xFFFFFFE0] =	vst v6;
	v2 =	vnsel vm0, $0x0, v2;
	v5 =	vmul.f32 v10, v15  }
0x21f: {  	vm14 =	vgt.f32 v3, $0.0e+00;
	[tilespmem:s3+$0x0] =	vst v2;
	v2 =	vnsel vm13, $0x0, v4;
	v3 =	vmul.f32 v7, v8  }
0x220: {  	vm15 =	vgt.f32 v9, $0.0e+00;
	[tilespmem:s4+$0x10] =	vst v2;
	v2 =	vnsel vm14, $0x0, v5  }
0x221: {  	[tilespmem:s4+$0xFFFFFFE0] =	vst v2;
	v2 =	vnsel vm15, $0x0, v3  }
0x222: {  	[tilespmem:s4+$0x0] =	vst v2  }
0x223: {  	s0 =	sld [smem:$0x7F3]  }
0x224: {  	s1 =	simm.s32 $0x80;
	s2 =	simm.s32 $0x100  }
0x225: {  	s26 =	simm.s32 $0x18F00;
	s6 =	simm.s32 $0x0;
	s3 =	simm.s32 $0x0  }
0x226: {  	[hbm4b:s0+s1] =	stream.strided.scatter [tilespmem:s26], [sflag:$0x2], $0x280, s2, s1, $0x38;
	[tilespmem:$0x1D780] =	vst v63  }
0x227: {  	s4 =	sand.u32 $0x40, s3;
	s0 =	sand.u32 $0x380, s3;
	_ =	swait.ge [sflag:s30], $0x280  }
0x228: {  	s7 =	sor.u32 $0x30, s4;
	s0 =	sadd.s32 $0x18F00, s0;
	[sflag:s30] =	ssyncset.done $0x0  }
0x229: {  	s8 =	sand.u32 $0xE00, s6;
	s9 =	sor.u32 s7, s0;
	[sflag:s30] =	ssyncadd.s32 $0xFFFFFD80  }
0x22a: {  	s3 =	sor.u32 s7, s8;
	v5 =	vld [tilespmem:s9+$0x0]  }
0x22b: {  	s10 =	sor.u32 $0x10, s4;
	v3 =	vld [tilespmem:s3+$0x19180]  }
0x22c: {  	s5 =	sor.u32 s10, s0;
	v4 =	vld [tilespmem:s3+$0x19200]  }
0x22d: {  	s6 =	sor.u32 s10, s8;
	v7 =	vld [tilespmem:s5+$0x0]  }
0x22e: {  	s11 =	sor.u32 $0x20, s4;
	v6 =	vld [tilespmem:s6+$0x19180]  }
0x22f: {  	p0 =	por $0x0, $0x0;
	s0 =	sor.u32 s11, s0;
	s5 =	simm.s32 $0x1;
	v8 =	vld [tilespmem:s6+$0x19200]  }
0x230: {  	s7 =	sor.u32 s11, s8;
	v2 =	vld [tilespmem:s0+$0x0];
	s5 =	simm.s32 @!p0 $0x0  }
0x231: {  	v9 =	vld [tilespmem:s7+$0x19180];
	s12 =	sshll.u32 s5, $0x6;
	v3 =	vmul.f32 v3, v5  }
0x232: {  	s13 =	sor.u32 s4, s8;
	v10 =	vld [tilespmem:s7+$0x19200];
	s1 =	sadd.s32 $0x0, s12;
	v4 =	vmul.f32 v4, v5  }
0x233: {  	s15 =	simm.s32 $0x0;
	v11 =	vld [tilespmem:s13+$0x19180];
	s14 =	sadd.s32 $0x30, s1;
	[tilespmem:s3+$0x19B80] =	vst v3;
	v3 =	vmul.f32 v6, v7  }
0x234: {  	s4 =	simm.s32 $0x100;
	s2 =	sor.u32 $0x100, s14;
	[tilespmem:s3+$0x19C00] =	vst v4;
	v4 =	vmul.f32 v8, v7;
	s3 =	simm.s32 $0x40;
	v8 =	vld [tilespmem:s13+$0x19200]  }
0x235: {  	s16 =	sadd.s32 $0x10, s1;
	v6 =	vld [tilespmem:s2+$0x19180];
	s17 =	sand.u32 $0x40, s3;
	s8 =	sand.u32 $0x380, s3;
	[tilespmem:s6+$0x19B80] =	vst v3  }
0x236: {  	s10 =	sor.u32 $0x100, s16;
	v3 =	vld [tilespmem:s15+$0x18F00];
	[tilespmem:s6+$0x19C00] =	vst v4;
	s18 =	sadd.s32 $0x18F00, s8;
	s19 =	sor.u32 $0x30, s17  }
0x237: {  	s11 =	sand.u32 $0xE00, s4;
	v12 =	vld [tilespmem:s10+$0x19180];
	s9 =	sor.u32 s19, s18  }
0x238: {  	s8 =	sor.u32 s19, s11;
	v4 =	vld [tilespmem:s9+$0x0]  }
0x239: {  	v10 =	vmul.f32 v10, v2;
	s20 =	sor.u32 $0x10, s17;
	v13 =	vld [tilespmem:s8+$0x19180]  }
0x23a: {  	v9 =	vmul.f32 v9, v2;
	v14 =	vld [tilespmem:s8+$0x19200];
	s9 =	sor.u32 s20, s11  }
0x23b: {  	[tilespmem:s7+$0x19C00] =	vst v10;
	s12 =	sor.u32 s20, s18;
	v10 =	vld [tilespmem:s9+$0x19180];
	v6 =	vmul.f32 v6, v5  }
0x23c: {  	p0 =	por !p0, !p0;
	[tilespmem:s7+$0x19B80] =	vst v9;
	s21 =	sor.u32 $0x20, s17;
	v5 =	vld [tilespmem:s12+$0x0];
	s12 =	simm.s32 $0x1;
	v9 =	vmul.f32 v11, v3  }
0x23d: {  	s6 =	sor.u32 s21, s18;
	v15 =	vld [tilespmem:s9+$0x19200];
	v8 =	vmul.f32 v8, v3;
	s12 =	simm.s32 @!p0 $0x0;
	[tilespmem:s2+$0x19B80] =	vst v6  }
0x23e: {  	s7 =	sor.u32 s21, s11;
	s22 =	sshll.u32 s12, $0x6;
	v6 =	vld [tilespmem:s6+$0x0];
	[tilespmem:s13+$0x19B80] =	vst v9;
	v11 =	vmul.f32 v13, v4  }
0x23f: {  	[tilespmem:s13+$0x19C00] =	vst v8;
	s12 =	sadd.s32 $0x100, s22;
	v8 =	vld [tilespmem:s7+$0x19180];
	v13 =	vmul.f32 v14, v4  }
0x240: {  	s23 =	sadd.s32 $0x20, s1;
	s0 =	sor.u32 s17, s11;
	v12 =	vmul.f32 v12, v7;
	v9 =	vld [tilespmem:s7+$0x19200];
	s24 =	sadd.s32 $0x30, s12;
	[tilespmem:s8+$0x19B80] =	vst v11  }
0x241: {  	s5 =	sor.u32 $0x100, s1;
	s6 =	sor.u32 $0x100, s23;
	v7 =	vld [tilespmem:s0+$0x19180];
	v14 =	vmul.f32 v10, v5;
	[tilespmem:s8+$0x19C00] =	vst v13;
	s2 =	sor.u32 $0x100, s24  }
0x242: {  	[tilespmem:s10+$0x19B80] =	vst v12;
	s25 =	sadd.s32 $0x10, s12;
	s26 =	sadd.s32 $0x20, s12;
	s10 =	sor.u32 $0x100, s12;
	v12 =	vmul.f32 v15, v5;
	v11 =	vld [tilespmem:s2+$0x19180]  }
0x243: {  	s8 =	simm.s32 $0x40;
	s1 =	sor.u32 $0x100, s25;
	s11 =	sor.u32 $0x100, s26;
	v10 =	vld [tilespmem:s0+$0x19200];
	[tilespmem:s9+$0x19B80] =	vst v14  }
.LBB2_20:
0x244: {  	s3 =	sadd.s32 $0x40, s3;
	v13 =	vld [tilespmem:s8+$0x18F00];
	[tilespmem:s9+$0x19C00] =	vst v12;
	v8 =	vmul.f32 v8, v6  }
0x245: {  	s12 =	sand.u32 $0x40, s3;
	s8 =	sand.u32 $0x380, s3;
	v12 =	vld [tilespmem:s1+$0x19180];
	v9 =	vmul.f32 v9, v6  }
0x246: {  	s4 =	sadd.s32 $0x100, s4;
	s8 =	sadd.s32 $0x18F00, s8;
	s9 =	sor.u32 $0x30, s12;
	[tilespmem:s7+$0x19B80] =	vst v8;
	v8 =	vld [tilespmem:s6+$0x19180]  }
0x247: {  	s13 =	sand.u32 $0xE00, s4;
	s14 =	sor.u32 $0x10, s12;
	s15 =	sor.u32 s9, s8;
	[tilespmem:s7+$0x19C00] =	vst v9;
	v9 =	vmul.f32 v11, v4;
	v11 =	vld [tilespmem:s5+$0x19180]  }
0x248: {  	s16 =	sor.u32 s14, s8;
	s7 =	sor.u32 $0x20, s12;
	v4 =	vld [tilespmem:s15+$0x0];
	s15 =	sor.u32 s9, s13  }
0x249: {  	s9 =	sor.u32 s14, s13;
	s14 =	sor.u32 s7, s8;
	s7 =	sor.u32 s7, s13;
	v14 =	vld [tilespmem:s15+$0x19180];
	v7 =	vmul.f32 v7, v13;
	v10 =	vmul.f32 v10, v13;
	[tilespmem:s2+$0x19B80] =	vst v9  }
0x24a: {  	p1 =	slt.u32 s3, $0x240;
	s8 =	sshra.s32 s4, $0x2;
	s2 =	sor.u32 s12, s13;
	v9 =	vld [tilespmem:s15+$0x19200];
	v12 =	vmul.f32 v12, v5  }
0x24b: {  	v5 =	vld [tilespmem:s16+$0x0];
	[tilespmem:s0+$0x19B80] =	vst v7;
	v7 =	vmul.f32 v8, v2;
	v2 =	vmov v6  }
0x24c: {  	p0 =	por !p0, !p0;
	v15 =	vld [tilespmem:s9+$0x19180];
	[tilespmem:s0+$0x19C00] =	vst v10;
	v10 =	vmul.f32 v11, v3;
	v3 =	vmov v13;
	s0 =	smov.u32 s2;
	s2 =	simm.s32 $0x1  }
0x24d: {  	s2 =	simm.s32 @!p0 $0x0;
	v11 =	vld [tilespmem:s9+$0x19200];
	[tilespmem:s1+$0x19B80] =	vst v12  }
0x24e: {  	s1 =	sshll.u32 s2, $0x6;
	v6 =	vld [tilespmem:s14+$0x0];
	v12 =	vmul.f32 v14, v4;
	[tilespmem:s6+$0x19B80] =	vst v7;
	s6 =	smov.u32 s11  }
.Ltmp9:
0x24f: {  	s12 =	sadd.s32 s1, s4;
	v8 =	vld [tilespmem:s7+$0x19180];
	v13 =	vmul.f32 v9, v4;
	[tilespmem:s5+$0x19B80] =	vst v10;
	s5 =	smov.u32 s10;
	(pc) =	sbr.rel @p1 .LBB2_20-.Ltmp9, $4  }
0x250: {  	s1 =	sadd.s32 $0x10, s12;
	v9 =	vld [tilespmem:s7+$0x19200];
	s2 =	sadd.s32 $0x20, s12;
	[tilespmem:s15+$0x19B80] =	vst v12;
	s10 =	sadd.s32 $0x30, s12  }
0x251: {  	v7 =	vld [tilespmem:s0+$0x19180];
	v14 =	vmul.f32 v15, v5;
	s1 =	sor.u32 $0x100, s1;
	s11 =	sor.u32 $0x100, s2;
	[tilespmem:s15+$0x19C00] =	vst v13;
	s2 =	sor.u32 $0x100, s10  }
0x252: {  	s10 =	sor.u32 $0x100, s12;
	v12 =	vmul.f32 v11, v5;
	v11 =	vld [tilespmem:s2+$0x19180]  }
0x253: {  	v10 =	vld [tilespmem:s0+$0x19200];
	[tilespmem:s9+$0x19B80] =	vst v14  }
0x254: {  	v13 =	vld [tilespmem:s8+$0x18F00];
	_ =	sdelay $0x2  }
0x255: {  	v8 =	vmul.f32 v8, v6  }
0x256: {  	[tilespmem:s9+$0x19C00] =	vst v12;
	v9 =	vmul.f32 v9, v6  }
0x257: {  	v12 =	vld [tilespmem:s1+$0x19180];
	[tilespmem:s7+$0x19B80] =	vst v8;
	v7 =	vmul.f32 v7, v13  }
0x258: {  	v8 =	vld [tilespmem:s6+$0x19180];
	[tilespmem:s7+$0x19C00] =	vst v9;
	v9 =	vmul.f32 v10, v13  }
0x259: {  	v10 =	vld [tilespmem:s5+$0x19180];
	[tilespmem:s0+$0x19B80] =	vst v7  }
0x25a: {  	[tilespmem:s0+$0x19C00] =	vst v9;
	v7 =	vld [tilespmem:s11+$0x19180]  }
0x25b: {  	v4 =	vmul.f32 v11, v4;
	v9 =	vld [tilespmem:s10+$0x19180]  }
0x25c: {  	v5 =	vmul.f32 v12, v5  }
0x25d: {  	[tilespmem:s2+$0x19B80] =	vst v4;
	v2 =	vmul.f32 v8, v2  }
0x25e: {  	[tilespmem:s1+$0x19B80] =	vst v5;
	v3 =	vmul.f32 v10, v3  }
0x25f: {  	[tilespmem:s6+$0x19B80] =	vst v2;
	v2 =	vmul.f32 v7, v6  }
0x260: {  	[tilespmem:s5+$0x19B80] =	vst v3;
	v3 =	vmul.f32 v9, v13  }
0x261: {  	[tilespmem:s11+$0x19B80] =	vst v2  }
0x262: {  	[tilespmem:s10+$0x19B80] =	vst v3  }
0x263: {  	s0 =	sld [smem:$0x7F4];
	_ =	sdelay $0x1  }
0x264: {  	s25 =	simm.s32 $0x19B80  }
0x265: {  	[hbm4b:s0+s28] =	stream.linear.scatter [tilespmem:s25], [sflag:$0x2], $0xA00, $0x38;
	[tilespmem:$0x1D780] =	vst v63  }
0x266: {  	_ =	swait.ge [sflag:s30], $0xA00  }
0x267: {  	[sflag:s30] =	ssyncset.done $0x0  }
0x268: {  	[sflag:s30] =	ssyncadd.s32 $0xFFFFF600  }
0x269: {  	[bflag:$0x0] =	sbarrier.arrive $0xFFFF  }
0x26a: {  	s26 =	sld [smem:$0x7F5];
	_ =	sdelay $0x2  }
0x26b: {  	[tilespmem:s31], [sflag:$0x2] =	stream.linear.gather [hbm4b:s26+s28], $0xA000, $0x38;
	[tilespmem:$0x1D780] =	vst v63  }
0x26c: {  	_ =	swait.ge [sflag:s30], $0xA000  }
0x26d: {  	[sflag:s30] =	ssyncset.done $0x0  }
0x26e: {  	s4 =	simm.s32 $0x40;
	[sflag:s30] =	ssyncadd.s32 $0xFFFF6000  }
0x26f: {  	s3 =	simm.s32 $0x27C0;
	v4 =	vld [tilespmem:s4+$0xFFFFFFC0]  }
0x270: {  	v5 =	vld [tilespmem:s3+$0x30]  }
0x271: {  	v6 =	vld [tilespmem:s4+$0x30]  }
0x272: {  	v7 =	vld [tilespmem:s3+$0xFFFFFFC0]  }
0x273: {  	v8 =	vld [tilespmem:s4+$0x20]  }
0x274: {  	v15 =	vld [tilespmem:s3+$0x20]  }
0x275: {  	v21 =	vld [tilespmem:s4+$0x0]  }
0x276: {  	v2 =	vshll.u32 v4, $0x2  }
0x277: {  	v3 =	vand.u32 $0x7F, v4;
	v10 =	vshll.u32 v5, $0x2;
	v13 =	vshll.u32 v6, $0x2  }
0x278: {  	v22 =	vld [tilespmem:s3+$0x0];
	v17 =	vand.u32 $0x7F, v5;
	v18 =	vand.u32 $0x7F, v7;
	v2 =	vand.u32 $0xFFFFFE00, v2  }
0x279: {  	v11 =	vld [tilespmem:s4+$0x10];
	vm5 =	vne.s32 v4, v7;
	vm1 =	vne.s32 v6, v5;
	v16 =	vor.u32 v3, v2  }
0x27a: {  	v5 =	vshll.u32 v8, $0x2;
	vm0 =	vne.s32 v8, v15;
	v23 =	vshll.u32 v21, $0x2  }
0x27b: {  	v9 =	vld [tilespmem:s3+$0xFFFFFFD0];
	v13 =	vand.u32 $0xFFFFFE00, v13;
	v2 =	vand.u32 $0xFFFFFE00, v10;
	v10 =	vand.u32 $0x7F, v6  }
0x27c: {  	v26 =	vshll.u32 v15, $0x2;
	v3 =	vld [tilespmem:s4+$0xFFFFFFF0];
	v19 =	vor.u32 v10, v13;
	v10 =	vshll.u32 v7, $0x2  }
0x27d: {  	v14 =	vld [tilespmem:s4+$0xFFFFFFE0];
	vm4 =	vne.s32 v21, v22;
	v5 =	vand.u32 $0xFFFFFE00, v5;
	v4 =	vand.u32 $0xFFFFFE00, v10  }
0x27e: {  	v2 =	vor.u32 v17, v2;
	v7 =	vshll.u32 v11, $0x2;
	v18 =	vor.u32 v18, v4;
	v6 =	vld.idx.msk [tilespmem:v16+s31+$0x0], $0xffff  }
0x27f: {  	v12 =	vld [tilespmem:s4+$0xFFFFFFD0];
	v31 =	vor.u32 $0x100, v16;
	v4 =	vand.u32 $0x7F, v8;
	v8 =	vor.u32 $0x80, v16  }
0x280: {  	v25 =	vld [tilespmem:s3+$0xFFFFFFE0];
	v10 =	vor.u32 v4, v5;
	v4 =	vand.u32 $0x7F, v11;
	v5 =	vand.u32 $0xFFFFFE00, v7  }
0x281: {  	v17 =	vld [tilespmem:s3+$0x10];
	v27 =	vor.u32 $0x80, v19;
	v24 =	vshll.u32 v3, $0x2;
	v7 =	vor.u32 v4, v5  }
0x282: {  	v4 =	vand.u32 $0xFFFFFE00, v23;
	v5 =	vshll.u32 v14, $0x2;
	v23 =	vand.u32 $0x7F, v21;
	v20 =	vld.idx.msk [tilespmem:v19+s31+$0x0], $0xffff  }
0x283: {  	v5 =	vand.u32 $0xFFFFFE00, v5;
	v4 =	vor.u32 v23, v4;
	[tilespmem:v18+s29+$0x0] =	vst.idx.add.f32.msk vm5, v6;
	v6 =	vand.u32 $0x7F, v14  }
0x284: {  	v5 =	vor.u32 v6, v5;
	v28 =	vld.idx.msk [tilespmem:v8+s31+$0x0], $0xffff;
	v6 =	vand.u32 $0x7F, v15;
	v8 =	vand.u32 $0xFFFFFE00, v26  }
0x285: {  	v29 =	vand.u32 $0x7F, v3;
	v16 =	vshll.u32 v22, $0x2;
	v23 =	vld.idx.msk [tilespmem:v10+s31+$0x0], $0xffff;
	v15 =	vor.u32 v6, v8  }
0x286: {  	v13 =	vld [tilespmem:s3+$0xFFFFFFF0];
	v22 =	vand.u32 $0x7F, v22;
	v24 =	vand.u32 $0xFFFFFE00, v24;
	v16 =	vand.u32 $0xFFFFFE00, v16  }
0x287: {  	vm2 =	vne.s32 v11, v17;
	v16 =	vor.u32 v22, v16;
	[tilespmem:v2+s29+$0x0] =	vst.idx.add.f32.msk vm1, v20;
	v20 =	vshll.u32 v17, $0x2  }
0x288: {  	v6 =	vor.u32 v29, v24;
	v24 =	vld.idx.msk [tilespmem:v4+s31+$0x0], $0xffff;
	v11 =	vand.u32 $0xFFFFFE00, v20;
	v20 =	vand.u32 $0x7F, v17  }
0x289: {  	v30 =	vld.idx.msk [tilespmem:v7+s31+$0x0], $0xffff;
	v11 =	vor.u32 v20, v11  }
0x28a: {  	v26 =	vshll.u32 v12, $0x2;
	[tilespmem:v15+s29+$0x0] =	vst.idx.add.f32.msk vm0, v23;
	v23 =	vor.u32 $0x80, v18  }
0x28b: {  	v8 =	vand.u32 $0x7F, v12;
	v26 =	vand.u32 $0xFFFFFE00, v26;
	v27 =	vld.idx.msk [tilespmem:v27+s31+$0x0], $0xffff  }
0x28c: {  	v8 =	vor.u32 v8, v26;
	v26 =	vor.u32 $0x80, v10;
	v17 =	vld.idx.msk [tilespmem:v5+s31+$0x0], $0xffff  }
0x28d: {  	vm3 =	vmmov vm1;
	[tilespmem:v16+s29+$0x0] =	vst.idx.add.f32.msk vm4, v24  }
0x28e: {  	[tilespmem:v11+s29+$0x0] =	vst.idx.add.f32.msk vm2, v30;
	v30 =	vor.u32 $0x80, v2  }
0x28f: {  	[tilespmem:v23+s29+$0x0] =	vst.idx.add.f32.msk vm5, v28;
	v23 =	vor.u32 $0x80, v4  }
0x290: {  	vm1 =	vne.s32 v12, v9;
	v12 =	vor.u32 $0x100, v18;
	v31 =	vld.idx.msk [tilespmem:v31+s31+$0x0], $0xffff  }
0x291: {  	v22 =	vshll.u32 v9, $0x2;
	v32 =	vld.idx.msk [tilespmem:v26+s31+$0x0], $0xffff  }
0x292: {  	v22 =	vand.u32 $0xFFFFFE00, v22;
	v9 =	vand.u32 $0x7F, v9;
	v29 =	vor.u32 $0x80, v7;
	v21 =	vld.idx.msk [tilespmem:v8+s31+$0x0], $0xffff  }
0x293: {  	v22 =	vor.u32 v9, v22;
	v9 =	vshll.u32 v13, $0x2;
	v33 =	vor.u32 $0x80, v15;
	[tilespmem:v30+s29+$0x0] =	vst.idx.add.f32.msk vm3, v27  }
0x294: {  	v19 =	vor.u32 $0x100, v19;
	v24 =	vshll.u32 v25, $0x2;
	v28 =	vand.u32 $0xFFFFFE00, v9;
	v27 =	vld.idx.msk [tilespmem:v23+s31+$0x0], $0xffff  }
0x295: {  	v9 =	vand.u32 $0xFFFFFE00, v24;
	v23 =	vand.u32 $0x7F, v25;
	[tilespmem:v12+s29+$0x0] =	vst.idx.add.f32.msk vm5, v31;
	vm5 =	vne.s32 v14, v25  }
0x296: {  	v20 =	vld.idx.msk [tilespmem:v6+s31+$0x0], $0xffff;
	v23 =	vor.u32 v23, v9  }
0x297: {  	v26 =	vld.idx.msk [tilespmem:v29+s31+$0x0], $0xffff  }
0x298: {  	[tilespmem:v33+s29+$0x0] =	vst.idx.add.f32.msk vm0, v32  }
0x299: {  	[tilespmem:v22+s29+$0x0] =	vst.idx.add.f32.msk vm1, v21  }
0x29a: {  	s5 =	simm.s32 $0x0;
	v29 =	vand.u32 $0x7F, v13;
	v30 =	vor.u32 $0x80, v8;
	v18 =	vld.idx.msk [tilespmem:v19+s31+$0x0], $0xffff  }
.LBB2_22:
0x29b: {  	s5 =	sadd.s32 $0x80, s5;
	[tilespmem:v23+s29+$0x0] =	vst.idx.add.f32.msk vm5, v17;
	s4 =	sadd.s32 $0x80, s4;
	s3 =	sadd.s32 $0x80, s3  }
0x29c: {  	v9 =	vld [tilespmem:s3+$0xFFFFFFD0];
	p0 =	slt.u32 s5, $0x2680  }
0x29d: {  	v25 =	vld [tilespmem:s4+$0xFFFFFFD0]  }
0x29e: {  	v14 =	vld [tilespmem:s4+$0xFFFFFFE0]  }
0x29f: {  	v17 =	vld [tilespmem:s3+$0x10]  }
0x2a0: {  	v31 =	vld [tilespmem:s4+$0xFFFFFFF0]  }
0x2a1: {  	v12 =	vshll.u32 v9, $0x2;
	v19 =	vld [tilespmem:s4+$0x0]  }
0x2a2: {  	v12 =	vand.u32 $0xFFFFFE00, v12;
	v24 =	vld [tilespmem:s4+$0x10]  }
0x2a3: {  	v21 =	vld [tilespmem:s3+$0x20]  }
0x2a4: {  	v10 =	vor.u32 $0x100, v10;
	v32 =	vld [tilespmem:s4+$0x20]  }
0x2a5: {  	vm7 =	vne.s32 v3, v13;
	v33 =	vld [tilespmem:s3+$0x30];
	v3 =	vmov v31  }
0x2a6: {  	v28 =	vor.u32 v29, v28;
	v13 =	vld [tilespmem:s4+$0x30]  }
0x2a7: {  	v31 =	vor.u32 $0x80, v6;
	v29 =	vld [tilespmem:s4+$0xFFFFFFC0]  }
0x2a8: {  	v35 =	vor.u32 $0x80, v11;
	v34 =	vld [tilespmem:s3+$0xFFFFFFC0]  }
0x2a9: {  	v7 =	vor.u32 $0x100, v7;
	v10 =	vld.idx.msk [tilespmem:v10+s31+$0x0], $0xffff  }
0x2aa: {  	v15 =	vor.u32 $0x100, v15;
	v36 =	vshll.u32 v33, $0x2;
	v30 =	vld.idx.msk [tilespmem:v30+s31+$0x0], $0xffff  }
0x2ab: {  	v37 =	vor.u32 $0x80, v5;
	v36 =	vand.u32 $0xFFFFFE00, v36;
	[tilespmem:v28+s29+$0x0] =	vst.idx.add.f32.msk vm7, v20  }
0x2ac: {  	v20 =	vor.u32 $0x80, v22;
	v31 =	vld.idx.msk [tilespmem:v31+s31+$0x0], $0xffff  }
0x2ad: {  	v38 =	vor.u32 $0x80, v16;
	[tilespmem:v35+s29+$0x0] =	vst.idx.add.f32.msk vm2, v26  }
0x2ae: {  	v8 =	vor.u32 $0x100, v8;
	v7 =	vld.idx.msk [tilespmem:v7+s31+$0x0], $0xffff  }
0x2af: {  	v26 =	vor.u32 $0x80, v28;
	[tilespmem:v15+s29+$0x0] =	vst.idx.add.f32.msk vm0, v10  }
0x2b0: {  	v4 =	vor.u32 $0x100, v4;
	v10 =	vld.idx.msk [tilespmem:v37+s31+$0x0], $0xffff  }
0x2b1: {  	v15 =	vor.u32 $0x80, v23;
	[tilespmem:v20+s29+$0x0] =	vst.idx.add.f32.msk vm1, v30  }
0x2b2: {  	v5 =	vor.u32 $0x100, v5;
	v6 =	vor.u32 $0x100, v6;
	[tilespmem:v38+s29+$0x0] =	vst.idx.add.f32.msk vm4, v27  }
0x2b3: {  	v20 =	vor.u32 $0x100, v2;
	v8 =	vld.idx.msk [tilespmem:v8+s31+$0x0], $0xffff  }
0x2b4: {  	v11 =	vor.u32 $0x100, v11;
	v22 =	vor.u32 $0x100, v22;
	[tilespmem:v26+s29+$0x0] =	vst.idx.add.f32.msk vm7, v31;
	v26 =	vor.u32 $0x100, v28  }
0x2b5: {  	v16 =	vor.u32 $0x100, v16;
	v23 =	vor.u32 $0x100, v23;
	v2 =	vand.u32 $0x7F, v33;
	v4 =	vld.idx.msk [tilespmem:v4+s31+$0x0], $0xffff  }
0x2b6: {  	v27 =	vand.u32 $0x7F, v34;
	v2 =	vor.u32 v2, v36;
	v28 =	vshll.u32 v34, $0x2;
	[tilespmem:v15+s29+$0x0] =	vst.idx.add.f32.msk vm5, v10  }
0x2b7: {  	vm6 =	vne.s32 v29, v34;
	v10 =	vand.u32 $0x7F, v29;
	v15 =	vshll.u32 v29, $0x2;
	v5 =	vld.idx.msk [tilespmem:v5+s31+$0x0], $0xffff  }
0x2b8: {  	v30 =	vshll.u32 v13, $0x2;
	v29 =	vand.u32 $0x7F, v13;
	v15 =	vand.u32 $0xFFFFFE00, v15;
	v6 =	vld.idx.msk [tilespmem:v6+s31+$0x0], $0xffff  }
0x2b9: {  	vm8 =	vne.s32 v13, v33;
	v31 =	vor.u32 v10, v15;
	v10 =	vand.u32 $0xFFFFFE00, v30;
	[tilespmem:v11+s29+$0x0] =	vst.idx.add.f32.msk vm2, v7  }
0x2ba: {  	vm0 =	vne.s32 v32, v21;
	v7 =	vand.u32 $0xFFFFFE00, v28;
	v11 =	vshll.u32 v32, $0x2;
	[tilespmem:v20+s29+$0x0] =	vst.idx.add.f32.msk vm3, v18  }
0x2bb: {  	v18 =	vor.u32 v27, v7;
	v7 =	vand.u32 $0x7F, v32;
	v11 =	vand.u32 $0xFFFFFE00, v11;
	[tilespmem:v16+s29+$0x0] =	vst.idx.add.f32.msk vm4, v4  }
0x2bc: {  	v13 =	vshll.u32 v24, $0x2;
	v27 =	vor.u32 v29, v10;
	v4 =	vand.u32 $0x7F, v24;
	[tilespmem:v22+s29+$0x0] =	vst.idx.add.f32.msk vm1, v8  }
0x2bd: {  	v13 =	vand.u32 $0xFFFFFE00, v13;
	v15 =	vor.u32 $0x80, v31;
	v8 =	vshll.u32 v19, $0x2;
	[tilespmem:v23+s29+$0x0] =	vst.idx.add.f32.msk vm5, v5  }
0x2be: {  	v10 =	vshll.u32 v3, $0x2;
	v20 =	vshll.u32 v17, $0x2;
	v16 =	vand.u32 $0xFFFFFE00, v8;
	v5 =	vld.idx.msk [tilespmem:v31+s31+$0x0], $0xffff  }
0x2bf: {  	v22 =	vand.u32 $0xFFFFFE00, v10;
	v8 =	vshll.u32 v14, $0x2;
	v23 =	vand.u32 $0x7F, v19;
	[tilespmem:v26+s29+$0x0] =	vst.idx.add.f32.msk vm7, v6  }
0x2c0: {  	v10 =	vor.u32 v7, v11;
	v6 =	vand.u32 $0x7F, v25;
	v26 =	vshll.u32 v25, $0x2;
	v32 =	vld [tilespmem:s3+$0x0]  }
0x2c1: {  	vm1 =	vne.s32 v25, v9;
	v7 =	vor.u32 v4, v13;
	v11 =	vand.u32 $0xFFFFFE00, v8;
	v25 =	vld.idx.msk [tilespmem:v27+s31+$0x0], $0xffff  }
0x2c2: {  	v28 =	vand.u32 $0x7F, v3;
	v4 =	vand.u32 $0xFFFFFE00, v26;
	v26 =	vand.u32 $0x7F, v14;
	v13 =	vld [tilespmem:s3+$0xFFFFFFF0]  }
0x2c3: {  	vm2 =	vne.s32 v24, v17;
	v8 =	vor.u32 v6, v4;
	v4 =	vor.u32 v23, v16;
	v33 =	vld [tilespmem:s3+$0xFFFFFFE0]  }
0x2c4: {  	vm3 =	vmmov vm8;
	[tilespmem:v18+s29+$0x0] =	vst.idx.add.f32.msk vm6, v5;
	v5 =	vor.u32 v26, v11;
	v11 =	vand.u32 $0xFFFFFE00, v20  }
0x2c5: {  	v6 =	vor.u32 v28, v22;
	v22 =	vor.u32 $0x80, v27;
	v20 =	vshll.u32 v21, $0x2;
	v16 =	vld.idx.msk [tilespmem:v10+s31+$0x0], $0xffff  }
0x2c6: {  	vm4 =	vne.s32 v19, v32;
	v19 =	vand.u32 $0xFFFFFE00, v20;
	v23 =	vld.idx.msk [tilespmem:v15+s31+$0x0], $0xffff;
	v15 =	vand.u32 $0x7F, v21  }
0x2c7: {  	v21 =	vshll.u32 v32, $0x2;
	v20 =	vshll.u32 v13, $0x2;
	v24 =	vld.idx.msk [tilespmem:v7+s31+$0x0], $0xffff;
	v15 =	vor.u32 v15, v19  }
0x2c8: {  	v19 =	vand.u32 $0x7F, v33;
	v34 =	vshll.u32 v33, $0x2;
	v28 =	vand.u32 $0xFFFFFE00, v20;
	[tilespmem:v2+s29+$0x0] =	vst.idx.add.f32.msk vm8, v25  }
0x2c9: {  	v26 =	vor.u32 $0x80, v10;
	v29 =	vand.u32 $0x7F, v13;
	v25 =	vld.idx.msk [tilespmem:v4+s31+$0x0], $0xffff  }
0x2ca: {  	v20 =	vand.u32 $0x7F, v17;
	v35 =	vld.idx.msk [tilespmem:v22+s31+$0x0], $0xffff  }
0x2cb: {  	v11 =	vor.u32 v20, v11;
	v17 =	vld.idx.msk [tilespmem:v5+s31+$0x0], $0xffff  }
0x2cc: {  	v22 =	vor.u32 $0x80, v7;
	[tilespmem:v15+s29+$0x0] =	vst.idx.add.f32.msk vm0, v16  }
0x2cd: {  	v36 =	vor.u32 $0x80, v18;
	v20 =	vld.idx.msk [tilespmem:v6+s31+$0x0], $0xffff  }
0x2ce: {  	v31 =	vor.u32 $0x100, v31;
	v30 =	vor.u32 $0x80, v8;
	vm5 =	vne.s32 v14, v33;
	v14 =	vld.idx.msk [tilespmem:v26+s31+$0x0], $0xffff  }
0x2cf: {  	v37 =	vor.u32 $0x80, v15;
	v33 =	vld.idx.msk [tilespmem:v8+s31+$0x0], $0xffff  }
0x2d0: {  	v21 =	vand.u32 $0xFFFFFE00, v21;
	v16 =	vand.u32 $0x7F, v32;
	[tilespmem:v11+s29+$0x0] =	vst.idx.add.f32.msk vm2, v24;
	v24 =	vor.u32 $0x80, v2  }
0x2d1: {  	v16 =	vor.u32 v16, v21;
	v26 =	vld.idx.msk [tilespmem:v22+s31+$0x0], $0xffff  }
0x2d2: {  	v21 =	vor.u32 $0x80, v4;
	[tilespmem:v36+s29+$0x0] =	vst.idx.add.f32.msk vm6, v23  }
0x2d3: {  	v32 =	vor.u32 $0x100, v27;
	v31 =	vld.idx.msk [tilespmem:v31+s31+$0x0], $0xffff  }
0x2d4: {  	v9 =	vand.u32 $0x7F, v9;
	v36 =	vor.u32 $0x100, v18;
	[tilespmem:v37+s29+$0x0] =	vst.idx.add.f32.msk vm0, v14  }
0x2d5: {  	v22 =	vor.u32 v9, v12;
	v9 =	vand.u32 $0xFFFFFE00, v34;
	[tilespmem:v24+s29+$0x0] =	vst.idx.add.f32.msk vm3, v35  }
.Ltmp10:
0x2d6: {  	v23 =	vor.u32 v19, v9;
	[tilespmem:v16+s29+$0x0] =	vst.idx.add.f32.msk vm4, v25;
	(pc) =	sbr.rel @p0 .LBB2_22-.Ltmp10, $4  }
0x2d7: {  	v27 =	vld.idx.msk [tilespmem:v21+s31+$0x0], $0xffff  }
0x2d8: {  	v18 =	vld.idx.msk [tilespmem:v32+s31+$0x0], $0xffff  }
0x2d9: {  	[tilespmem:v36+s29+$0x0] =	vst.idx.add.f32.msk vm6, v31  }
0x2da: {  	[tilespmem:v22+s29+$0x0] =	vst.idx.add.f32.msk vm1, v33  }
0x2db: {  	_ =	sdelay $0x1  }
0x2dc: {  	v9 =	vor.u32 $0x100, v10  }
0x2dd: {  	v12 =	vor.u32 $0x80, v11  }
0x2de: {  	v21 =	vld.idx.msk [tilespmem:v30+s31+$0x0], $0xffff;
	v25 =	vor.u32 $0x80, v22  }
0x2df: {  	v19 =	vor.u32 $0x80, v16  }
0x2e0: {  	vm6 =	vne.s32 v3, v13;
	[tilespmem:v23+s29+$0x0] =	vst.idx.add.f32.msk vm5, v17;
	v2 =	vor.u32 $0x100, v2  }
0x2e1: {  	v3 =	vor.u32 v29, v28;
	v9 =	vld.idx.msk [tilespmem:v9+s31+$0x0], $0xffff  }
0x2e2: {  	v10 =	vor.u32 $0x80, v6;
	[tilespmem:v12+s29+$0x0] =	vst.idx.add.f32.msk vm2, v26  }
0x2e3: {  	v7 =	vor.u32 $0x100, v7;
	[tilespmem:v25+s29+$0x0] =	vst.idx.add.f32.msk vm1, v21  }
0x2e4: {  	v14 =	vor.u32 $0x100, v15;
	[tilespmem:v19+s29+$0x0] =	vst.idx.add.f32.msk vm4, v27  }
0x2e5: {  	v24 =	vor.u32 $0x80, v5;
	[tilespmem:v2+s29+$0x0] =	vst.idx.add.f32.msk vm3, v18  }
0x2e6: {  	v8 =	vor.u32 $0x100, v8;
	[tilespmem:v3+s29+$0x0] =	vst.idx.add.f32.msk vm6, v20  }
0x2e7: {  	v26 =	vor.u32 $0x80, v3;
	v10 =	vld.idx.msk [tilespmem:v10+s31+$0x0], $0xffff  }
0x2e8: {  	v4 =	vor.u32 $0x100, v4;
	v7 =	vld.idx.msk [tilespmem:v7+s31+$0x0], $0xffff  }
0x2e9: {  	v6 =	vor.u32 $0x100, v6;
	[tilespmem:v14+s29+$0x0] =	vst.idx.add.f32.msk vm0, v9  }
0x2ea: {  	v28 =	vor.u32 $0x80, v23;
	v9 =	vld.idx.msk [tilespmem:v24+s31+$0x0], $0xffff  }
0x2eb: {  	v5 =	vor.u32 $0x100, v5;
	v8 =	vld.idx.msk [tilespmem:v8+s31+$0x0], $0xffff  }
0x2ec: {  	[tilespmem:v26+s29+$0x0] =	vst.idx.add.f32.msk vm6, v10;
	v10 =	vor.u32 $0x100, v11  }
0x2ed: {  	v4 =	vld.idx.msk [tilespmem:v4+s31+$0x0], $0xffff;
	v11 =	vor.u32 $0x100, v16  }
0x2ee: {  	v3 =	vor.u32 $0x100, v3;
	v6 =	vld.idx.msk [tilespmem:v6+s31+$0x0], $0xffff  }
0x2ef: {  	[tilespmem:v28+s29+$0x0] =	vst.idx.add.f32.msk vm5, v9;
	v9 =	vor.u32 $0x100, v22  }
0x2f0: {  	v29 =	vor.u32 $0x100, v23;
	v5 =	vld.idx.msk [tilespmem:v5+s31+$0x0], $0xffff  }
0x2f1: {  	[tilespmem:v10+s29+$0x0] =	vst.idx.add.f32.msk vm2, v7  }
0x2f2: {  	[tilespmem:v11+s29+$0x0] =	vst.idx.add.f32.msk vm4, v4  }
0x2f3: {  	[tilespmem:v3+s29+$0x0] =	vst.idx.add.f32.msk vm6, v6  }
0x2f4: {  	[tilespmem:v9+s29+$0x0] =	vst.idx.add.f32.msk vm1, v8  }
0x2f5: {  	[tilespmem:v29+s29+$0x0] =	vst.idx.add.f32.msk vm5, v5  }
0x2f6: {  	v2 =	vld [tilespmem:$0x2700];
	_ =	sdelay $0x4  }
0x2f7: {  	v3 =	vld [tilespmem:$0x4E80];
	v4 =	vshll.u32 v2, $0x2  }
0x2f8: {  	v5 =	vand.u32 $0x7F, v2;
	v4 =	vand.u32 $0xFFFFFE00, v4  }
0x2f9: {  	v4 =	vor.u32 v5, v4;
	_ =	sdelay $0x2  }
0x2fa: {  	v5 =	vshll.u32 v3, $0x2  }
0x2fb: {  	vm15 =	vne.s32 v2, v3;
	v2 =	vand.u32 $0x7F, v3;
	v3 =	vand.u32 $0xFFFFFE00, v5  }
0x2fc: {  	v2 =	vor.u32 v2, v3;
	v5 =	vld.idx.msk [tilespmem:v4+s31+$0x0], $0xffff  }
0x2fd: {  	v3 =	vor.u32 $0x80, v4;
	_ =	sdelay $0x3  }
0x2fe: {  	[tilespmem:v2+s29+$0x0] =	vst.idx.add.f32.msk vm15, v5  }
0x2ff: {  	v5 =	vor.u32 $0x80, v2;
	v3 =	vld.idx.msk [tilespmem:v3+s31+$0x0], $0xffff  }
0x300: {  	v4 =	vor.u32 $0x100, v4;
	_ =	sdelay $0x3  }
0x301: {  	[tilespmem:v5+s29+$0x0] =	vst.idx.add.f32.msk vm15, v3  }
0x302: {  	v2 =	vor.u32 $0x100, v2;
	v3 =	vld.idx.msk [tilespmem:v4+s31+$0x0], $0xffff;
	_ =	sdelay $0x2  }
0x303: {  	s1 =	sld [smem:$0x7F6];
	_ =	sdelay $0x1  }
0x304: {  	s0 =	simm.s32 $0x0;
	[tilespmem:v2+s29+$0x0] =	vst.idx.add.f32.msk vm15, v3  }
0x305: {  	[hbm4b:s1+s0] =	stream.linear.scatter [tilespmem:s29], [sflag:$0x2], $0xA000, $0x38;
	[tilespmem:$0x1D780] =	vst v63  }
0x306: {  	_ =	swait.ge [sflag:s30], $0xA000  }
0x307: {  	[sflag:s30] =	ssyncset.done $0x0  }
0x308: {  	[sflag:s30] =	ssyncadd.s32 $0xFFFF6000  }
0x309: {  	[bflag:$0x0] =	sbarrier.arrive $0xFFFF  }
0x30a: {  	s18 =	sld [smem:$0x7F9]  }
0x30b: {  	s2 =	simm.s32 $0x1A580  }
0x30c: {  	s3 =	simm.s32 $0xA00;
	s4 =	simm.s32 $0xA000;
	s19 =	simm.s32 $0x0  }
0x30d: {  	[tilespmem:s2], [sflag:$0x2] =	stream.strided.gather [hbm4b:s18+s3], $0x2800, s4, s3, $0x38;
	[tilespmem:$0x1D780] =	vst v63  }
0x30e: {  	s7 =	sand.u32 $0x40, s19;
	_ =	swait.ge [sflag:s30], $0x2800  }
0x30f: {  	s3 =	sand.u32 $0xE00, s0;
	s2 =	sor.u32 $0x30, s7;
	[sflag:s30] =	ssyncset.done $0x0  }
0x310: {  	s5 =	sadd.s32 $0x1AF80, s3;
	s20 =	sor.u32 s2, s3;
	[sflag:s30] =	ssyncadd.s32 $0xFFFFD800  }
0x311: {  	s8 =	sadd.s32 $0x1B980, s3;
	s21 =	sor.u32 s2, s5;
	v2 =	vld [tilespmem:s20+$0x1A580]  }
0x312: {  	s10 =	sor.u32 $0x10, s7;
	s22 =	sor.u32 s2, s8;
	v3 =	vld [tilespmem:s21+$0x0]  }
0x313: {  	s1 =	sor.u32 s10, s3;
	s9 =	sadd.s32 $0x1C380, s3;
	v4 =	vld [tilespmem:s22+$0x0]  }
0x314: {  	s23 =	sor.u32 s2, s9;
	v5 =	vld [tilespmem:s1+$0x1A580]  }
0x315: {  	s11 =	sor.u32 $0x20, s7;
	s6 =	sor.u32 s10, s5;
	v6 =	vld [tilespmem:s23+$0x0]  }
0x316: {  	s12 =	sor.u32 s11, s5;
	v7 =	vld [tilespmem:s6+$0x0]  }
0x317: {  	s5 =	sor.u32 s7, s5;
	v8 =	vld [tilespmem:s12+$0x0]  }
0x318: {  	s13 =	sor.u32 s11, s8;
	v9 =	vld [tilespmem:s5+$0x0];
	v2 =	vadd.f32 v3, v2  }
0x319: {  	s29 =	sor.u32 s10, s9;
	v11 =	vld [tilespmem:s13+$0x0]  }
0x31a: {  	s24 =	sor.u32 s10, s8;
	s8 =	sor.u32 s7, s8;
	v31 =	vld [tilespmem:s29+$0x0];
	v2 =	vadd.f32 v4, v2  }
0x31b: {  	s0 =	sor.u32 s11, s3;
	v32 =	vld [tilespmem:s8+$0x0]  }
0x31c: {  	v3 =	vld [tilespmem:s0+$0x1A580];
	v2 =	vadd.f32 v6, v2  }
0x31d: {  	s25 =	sor.u32 $0x1B000, s3;
	v6 =	vld [tilespmem:s24+$0x0]  }
0x31e: {  	s26 =	sor.u32 s2, s25;
	[tilespmem:s20+$0x1CD80] =	vst v2;
	v2 =	vld [tilespmem:s20+$0x1A600]  }
0x31f: {  	s14 =	sadd.s32 $0x1BA00, s3;
	s6 =	sor.u32 s7, s3;
	v10 =	vld [tilespmem:s26+$0x0]  }
0x320: {  	s28 =	sor.u32 s2, s14;
	v5 =	vadd.f32 v7, v5;
	v4 =	vld [tilespmem:s6+$0x1A580]  }
0x321: {  	s15 =	sadd.s32 $0x1C400, s3;
	s31 =	sor.u32 s11, s9;
	v30 =	vld [tilespmem:s28+$0x0]  }
0x322: {  	s30 =	sor.u32 s2, s15;
	v5 =	vadd.f32 v6, v5;
	v6 =	vld [tilespmem:s31+$0x0]  }
0x323: {  	s13 =	sor.u32 s7, s9;
	v3 =	vadd.f32 v8, v3;
	v7 =	vld [tilespmem:s30+$0x0]  }
0x324: {  	v8 =	vld [tilespmem:s13+$0x0];
	v5 =	vadd.f32 v31, v5;
	v2 =	vadd.f32 v10, v2  }
0x325: {  	v3 =	vadd.f32 v11, v3;
	v11 =	vld [tilespmem:s0+$0x1A600]  }
0x326: {  	s16 =	sor.u32 s10, s25;
	v10 =	vld [tilespmem:s1+$0x1A600];
	[tilespmem:s1+$0x1CD80] =	vst v5;
	v2 =	vadd.f32 v30, v2  }
0x327: {  	s18 =	sor.u32 s10, s14;
	v3 =	vadd.f32 v6, v3;
	v5 =	vld [tilespmem:s16+$0x0]  }
0x328: {  	v4 =	vadd.f32 v9, v4;
	v6 =	vld [tilespmem:s18+$0x0];
	v2 =	vadd.f32 v7, v2  }
0x329: {  	s19 =	sor.u32 s11, s25;
	s9 =	sor.u32 $0x1B080, s3;
	v7 =	vld [tilespmem:s6+$0x1A600];
	[tilespmem:s0+$0x1CD80] =	vst v3  }
0x32a: {  	s17 =	sor.u32 s2, s9;
	v3 =	vadd.f32 v32, v4;
	v4 =	vld [tilespmem:s19+$0x0];
	[tilespmem:s20+$0x1CE00] =	vst v2  }
0x32b: {  	s20 =	sor.u32 s10, s15;
	v2 =	vld [tilespmem:s17+$0x0]  }
0x32c: {  	s21 =	sor.u32 s11, s14;
	s12 =	sadd.s32 $0x1BA80, s3;
	v9 =	vld [tilespmem:s20+$0x0]  }
0x32d: {  	s4 =	simm.s32 $0x100;
	s22 =	sor.u32 s2, s12;
	v8 =	vadd.f32 v8, v3;
	v5 =	vadd.f32 v5, v10;
	v10 =	vld [tilespmem:s21+$0x0]  }
0x32e: {  	s23 =	sor.u32 s11, s15;
	s13 =	sadd.s32 $0x1C480, s3;
	s3 =	simm.s32 $0x40;
	v3 =	vld [tilespmem:s22+$0x0]  }
0x32f: {  	s5 =	sor.u32 s7, s25;
	s17 =	sand.u32 $0x40, s3;
	s20 =	sand.u32 $0xE00, s4;
	[tilespmem:s6+$0x1CD80] =	vst v8;
	v8 =	vld [tilespmem:s23+$0x0]  }
0x330: {  	s2 =	sor.u32 s2, s13;
	s16 =	sor.u32 $0x30, s17;
	s28 =	sadd.s32 $0x1AF80, s20;
	v33 =	vld [tilespmem:s5+$0x0]  }
0x331: {  	s31 =	sadd.s32 $0x1B980, s20;
	v6 =	vadd.f32 v6, v5;
	v5 =	vld [tilespmem:s2+$0x0];
	s29 =	sor.u32 s16, s28  }
0x332: {  	s18 =	sor.u32 $0x10, s17;
	s8 =	sor.u32 s16, s31;
	v4 =	vadd.f32 v4, v11;
	v11 =	vld [tilespmem:s29+$0x0]  }
0x333: {  	s24 =	sor.u32 s7, s14;
	s21 =	sadd.s32 $0x1C380, s20;
	s14 =	sor.u32 s18, s20;
	v34 =	vld [tilespmem:s8+$0x0]  }
0x334: {  	s25 =	sor.u32 s7, s15;
	s15 =	sor.u32 s16, s21;
	v35 =	vld [tilespmem:s14+$0x1A580]  }
0x335: {  	s19 =	sor.u32 $0x20, s17;
	s22 =	sor.u32 s18, s28;
	v36 =	vld [tilespmem:s15+$0x0]  }
0x336: {  	s23 =	sor.u32 s19, s28;
	v37 =	vld [tilespmem:s22+$0x0]  }
0x337: {  	v38 =	vld [tilespmem:s23+$0x0]  }
0x338: {  	s29 =	sor.u32 s18, s21;
	v51 =	vld [tilespmem:s14+$0x1A600]  }
0x339: {  	s15 =	sor.u32 s19, s20;
	v21 =	vld [tilespmem:s29+$0x0];
	v4 =	vadd.f32 v10, v4  }
0x33a: {  	s2 =	sor.u32 s16, s20;
	v52 =	vld [tilespmem:s15+$0x1A600]  }
0x33b: {  	v4 =	vadd.f32 v8, v4;
	v8 =	vld [tilespmem:s2+$0x1A580]  }
0x33c: {  	v6 =	vadd.f32 v9, v6;
	v9 =	vld [tilespmem:s24+$0x0]  }
0x33d: {  	s29 =	sor.u32 s17, s21;
	v10 =	vld [tilespmem:s25+$0x0]  }
0x33e: {  	s24 =	sor.u32 s18, s31;
	v48 =	vld [tilespmem:s29+$0x0]  }
0x33f: {  	s25 =	sor.u32 s19, s31;
	v40 =	vld [tilespmem:s24+$0x0]  }
0x340: {  	v41 =	vld [tilespmem:s25+$0x0];
	s24 =	sor.u32 s19, s21;
	v8 =	vadd.f32 v11, v8  }
0x341: {  	[tilespmem:s1+$0x1CE00] =	vst v6;
	s1 =	sor.u32 s17, s28;
	v45 =	vld [tilespmem:s24+$0x0]  }
0x342: {  	p0 =	por $0x0, $0x0;
	s26 =	sor.u32 s10, s9;
	v39 =	vld [tilespmem:s1+$0x0];
	s1 =	simm.s32 $0x1;
	v8 =	vadd.f32 v34, v8  }
0x343: {  	s30 =	sor.u32 s11, s9;
	v6 =	vld [tilespmem:s26+$0x0];
	[tilespmem:s0+$0x1CE00] =	vst v4;
	s1 =	simm.s32 @!p0 $0x0  }
0x344: {  	v4 =	vld [tilespmem:s30+$0x0];
	s30 =	sshll.u32 s1, $0x6;
	v8 =	vadd.f32 v36, v8  }
0x345: {  	s23 =	sor.u32 $0x1B000, s20;
	s5 =	sadd.s32 $0x0, s30;
	v11 =	vld [tilespmem:s15+$0x1A580]  }
0x346: {  	v7 =	vadd.f32 v33, v7;
	s26 =	sor.u32 s16, s23;
	s25 =	sadd.s32 $0x30, s5;
	[tilespmem:s2+$0x1CD80] =	vst v8;
	v8 =	vld [tilespmem:s2+$0x1A600]  }
0x347: {  	s22 =	sadd.s32 $0x1BA00, s20;
	v14 =	vadd.f32 v37, v35;
	s1 =	sor.u32 $0x100, s25;
	v42 =	vld [tilespmem:s26+$0x0]  }
0x348: {  	s28 =	sor.u32 s16, s22;
	v7 =	vadd.f32 v9, v7;
	v46 =	vld [tilespmem:s1+$0x1A580]  }
0x349: {  	s8 =	sadd.s32 $0x1C400, s20;
	s0 =	sor.u32 s17, s31;
	v14 =	vadd.f32 v40, v14;
	v44 =	vld [tilespmem:s28+$0x0]  }
0x34a: {  	s31 =	sor.u32 s16, s8;
	v43 =	vld [tilespmem:s0+$0x0];
	v7 =	vadd.f32 v10, v7  }
0x34b: {  	s0 =	sor.u32 s17, s20;
	v14 =	vadd.f32 v21, v14;
	v9 =	vld [tilespmem:s31+$0x0]  }
0x34c: {  	v10 =	vld [tilespmem:s0+$0x1A580];
	[tilespmem:s6+$0x1CE00] =	vst v7;
	s28 =	sor.u32 s7, s9;
	v8 =	vadd.f32 v42, v8  }
0x34d: {  	[tilespmem:s14+$0x1CD80] =	vst v14;
	v11 =	vadd.f32 v38, v11;
	s26 =	sadd.s32 $0x10, s5;
	s31 =	sor.u32 s18, s23;
	v47 =	vld [tilespmem:s28+$0x0]  }
0x34e: {  	v2 =	vadd.f32 v2, v46;
	s24 =	sor.u32 $0x100, s26;
	v49 =	vld [tilespmem:s31+$0x0];
	v8 =	vadd.f32 v44, v8  }
0x34f: {  	v11 =	vadd.f32 v41, v11;
	s31 =	sor.u32 s18, s22;
	v7 =	vld [tilespmem:s24+$0x1A580]  }
0x350: {  	v54 =	vld [tilespmem:s31+$0x0];
	v2 =	vadd.f32 v3, v2;
	v8 =	vadd.f32 v9, v8  }
0x351: {  	s21 =	sor.u32 $0x1B080, s20;
	s30 =	sor.u32 s10, s12;
	v3 =	vld [tilespmem:s0+$0x1A600];
	v9 =	vadd.f32 v39, v10;
	v10 =	vadd.f32 v45, v11  }
0x352: {  	p0 =	por !p0, !p0;
	s25 =	sor.u32 s16, s21;
	s6 =	simm.s32 $0x1;
	v11 =	vld [tilespmem:s30+$0x0];
	[tilespmem:s2+$0x1CE00] =	vst v8  }
0x353: {  	s6 =	simm.s32 @!p0 $0x0;
	s26 =	sor.u32 s19, s23;
	v8 =	vadd.f32 v43, v9;
	[tilespmem:s15+$0x1CD80] =	vst v10;
	v9 =	vld [tilespmem:s25+$0x0]  }
0x354: {  	s6 =	sshll.u32 s6, $0x6;
	s31 =	sor.u32 s19, s8;
	s2 =	sadd.s32 $0x1BA80, s20;
	v10 =	vld [tilespmem:s26+$0x0]  }
0x355: {  	s6 =	sadd.s32 $0x100, s6;
	s20 =	sadd.s32 $0x1C480, s20;
	s28 =	sor.u32 s16, s2;
	v59 =	vld [tilespmem:s31+$0x0]  }
0x356: {  	s30 =	sor.u32 s16, s20;
	s25 =	sadd.s32 $0x30, s6;
	v50 =	vld [tilespmem:s28+$0x0]  }
0x357: {  	s29 =	sor.u32 s17, s23;
	v53 =	vld [tilespmem:s30+$0x0];
	s23 =	sor.u32 $0x100, s25  }
0x358: {  	s26 =	sor.u32 s19, s22;
	v8 =	vadd.f32 v48, v8;
	s30 =	sadd.s32 $0x20, s5;
	v55 =	vld [tilespmem:s23+$0x1A580]  }
0x359: {  	v56 =	vld [tilespmem:s26+$0x0];
	s25 =	sor.u32 $0x100, s30  }
0x35a: {  	[tilespmem:s0+$0x1CD80] =	vst v8;
	v24 =	vld [tilespmem:s25+$0x1A580]  }
0x35b: {  	s28 =	sor.u32 s17, s22;
	v8 =	vld [tilespmem:s29+$0x0]  }
0x35c: {  	v2 =	vadd.f32 v5, v2;
	s29 =	sor.u32 s18, s8;
	v57 =	vld [tilespmem:s28+$0x0];
	v10 =	vadd.f32 v10, v52  }
0x35d: {  	s8 =	sor.u32 s17, s8;
	v58 =	vld [tilespmem:s29+$0x0];
	v5 =	vadd.f32 v9, v55;
	v9 =	vadd.f32 v6, v7  }
0x35e: {  	s9 =	sor.u32 $0x100, s5;
	v60 =	vld [tilespmem:s8+$0x0];
	v6 =	vadd.f32 v49, v51;
	v10 =	vadd.f32 v56, v10  }
0x35f: {  	s16 =	sor.u32 s11, s12;
	v7 =	vld [tilespmem:s9+$0x1A580];
	v63 =	vadd.f32 v4, v24;
	v5 =	vadd.f32 v50, v5  }
0x360: {  	v61 =	vld [tilespmem:s16+$0x0];
	s22 =	sor.u32 s7, s12;
	v3 =	vadd.f32 v8, v3;
	v6 =	vadd.f32 v54, v6  }
0x361: {  	[tilespmem:s1+$0x1CD80] =	vst v2;
	s1 =	sor.u32 s19, s21;
	s26 =	sor.u32 s10, s13;
	v62 =	vld [tilespmem:s22+$0x0];
	v4 =	vadd.f32 v59, v10;
	v8 =	vadd.f32 v53, v5  }
0x362: {  	s31 =	sor.u32 s18, s21;
	s7 =	sor.u32 s7, s13;
	s28 =	sor.u32 s11, s13;
	v5 =	vld [tilespmem:s26+$0x0];
	v2 =	vadd.f32 v57, v3;
	v3 =	vadd.f32 v58, v6  }
0x363: {  	s12 =	sor.u32 s19, s2;
	s30 =	sadd.s32 $0x20, s6;
	s29 =	sadd.s32 $0x10, s6;
	v6 =	vld [tilespmem:s28+$0x0];
	[tilespmem:s15+$0x1CE00] =	vst v4  }
0x364: {  	s13 =	sor.u32 s18, s20;
	s8 =	sor.u32 s19, s20;
	s16 =	sor.u32 $0x100, s29;
	v10 =	vadd.f32 v47, v7;
	v7 =	vld [tilespmem:s7+$0x0];
	[tilespmem:s14+$0x1CE00] =	vst v3;
	v3 =	vadd.f32 v60, v2  }
0x365: {  	v4 =	vadd.f32 v11, v9;
	s7 =	sor.u32 s17, s2;
	[tilespmem:s23+$0x1CD80] =	vst v8;
	s23 =	sor.u32 s17, s21;
	s14 =	sor.u32 s18, s2;
	v2 =	vld [tilespmem:s31+$0x0]  }
0x366: {  	v9 =	vadd.f32 v61, v63;
	s2 =	sor.u32 s17, s20;
	s20 =	sor.u32 $0x100, s6;
	s21 =	sor.u32 $0x100, s30;
	v8 =	vld [tilespmem:s16+$0x1A580];
	[tilespmem:s0+$0x1CE00] =	vst v3;
	v3 =	vadd.f32 v62, v10  }
.LBB2_24:
0x367: {  	s3 =	sadd.s32 $0x40, s3;
	v10 =	vld [tilespmem:s21+$0x1A580];
	s4 =	sadd.s32 $0x100, s4  }
0x368: {  	s22 =	sand.u32 $0x40, s3;
	s30 =	sand.u32 $0xE00, s4;
	v4 =	vadd.f32 v5, v4;
	v5 =	vld [tilespmem:s1+$0x0]  }
0x369: {  	s15 =	sor.u32 $0x30, s22;
	s10 =	sadd.s32 $0x1AF80, s30;
	v6 =	vadd.f32 v6, v9;
	v9 =	vld [tilespmem:s20+$0x1A580]  }
0x36a: {  	s5 =	sor.u32 s15, s10;
	v3 =	vadd.f32 v7, v3;
	v7 =	vld [tilespmem:s23+$0x0]  }
0x36b: {  	s29 =	sor.u32 $0x10, s22;
	s0 =	sor.u32 s15, s30;
	[tilespmem:s24+$0x1CD80] =	vst v4;
	v4 =	vadd.f32 v2, v8;
	v8 =	vld [tilespmem:s5+$0x0]  }
0x36c: {  	s17 =	sor.u32 s29, s30;
	[tilespmem:s25+$0x1CD80] =	vst v6;
	v6 =	vld [tilespmem:s0+$0x1A580]  }
0x36d: {  	s6 =	sadd.s32 $0x1B980, s30;
	s19 =	sor.u32 s22, s30;
	[tilespmem:s9+$0x1CD80] =	vst v3;
	v11 =	vld [tilespmem:s17+$0x1A580]  }
0x36e: {  	s23 =	sor.u32 s15, s6;
	v12 =	vld [tilespmem:s19+$0x1A580]  }
0x36f: {  	s11 =	sor.u32 s29, s10;
	s25 =	sadd.s32 $0x1C380, s30;
	v2 =	vadd.f32 v5, v10;
	v5 =	vld [tilespmem:s23+$0x0]  }
0x370: {  	v10 =	vld [tilespmem:s11+$0x0];
	s11 =	sor.u32 s15, s25  }
0x371: {  	s24 =	sor.u32 $0x20, s22;
	s28 =	sor.u32 s29, s25;
	v3 =	vadd.f32 v7, v9;
	v7 =	vld [tilespmem:s11+$0x0]  }
0x372: {  	s18 =	sor.u32 s24, s30;
	v13 =	vld [tilespmem:s28+$0x0];
	v6 =	vadd.f32 v8, v6  }
0x373: {  	[dreg:$0x19] =	wrdreg s8;
	s8 =	sor.u32 s24, s10;
	v9 =	vld [tilespmem:s18+$0x1A580]  }
0x374: {  	s9 =	sor.u32 s24, s25;
	v8 =	vld [tilespmem:s8+$0x0];
	v5 =	vadd.f32 v5, v6  }
0x375: {  	s31 =	sor.u32 s29, s6;
	v14 =	vld [tilespmem:s9+$0x0]  }
0x376: {  	s1 =	sor.u32 s22, s10;
	s10 =	sor.u32 s24, s6;
	v10 =	vadd.f32 v10, v11;
	v11 =	vld [tilespmem:s31+$0x0];
	v5 =	vadd.f32 v7, v5  }
0x377: {  	s23 =	sor.u32 $0x1B000, s30;
	v7 =	vld [tilespmem:s10+$0x0]  }
0x378: {  	s31 =	sor.u32 s15, s23;
	[tilespmem:s0+$0x1CD80] =	vst v5;
	v5 =	vld [tilespmem:s0+$0x1A600]  }
0x379: {  	s26 =	sor.u32 s22, s6;
	s11 =	smov.u32 s16;
	s8 =	sadd.s32 $0x1BA00, s30;
	v8 =	vadd.f32 v8, v9;
	v9 =	vld [tilespmem:s31+$0x0]  }
0x37a: {  	s16 =	smov.u32 s20;
	s20 =	smov.u32 s21;
	v6 =	vld [tilespmem:s1+$0x0];
	s10 =	sor.u32 s15, s8  }
0x37b: {  	s6 =	sor.u32 s24, s23;
	s5 =	sor.u32 s22, s23;
	s21 =	sadd.s32 $0x1C400, s30;
	v10 =	vadd.f32 v11, v10;
	v11 =	vld [tilespmem:s10+$0x0]  }
0x37c: {  	v56 =	vld [tilespmem:s26+$0x0];
	[dreg:$0x1b] =	wrdreg s16;
	s16 =	sor.u32 s29, s23;
	s23 =	sor.u32 s15, s21  }
0x37d: {  	v7 =	vadd.f32 v7, v8;
	v8 =	vld [tilespmem:s23+$0x0]  }
0x37e: {  	[dreg:$0x1a] =	wrdreg s7;
	v57 =	vld [tilespmem:s17+$0x1A600];
	s7 =	sor.u32 s22, s25;
	v10 =	vadd.f32 v13, v10;
	v5 =	vadd.f32 v9, v5  }
0x37f: {  	p0 =	por !p0, !p0;
	s1 =	simm.s32 $0x1;
	v6 =	vadd.f32 v6, v12;
	v9 =	vld [tilespmem:s7+$0x0]  }
0x380: {  	v58 =	vld [tilespmem:s19+$0x1A600];
	s26 =	sor.u32 s29, s8;
	s1 =	simm.s32 @!p0 $0x0;
	[tilespmem:s17+$0x1CD80] =	vst v10;
	v7 =	vadd.f32 v14, v7;
	v5 =	vadd.f32 v11, v5  }
0x381: {  	s1 =	sshll.u32 s1, $0x6;
	v60 =	vld [tilespmem:s26+$0x0]  }
0x382: {  	s28 =	sor.u32 s29, s21;
	s1 =	sadd.s32 s1, s4;
	v6 =	vadd.f32 v56, v6;
	[tilespmem:s18+$0x1CD80] =	vst v7;
	v11 =	vld [tilespmem:s18+$0x1A600];
	v5 =	vadd.f32 v8, v5  }
0x383: {  	s25 =	sor.u32 s22, s21;
	s31 =	sor.u32 s24, s21;
	s21 =	sadd.s32 $0x30, s1;
	v7 =	vld [tilespmem:s6+$0x0]  }
0x384: {  	s7 =	sor.u32 $0x100, s21;
	v8 =	vld [tilespmem:s14+$0x0];
	s14 =	sor.u32 $0x1B080, s30;
	v6 =	vadd.f32 v9, v6;
	[tilespmem:s0+$0x1CE00] =	vst v5  }
0x385: {  	s10 =	sadd.s32 $0x20, s1;
	s23 =	sor.u32 s15, s14;
	v5 =	vld [tilespmem:s7+$0x1A580]  }
0x386: {  	s21 =	sor.u32 $0x100, s10;
	s10 =	sadd.s32 $0x1BA80, s30;
	[tilespmem:s19+$0x1CD80] =	vst v6;
	v6 =	vld [tilespmem:s23+$0x0]  }
0x387: {  	s6 =	sor.u32 s15, s10;
	s30 =	sadd.s32 $0x1C480, s30;
	v9 =	vld [tilespmem:s16+$0x0]  }
0x388: {  	s15 =	sor.u32 s15, s30;
	v10 =	vld [tilespmem:s6+$0x0]  }
0x389: {  	v59 =	vld [tilespmem:s15+$0x0]  }
0x38a: {  	[dreg:$0xf] =	wrdreg s2;
	s2 =	sor.u32 s24, s8;
	v4 =	vadd.f32 v8, v4;
	v8 =	vld [tilespmem:s5+$0x0]  }
0x38b: {  	s8 =	sor.u32 s22, s8;
	v5 =	vadd.f32 v6, v5;
	v6 =	vadd.f32 v7, v11;
	v7 =	vld [tilespmem:s2+$0x0]  }
0x38c: {  	v11 =	vld [tilespmem:s8+$0x0]  }
0x38d: {  	p1 =	slt.u32 s3, $0x240;
	v5 =	vadd.f32 v10, v5;
	v10 =	vld [tilespmem:s28+$0x0]  }
0x38e: {  	[dreg:$0x1c] =	wrdreg s20;
	s9 =	sadd.s32 $0x10, s1;
	s20 =	sor.u32 $0x100, s1;
	v61 =	vld [tilespmem:s31+$0x0];
	v9 =	vadd.f32 v9, v57  }
0x38f: {  	s1 =	sor.u32 s24, s14;
	s0 =	sor.u32 s29, s14;
	s23 =	sor.u32 s22, s14;
	v62 =	vld [tilespmem:s25+$0x0];
	v8 =	vadd.f32 v8, v58  }
0x390: {  	v63 =	vld [tilespmem:s12+$0x0];
	s14 =	sor.u32 s29, s10;
	s5 =	sor.u32 s29, s30;
	s29 =	rddreg [dreg:$0x1a];
	v9 =	vadd.f32 v60, v9;
	v5 =	vadd.f32 v59, v5  }
0x391: {  	s16 =	sor.u32 $0x100, s9;
	s9 =	sor.u32 s22, s10;
	s6 =	sor.u32 s24, s30;
	v6 =	vadd.f32 v7, v6;
	v7 =	vadd.f32 v11, v8;
	v11 =	vld [tilespmem:s29+$0x0]  }
.Ltmp11:
0x392: {  	s22 =	sor.u32 s22, s30;
	s30 =	rddreg [dreg:$0x19];
	[tilespmem:s7+$0x1CD80] =	vst v5;
	v5 =	vld [tilespmem:s13+$0x0];
	v8 =	vadd.f32 v10, v9;
	(pc) =	sbr.rel @p1 .LBB2_24-.Ltmp11, $4  }
0x393: {  	s31 =	rddreg [dreg:$0xf];
	v9 =	vadd.f32 v61, v6;
	v6 =	vld [tilespmem:s30+$0x0]  }
0x394: {  	s10 =	sor.u32 s24, s10;
	s24 =	smov.u32 s11;
	s25 =	rddreg [dreg:$0x1c];
	v10 =	vadd.f32 v62, v7;
	v7 =	vld [tilespmem:s31+$0x0];
	[tilespmem:s17+$0x1CE00] =	vst v8  }
0x395: {  	s12 =	smov.u32 s10;
	s8 =	smov.u32 s6;
	s2 =	smov.u32 s22;
	[tilespmem:s18+$0x1CE00] =	vst v9;
	v8 =	vld [tilespmem:s16+$0x1A580]  }
0x396: {  	s7 =	smov.u32 s9;
	s9 =	rddreg [dreg:$0x1b];
	s13 =	smov.u32 s5;
	v9 =	vadd.f32 v63, v2;
	[tilespmem:s19+$0x1CE00] =	vst v10;
	v2 =	vld [tilespmem:s0+$0x0];
	v3 =	vadd.f32 v11, v3  }
0x397: {  	v10 =	vld [tilespmem:s21+$0x1A580]  }
0x398: {  	v11 =	vld [tilespmem:s1+$0x0]  }
0x399: {  	v12 =	vld [tilespmem:s20+$0x1A580]  }
0x39a: {  	v13 =	vld [tilespmem:s23+$0x0]  }
0x39b: {  	v14 =	vld [tilespmem:s14+$0x0]  }
0x39c: {  	v15 =	vld [tilespmem:s12+$0x0]  }
0x39d: {  	v16 =	vld [tilespmem:s7+$0x0]  }
0x39e: {  	v17 =	vld [tilespmem:s13+$0x0]  }
0x39f: {  	v4 =	vadd.f32 v5, v4;
	v5 =	vld [tilespmem:s8+$0x0];
	v2 =	vadd.f32 v2, v8  }
0x3a0: {  	v6 =	vadd.f32 v6, v9;
	v9 =	vld [tilespmem:s2+$0x0];
	v8 =	vadd.f32 v11, v10  }
0x3a1: {  	v10 =	vadd.f32 v13, v12;
	v2 =	vadd.f32 v14, v2  }
0x3a2: {  	v3 =	vadd.f32 v7, v3;
	[tilespmem:s24+$0x1CD80] =	vst v4;
	v4 =	vadd.f32 v15, v8  }
0x3a3: {  	[tilespmem:s25+$0x1CD80] =	vst v6;
	v6 =	vadd.f32 v16, v10;
	v2 =	vadd.f32 v17, v2  }
0x3a4: {  	[tilespmem:s9+$0x1CD80] =	vst v3;
	v3 =	vadd.f32 v5, v4  }
0x3a5: {  	v4 =	vadd.f32 v9, v6;
	[tilespmem:s16+$0x1CD80] =	vst v2  }
0x3a6: {  	[tilespmem:s21+$0x1CD80] =	vst v3  }
0x3a7: {  	[tilespmem:s20+$0x1CD80] =	vst v4  }
0x3a8: {  	s0 =	sld [smem:$0x7F7]  }
0x3a9: {  	s8 =	simm.s32 $0x1A580;
	s3 =	simm.s32 $0xA000  }
0x3aa: {  	s10 =	simm.s32 $0x0;
	s11 =	simm.s32 $0x2;
	s9 =	simm.s32 $0xA00  }
0x3ab: {  	[tilespmem:s8], [sflag:$0x2] =	stream.strided.gather [hbm4b:s0+s9], $0x2800, s3, s9, $0x38;
	[tilespmem:$0x1D780] =	vst v63  }
0x3ac: {  	s12 =	simm.s32 $0x0;
	s6 =	sand.u32 $0x40, s10;
	_ =	swait.ge [sflag:s11], $0x2800  }
0x3ad: {  	s0 =	sand.u32 $0xE00, s12;
	s3 =	sor.u32 $0x30, s6;
	[sflag:s11] =	ssyncset.done $0x0  }
0x3ae: {  	s13 =	sor.u32 s3, s0;
	[sflag:s11] =	ssyncadd.s32 $0xFFFFD800  }
0x3af: {  	s7 =	sor.u32 $0x10, s6;
	v2 =	vld [tilespmem:s13+$0x1CD80]  }
0x3b0: {  	s4 =	sor.u32 s7, s0;
	s1 =	sadd.s32 $0x1AF80, s0;
	v3 =	vld [tilespmem:s13+$0x1A580]  }
0x3b1: {  	s5 =	sor.u32 s3, s1;
	v4 =	vld [tilespmem:s4+$0x1CD80]  }
0x3b2: {  	s10 =	sadd.s32 $0x1B980, s0;
	v5 =	vld [tilespmem:s5+$0x0]  }
0x3b3: {  	s15 =	sor.u32 s3, s10;
	v6 =	vld [tilespmem:s4+$0x1A580]  }
0x3b4: {  	s9 =	sor.u32 $0x20, s6;
	v7 =	vld [tilespmem:s15+$0x0]  }
0x3b5: {  	s19 =	sor.u32 s9, s1;
	v11 =	vld [tilespmem:s13+$0x1A600]  }
0x3b6: {  	s18 =	sor.u32 s7, s1;
	s1 =	sor.u32 s6, s1;
	v49 =	vld [tilespmem:s19+$0x0]  }
0x3b7: {  	s23 =	sor.u32 s7, s10;
	v50 =	vld [tilespmem:s1+$0x0]  }
0x3b8: {  	s25 =	sor.u32 s9, s10;
	v52 =	vld [tilespmem:s23+$0x0]  }
0x3b9: {  	s5 =	sor.u32 s9, s0;
	v53 =	vld [tilespmem:s25+$0x0]  }
0x3ba: {  	s16 =	sadd.s32 $0x1C380, s0;
	v8 =	vld [tilespmem:s5+$0x1CD80]  }
0x3bb: {  	s28 =	sor.u32 s7, s16;
	v9 =	vld [tilespmem:s5+$0x1A580]  }
0x3bc: {  	s17 =	sor.u32 s3, s16;
	v54 =	vld [tilespmem:s28+$0x0];
	v2 =	vadd.f32 v3, v2  }
0x3bd: {  	s15 =	sor.u32 s6, s0;
	v3 =	vld [tilespmem:s17+$0x0]  }
0x3be: {  	v10 =	vld [tilespmem:s15+$0x1A580];
	v2 =	vadd.f32 v5, v2  }
0x3bf: {  	s31 =	sor.u32 s9, s16;
	v4 =	vadd.f32 v6, v4;
	v5 =	vld [tilespmem:s15+$0x1CD80]  }
0x3c0: {  	s12 =	sor.u32 s6, s16;
	v6 =	vld [tilespmem:s31+$0x0];
	v8 =	vadd.f32 v9, v8;
	v2 =	vadd.f32 v7, v2  }
0x3c1: {  	v9 =	vld [tilespmem:s12+$0x0]  }
0x3c2: {  	v8 =	vadd.f32 v49, v8;
	v7 =	vld [tilespmem:s18+$0x0];
	v2 =	vadd.f32 v3, v2  }
0x3c3: {  	s20 =	sor.u32 $0x1B000, s0;
	v3 =	vld [tilespmem:s13+$0x1CE00]  }
0x3c4: {  	s21 =	sor.u32 s3, s20;
	v8 =	vadd.f32 v53, v8;
	v5 =	vadd.f32 v10, v5;
	v10 =	vld [tilespmem:s4+$0x1A600];
	[tilespmem:s13+$0x1CD80] =	vst v2  }
0x3c5: {  	v2 =	vld [tilespmem:s21+$0x0]  }
0x3c6: {  	s11 =	sadd.s32 $0x1BA00, s0;
	v6 =	vadd.f32 v6, v8;
	v8 =	vld [tilespmem:s15+$0x1CE00]  }
0x3c7: {  	s8 =	sadd.s32 $0x1C400, s0;
	s22 =	sor.u32 s3, s11;
	v4 =	vadd.f32 v7, v4;
	v7 =	vld [tilespmem:s4+$0x1CE00]  }
0x3c8: {  	s24 =	sor.u32 s3, s8;
	v51 =	vld [tilespmem:s22+$0x0];
	v3 =	vadd.f32 v11, v3  }
0x3c9: {  	s26 =	sor.u32 s6, s10;
	v11 =	vld [tilespmem:s24+$0x0];
	v4 =	vadd.f32 v52, v4  }
0x3ca: {  	[tilespmem:s5+$0x1CD80] =	vst v6;
	s24 =	sor.u32 s9, s8;
	v2 =	vadd.f32 v2, v3;
	v3 =	vld [tilespmem:s26+$0x0]  }
0x3cb: {  	s21 =	sor.u32 s9, s11;
	v58 =	vld [tilespmem:s24+$0x0];
	v4 =	vadd.f32 v54, v4  }
0x3cc: {  	v7 =	vadd.f32 v10, v7;
	v10 =	vld [tilespmem:s21+$0x0]  }
0x3cd: {  	s17 =	sor.u32 s7, s20;
	v5 =	vadd.f32 v50, v5;
	[tilespmem:s4+$0x1CD80] =	vst v4;
	v4 =	vld [tilespmem:s15+$0x1A600]  }
0x3ce: {  	s19 =	sor.u32 s6, s20;
	s18 =	sor.u32 s9, s20;
	s20 =	sor.u32 s7, s11;
	v2 =	vadd.f32 v51, v2;
	v6 =	vld [tilespmem:s17+$0x0]  }
0x3cf: {  	p0 =	por $0x0, $0x0;
	s1 =	simm.s32 $0x1;
	v55 =	vld [tilespmem:s20+$0x0];
	v3 =	vadd.f32 v3, v5  }
0x3d0: {  	s1 =	simm.s32 @!p0 $0x0;
	v2 =	vadd.f32 v11, v2;
	v11 =	vld [tilespmem:s5+$0x1CE00]  }
0x3d1: {  	s1 =	sshll.u32 s1, $0x6;
	s22 =	sor.u32 s7, s8;
	v5 =	vld [tilespmem:s5+$0x1A600];
	v3 =	vadd.f32 v9, v3  }
0x3d2: {  	s1 =	sadd.s32 $0x0, s1;
	v56 =	vld [tilespmem:s22+$0x0]  }
0x3d3: {  	s16 =	sadd.s32 $0x30, s1;
	[tilespmem:s15+$0x1CD80] =	vst v3;
	v3 =	vld [tilespmem:s18+$0x0]  }
0x3d4: {  	s10 =	sor.u32 $0x100, s16;
	[tilespmem:s13+$0x1CE00] =	vst v2;
	s13 =	sadd.s32 $0x1BA80, s0;
	v9 =	vld [tilespmem:s19+$0x0]  }
0x3d5: {  	s26 =	sor.u32 $0x1B080, s0;
	v2 =	vld [tilespmem:s10+$0x1CD80];
	v6 =	vadd.f32 v6, v7;
	s31 =	sor.u32 s3, s13  }
0x3d6: {  	s28 =	sor.u32 s3, s26;
	v4 =	vadd.f32 v4, v8;
	v8 =	vld [tilespmem:s31+$0x0];
	v11 =	vadd.f32 v5, v11  }
0x3d7: {  	s23 =	sor.u32 s6, s11;
	v7 =	vadd.f32 v55, v6;
	v6 =	vld [tilespmem:s28+$0x0]  }
0x3d8: {  	v57 =	vld [tilespmem:s23+$0x0];
	v3 =	vadd.f32 v3, v11  }
0x3d9: {  	s25 =	sor.u32 s6, s8;
	s12 =	sadd.s32 $0x1C480, s0;
	v5 =	vld [tilespmem:s10+$0x1A580];
	v4 =	vadd.f32 v9, v4;
	v9 =	vadd.f32 v56, v7  }
0x3da: {  	s14 =	sor.u32 s3, s12;
	s11 =	sadd.s32 $0x10, s1;
	v11 =	vld [tilespmem:s25+$0x0]  }
0x3db: {  	s11 =	sor.u32 $0x100, s11;
	v7 =	vld [tilespmem:s14+$0x0];
	v3 =	vadd.f32 v10, v3;
	[tilespmem:s4+$0x1CE00] =	vst v9  }
0x3dc: {  	v9 =	vld [tilespmem:s11+$0x1CD80]  }
0x3dd: {  	s17 =	sor.u32 s7, s26;
	v3 =	vadd.f32 v58, v3;
	v10 =	vld [tilespmem:s11+$0x1A580]  }
0x3de: {  	s16 =	sadd.s32 $0x20, s1;
	s23 =	sor.u32 s7, s13;
	v4 =	vadd.f32 v57, v4;
	v62 =	vld [tilespmem:s17+$0x0]  }
0x3df: {  	s14 =	sor.u32 $0x100, s16;
	[tilespmem:s5+$0x1CE00] =	vst v3;
	v3 =	vld [tilespmem:s23+$0x0]  }
0x3e0: {  	v4 =	vadd.f32 v11, v4;
	v11 =	vld [tilespmem:s14+$0x1CD80]  }
0x3e1: {  	s18 =	sor.u32 s9, s26;
	v59 =	vld [tilespmem:s14+$0x1A580]  }
0x3e2: {  	s25 =	sor.u32 $0x100, s1;
	s4 =	simm.s32 $0x40;
	[tilespmem:s15+$0x1CE00] =	vst v4;
	v63 =	vld [tilespmem:s18+$0x0]  }
0x3e3: {  	s16 =	sand.u32 $0x40, s4;
	s5 =	simm.s32 $0x100;
	v60 =	vld [tilespmem:s25+$0x1CD80]  }
0x3e4: {  	s19 =	sor.u32 s6, s26;
	s1 =	sor.u32 $0x30, s16;
	s3 =	sand.u32 $0xE00, s5;
	v61 =	vld [tilespmem:s25+$0x1A580]  }
0x3e5: {  	s21 =	sor.u32 s1, s3;
	v4 =	vld [tilespmem:s19+$0x0]  }
0x3e6: {  	s17 =	sor.u32 $0x10, s16;
	v32 =	vld [tilespmem:s21+$0x1CD80]  }
0x3e7: {  	s19 =	sor.u32 s17, s3;
	v18 =	vld [tilespmem:s21+$0x1A580]  }
0x3e8: {  	s18 =	sor.u32 $0x20, s16;
	v21 =	vld [tilespmem:s19+$0x1CD80]  }
0x3e9: {  	s15 =	sor.u32 s18, s3;
	v22 =	vld [tilespmem:s19+$0x1A580]  }
0x3ea: {  	v34 =	vld [tilespmem:s15+$0x1CD80]  }
0x3eb: {  	v23 =	vld [tilespmem:s15+$0x1A580]  }
0x3ec: {  	s2 =	sadd.s32 $0x1AF80, s3;
	v36 =	vld [tilespmem:s21+$0x1CE00]  }
0x3ed: {  	s20 =	sor.u32 s1, s2;
	v24 =	vld [tilespmem:s21+$0x1A600]  }
0x3ee: {  	s22 =	sadd.s32 $0x1B980, s3;
	v19 =	vld [tilespmem:s20+$0x0]  }
0x3ef: {  	s24 =	sor.u32 s1, s22;
	v50 =	vld [tilespmem:s19+$0x1CE00]  }
0x3f0: {  	s23 =	sadd.s32 $0x1C380, s3;
	v20 =	vld [tilespmem:s24+$0x0]  }
0x3f1: {  	s26 =	sor.u32 s1, s23;
	v51 =	vld [tilespmem:s19+$0x1A600];
	v17 =	vadd.f32 v18, v32  }
0x3f2: {  	v2 =	vadd.f32 v5, v2;
	v33 =	vld [tilespmem:s26+$0x0]  }
0x3f3: {  	v53 =	vld [tilespmem:s15+$0x1CE00];
	v17 =	vadd.f32 v19, v17  }
0x3f4: {  	v2 =	vadd.f32 v6, v2;
	s28 =	sor.u32 s17, s2;
	v6 =	vld [tilespmem:s15+$0x1A600]  }
0x3f5: {  	s31 =	sor.u32 s18, s2;
	v35 =	vld [tilespmem:s28+$0x0];
	v17 =	vadd.f32 v20, v17  }
0x3f6: {  	v25 =	vld [tilespmem:s31+$0x0];
	s24 =	sor.u32 s16, s2  }
0x3f7: {  	s28 =	sor.u32 s17, s22;
	v26 =	vld [tilespmem:s24+$0x0];
	v17 =	vadd.f32 v33, v17  }
0x3f8: {  	s8 =	sor.u32 $0x1B000, s3;
	v28 =	vld [tilespmem:s28+$0x0];
	s24 =	sor.u32 s18, s22  }
0x3f9: {  	s20 =	sor.u32 s1, s8;
	s2 =	sadd.s32 $0x1BA00, s3;
	v38 =	vld [tilespmem:s24+$0x0];
	[tilespmem:s21+$0x1CD80] =	vst v17  }
0x3fa: {  	s0 =	sadd.s32 $0x1C400, s3;
	s26 =	sor.u32 s1, s2;
	v17 =	vld [tilespmem:s20+$0x0]  }
0x3fb: {  	s31 =	sor.u32 s1, s0;
	v27 =	vld [tilespmem:s26+$0x0]  }
0x3fc: {  	v21 =	vadd.f32 v22, v21;
	v37 =	vld [tilespmem:s31+$0x0];
	s26 =	sor.u32 s17, s23  }
0x3fd: {  	s20 =	sor.u32 s16, s3;
	v39 =	vld [tilespmem:s26+$0x0]  }
0x3fe: {  	v18 =	vadd.f32 v24, v36;
	v20 =	vadd.f32 v35, v21;
	v41 =	vld [tilespmem:s20+$0x1CD80]  }
0x3ff: {  	s28 =	sor.u32 s18, s23;
	v42 =	vld [tilespmem:s20+$0x1A580]  }
0x400: {  	s22 =	sor.u32 s16, s22;
	v40 =	vld [tilespmem:s28+$0x0];
	v20 =	vadd.f32 v28, v20;
	v17 =	vadd.f32 v17, v18  }
0x401: {  	v2 =	vadd.f32 v8, v2;
	v43 =	vld [tilespmem:s22+$0x0];
	v19 =	vadd.f32 v23, v34;
	s31 =	sor.u32 s16, s23  }
0x402: {  	v44 =	vld [tilespmem:s31+$0x0];
	v46 =	vadd.f32 v39, v20;
	v17 =	vadd.f32 v27, v17  }
0x403: {  	v2 =	vadd.f32 v7, v2;
	v19 =	vadd.f32 v25, v19;
	v8 =	vld [tilespmem:s20+$0x1CE00]  }
0x404: {  	s28 =	sor.u32 s17, s8;
	v7 =	vld [tilespmem:s20+$0x1A600];
	v21 =	vadd.f32 v42, v41;
	[tilespmem:s19+$0x1CD80] =	vst v46;
	v17 =	vadd.f32 v37, v17  }
0x405: {  	s23 =	sor.u32 $0x1B080, s3;
	v18 =	vld [tilespmem:s28+$0x0];
	s28 =	sor.u32 s17, s0  }
0x406: {  	v45 =	vadd.f32 v38, v19;
	s24 =	sor.u32 s1, s23;
	v21 =	vadd.f32 v26, v21;
	v58 =	vld [tilespmem:s28+$0x0];
	[tilespmem:s21+$0x1CE00] =	vst v17;
	s21 =	sadd.s32 $0x1BA80, s3  }
0x407: {  	s22 =	sadd.s32 $0x1C480, s3;
	v47 =	vld [tilespmem:s24+$0x0];
	s26 =	sor.u32 s1, s21  }
0x408: {  	v21 =	vadd.f32 v43, v21;
	v17 =	vadd.f32 v40, v45;
	s1 =	sor.u32 s1, s22;
	v48 =	vld [tilespmem:s26+$0x0]  }
0x409: {  	s24 =	sor.u32 s17, s2;
	v49 =	vld [tilespmem:s1+$0x0]  }
0x40a: {  	p0 =	por !p0, !p0;
	s31 =	sor.u32 s18, s8;
	s3 =	simm.s32 $0x1;
	v21 =	vadd.f32 v44, v21;
	[tilespmem:s15+$0x1CD80] =	vst v17;
	v54 =	vld [tilespmem:s24+$0x0]  }
0x40b: {  	s3 =	simm.s32 @!p0 $0x0;
	s26 =	sor.u32 s18, s2;
	v17 =	vld [tilespmem:s31+$0x0]  }
0x40c: {  	s8 =	sor.u32 s16, s8;
	s3 =	sshll.u32 s3, $0x6;
	[tilespmem:s20+$0x1CD80] =	vst v21;
	v55 =	vld [tilespmem:s26+$0x0]  }
0x40d: {  	s2 =	sor.u32 s16, s2;
	s1 =	sadd.s32 $0x100, s3;
	v21 =	vld [tilespmem:s8+$0x0]  }
0x40e: {  	v9 =	vadd.f32 v10, v9;
	s31 =	sor.u32 s18, s0;
	s3 =	sadd.s32 $0x30, s1;
	v57 =	vld [tilespmem:s2+$0x0]  }
0x40f: {  	v10 =	vadd.f32 v59, v11;
	v56 =	vadd.f32 v51, v50;
	v59 =	vld [tilespmem:s31+$0x0];
	s3 =	sor.u32 $0x100, s3  }
0x410: {  	v9 =	vadd.f32 v62, v9;
	v11 =	vadd.f32 v61, v60;
	v52 =	vld [tilespmem:s3+$0x1CD80]  }
0x411: {  	v6 =	vadd.f32 v6, v53;
	v12 =	vadd.f32 v18, v56;
	s0 =	sor.u32 s16, s0;
	v5 =	vld [tilespmem:s3+$0x1A580]  }
0x412: {  	v3 =	vadd.f32 v3, v9;
	v7 =	vadd.f32 v7, v8;
	v60 =	vld [tilespmem:s0+$0x0];
	s2 =	sor.u32 s9, s13  }
0x413: {  	s8 =	sor.u32 s6, s13;
	s13 =	sor.u32 s7, s12;
	v8 =	vld [tilespmem:s2+$0x0];
	v12 =	vadd.f32 v54, v12;
	v6 =	vadd.f32 v17, v6  }
0x414: {  	v4 =	vadd.f32 v4, v11;
	v62 =	vld [tilespmem:s13+$0x0];
	v7 =	vadd.f32 v21, v7  }
0x415: {  	s24 =	sor.u32 s9, s12;
	v61 =	vld [tilespmem:s8+$0x0];
	v12 =	vadd.f32 v58, v12;
	v6 =	vadd.f32 v55, v6  }
0x416: {  	v11 =	vld [tilespmem:s24+$0x0];
	v5 =	vadd.f32 v5, v52;
	v7 =	vadd.f32 v57, v7  }
0x417: {  	v10 =	vadd.f32 v63, v10;
	s26 =	sor.u32 s6, s12;
	s28 =	sadd.s32 $0x10, s1;
	v6 =	vadd.f32 v59, v6  }
0x418: {  	v63 =	vld [tilespmem:s26+$0x0];
	s31 =	sadd.s32 $0x20, s1;
	s2 =	sor.u32 $0x100, s28;
	[tilespmem:s19+$0x1CE00] =	vst v12;
	v5 =	vadd.f32 v47, v5;
	v7 =	vadd.f32 v60, v7  }
0x419: {  	s6 =	sor.u32 $0x100, s31;
	v8 =	vadd.f32 v8, v10;
	v3 =	vadd.f32 v62, v3;
	[tilespmem:s15+$0x1CE00] =	vst v6;
	v6 =	vld [tilespmem:s2+$0x1A580]  }
0x41a: {  	s19 =	sor.u32 $0x100, s1;
	v5 =	vadd.f32 v48, v5;
	[tilespmem:s20+$0x1CE00] =	vst v7;
	v7 =	vadd.f32 v61, v4;
	v4 =	vld [tilespmem:s6+$0x1A580]  }
0x41b: {  	v8 =	vadd.f32 v11, v8;
	[tilespmem:s11+$0x1CD80] =	vst v3;
	v3 =	vld [tilespmem:s19+$0x1CD80]  }
0x41c: {  	[tilespmem:s10+$0x1CD80] =	vst v2;
	s29 =	sor.u32 s18, s23;
	s30 =	sor.u32 s17, s21;
	s24 =	sor.u32 s16, s23;
	v2 =	vadd.f32 v49, v5;
	v5 =	vld [tilespmem:s2+$0x1CD80]  }
0x41d: {  	s0 =	sor.u32 s17, s23;
	s7 =	sor.u32 s16, s21;
	s13 =	sor.u32 s18, s21;
	[tilespmem:s14+$0x1CD80] =	vst v8;
	v8 =	vadd.f32 v63, v7;
	v7 =	vld [tilespmem:s19+$0x1A580]  }
0x41e: {  	s8 =	sor.u32 s17, s22;
	s1 =	sor.u32 s16, s22;
	[tilespmem:s3+$0x1CD80] =	vst v2;
	v2 =	vld [tilespmem:s6+$0x1CD80];
	s3 =	sor.u32 s18, s22  }
.LBB2_26:
0x41f: {  	s4 =	sadd.s32 $0x40, s4;
	s5 =	sadd.s32 $0x100, s5  }
0x420: {  	[tilespmem:s25+$0x1CD80] =	vst v8;
	s18 =	sand.u32 $0x40, s4;
	v8 =	vld [tilespmem:s29+$0x0];
	s22 =	sand.u32 $0xE00, s5  }
0x421: {  	v9 =	vld [tilespmem:s24+$0x0];
	s14 =	sor.u32 s18, s22  }
0x422: {  	v58 =	vld [tilespmem:s14+$0x1CE00]  }
0x423: {  	s20 =	sor.u32 $0x30, s18;
	v5 =	vadd.f32 v6, v5;
	v6 =	vld [tilespmem:s0+$0x0]  }
0x424: {  	[dreg:$0x9] =	wrdreg s1;
	v2 =	vadd.f32 v4, v2;
	s0 =	sor.u32 s20, s22;
	v4 =	vld [tilespmem:s30+$0x0]  }
0x425: {  	[dreg:$0x6] =	wrdreg s2;
	s2 =	sadd.s32 $0x1AF80, s22;
	v10 =	vld [tilespmem:s0+$0x1CD80]  }
0x426: {  	s1 =	smov.u32 s19;
	s21 =	sor.u32 $0x10, s18;
	s19 =	sor.u32 s20, s2;
	v3 =	vadd.f32 v7, v3;
	v7 =	vld [tilespmem:s0+$0x1A580]  }
0x427: {  	s16 =	sor.u32 s21, s22;
	v2 =	vadd.f32 v8, v2;
	v8 =	vld [tilespmem:s19+$0x0]  }
0x428: {  	s23 =	sadd.s32 $0x1B980, s22;
	v3 =	vadd.f32 v9, v3;
	v9 =	vld [tilespmem:s16+$0x1A580];
	v5 =	vadd.f32 v6, v5  }
0x429: {  	s15 =	sor.u32 $0x20, s18;
	s11 =	sor.u32 s20, s23;
	v6 =	vld [tilespmem:s16+$0x1CD80]  }
0x42a: {  	s12 =	sadd.s32 $0x1C380, s22;
	s17 =	sor.u32 s15, s22;
	v4 =	vadd.f32 v4, v5;
	v5 =	vld [tilespmem:s11+$0x0]  }
0x42b: {  	v11 =	vld [tilespmem:s17+$0x1CD80];
	v7 =	vadd.f32 v7, v10;
	s11 =	sor.u32 s20, s12  }
0x42c: {  	v10 =	vld [tilespmem:s11+$0x0]  }
0x42d: {  	v12 =	vld [tilespmem:s17+$0x1A580];
	v7 =	vadd.f32 v8, v7  }
0x42e: {  	v8 =	vld [tilespmem:s14+$0x1CD80]  }
0x42f: {  	[dreg:$0xc] =	wrdreg s3;
	v6 =	vadd.f32 v9, v6;
	v9 =	vld [tilespmem:s14+$0x1A580];
	v5 =	vadd.f32 v5, v7  }
0x430: {  	s3 =	sor.u32 s21, s2;
	s9 =	sor.u32 s15, s2;
	s24 =	sor.u32 s21, s23;
	v53 =	vld [tilespmem:s0+$0x1A600]  }
0x431: {  	s29 =	sor.u32 s18, s23;
	s10 =	sor.u32 s15, s12;
	s30 =	sor.u32 s15, s23;
	v7 =	vld [tilespmem:s3+$0x0];
	v5 =	vadd.f32 v10, v5  }
0x432: {  	s23 =	sor.u32 s18, s12;
	s19 =	sor.u32 s21, s12;
	s12 =	sor.u32 $0x1B000, s22;
	v10 =	vld [tilespmem:s0+$0x1CE00]  }
0x433: {  	v13 =	vld [tilespmem:s9+$0x0];
	s26 =	sor.u32 s20, s12;
	[tilespmem:s0+$0x1CD80] =	vst v5  }
0x434: {  	[dreg:$0x10] =	wrdreg s1;
	s31 =	sadd.s32 $0x1BA00, s22;
	s1 =	sor.u32 s18, s2;
	v5 =	vadd.f32 v9, v8;
	v8 =	vld [tilespmem:s26+$0x0]  }
0x435: {  	[dreg:$0x13] =	wrdreg s7;
	s7 =	sor.u32 s21, s31;
	s9 =	sor.u32 s20, s31;
	v9 =	vld [tilespmem:s1+$0x0]  }
0x436: {  	s1 =	sor.u32 s15, s31;
	v6 =	vadd.f32 v7, v6;
	s26 =	sor.u32 s18, s31;
	s31 =	sadd.s32 $0x1C400, s22;
	v7 =	vld [tilespmem:s9+$0x0]  }
0x437: {  	v14 =	vld [tilespmem:s24+$0x0];
	s9 =	sor.u32 s20, s31;
	v10 =	vadd.f32 v53, v10  }
0x438: {  	v54 =	vld [tilespmem:s9+$0x0]  }
0x439: {  	v55 =	vld [tilespmem:s30+$0x0];
	v8 =	vadd.f32 v8, v10  }
0x43a: {  	p0 =	por !p0, !p0;
	s9 =	simm.s32 $0x1;
	v5 =	vadd.f32 v9, v5;
	v9 =	vld [tilespmem:s29+$0x0]  }
0x43b: {  	v11 =	vadd.f32 v12, v11;
	s9 =	simm.s32 @!p0 $0x0;
	v10 =	vld [tilespmem:s19+$0x0];
	v7 =	vadd.f32 v7, v8  }
0x43c: {  	s9 =	sshll.u32 s9, $0x6;
	v8 =	vld [tilespmem:s10+$0x0]  }
0x43d: {  	v56 =	vld [tilespmem:s23+$0x0];
	v11 =	vadd.f32 v13, v11;
	s9 =	sadd.s32 s9, s5;
	v7 =	vadd.f32 v54, v7  }
0x43e: {  	v57 =	vld [tilespmem:s16+$0x1CE00];
	v6 =	vadd.f32 v14, v6;
	s29 =	sadd.s32 $0x30, s9;
	s10 =	sadd.s32 $0x10, s9  }
0x43f: {  	v11 =	vadd.f32 v55, v11;
	s23 =	sor.u32 $0x100, s10;
	s10 =	sor.u32 $0x100, s29;
	v5 =	vadd.f32 v9, v5;
	v9 =	vld [tilespmem:s16+$0x1A600];
	[tilespmem:s0+$0x1CE00] =	vst v7  }
0x440: {  	s28 =	sor.u32 s21, s12;
	v6 =	vadd.f32 v10, v6;
	v7 =	vld [tilespmem:s10+$0x1CD80]  }
0x441: {  	s25 =	sor.u32 s15, s12;
	s2 =	sor.u32 s18, s12;
	s12 =	sor.u32 $0x1B080, s22;
	v8 =	vadd.f32 v8, v11;
	v10 =	vld [tilespmem:s10+$0x1A580]  }
0x442: {  	s30 =	sor.u32 s20, s12;
	v5 =	vadd.f32 v56, v5;
	[tilespmem:s16+$0x1CD80] =	vst v6;
	v6 =	vld [tilespmem:s17+$0x1CE00]  }
0x443: {  	s24 =	sor.u32 s18, s12;
	[tilespmem:s17+$0x1CD80] =	vst v8;
	v8 =	vld [tilespmem:s30+$0x0]  }
0x444: {  	s11 =	sadd.s32 $0x20, s9;
	s19 =	sor.u32 $0x100, s9;
	s9 =	sadd.s32 $0x1BA80, s22;
	[tilespmem:s14+$0x1CD80] =	vst v5;
	v5 =	vadd.f32 v9, v57;
	v9 =	vld [tilespmem:s17+$0x1A600]  }
0x445: {  	v59 =	vld [tilespmem:s14+$0x1A600];
	s29 =	sor.u32 s15, s12;
	s0 =	sor.u32 s21, s12;
	s12 =	sor.u32 s20, s9  }
0x446: {  	s22 =	sadd.s32 $0x1C480, s22;
	v11 =	vld [tilespmem:s12+$0x0]  }
0x447: {  	s20 =	sor.u32 s20, s22;
	v60 =	vld [tilespmem:s7+$0x0];
	v7 =	vadd.f32 v10, v7  }
0x448: {  	v10 =	vld [tilespmem:s20+$0x0]  }
0x449: {  	v7 =	vadd.f32 v8, v7;
	v6 =	vadd.f32 v9, v6;
	v9 =	vld [tilespmem:s25+$0x0]  }
0x44a: {  	v8 =	vld [tilespmem:s28+$0x0]  }
0x44b: {  	v7 =	vadd.f32 v11, v7;
	v11 =	vld [tilespmem:s2+$0x0]  }
0x44c: {  	v61 =	vld [tilespmem:s1+$0x0]  }
0x44d: {  	[dreg:$0x16] =	wrdreg s8;
	s8 =	sor.u32 s15, s31;
	v62 =	vld [tilespmem:s26+$0x0];
	v7 =	vadd.f32 v10, v7  }
0x44e: {  	[dreg:$0x3] =	wrdreg s6;
	s6 =	sor.u32 s21, s31;
	v10 =	vadd.f32 v59, v58;
	v6 =	vadd.f32 v9, v6;
	v9 =	vld [tilespmem:s8+$0x0]  }
0x44f: {  	s3 =	sor.u32 s18, s31;
	[tilespmem:s10+$0x1CD80] =	vst v7;
	v7 =	vld [tilespmem:s6+$0x0]  }
0x450: {  	s31 =	sor.u32 $0x100, s11;
	s11 =	sor.u32 s15, s9;
	s30 =	sor.u32 s21, s9;
	v5 =	vadd.f32 v8, v5;
	v8 =	vadd.f32 v11, v10;
	v10 =	vld [tilespmem:s3+$0x0]  }
0x451: {  	s21 =	sor.u32 s21, s22;
	v6 =	vadd.f32 v61, v6;
	v11 =	vld [tilespmem:s13+$0x0];
	s13 =	smov.u32 s11;
	s11 =	rddreg [dreg:$0x13]  }
0x452: {  	s8 =	smov.u32 s21;
	s21 =	rddreg [dreg:$0xc];
	v5 =	vadd.f32 v60, v5;
	v63 =	vld [tilespmem:s11+$0x0]  }
0x453: {  	s15 =	sor.u32 s15, s22;
	s20 =	rddreg [dreg:$0x16];
	v8 =	vadd.f32 v62, v8;
	v6 =	vadd.f32 v9, v6;
	v9 =	vld [tilespmem:s21+$0x0]  }
0x454: {  	s9 =	sor.u32 s18, s9;
	s18 =	sor.u32 s18, s22;
	s22 =	rddreg [dreg:$0x9];
	v5 =	vadd.f32 v7, v5;
	v7 =	vld [tilespmem:s20+$0x0]  }
0x455: {  	v8 =	vadd.f32 v10, v8;
	v10 =	vld [tilespmem:s22+$0x0];
	[tilespmem:s17+$0x1CE00] =	vst v6  }
0x456: {  	p1 =	slt.u32 s4, $0x240;
	v11 =	vadd.f32 v11, v2;
	[tilespmem:s16+$0x1CE00] =	vst v5;
	v2 =	vld [tilespmem:s31+$0x1CD80]  }
.Ltmp12:
0x457: {  	v5 =	vld [tilespmem:s23+$0x1CD80];
	(pc) =	sbr.rel @p1 .LBB2_26-.Ltmp12, $4  }
0x458: {  	s26 =	rddreg [dreg:$0x6];
	[tilespmem:s14+$0x1CE00] =	vst v8;
	v6 =	vld [tilespmem:s23+$0x1A580];
	v9 =	vadd.f32 v9, v11  }
0x459: {  	s28 =	rddreg [dreg:$0x3];
	v8 =	vadd.f32 v63, v3;
	v3 =	vld [tilespmem:s19+$0x1CD80];
	v7 =	vadd.f32 v7, v4  }
0x45a: {  	s7 =	smov.u32 s9;
	s1 =	smov.u32 s18;
	s25 =	rddreg [dreg:$0x10];
	v4 =	vld [tilespmem:s31+$0x1A580];
	[tilespmem:s28+$0x1CD80] =	vst v9  }
0x45b: {  	s2 =	smov.u32 s23;
	s6 =	smov.u32 s31;
	s3 =	smov.u32 s15;
	v8 =	vadd.f32 v10, v8;
	[tilespmem:s26+$0x1CD80] =	vst v7;
	v7 =	vld [tilespmem:s19+$0x1A580]  }
0x45c: {  	v9 =	vld [tilespmem:s0+$0x0]  }
0x45d: {  	v10 =	vld [tilespmem:s29+$0x0]  }
0x45e: {  	v11 =	vld [tilespmem:s24+$0x0]  }
0x45f: {  	v12 =	vld [tilespmem:s30+$0x0]  }
0x460: {  	v13 =	vld [tilespmem:s13+$0x0]  }
0x461: {  	v5 =	vadd.f32 v6, v5;
	v6 =	vld [tilespmem:s7+$0x0]  }
0x462: {  	v2 =	vadd.f32 v4, v2;
	v4 =	vld [tilespmem:s8+$0x0]  }
0x463: {  	v3 =	vadd.f32 v7, v3;
	v7 =	vld [tilespmem:s3+$0x0];
	v5 =	vadd.f32 v9, v5  }
0x464: {  	v2 =	vadd.f32 v10, v2;
	v9 =	vld [tilespmem:s1+$0x0]  }
0x465: {  	v3 =	vadd.f32 v11, v3;
	v5 =	vadd.f32 v12, v5  }
0x466: {  	v2 =	vadd.f32 v13, v2  }
0x467: {  	v3 =	vadd.f32 v6, v3;
	v4 =	vadd.f32 v4, v5  }
0x468: {  	[tilespmem:s25+$0x1CD80] =	vst v8;
	v2 =	vadd.f32 v7, v2  }
0x469: {  	v3 =	vadd.f32 v9, v3;
	[tilespmem:s2+$0x1CD80] =	vst v4  }
0x46a: {  	[tilespmem:s6+$0x1CD80] =	vst v2  }
0x46b: {  	[tilespmem:s19+$0x1CD80] =	vst v3  }
0x46c: {  	s12 =	sld [smem:$0x7F8]  }
0x46d: {  	s13 =	simm.s32 $0x1A580;
	s14 =	simm.s32 $0xA00  }
0x46e: {  	s15 =	simm.s32 $0xA000;
	s16 =	simm.s32 $0x0;
	s17 =	simm.s32 $0x2  }
0x46f: {  	[tilespmem:s13], [sflag:$0x2] =	stream.strided.gather [hbm4b:s12+s14], $0x2800, s15, s14, $0x38;
	[tilespmem:$0x1D780] =	vst v63  }
0x470: {  	s18 =	simm.s32 $0x0;
	s6 =	sand.u32 $0x40, s16;
	_ =	swait.ge [sflag:s17], $0x2800  }
0x471: {  	s0 =	sand.u32 $0xE00, s18;
	s3 =	sor.u32 $0x30, s6;
	[sflag:s17] =	ssyncset.done $0x0  }
0x472: {  	s19 =	sor.u32 s3, s0;
	[sflag:s17] =	ssyncadd.s32 $0xFFFFD800  }
0x473: {  	s7 =	sor.u32 $0x10, s6;
	v2 =	vld [tilespmem:s19+$0x1CD80]  }
0x474: {  	s1 =	sadd.s32 $0x1AF80, s0;
	s4 =	sor.u32 s7, s0;
	v3 =	vld [tilespmem:s19+$0x1A580]  }
0x475: {  	s5 =	sor.u32 s3, s1;
	v4 =	vld [tilespmem:s4+$0x1CD80]  }
0x476: {  	s10 =	sadd.s32 $0x1B980, s0;
	v5 =	vld [tilespmem:s5+$0x0]  }
0x477: {  	s20 =	sor.u32 s3, s10;
	v6 =	vld [tilespmem:s4+$0x1A580]  }
0x478: {  	s15 =	sor.u32 s6, s0;
	v7 =	vld [tilespmem:s20+$0x0]  }
0x479: {  	s9 =	sor.u32 $0x20, s6;
	v10 =	vld [tilespmem:s15+$0x1A580]  }
0x47a: {  	s23 =	sor.u32 s9, s1;
	v11 =	vld [tilespmem:s19+$0x1A600]  }
0x47b: {  	s22 =	sor.u32 s7, s1;
	s1 =	sor.u32 s6, s1;
	v53 =	vld [tilespmem:s23+$0x0]  }
0x47c: {  	s14 =	sor.u32 s7, s10;
	v54 =	vld [tilespmem:s1+$0x0]  }
0x47d: {  	s31 =	sor.u32 s9, s10;
	v15 =	vld [tilespmem:s14+$0x0]  }
0x47e: {  	s12 =	sadd.s32 $0x1C380, s0;
	s5 =	sor.u32 s9, s0;
	v16 =	vld [tilespmem:s31+$0x0]  }
0x47f: {  	s21 =	sor.u32 s3, s12;
	v8 =	vld [tilespmem:s5+$0x1CD80];
	v2 =	vadd.f32 v3, v2  }
0x480: {  	v3 =	vld [tilespmem:s21+$0x0]  }
0x481: {  	s14 =	sor.u32 s7, s12;
	v9 =	vld [tilespmem:s5+$0x1A580];
	v2 =	vadd.f32 v5, v2  }
0x482: {  	s16 =	sor.u32 s9, s12;
	v17 =	vld [tilespmem:s14+$0x0]  }
0x483: {  	v4 =	vadd.f32 v6, v4;
	v6 =	vld [tilespmem:s16+$0x0];
	v2 =	vadd.f32 v7, v2  }
0x484: {  	v5 =	vld [tilespmem:s15+$0x1CD80]  }
0x485: {  	v7 =	vld [tilespmem:s22+$0x0];
	v2 =	vadd.f32 v3, v2  }
0x486: {  	s24 =	sor.u32 $0x1B000, s0;
	s17 =	sor.u32 s6, s12;
	v8 =	vadd.f32 v9, v8;
	v3 =	vld [tilespmem:s19+$0x1CE00]  }
0x487: {  	s25 =	sor.u32 s3, s24;
	v9 =	vld [tilespmem:s17+$0x0];
	[tilespmem:s19+$0x1CD80] =	vst v2  }
0x488: {  	s11 =	sadd.s32 $0x1BA00, s0;
	v8 =	vadd.f32 v53, v8;
	v2 =	vld [tilespmem:s25+$0x0]  }
0x489: {  	s26 =	sor.u32 s3, s11;
	v5 =	vadd.f32 v10, v5;
	v10 =	vld [tilespmem:s4+$0x1A600]  }
0x48a: {  	s8 =	sadd.s32 $0x1C400, s0;
	v8 =	vadd.f32 v16, v8;
	v14 =	vld [tilespmem:s26+$0x0]  }
0x48b: {  	s28 =	sor.u32 s3, s8;
	v4 =	vadd.f32 v7, v4;
	v7 =	vld [tilespmem:s4+$0x1CE00];
	v3 =	vadd.f32 v11, v3  }
0x48c: {  	v6 =	vadd.f32 v6, v8;
	v11 =	vld [tilespmem:s28+$0x0]  }
0x48d: {  	s10 =	sor.u32 s6, s10;
	v8 =	vld [tilespmem:s15+$0x1CE00];
	v4 =	vadd.f32 v15, v4;
	v2 =	vadd.f32 v2, v3  }
0x48e: {  	[tilespmem:s5+$0x1CD80] =	vst v6;
	s26 =	sor.u32 s9, s8;
	v3 =	vld [tilespmem:s10+$0x0]  }
0x48f: {  	s23 =	sor.u32 s9, s11;
	v58 =	vld [tilespmem:s26+$0x0];
	v4 =	vadd.f32 v17, v4;
	v2 =	vadd.f32 v14, v2  }
0x490: {  	v7 =	vadd.f32 v10, v7;
	v10 =	vld [tilespmem:s23+$0x0]  }
0x491: {  	s22 =	sor.u32 s7, s11;
	v5 =	vadd.f32 v54, v5;
	[tilespmem:s4+$0x1CD80] =	vst v4;
	v4 =	vld [tilespmem:s15+$0x1A600];
	v2 =	vadd.f32 v11, v2  }
0x492: {  	v55 =	vld [tilespmem:s22+$0x0]  }
0x493: {  	p0 =	por $0x0, $0x0;
	s1 =	simm.s32 $0x1;
	v11 =	vld [tilespmem:s5+$0x1CE00];
	v3 =	vadd.f32 v3, v5;
	[tilespmem:s19+$0x1CE00] =	vst v2;
	s19 =	sor.u32 s7, s24  }
0x494: {  	s20 =	sor.u32 s9, s24;
	s1 =	simm.s32 @!p0 $0x0;
	v6 =	vld [tilespmem:s19+$0x0]  }
0x495: {  	s1 =	sshll.u32 s1, $0x6;
	s21 =	sor.u32 s6, s24;
	v5 =	vld [tilespmem:s5+$0x1A600];
	s24 =	sor.u32 s7, s8;
	v3 =	vadd.f32 v9, v3  }
0x496: {  	s1 =	sadd.s32 $0x0, s1;
	v56 =	vld [tilespmem:s24+$0x0]  }
0x497: {  	s18 =	sadd.s32 $0x30, s1;
	[tilespmem:s15+$0x1CD80] =	vst v3;
	v3 =	vld [tilespmem:s20+$0x0]  }
0x498: {  	s13 =	sadd.s32 $0x1BA80, s0;
	s10 =	sor.u32 $0x100, s18;
	v9 =	vld [tilespmem:s21+$0x0]  }
0x499: {  	s17 =	sor.u32 s3, s13;
	v2 =	vld [tilespmem:s10+$0x1CD80];
	v6 =	vadd.f32 v6, v7  }
0x49a: {  	s25 =	sor.u32 s6, s11;
	v4 =	vadd.f32 v4, v8;
	v8 =	vld [tilespmem:s17+$0x0];
	v11 =	vadd.f32 v5, v11  }
0x49b: {  	v57 =	vld [tilespmem:s25+$0x0];
	v7 =	vadd.f32 v55, v6  }
0x49c: {  	s31 =	sor.u32 $0x1B080, s0;
	s28 =	sor.u32 s6, s8;
	v5 =	vld [tilespmem:s10+$0x1A580];
	v3 =	vadd.f32 v3, v11  }
0x49d: {  	s12 =	sadd.s32 $0x1C480, s0;
	s16 =	sor.u32 s3, s31;
	v11 =	vld [tilespmem:s28+$0x0];
	v4 =	vadd.f32 v9, v4;
	v9 =	vadd.f32 v56, v7  }
0x49e: {  	s18 =	sadd.s32 $0x10, s1;
	s19 =	sor.u32 s3, s12;
	v6 =	vld [tilespmem:s16+$0x0]  }
0x49f: {  	s11 =	sor.u32 $0x100, s18;
	v3 =	vadd.f32 v10, v3;
	v7 =	vld [tilespmem:s19+$0x0];
	[tilespmem:s4+$0x1CE00] =	vst v9  }
0x4a0: {  	v9 =	vld [tilespmem:s11+$0x1CD80]  }
0x4a1: {  	s21 =	sor.u32 s7, s31;
	v3 =	vadd.f32 v58, v3;
	v10 =	vld [tilespmem:s11+$0x1A580]  }
0x4a2: {  	s26 =	sor.u32 s7, s13;
	s20 =	sadd.s32 $0x20, s1;
	v4 =	vadd.f32 v57, v4;
	v62 =	vld [tilespmem:s21+$0x0]  }
0x4a3: {  	s14 =	sor.u32 $0x100, s20;
	[tilespmem:s5+$0x1CE00] =	vst v3;
	v3 =	vld [tilespmem:s26+$0x0]  }
0x4a4: {  	v4 =	vadd.f32 v11, v4;
	v11 =	vld [tilespmem:s14+$0x1CD80]  }
0x4a5: {  	s22 =	sor.u32 s9, s31;
	v59 =	vld [tilespmem:s14+$0x1A580]  }
0x4a6: {  	s25 =	sor.u32 $0x100, s1;
	s4 =	simm.s32 $0x40;
	[tilespmem:s15+$0x1CE00] =	vst v4;
	v63 =	vld [tilespmem:s22+$0x0]  }
0x4a7: {  	s16 =	sand.u32 $0x40, s4;
	s5 =	simm.s32 $0x100;
	v60 =	vld [tilespmem:s25+$0x1CD80]  }
0x4a8: {  	s23 =	sor.u32 s6, s31;
	s1 =	sor.u32 $0x30, s16;
	s3 =	sand.u32 $0xE00, s5;
	v61 =	vld [tilespmem:s25+$0x1A580]  }
0x4a9: {  	s21 =	sor.u32 s1, s3;
	v4 =	vld [tilespmem:s23+$0x0]  }
0x4aa: {  	s17 =	sor.u32 $0x10, s16;
	v32 =	vld [tilespmem:s21+$0x1CD80]  }
0x4ab: {  	s19 =	sor.u32 s17, s3;
	v18 =	vld [tilespmem:s21+$0x1A580]  }
0x4ac: {  	s18 =	sor.u32 $0x20, s16;
	v21 =	vld [tilespmem:s19+$0x1CD80]  }
0x4ad: {  	s15 =	sor.u32 s18, s3;
	v22 =	vld [tilespmem:s19+$0x1A580]  }
0x4ae: {  	v34 =	vld [tilespmem:s15+$0x1CD80]  }
0x4af: {  	v23 =	vld [tilespmem:s15+$0x1A580]  }
0x4b0: {  	s2 =	sadd.s32 $0x1AF80, s3;
	v36 =	vld [tilespmem:s21+$0x1CE00]  }
0x4b1: {  	s24 =	sor.u32 s1, s2;
	v24 =	vld [tilespmem:s21+$0x1A600]  }
0x4b2: {  	s22 =	sadd.s32 $0x1B980, s3;
	v19 =	vld [tilespmem:s24+$0x0]  }
0x4b3: {  	s28 =	sor.u32 s1, s22;
	v50 =	vld [tilespmem:s19+$0x1CE00]  }
0x4b4: {  	s23 =	sadd.s32 $0x1C380, s3;
	v20 =	vld [tilespmem:s28+$0x0]  }
0x4b5: {  	s31 =	sor.u32 s1, s23;
	v51 =	vld [tilespmem:s19+$0x1A600];
	v17 =	vadd.f32 v18, v32  }
0x4b6: {  	v33 =	vld [tilespmem:s31+$0x0]  }
0x4b7: {  	s8 =	sor.u32 s17, s2;
	v53 =	vld [tilespmem:s15+$0x1CE00];
	v17 =	vadd.f32 v19, v17  }
0x4b8: {  	s20 =	sor.u32 s18, s2;
	v35 =	vld [tilespmem:s8+$0x0]  }
0x4b9: {  	v25 =	vld [tilespmem:s20+$0x0];
	s20 =	sor.u32 s16, s2;
	v17 =	vadd.f32 v20, v17  }
0x4ba: {  	s28 =	sor.u32 s17, s22;
	v26 =	vld [tilespmem:s20+$0x0]  }
0x4bb: {  	v28 =	vld [tilespmem:s28+$0x0];
	s20 =	sor.u32 s16, s3;
	v17 =	vadd.f32 v33, v17  }
0x4bc: {  	s8 =	sor.u32 $0x1B000, s3;
	v41 =	vld [tilespmem:s20+$0x1CD80]  }
0x4bd: {  	s2 =	sadd.s32 $0x1BA00, s3;
	s24 =	sor.u32 s1, s8;
	v42 =	vld [tilespmem:s20+$0x1A580];
	[tilespmem:s21+$0x1CD80] =	vst v17  }
0x4be: {  	s26 =	sor.u32 s1, s2;
	v17 =	vld [tilespmem:s24+$0x0]  }
0x4bf: {  	v27 =	vld [tilespmem:s26+$0x0];
	s26 =	sor.u32 s17, s23  }
0x4c0: {  	s0 =	sadd.s32 $0x1C400, s3;
	v21 =	vadd.f32 v22, v21;
	s24 =	sor.u32 s18, s22;
	s22 =	sor.u32 s16, s22;
	v39 =	vld [tilespmem:s26+$0x0]  }
0x4c1: {  	v2 =	vadd.f32 v5, v2;
	s31 =	sor.u32 s1, s0;
	v43 =	vld [tilespmem:s22+$0x0]  }
0x4c2: {  	v20 =	vadd.f32 v35, v21;
	v21 =	vadd.f32 v42, v41;
	v37 =	vld [tilespmem:s31+$0x0];
	s31 =	sor.u32 s16, s23  }
0x4c3: {  	v2 =	vadd.f32 v6, v2;
	v18 =	vadd.f32 v24, v36;
	v44 =	vld [tilespmem:s31+$0x0]  }
0x4c4: {  	v6 =	vld [tilespmem:s15+$0x1A600];
	s28 =	sor.u32 s18, s23;
	v20 =	vadd.f32 v28, v20;
	v21 =	vadd.f32 v26, v21  }
0x4c5: {  	v2 =	vadd.f32 v8, v2;
	v40 =	vld [tilespmem:s28+$0x0];
	v17 =	vadd.f32 v17, v18  }
0x4c6: {  	v8 =	vld [tilespmem:s20+$0x1CE00];
	v46 =	vadd.f32 v39, v20;
	v21 =	vadd.f32 v43, v21  }
0x4c7: {  	v2 =	vadd.f32 v7, v2;
	v38 =	vld [tilespmem:s24+$0x0];
	v17 =	vadd.f32 v27, v17  }
0x4c8: {  	s28 =	sor.u32 s17, s8;
	v7 =	vld [tilespmem:s20+$0x1A600];
	v19 =	vadd.f32 v23, v34;
	[tilespmem:s19+$0x1CD80] =	vst v46;
	v21 =	vadd.f32 v44, v21  }
0x4c9: {  	v17 =	vadd.f32 v37, v17;
	v18 =	vld [tilespmem:s28+$0x0];
	s28 =	sor.u32 s17, s0  }
0x4ca: {  	v19 =	vadd.f32 v25, v19;
	s23 =	sor.u32 $0x1B080, s3;
	s31 =	sor.u32 s18, s8;
	s8 =	sor.u32 s16, s8;
	[tilespmem:s20+$0x1CD80] =	vst v21;
	v58 =	vld [tilespmem:s28+$0x0]  }
0x4cb: {  	s24 =	sor.u32 s1, s23;
	[tilespmem:s21+$0x1CE00] =	vst v17;
	v21 =	vld [tilespmem:s8+$0x0]  }
0x4cc: {  	v9 =	vadd.f32 v10, v9;
	v45 =	vadd.f32 v38, v19;
	s21 =	sadd.s32 $0x1BA80, s3;
	s8 =	sor.u32 s6, s13;
	v47 =	vld [tilespmem:s24+$0x0]  }
0x4cd: {  	v10 =	vadd.f32 v59, v11;
	v11 =	vadd.f32 v61, v60;
	s22 =	sadd.s32 $0x1C480, s3;
	s26 =	sor.u32 s1, s21;
	v61 =	vld [tilespmem:s8+$0x0]  }
0x4ce: {  	v17 =	vadd.f32 v40, v45;
	s1 =	sor.u32 s1, s22;
	v48 =	vld [tilespmem:s26+$0x0]  }
0x4cf: {  	s24 =	sor.u32 s17, s2;
	v49 =	vld [tilespmem:s1+$0x0]  }
0x4d0: {  	p0 =	por !p0, !p0;
	s3 =	simm.s32 $0x1;
	[tilespmem:s15+$0x1CD80] =	vst v17;
	v54 =	vld [tilespmem:s24+$0x0]  }
0x4d1: {  	s3 =	simm.s32 @!p0 $0x0;
	s26 =	sor.u32 s18, s2;
	v17 =	vld [tilespmem:s31+$0x0]  }
0x4d2: {  	s3 =	sshll.u32 s3, $0x6;
	s2 =	sor.u32 s16, s2;
	v55 =	vld [tilespmem:s26+$0x0]  }
0x4d3: {  	s1 =	sadd.s32 $0x100, s3;
	v57 =	vld [tilespmem:s2+$0x0];
	s31 =	sor.u32 s18, s0;
	s0 =	sor.u32 s16, s0  }
0x4d4: {  	s2 =	sor.u32 s9, s13;
	s3 =	sadd.s32 $0x30, s1;
	v60 =	vld [tilespmem:s0+$0x0]  }
0x4d5: {  	v56 =	vadd.f32 v51, v50;
	v7 =	vadd.f32 v7, v8;
	v8 =	vld [tilespmem:s2+$0x0];
	s3 =	sor.u32 $0x100, s3  }
0x4d6: {  	v9 =	vadd.f32 v62, v9;
	v10 =	vadd.f32 v63, v10;
	v52 =	vld [tilespmem:s3+$0x1CD80]  }
0x4d7: {  	v6 =	vadd.f32 v6, v53;
	v12 =	vadd.f32 v18, v56;
	s13 =	sor.u32 s7, s12;
	v5 =	vld [tilespmem:s3+$0x1A580]  }
0x4d8: {  	v3 =	vadd.f32 v3, v9;
	v62 =	vld [tilespmem:s13+$0x0];
	v7 =	vadd.f32 v21, v7  }
0x4d9: {  	s24 =	sor.u32 s9, s12;
	v59 =	vld [tilespmem:s31+$0x0];
	v12 =	vadd.f32 v54, v12;
	v6 =	vadd.f32 v17, v6  }
0x4da: {  	v4 =	vadd.f32 v4, v11;
	v11 =	vld [tilespmem:s24+$0x0];
	v7 =	vadd.f32 v57, v7  }
0x4db: {  	s26 =	sor.u32 s6, s12;
	v12 =	vadd.f32 v58, v12;
	v6 =	vadd.f32 v55, v6  }
0x4dc: {  	v63 =	vld [tilespmem:s26+$0x0];
	v7 =	vadd.f32 v60, v7;
	v5 =	vadd.f32 v5, v52  }
0x4dd: {  	v8 =	vadd.f32 v8, v10;
	v3 =	vadd.f32 v62, v3;
	[tilespmem:s19+$0x1CE00] =	vst v12  }
0x4de: {  	s28 =	sadd.s32 $0x10, s1;
	s19 =	sor.u32 $0x100, s1;
	v6 =	vadd.f32 v59, v6;
	[tilespmem:s20+$0x1CE00] =	vst v7;
	v5 =	vadd.f32 v47, v5  }
0x4df: {  	s2 =	sor.u32 $0x100, s28;
	v8 =	vadd.f32 v11, v8;
	[tilespmem:s11+$0x1CD80] =	vst v3;
	v7 =	vadd.f32 v61, v4;
	v3 =	vld [tilespmem:s19+$0x1CD80]  }
0x4e0: {  	s31 =	sadd.s32 $0x20, s1;
	[tilespmem:s15+$0x1CE00] =	vst v6;
	v6 =	vld [tilespmem:s2+$0x1A580];
	v5 =	vadd.f32 v48, v5  }
0x4e1: {  	s6 =	sor.u32 $0x100, s31;
	[tilespmem:s14+$0x1CD80] =	vst v8;
	v8 =	vadd.f32 v63, v7;
	v7 =	vld [tilespmem:s19+$0x1A580]  }
0x4e2: {  	[tilespmem:s10+$0x1CD80] =	vst v2;
	s29 =	sor.u32 s18, s23;
	s30 =	sor.u32 s17, s21;
	s8 =	sor.u32 s17, s22;
	v4 =	vld [tilespmem:s6+$0x1A580];
	v2 =	vadd.f32 v49, v5  }
0x4e3: {  	s24 =	sor.u32 s16, s23;
	s7 =	sor.u32 s16, s21;
	s0 =	sor.u32 s17, s23;
	v5 =	vld [tilespmem:s2+$0x1CD80]  }
0x4e4: {  	s13 =	sor.u32 s18, s21;
	s1 =	sor.u32 s16, s22;
	[tilespmem:s3+$0x1CD80] =	vst v2;
	v2 =	vld [tilespmem:s6+$0x1CD80];
	s3 =	sor.u32 s18, s22  }
.LBB2_28:
0x4e5: {  	s4 =	sadd.s32 $0x40, s4;
	s5 =	sadd.s32 $0x100, s5  }
0x4e6: {  	[tilespmem:s25+$0x1CD80] =	vst v8;
	s18 =	sand.u32 $0x40, s4;
	v8 =	vld [tilespmem:s29+$0x0];
	s22 =	sand.u32 $0xE00, s5  }
0x4e7: {  	v9 =	vld [tilespmem:s24+$0x0];
	s14 =	sor.u32 s18, s22  }
0x4e8: {  	v58 =	vld [tilespmem:s14+$0x1CE00]  }
0x4e9: {  	s20 =	sor.u32 $0x30, s18;
	v5 =	vadd.f32 v6, v5;
	v6 =	vld [tilespmem:s0+$0x0]  }
0x4ea: {  	[dreg:$0xa] =	wrdreg s1;
	v2 =	vadd.f32 v4, v2;
	s0 =	sor.u32 s20, s22;
	v4 =	vld [tilespmem:s30+$0x0]  }
0x4eb: {  	[dreg:$0x7] =	wrdreg s2;
	s2 =	sadd.s32 $0x1AF80, s22;
	v10 =	vld [tilespmem:s0+$0x1CD80]  }
0x4ec: {  	s1 =	smov.u32 s19;
	s21 =	sor.u32 $0x10, s18;
	s19 =	sor.u32 s20, s2;
	v3 =	vadd.f32 v7, v3;
	v7 =	vld [tilespmem:s0+$0x1A580]  }
0x4ed: {  	s16 =	sor.u32 s21, s22;
	v2 =	vadd.f32 v8, v2;
	v8 =	vld [tilespmem:s19+$0x0]  }
0x4ee: {  	s23 =	sadd.s32 $0x1B980, s22;
	v3 =	vadd.f32 v9, v3;
	v9 =	vld [tilespmem:s16+$0x1A580];
	v5 =	vadd.f32 v6, v5  }
0x4ef: {  	s15 =	sor.u32 $0x20, s18;
	s11 =	sor.u32 s20, s23;
	v6 =	vld [tilespmem:s16+$0x1CD80]  }
0x4f0: {  	s12 =	sadd.s32 $0x1C380, s22;
	s17 =	sor.u32 s15, s22;
	v4 =	vadd.f32 v4, v5;
	v5 =	vld [tilespmem:s11+$0x0]  }
0x4f1: {  	v11 =	vld [tilespmem:s17+$0x1CD80];
	v7 =	vadd.f32 v7, v10;
	s11 =	sor.u32 s20, s12  }
0x4f2: {  	v10 =	vld [tilespmem:s11+$0x0]  }
0x4f3: {  	v12 =	vld [tilespmem:s17+$0x1A580];
	v7 =	vadd.f32 v8, v7  }
0x4f4: {  	v8 =	vld [tilespmem:s14+$0x1CD80]  }
0x4f5: {  	[dreg:$0xd] =	wrdreg s3;
	v6 =	vadd.f32 v9, v6;
	v9 =	vld [tilespmem:s14+$0x1A580];
	v5 =	vadd.f32 v5, v7  }
0x4f6: {  	s3 =	sor.u32 s21, s2;
	s9 =	sor.u32 s15, s2;
	s24 =	sor.u32 s21, s23;
	v53 =	vld [tilespmem:s0+$0x1A600]  }
0x4f7: {  	s29 =	sor.u32 s18, s23;
	s10 =	sor.u32 s15, s12;
	s30 =	sor.u32 s15, s23;
	v7 =	vld [tilespmem:s3+$0x0];
	v5 =	vadd.f32 v10, v5  }
0x4f8: {  	s23 =	sor.u32 s18, s12;
	s19 =	sor.u32 s21, s12;
	s12 =	sor.u32 $0x1B000, s22;
	v10 =	vld [tilespmem:s0+$0x1CE00]  }
0x4f9: {  	v13 =	vld [tilespmem:s9+$0x0];
	s26 =	sor.u32 s20, s12;
	[tilespmem:s0+$0x1CD80] =	vst v5  }
0x4fa: {  	[dreg:$0x11] =	wrdreg s1;
	s31 =	sadd.s32 $0x1BA00, s22;
	s1 =	sor.u32 s18, s2;
	v5 =	vadd.f32 v9, v8;
	v8 =	vld [tilespmem:s26+$0x0]  }
0x4fb: {  	[dreg:$0x14] =	wrdreg s7;
	s7 =	sor.u32 s21, s31;
	s9 =	sor.u32 s20, s31;
	v9 =	vld [tilespmem:s1+$0x0]  }
0x4fc: {  	s1 =	sor.u32 s15, s31;
	v6 =	vadd.f32 v7, v6;
	s26 =	sor.u32 s18, s31;
	s31 =	sadd.s32 $0x1C400, s22;
	v7 =	vld [tilespmem:s9+$0x0]  }
0x4fd: {  	v14 =	vld [tilespmem:s24+$0x0];
	s9 =	sor.u32 s20, s31;
	v10 =	vadd.f32 v53, v10  }
0x4fe: {  	v54 =	vld [tilespmem:s9+$0x0]  }
0x4ff: {  	v55 =	vld [tilespmem:s30+$0x0];
	v8 =	vadd.f32 v8, v10  }
0x500: {  	p0 =	por !p0, !p0;
	s9 =	simm.s32 $0x1;
	v5 =	vadd.f32 v9, v5;
	v9 =	vld [tilespmem:s29+$0x0]  }
0x501: {  	v11 =	vadd.f32 v12, v11;
	s9 =	simm.s32 @!p0 $0x0;
	v10 =	vld [tilespmem:s19+$0x0];
	v7 =	vadd.f32 v7, v8  }
0x502: {  	s9 =	sshll.u32 s9, $0x6;
	v8 =	vld [tilespmem:s10+$0x0]  }
0x503: {  	v56 =	vld [tilespmem:s23+$0x0];
	v11 =	vadd.f32 v13, v11;
	s9 =	sadd.s32 s9, s5;
	v7 =	vadd.f32 v54, v7  }
0x504: {  	v57 =	vld [tilespmem:s16+$0x1CE00];
	v6 =	vadd.f32 v14, v6;
	s29 =	sadd.s32 $0x30, s9;
	s10 =	sadd.s32 $0x10, s9  }
0x505: {  	v11 =	vadd.f32 v55, v11;
	s23 =	sor.u32 $0x100, s10;
	s10 =	sor.u32 $0x100, s29;
	v5 =	vadd.f32 v9, v5;
	v9 =	vld [tilespmem:s16+$0x1A600];
	[tilespmem:s0+$0x1CE00] =	vst v7  }
0x506: {  	s28 =	sor.u32 s21, s12;
	v6 =	vadd.f32 v10, v6;
	v7 =	vld [tilespmem:s10+$0x1CD80]  }
0x507: {  	s25 =	sor.u32 s15, s12;
	s2 =	sor.u32 s18, s12;
	s12 =	sor.u32 $0x1B080, s22;
	v8 =	vadd.f32 v8, v11;
	v10 =	vld [tilespmem:s10+$0x1A580]  }
0x508: {  	s30 =	sor.u32 s20, s12;
	v5 =	vadd.f32 v56, v5;
	[tilespmem:s16+$0x1CD80] =	vst v6;
	v6 =	vld [tilespmem:s17+$0x1CE00]  }
0x509: {  	s24 =	sor.u32 s18, s12;
	[tilespmem:s17+$0x1CD80] =	vst v8;
	v8 =	vld [tilespmem:s30+$0x0]  }
0x50a: {  	s11 =	sadd.s32 $0x20, s9;
	s19 =	sor.u32 $0x100, s9;
	s9 =	sadd.s32 $0x1BA80, s22;
	[tilespmem:s14+$0x1CD80] =	vst v5;
	v5 =	vadd.f32 v9, v57;
	v9 =	vld [tilespmem:s17+$0x1A600]  }
0x50b: {  	v59 =	vld [tilespmem:s14+$0x1A600];
	s29 =	sor.u32 s15, s12;
	s0 =	sor.u32 s21, s12;
	s12 =	sor.u32 s20, s9  }
0x50c: {  	s22 =	sadd.s32 $0x1C480, s22;
	v11 =	vld [tilespmem:s12+$0x0]  }
0x50d: {  	s20 =	sor.u32 s20, s22;
	v60 =	vld [tilespmem:s7+$0x0];
	v7 =	vadd.f32 v10, v7  }
0x50e: {  	v10 =	vld [tilespmem:s20+$0x0]  }
0x50f: {  	v7 =	vadd.f32 v8, v7;
	v6 =	vadd.f32 v9, v6;
	v9 =	vld [tilespmem:s25+$0x0]  }
0x510: {  	v8 =	vld [tilespmem:s28+$0x0]  }
0x511: {  	v7 =	vadd.f32 v11, v7;
	v11 =	vld [tilespmem:s2+$0x0]  }
0x512: {  	v61 =	vld [tilespmem:s1+$0x0]  }
0x513: {  	[dreg:$0x17] =	wrdreg s8;
	s8 =	sor.u32 s15, s31;
	v62 =	vld [tilespmem:s26+$0x0];
	v7 =	vadd.f32 v10, v7  }
0x514: {  	[dreg:$0x4] =	wrdreg s6;
	s6 =	sor.u32 s21, s31;
	v10 =	vadd.f32 v59, v58;
	v6 =	vadd.f32 v9, v6;
	v9 =	vld [tilespmem:s8+$0x0]  }
0x515: {  	s3 =	sor.u32 s18, s31;
	[tilespmem:s10+$0x1CD80] =	vst v7;
	v7 =	vld [tilespmem:s6+$0x0]  }
0x516: {  	s31 =	sor.u32 $0x100, s11;
	s11 =	sor.u32 s15, s9;
	s30 =	sor.u32 s21, s9;
	v5 =	vadd.f32 v8, v5;
	v8 =	vadd.f32 v11, v10;
	v10 =	vld [tilespmem:s3+$0x0]  }
0x517: {  	s21 =	sor.u32 s21, s22;
	v6 =	vadd.f32 v61, v6;
	v11 =	vld [tilespmem:s13+$0x0];
	s13 =	smov.u32 s11;
	s11 =	rddreg [dreg:$0x14]  }
0x518: {  	s8 =	smov.u32 s21;
	s21 =	rddreg [dreg:$0xd];
	v5 =	vadd.f32 v60, v5;
	v63 =	vld [tilespmem:s11+$0x0]  }
0x519: {  	s15 =	sor.u32 s15, s22;
	s20 =	rddreg [dreg:$0x17];
	v8 =	vadd.f32 v62, v8;
	v6 =	vadd.f32 v9, v6;
	v9 =	vld [tilespmem:s21+$0x0]  }
0x51a: {  	s9 =	sor.u32 s18, s9;
	s18 =	sor.u32 s18, s22;
	s22 =	rddreg [dreg:$0xa];
	v5 =	vadd.f32 v7, v5;
	v7 =	vld [tilespmem:s20+$0x0]  }
0x51b: {  	v8 =	vadd.f32 v10, v8;
	v10 =	vld [tilespmem:s22+$0x0];
	[tilespmem:s17+$0x1CE00] =	vst v6  }
0x51c: {  	p1 =	slt.u32 s4, $0x240;
	v11 =	vadd.f32 v11, v2;
	[tilespmem:s16+$0x1CE00] =	vst v5;
	v2 =	vld [tilespmem:s31+$0x1CD80]  }
.Ltmp13:
0x51d: {  	v5 =	vld [tilespmem:s23+$0x1CD80];
	(pc) =	sbr.rel @p1 .LBB2_28-.Ltmp13, $4  }
0x51e: {  	s26 =	rddreg [dreg:$0x7];
	[tilespmem:s14+$0x1CE00] =	vst v8;
	v6 =	vld [tilespmem:s23+$0x1A580];
	v9 =	vadd.f32 v9, v11  }
0x51f: {  	s28 =	rddreg [dreg:$0x4];
	v8 =	vadd.f32 v63, v3;
	v3 =	vld [tilespmem:s19+$0x1CD80];
	v7 =	vadd.f32 v7, v4  }
0x520: {  	s7 =	smov.u32 s9;
	s1 =	smov.u32 s18;
	s25 =	rddreg [dreg:$0x11];
	v4 =	vld [tilespmem:s31+$0x1A580];
	[tilespmem:s28+$0x1CD80] =	vst v9  }
0x521: {  	s2 =	smov.u32 s23;
	s6 =	smov.u32 s31;
	s3 =	smov.u32 s15;
	v8 =	vadd.f32 v10, v8;
	[tilespmem:s26+$0x1CD80] =	vst v7;
	v7 =	vld [tilespmem:s19+$0x1A580]  }
0x522: {  	v9 =	vld [tilespmem:s0+$0x0]  }
0x523: {  	v10 =	vld [tilespmem:s29+$0x0]  }
0x524: {  	v11 =	vld [tilespmem:s24+$0x0]  }
0x525: {  	v12 =	vld [tilespmem:s30+$0x0]  }
0x526: {  	v13 =	vld [tilespmem:s13+$0x0]  }
0x527: {  	v5 =	vadd.f32 v6, v5;
	v6 =	vld [tilespmem:s7+$0x0]  }
0x528: {  	v2 =	vadd.f32 v4, v2;
	v4 =	vld [tilespmem:s8+$0x0]  }
0x529: {  	v3 =	vadd.f32 v7, v3;
	v7 =	vld [tilespmem:s3+$0x0];
	v5 =	vadd.f32 v9, v5  }
0x52a: {  	v2 =	vadd.f32 v10, v2;
	v9 =	vld [tilespmem:s1+$0x0]  }
0x52b: {  	v3 =	vadd.f32 v11, v3;
	v5 =	vadd.f32 v12, v5  }
0x52c: {  	v2 =	vadd.f32 v13, v2  }
0x52d: {  	v3 =	vadd.f32 v6, v3;
	v4 =	vadd.f32 v4, v5  }
0x52e: {  	[tilespmem:s25+$0x1CD80] =	vst v8;
	v2 =	vadd.f32 v7, v2  }
0x52f: {  	v3 =	vadd.f32 v9, v3;
	[tilespmem:s2+$0x1CD80] =	vst v4  }
0x530: {  	[tilespmem:s6+$0x1CD80] =	vst v2  }
0x531: {  	[tilespmem:s19+$0x1CD80] =	vst v3  }
0x532: {  	s12 =	sld [smem:$0x7FA]  }
0x533: {  	s13 =	simm.s32 $0x1A580;
	s14 =	simm.s32 $0xA00  }
0x534: {  	s15 =	simm.s32 $0xA000;
	s16 =	simm.s32 $0x0;
	s17 =	simm.s32 $0x2  }
0x535: {  	[tilespmem:s13], [sflag:$0x2] =	stream.strided.gather [hbm4b:s12+s14], $0x2800, s15, s14, $0x38;
	[tilespmem:$0x1D780] =	vst v63  }
0x536: {  	s18 =	simm.s32 $0x0;
	s6 =	sand.u32 $0x40, s16;
	_ =	swait.ge [sflag:s17], $0x2800  }
0x537: {  	s0 =	sand.u32 $0xE00, s18;
	s3 =	sor.u32 $0x30, s6;
	[sflag:s17] =	ssyncset.done $0x0  }
0x538: {  	s19 =	sor.u32 s3, s0;
	[sflag:s17] =	ssyncadd.s32 $0xFFFFD800  }
0x539: {  	s7 =	sor.u32 $0x10, s6;
	v2 =	vld [tilespmem:s19+$0x1CD80]  }
0x53a: {  	s1 =	sadd.s32 $0x1AF80, s0;
	s4 =	sor.u32 s7, s0;
	v3 =	vld [tilespmem:s19+$0x1A580]  }
0x53b: {  	s5 =	sor.u32 s3, s1;
	v4 =	vld [tilespmem:s4+$0x1CD80]  }
0x53c: {  	s10 =	sadd.s32 $0x1B980, s0;
	v5 =	vld [tilespmem:s5+$0x0]  }
0x53d: {  	s20 =	sor.u32 s3, s10;
	v6 =	vld [tilespmem:s4+$0x1A580]  }
0x53e: {  	s15 =	sor.u32 s6, s0;
	v7 =	vld [tilespmem:s20+$0x0]  }
0x53f: {  	s9 =	sor.u32 $0x20, s6;
	v10 =	vld [tilespmem:s15+$0x1A580]  }
0x540: {  	s23 =	sor.u32 s9, s1;
	v11 =	vld [tilespmem:s19+$0x1A600]  }
0x541: {  	s22 =	sor.u32 s7, s1;
	s1 =	sor.u32 s6, s1;
	v53 =	vld [tilespmem:s23+$0x0]  }
0x542: {  	s14 =	sor.u32 s7, s10;
	v54 =	vld [tilespmem:s1+$0x0]  }
0x543: {  	s31 =	sor.u32 s9, s10;
	v15 =	vld [tilespmem:s14+$0x0]  }
0x544: {  	s12 =	sadd.s32 $0x1C380, s0;
	s5 =	sor.u32 s9, s0;
	v16 =	vld [tilespmem:s31+$0x0]  }
0x545: {  	s21 =	sor.u32 s3, s12;
	v8 =	vld [tilespmem:s5+$0x1CD80];
	v2 =	vadd.f32 v3, v2  }
0x546: {  	v3 =	vld [tilespmem:s21+$0x0]  }
0x547: {  	s14 =	sor.u32 s7, s12;
	v9 =	vld [tilespmem:s5+$0x1A580];
	v2 =	vadd.f32 v5, v2  }
0x548: {  	s16 =	sor.u32 s9, s12;
	v17 =	vld [tilespmem:s14+$0x0]  }
0x549: {  	v4 =	vadd.f32 v6, v4;
	v6 =	vld [tilespmem:s16+$0x0];
	v2 =	vadd.f32 v7, v2  }
0x54a: {  	v5 =	vld [tilespmem:s15+$0x1CD80]  }
0x54b: {  	v7 =	vld [tilespmem:s22+$0x0];
	v2 =	vadd.f32 v3, v2  }
0x54c: {  	s24 =	sor.u32 $0x1B000, s0;
	s17 =	sor.u32 s6, s12;
	v8 =	vadd.f32 v9, v8;
	v3 =	vld [tilespmem:s19+$0x1CE00]  }
0x54d: {  	s25 =	sor.u32 s3, s24;
	v9 =	vld [tilespmem:s17+$0x0];
	[tilespmem:s19+$0x1CD80] =	vst v2  }
0x54e: {  	s11 =	sadd.s32 $0x1BA00, s0;
	v8 =	vadd.f32 v53, v8;
	v2 =	vld [tilespmem:s25+$0x0]  }
0x54f: {  	s26 =	sor.u32 s3, s11;
	v5 =	vadd.f32 v10, v5;
	v10 =	vld [tilespmem:s4+$0x1A600]  }
0x550: {  	s8 =	sadd.s32 $0x1C400, s0;
	v8 =	vadd.f32 v16, v8;
	v14 =	vld [tilespmem:s26+$0x0]  }
0x551: {  	s28 =	sor.u32 s3, s8;
	v4 =	vadd.f32 v7, v4;
	v7 =	vld [tilespmem:s4+$0x1CE00];
	v3 =	vadd.f32 v11, v3  }
0x552: {  	v6 =	vadd.f32 v6, v8;
	v11 =	vld [tilespmem:s28+$0x0]  }
0x553: {  	s10 =	sor.u32 s6, s10;
	v8 =	vld [tilespmem:s15+$0x1CE00];
	v4 =	vadd.f32 v15, v4;
	v2 =	vadd.f32 v2, v3  }
0x554: {  	[tilespmem:s5+$0x1CD80] =	vst v6;
	s26 =	sor.u32 s9, s8;
	v3 =	vld [tilespmem:s10+$0x0]  }
0x555: {  	s23 =	sor.u32 s9, s11;
	v58 =	vld [tilespmem:s26+$0x0];
	v4 =	vadd.f32 v17, v4;
	v2 =	vadd.f32 v14, v2  }
0x556: {  	v7 =	vadd.f32 v10, v7;
	v10 =	vld [tilespmem:s23+$0x0]  }
0x557: {  	s22 =	sor.u32 s7, s11;
	v5 =	vadd.f32 v54, v5;
	[tilespmem:s4+$0x1CD80] =	vst v4;
	v4 =	vld [tilespmem:s15+$0x1A600];
	v2 =	vadd.f32 v11, v2  }
0x558: {  	v55 =	vld [tilespmem:s22+$0x0]  }
0x559: {  	p0 =	por $0x0, $0x0;
	s1 =	simm.s32 $0x1;
	v11 =	vld [tilespmem:s5+$0x1CE00];
	v3 =	vadd.f32 v3, v5;
	[tilespmem:s19+$0x1CE00] =	vst v2;
	s19 =	sor.u32 s7, s24  }
0x55a: {  	s20 =	sor.u32 s9, s24;
	s1 =	simm.s32 @!p0 $0x0;
	v6 =	vld [tilespmem:s19+$0x0]  }
0x55b: {  	s1 =	sshll.u32 s1, $0x6;
	s21 =	sor.u32 s6, s24;
	v5 =	vld [tilespmem:s5+$0x1A600];
	s24 =	sor.u32 s7, s8;
	v3 =	vadd.f32 v9, v3  }
0x55c: {  	s1 =	sadd.s32 $0x0, s1;
	v56 =	vld [tilespmem:s24+$0x0]  }
0x55d: {  	s18 =	sadd.s32 $0x30, s1;
	[tilespmem:s15+$0x1CD80] =	vst v3;
	v3 =	vld [tilespmem:s20+$0x0]  }
0x55e: {  	s13 =	sadd.s32 $0x1BA80, s0;
	s10 =	sor.u32 $0x100, s18;
	v9 =	vld [tilespmem:s21+$0x0]  }
0x55f: {  	s17 =	sor.u32 s3, s13;
	v2 =	vld [tilespmem:s10+$0x1CD80];
	v6 =	vadd.f32 v6, v7  }
0x560: {  	s25 =	sor.u32 s6, s11;
	v4 =	vadd.f32 v4, v8;
	v8 =	vld [tilespmem:s17+$0x0];
	v11 =	vadd.f32 v5, v11  }
0x561: {  	v57 =	vld [tilespmem:s25+$0x0];
	v7 =	vadd.f32 v55, v6  }
0x562: {  	s31 =	sor.u32 $0x1B080, s0;
	s28 =	sor.u32 s6, s8;
	v5 =	vld [tilespmem:s10+$0x1A580];
	v3 =	vadd.f32 v3, v11  }
0x563: {  	s12 =	sadd.s32 $0x1C480, s0;
	s16 =	sor.u32 s3, s31;
	v11 =	vld [tilespmem:s28+$0x0];
	v4 =	vadd.f32 v9, v4;
	v9 =	vadd.f32 v56, v7  }
0x564: {  	s18 =	sadd.s32 $0x10, s1;
	s19 =	sor.u32 s3, s12;
	v6 =	vld [tilespmem:s16+$0x0]  }
0x565: {  	s11 =	sor.u32 $0x100, s18;
	v3 =	vadd.f32 v10, v3;
	v7 =	vld [tilespmem:s19+$0x0];
	[tilespmem:s4+$0x1CE00] =	vst v9  }
0x566: {  	v9 =	vld [tilespmem:s11+$0x1CD80]  }
0x567: {  	s21 =	sor.u32 s7, s31;
	v3 =	vadd.f32 v58, v3;
	v10 =	vld [tilespmem:s11+$0x1A580]  }
0x568: {  	s26 =	sor.u32 s7, s13;
	s20 =	sadd.s32 $0x20, s1;
	v4 =	vadd.f32 v57, v4;
	v62 =	vld [tilespmem:s21+$0x0]  }
0x569: {  	s14 =	sor.u32 $0x100, s20;
	[tilespmem:s5+$0x1CE00] =	vst v3;
	v3 =	vld [tilespmem:s26+$0x0]  }
0x56a: {  	v4 =	vadd.f32 v11, v4;
	v11 =	vld [tilespmem:s14+$0x1CD80]  }
0x56b: {  	s22 =	sor.u32 s9, s31;
	v59 =	vld [tilespmem:s14+$0x1A580]  }
0x56c: {  	s25 =	sor.u32 $0x100, s1;
	s4 =	simm.s32 $0x40;
	[tilespmem:s15+$0x1CE00] =	vst v4;
	v63 =	vld [tilespmem:s22+$0x0]  }
0x56d: {  	s16 =	sand.u32 $0x40, s4;
	s5 =	simm.s32 $0x100;
	v60 =	vld [tilespmem:s25+$0x1CD80]  }
0x56e: {  	s23 =	sor.u32 s6, s31;
	s1 =	sor.u32 $0x30, s16;
	s3 =	sand.u32 $0xE00, s5;
	v61 =	vld [tilespmem:s25+$0x1A580]  }
0x56f: {  	s21 =	sor.u32 s1, s3;
	v4 =	vld [tilespmem:s23+$0x0]  }
0x570: {  	s17 =	sor.u32 $0x10, s16;
	v32 =	vld [tilespmem:s21+$0x1CD80]  }
0x571: {  	s19 =	sor.u32 s17, s3;
	v18 =	vld [tilespmem:s21+$0x1A580]  }
0x572: {  	s18 =	sor.u32 $0x20, s16;
	v21 =	vld [tilespmem:s19+$0x1CD80]  }
0x573: {  	s15 =	sor.u32 s18, s3;
	v22 =	vld [tilespmem:s19+$0x1A580]  }
0x574: {  	v34 =	vld [tilespmem:s15+$0x1CD80]  }
0x575: {  	v23 =	vld [tilespmem:s15+$0x1A580]  }
0x576: {  	s2 =	sadd.s32 $0x1AF80, s3;
	v36 =	vld [tilespmem:s21+$0x1CE00]  }
0x577: {  	s24 =	sor.u32 s1, s2;
	v24 =	vld [tilespmem:s21+$0x1A600]  }
0x578: {  	s22 =	sadd.s32 $0x1B980, s3;
	v19 =	vld [tilespmem:s24+$0x0]  }
0x579: {  	s28 =	sor.u32 s1, s22;
	v50 =	vld [tilespmem:s19+$0x1CE00]  }
0x57a: {  	s23 =	sadd.s32 $0x1C380, s3;
	v20 =	vld [tilespmem:s28+$0x0]  }
0x57b: {  	s31 =	sor.u32 s1, s23;
	v51 =	vld [tilespmem:s19+$0x1A600];
	v17 =	vadd.f32 v18, v32  }
0x57c: {  	v33 =	vld [tilespmem:s31+$0x0]  }
0x57d: {  	s8 =	sor.u32 s17, s2;
	v53 =	vld [tilespmem:s15+$0x1CE00];
	v17 =	vadd.f32 v19, v17  }
0x57e: {  	s20 =	sor.u32 s18, s2;
	v35 =	vld [tilespmem:s8+$0x0]  }
0x57f: {  	v25 =	vld [tilespmem:s20+$0x0];
	s20 =	sor.u32 s16, s2;
	v17 =	vadd.f32 v20, v17  }
0x580: {  	s28 =	sor.u32 s17, s22;
	v26 =	vld [tilespmem:s20+$0x0]  }
0x581: {  	v28 =	vld [tilespmem:s28+$0x0];
	s20 =	sor.u32 s16, s3;
	v17 =	vadd.f32 v33, v17  }
0x582: {  	s8 =	sor.u32 $0x1B000, s3;
	v41 =	vld [tilespmem:s20+$0x1CD80]  }
0x583: {  	s2 =	sadd.s32 $0x1BA00, s3;
	s24 =	sor.u32 s1, s8;
	v42 =	vld [tilespmem:s20+$0x1A580];
	[tilespmem:s21+$0x1CD80] =	vst v17  }
0x584: {  	s26 =	sor.u32 s1, s2;
	v17 =	vld [tilespmem:s24+$0x0]  }
0x585: {  	v27 =	vld [tilespmem:s26+$0x0];
	s26 =	sor.u32 s17, s23  }
0x586: {  	s0 =	sadd.s32 $0x1C400, s3;
	v21 =	vadd.f32 v22, v21;
	s24 =	sor.u32 s18, s22;
	s22 =	sor.u32 s16, s22;
	v39 =	vld [tilespmem:s26+$0x0]  }
0x587: {  	v2 =	vadd.f32 v5, v2;
	s31 =	sor.u32 s1, s0;
	v43 =	vld [tilespmem:s22+$0x0]  }
0x588: {  	v20 =	vadd.f32 v35, v21;
	v21 =	vadd.f32 v42, v41;
	v37 =	vld [tilespmem:s31+$0x0];
	s31 =	sor.u32 s16, s23  }
0x589: {  	v2 =	vadd.f32 v6, v2;
	v18 =	vadd.f32 v24, v36;
	v44 =	vld [tilespmem:s31+$0x0]  }
0x58a: {  	v6 =	vld [tilespmem:s15+$0x1A600];
	s28 =	sor.u32 s18, s23;
	v20 =	vadd.f32 v28, v20;
	v21 =	vadd.f32 v26, v21  }
0x58b: {  	v2 =	vadd.f32 v8, v2;
	v40 =	vld [tilespmem:s28+$0x0];
	v17 =	vadd.f32 v17, v18  }
0x58c: {  	v8 =	vld [tilespmem:s20+$0x1CE00];
	v46 =	vadd.f32 v39, v20;
	v21 =	vadd.f32 v43, v21  }
0x58d: {  	v2 =	vadd.f32 v7, v2;
	v38 =	vld [tilespmem:s24+$0x0];
	v17 =	vadd.f32 v27, v17  }
0x58e: {  	s28 =	sor.u32 s17, s8;
	v7 =	vld [tilespmem:s20+$0x1A600];
	v19 =	vadd.f32 v23, v34;
	[tilespmem:s19+$0x1CD80] =	vst v46;
	v21 =	vadd.f32 v44, v21  }
0x58f: {  	v17 =	vadd.f32 v37, v17;
	v18 =	vld [tilespmem:s28+$0x0];
	s28 =	sor.u32 s17, s0  }
0x590: {  	v19 =	vadd.f32 v25, v19;
	s23 =	sor.u32 $0x1B080, s3;
	s31 =	sor.u32 s18, s8;
	s8 =	sor.u32 s16, s8;
	[tilespmem:s20+$0x1CD80] =	vst v21;
	v58 =	vld [tilespmem:s28+$0x0]  }
0x591: {  	s24 =	sor.u32 s1, s23;
	[tilespmem:s21+$0x1CE00] =	vst v17;
	v21 =	vld [tilespmem:s8+$0x0]  }
0x592: {  	v9 =	vadd.f32 v10, v9;
	v45 =	vadd.f32 v38, v19;
	s21 =	sadd.s32 $0x1BA80, s3;
	s8 =	sor.u32 s6, s13;
	v47 =	vld [tilespmem:s24+$0x0]  }
0x593: {  	v10 =	vadd.f32 v59, v11;
	v11 =	vadd.f32 v61, v60;
	s22 =	sadd.s32 $0x1C480, s3;
	s26 =	sor.u32 s1, s21;
	v61 =	vld [tilespmem:s8+$0x0]  }
0x594: {  	v17 =	vadd.f32 v40, v45;
	s1 =	sor.u32 s1, s22;
	v48 =	vld [tilespmem:s26+$0x0]  }
0x595: {  	s24 =	sor.u32 s17, s2;
	v49 =	vld [tilespmem:s1+$0x0]  }
0x596: {  	p0 =	por !p0, !p0;
	s3 =	simm.s32 $0x1;
	[tilespmem:s15+$0x1CD80] =	vst v17;
	v54 =	vld [tilespmem:s24+$0x0]  }
0x597: {  	s3 =	simm.s32 @!p0 $0x0;
	s26 =	sor.u32 s18, s2;
	v17 =	vld [tilespmem:s31+$0x0]  }
0x598: {  	s3 =	sshll.u32 s3, $0x6;
	s2 =	sor.u32 s16, s2;
	v55 =	vld [tilespmem:s26+$0x0]  }
0x599: {  	s1 =	sadd.s32 $0x100, s3;
	v57 =	vld [tilespmem:s2+$0x0];
	s31 =	sor.u32 s18, s0;
	s0 =	sor.u32 s16, s0  }
0x59a: {  	s2 =	sor.u32 s9, s13;
	s3 =	sadd.s32 $0x30, s1;
	v60 =	vld [tilespmem:s0+$0x0]  }
0x59b: {  	v56 =	vadd.f32 v51, v50;
	v7 =	vadd.f32 v7, v8;
	v8 =	vld [tilespmem:s2+$0x0];
	s3 =	sor.u32 $0x100, s3  }
0x59c: {  	v9 =	vadd.f32 v62, v9;
	v10 =	vadd.f32 v63, v10;
	v52 =	vld [tilespmem:s3+$0x1CD80]  }
0x59d: {  	v6 =	vadd.f32 v6, v53;
	v12 =	vadd.f32 v18, v56;
	s13 =	sor.u32 s7, s12;
	v5 =	vld [tilespmem:s3+$0x1A580]  }
0x59e: {  	v3 =	vadd.f32 v3, v9;
	v62 =	vld [tilespmem:s13+$0x0];
	v7 =	vadd.f32 v21, v7  }
0x59f: {  	s24 =	sor.u32 s9, s12;
	v59 =	vld [tilespmem:s31+$0x0];
	v12 =	vadd.f32 v54, v12;
	v6 =	vadd.f32 v17, v6  }
0x5a0: {  	v4 =	vadd.f32 v4, v11;
	v11 =	vld [tilespmem:s24+$0x0];
	v7 =	vadd.f32 v57, v7  }
0x5a1: {  	s26 =	sor.u32 s6, s12;
	v12 =	vadd.f32 v58, v12;
	v6 =	vadd.f32 v55, v6  }
0x5a2: {  	v63 =	vld [tilespmem:s26+$0x0];
	v7 =	vadd.f32 v60, v7;
	v5 =	vadd.f32 v5, v52  }
0x5a3: {  	v8 =	vadd.f32 v8, v10;
	v3 =	vadd.f32 v62, v3;
	[tilespmem:s19+$0x1CE00] =	vst v12  }
0x5a4: {  	s28 =	sadd.s32 $0x10, s1;
	s19 =	sor.u32 $0x100, s1;
	v6 =	vadd.f32 v59, v6;
	[tilespmem:s20+$0x1CE00] =	vst v7;
	v5 =	vadd.f32 v47, v5  }
0x5a5: {  	s2 =	sor.u32 $0x100, s28;
	v8 =	vadd.f32 v11, v8;
	[tilespmem:s11+$0x1CD80] =	vst v3;
	v7 =	vadd.f32 v61, v4;
	v3 =	vld [tilespmem:s19+$0x1CD80]  }
0x5a6: {  	s31 =	sadd.s32 $0x20, s1;
	[tilespmem:s15+$0x1CE00] =	vst v6;
	v6 =	vld [tilespmem:s2+$0x1A580];
	v5 =	vadd.f32 v48, v5  }
0x5a7: {  	s6 =	sor.u32 $0x100, s31;
	[tilespmem:s14+$0x1CD80] =	vst v8;
	v8 =	vadd.f32 v63, v7;
	v7 =	vld [tilespmem:s19+$0x1A580]  }
0x5a8: {  	[tilespmem:s10+$0x1CD80] =	vst v2;
	s29 =	sor.u32 s18, s23;
	s30 =	sor.u32 s17, s21;
	s8 =	sor.u32 s17, s22;
	v4 =	vld [tilespmem:s6+$0x1A580];
	v2 =	vadd.f32 v49, v5  }
0x5a9: {  	s24 =	sor.u32 s16, s23;
	s7 =	sor.u32 s16, s21;
	s0 =	sor.u32 s17, s23;
	v5 =	vld [tilespmem:s2+$0x1CD80]  }
0x5aa: {  	s13 =	sor.u32 s18, s21;
	s1 =	sor.u32 s16, s22;
	[tilespmem:s3+$0x1CD80] =	vst v2;
	v2 =	vld [tilespmem:s6+$0x1CD80];
	s3 =	sor.u32 s18, s22  }
.LBB2_30:
0x5ab: {  	s4 =	sadd.s32 $0x40, s4;
	s5 =	sadd.s32 $0x100, s5  }
0x5ac: {  	[tilespmem:s25+$0x1CD80] =	vst v8;
	s18 =	sand.u32 $0x40, s4;
	v8 =	vld [tilespmem:s29+$0x0];
	s22 =	sand.u32 $0xE00, s5  }
0x5ad: {  	v9 =	vld [tilespmem:s24+$0x0];
	s14 =	sor.u32 s18, s22  }
0x5ae: {  	v58 =	vld [tilespmem:s14+$0x1CE00]  }
0x5af: {  	s20 =	sor.u32 $0x30, s18;
	v5 =	vadd.f32 v6, v5;
	v6 =	vld [tilespmem:s0+$0x0]  }
0x5b0: {  	[dreg:$0xb] =	wrdreg s1;
	v2 =	vadd.f32 v4, v2;
	s0 =	sor.u32 s20, s22;
	v4 =	vld [tilespmem:s30+$0x0]  }
0x5b1: {  	[dreg:$0x8] =	wrdreg s2;
	s2 =	sadd.s32 $0x1AF80, s22;
	v10 =	vld [tilespmem:s0+$0x1CD80]  }
0x5b2: {  	s1 =	smov.u32 s19;
	s21 =	sor.u32 $0x10, s18;
	s19 =	sor.u32 s20, s2;
	v3 =	vadd.f32 v7, v3;
	v7 =	vld [tilespmem:s0+$0x1A580]  }
0x5b3: {  	s16 =	sor.u32 s21, s22;
	v2 =	vadd.f32 v8, v2;
	v8 =	vld [tilespmem:s19+$0x0]  }
0x5b4: {  	s23 =	sadd.s32 $0x1B980, s22;
	v3 =	vadd.f32 v9, v3;
	v9 =	vld [tilespmem:s16+$0x1A580];
	v5 =	vadd.f32 v6, v5  }
0x5b5: {  	s15 =	sor.u32 $0x20, s18;
	s11 =	sor.u32 s20, s23;
	v6 =	vld [tilespmem:s16+$0x1CD80]  }
0x5b6: {  	s12 =	sadd.s32 $0x1C380, s22;
	s17 =	sor.u32 s15, s22;
	v4 =	vadd.f32 v4, v5;
	v5 =	vld [tilespmem:s11+$0x0]  }
0x5b7: {  	v11 =	vld [tilespmem:s17+$0x1CD80];
	v7 =	vadd.f32 v7, v10;
	s11 =	sor.u32 s20, s12  }
0x5b8: {  	v10 =	vld [tilespmem:s11+$0x0]  }
0x5b9: {  	v12 =	vld [tilespmem:s17+$0x1A580];
	v7 =	vadd.f32 v8, v7  }
0x5ba: {  	v8 =	vld [tilespmem:s14+$0x1CD80]  }
0x5bb: {  	[dreg:$0xe] =	wrdreg s3;
	v6 =	vadd.f32 v9, v6;
	v9 =	vld [tilespmem:s14+$0x1A580];
	v5 =	vadd.f32 v5, v7  }
0x5bc: {  	s3 =	sor.u32 s21, s2;
	s9 =	sor.u32 s15, s2;
	s24 =	sor.u32 s21, s23;
	v53 =	vld [tilespmem:s0+$0x1A600]  }
0x5bd: {  	s29 =	sor.u32 s18, s23;
	s10 =	sor.u32 s15, s12;
	s30 =	sor.u32 s15, s23;
	v7 =	vld [tilespmem:s3+$0x0];
	v5 =	vadd.f32 v10, v5  }
0x5be: {  	s23 =	sor.u32 s18, s12;
	s19 =	sor.u32 s21, s12;
	s12 =	sor.u32 $0x1B000, s22;
	v10 =	vld [tilespmem:s0+$0x1CE00]  }
0x5bf: {  	v13 =	vld [tilespmem:s9+$0x0];
	s26 =	sor.u32 s20, s12;
	[tilespmem:s0+$0x1CD80] =	vst v5  }
0x5c0: {  	[dreg:$0x12] =	wrdreg s1;
	s31 =	sadd.s32 $0x1BA00, s22;
	s1 =	sor.u32 s18, s2;
	v5 =	vadd.f32 v9, v8;
	v8 =	vld [tilespmem:s26+$0x0]  }
0x5c1: {  	[dreg:$0x15] =	wrdreg s7;
	s7 =	sor.u32 s21, s31;
	s9 =	sor.u32 s20, s31;
	v9 =	vld [tilespmem:s1+$0x0]  }
0x5c2: {  	s1 =	sor.u32 s15, s31;
	v6 =	vadd.f32 v7, v6;
	s26 =	sor.u32 s18, s31;
	s31 =	sadd.s32 $0x1C400, s22;
	v7 =	vld [tilespmem:s9+$0x0]  }
0x5c3: {  	v14 =	vld [tilespmem:s24+$0x0];
	s9 =	sor.u32 s20, s31;
	v10 =	vadd.f32 v53, v10  }
0x5c4: {  	v54 =	vld [tilespmem:s9+$0x0]  }
0x5c5: {  	v55 =	vld [tilespmem:s30+$0x0];
	v8 =	vadd.f32 v8, v10  }
0x5c6: {  	p0 =	por !p0, !p0;
	s9 =	simm.s32 $0x1;
	v5 =	vadd.f32 v9, v5;
	v9 =	vld [tilespmem:s29+$0x0]  }
0x5c7: {  	v11 =	vadd.f32 v12, v11;
	s9 =	simm.s32 @!p0 $0x0;
	v10 =	vld [tilespmem:s19+$0x0];
	v7 =	vadd.f32 v7, v8  }
0x5c8: {  	s9 =	sshll.u32 s9, $0x6;
	v8 =	vld [tilespmem:s10+$0x0]  }
0x5c9: {  	v56 =	vld [tilespmem:s23+$0x0];
	v11 =	vadd.f32 v13, v11;
	s9 =	sadd.s32 s9, s5;
	v7 =	vadd.f32 v54, v7  }
0x5ca: {  	v57 =	vld [tilespmem:s16+$0x1CE00];
	v6 =	vadd.f32 v14, v6;
	s29 =	sadd.s32 $0x30, s9;
	s10 =	sadd.s32 $0x10, s9  }
0x5cb: {  	v11 =	vadd.f32 v55, v11;
	s23 =	sor.u32 $0x100, s10;
	s10 =	sor.u32 $0x100, s29;
	v5 =	vadd.f32 v9, v5;
	v9 =	vld [tilespmem:s16+$0x1A600];
	[tilespmem:s0+$0x1CE00] =	vst v7  }
0x5cc: {  	s28 =	sor.u32 s21, s12;
	v6 =	vadd.f32 v10, v6;
	v7 =	vld [tilespmem:s10+$0x1CD80]  }
0x5cd: {  	s25 =	sor.u32 s15, s12;
	s2 =	sor.u32 s18, s12;
	s12 =	sor.u32 $0x1B080, s22;
	v8 =	vadd.f32 v8, v11;
	v10 =	vld [tilespmem:s10+$0x1A580]  }
0x5ce: {  	s30 =	sor.u32 s20, s12;
	v5 =	vadd.f32 v56, v5;
	[tilespmem:s16+$0x1CD80] =	vst v6;
	v6 =	vld [tilespmem:s17+$0x1CE00]  }
0x5cf: {  	s24 =	sor.u32 s18, s12;
	[tilespmem:s17+$0x1CD80] =	vst v8;
	v8 =	vld [tilespmem:s30+$0x0]  }
0x5d0: {  	s11 =	sadd.s32 $0x20, s9;
	s19 =	sor.u32 $0x100, s9;
	s9 =	sadd.s32 $0x1BA80, s22;
	[tilespmem:s14+$0x1CD80] =	vst v5;
	v5 =	vadd.f32 v9, v57;
	v9 =	vld [tilespmem:s17+$0x1A600]  }
0x5d1: {  	v59 =	vld [tilespmem:s14+$0x1A600];
	s29 =	sor.u32 s15, s12;
	s0 =	sor.u32 s21, s12;
	s12 =	sor.u32 s20, s9  }
0x5d2: {  	s22 =	sadd.s32 $0x1C480, s22;
	v11 =	vld [tilespmem:s12+$0x0]  }
0x5d3: {  	s20 =	sor.u32 s20, s22;
	v60 =	vld [tilespmem:s7+$0x0];
	v7 =	vadd.f32 v10, v7  }
0x5d4: {  	v10 =	vld [tilespmem:s20+$0x0]  }
0x5d5: {  	v7 =	vadd.f32 v8, v7;
	v6 =	vadd.f32 v9, v6;
	v9 =	vld [tilespmem:s25+$0x0]  }
0x5d6: {  	v8 =	vld [tilespmem:s28+$0x0]  }
0x5d7: {  	v7 =	vadd.f32 v11, v7;
	v11 =	vld [tilespmem:s2+$0x0]  }
0x5d8: {  	v61 =	vld [tilespmem:s1+$0x0]  }
0x5d9: {  	[dreg:$0x18] =	wrdreg s8;
	s8 =	sor.u32 s15, s31;
	v62 =	vld [tilespmem:s26+$0x0];
	v7 =	vadd.f32 v10, v7  }
0x5da: {  	[dreg:$0x5] =	wrdreg s6;
	s6 =	sor.u32 s21, s31;
	v10 =	vadd.f32 v59, v58;
	v6 =	vadd.f32 v9, v6;
	v9 =	vld [tilespmem:s8+$0x0]  }
0x5db: {  	s3 =	sor.u32 s18, s31;
	[tilespmem:s10+$0x1CD80] =	vst v7;
	v7 =	vld [tilespmem:s6+$0x0]  }
0x5dc: {  	s31 =	sor.u32 $0x100, s11;
	s11 =	sor.u32 s15, s9;
	s30 =	sor.u32 s21, s9;
	v5 =	vadd.f32 v8, v5;
	v8 =	vadd.f32 v11, v10;
	v10 =	vld [tilespmem:s3+$0x0]  }
0x5dd: {  	s21 =	sor.u32 s21, s22;
	v6 =	vadd.f32 v61, v6;
	v11 =	vld [tilespmem:s13+$0x0];
	s13 =	smov.u32 s11;
	s11 =	rddreg [dreg:$0x15]  }
0x5de: {  	s8 =	smov.u32 s21;
	s21 =	rddreg [dreg:$0xe];
	v5 =	vadd.f32 v60, v5;
	v63 =	vld [tilespmem:s11+$0x0]  }
0x5df: {  	s15 =	sor.u32 s15, s22;
	s20 =	rddreg [dreg:$0x18];
	v8 =	vadd.f32 v62, v8;
	v6 =	vadd.f32 v9, v6;
	v9 =	vld [tilespmem:s21+$0x0]  }
0x5e0: {  	s9 =	sor.u32 s18, s9;
	s18 =	sor.u32 s18, s22;
	s22 =	rddreg [dreg:$0xb];
	v5 =	vadd.f32 v7, v5;
	v7 =	vld [tilespmem:s20+$0x0]  }
0x5e1: {  	v8 =	vadd.f32 v10, v8;
	v10 =	vld [tilespmem:s22+$0x0];
	[tilespmem:s17+$0x1CE00] =	vst v6  }
0x5e2: {  	p1 =	slt.u32 s4, $0x240;
	v11 =	vadd.f32 v11, v2;
	[tilespmem:s16+$0x1CE00] =	vst v5;
	v2 =	vld [tilespmem:s31+$0x1CD80]  }
.Ltmp14:
0x5e3: {  	v5 =	vld [tilespmem:s23+$0x1CD80];
	(pc) =	sbr.rel @p1 .LBB2_30-.Ltmp14, $4  }
0x5e4: {  	s26 =	rddreg [dreg:$0x8];
	[tilespmem:s14+$0x1CE00] =	vst v8;
	v6 =	vld [tilespmem:s23+$0x1A580];
	v9 =	vadd.f32 v9, v11  }
0x5e5: {  	s28 =	rddreg [dreg:$0x5];
	v8 =	vadd.f32 v63, v3;
	v3 =	vld [tilespmem:s19+$0x1CD80];
	v7 =	vadd.f32 v7, v4  }
0x5e6: {  	s7 =	smov.u32 s9;
	s1 =	smov.u32 s18;
	s25 =	rddreg [dreg:$0x12];
	v4 =	vld [tilespmem:s31+$0x1A580];
	[tilespmem:s28+$0x1CD80] =	vst v9  }
0x5e7: {  	s2 =	smov.u32 s23;
	s6 =	smov.u32 s31;
	s3 =	smov.u32 s15;
	v8 =	vadd.f32 v10, v8;
	[tilespmem:s26+$0x1CD80] =	vst v7;
	v7 =	vld [tilespmem:s19+$0x1A580]  }
0x5e8: {  	v9 =	vld [tilespmem:s0+$0x0]  }
0x5e9: {  	v10 =	vld [tilespmem:s29+$0x0]  }
0x5ea: {  	v11 =	vld [tilespmem:s24+$0x0]  }
0x5eb: {  	v12 =	vld [tilespmem:s30+$0x0]  }
0x5ec: {  	v13 =	vld [tilespmem:s13+$0x0]  }
0x5ed: {  	v60 =	vld [tilespmem:s7+$0x0];
	v5 =	vadd.f32 v6, v5  }
0x5ee: {  	v61 =	vld [tilespmem:s8+$0x0];
	v2 =	vadd.f32 v4, v2  }
0x5ef: {  	v62 =	vld [tilespmem:s3+$0x0];
	v3 =	vadd.f32 v7, v3;
	v5 =	vadd.f32 v9, v5  }
0x5f0: {  	v63 =	vld [tilespmem:s1+$0x0];
	v2 =	vadd.f32 v10, v2  }
0x5f1: {  	v3 =	vadd.f32 v11, v3;
	v5 =	vadd.f32 v12, v5  }
0x5f2: {  	v2 =	vadd.f32 v13, v2  }
0x5f3: {  	v3 =	vadd.f32 v60, v3;
	v4 =	vadd.f32 v61, v5  }
0x5f4: {  	[tilespmem:s25+$0x1CD80] =	vst v8;
	v2 =	vadd.f32 v62, v2  }
0x5f5: {  	v3 =	vadd.f32 v63, v3;
	[tilespmem:s2+$0x1CD80] =	vst v4  }
0x5f6: {  	[tilespmem:s6+$0x1CD80] =	vst v2  }
0x5f7: {  	[tilespmem:s19+$0x1CD80] =	vst v3  }
0x5f8: {  	s23 =	sld [smem:$0x7FB];
	_ =	sdelay $0x1  }
0x5f9: {  	s28 =	simm.s32 $0x0;
	s24 =	simm.s32 $0x1CD80;
	s30 =	simm.s32 $0x2  }
0x5fa: {  	[hbm4b:s23+s28] =	stream.linear.scatter [tilespmem:s24], [sflag:$0x2], $0xA00, $0x38;
	[tilespmem:$0x1D780] =	vst v63  }
0x5fb: {  	_ =	swait.ge [sflag:s30], $0xA00  }
0x5fc: {  	s25 =	sld [smem:$0x7EC]  }
0x5fd: {  	s26 =	sld [smem:$0x7FC];
	_ =	sdelay $0x1  }
0x5fe: {  	s1 =	sadd.s32 $0x1, s25  }
0x5ff: {  	p0 =	sne.s32 s1, s26  }
.Ltmp15:
0x600: {  	_ = 	snop;
	(pc) =	sbr.rel @p0 .LBB2_1-.Ltmp15, $4  }
0x601: {  	_ = 	snop  }
0x602: {  	s3 =	simm.s32 $0x2780  }
0x603: {  	s29 =	simm.s32 $0x4F00;
	s31 =	simm.s32 $0xEF00;
	[sflag:s30] =	ssyncset.done $0x0  }
0x604: {  	s6 =	simm.s32 $0x1;
	s10 =	sld [smem:$0x7FD];
	[sflag:s30] =	ssyncadd.s32 $0xFFFFF600  }
0x605: {  	_ =	sfence.sel $0x180000  }
0x606: {  	[bflag:$0x0] =	sbarrier.arrive $0xFFFF  }
0x607: {  	_ =	strace $0x90000047  }
0x608: {  	s0 =	stileid.u32;
	[bflag:$0x2] =	sbarrier.arrive $0xFFFF  }
0x609: {  	p0 =	sne.s32 s0, $0x0;
	s0 =	rddreg [dreg:$0x2]  }
0x60a: {  	s0 =	sadd.s32 @!p0 $0x100000, s0  }
0x60b: {  	[sflag:s0] =	ssyncadd.tile.s32 @!p0 $0x1;
	_ =	shalt  }
.Lfunc_end2:
_tile_overlayer_lowered:
.L_overlay_start_2:
0x60c: {  	(tag) =	ssettag $0x2  }
0x60d: {  	s0 =	rddreg [dreg:$0x0];
	s2 =	stileid.u32  }
0x60e: {  	s1 =	rddreg [dreg:$0x1];
	p0 =	sne.s32 s2, $0x0  }
0x60f: {  	s3 =	rddreg [dreg:$0x2];
	[bflag:$0x3] =	sbarrier.arrive $0xFFFF;
	s2 =	simm.s32 @!p0 $0x1C02  }
0x610: {  	[timem:s3], [sflag:s2] =	dma.local @!p0 [hbm:s0], s1  }
0x611: {  	s0 =	simm.s32 @!p0 $0x2  }
0x612: {  	_ =	swait.ge @!p0 [sflag:s0], s1  }
0x613: {  	s1 =	ssub.s32 @!p0 $0x0, s1;
	[sflag:s0] =	ssyncset.done @!p0 $0x0  }
0x614: {  	[sflag:s0] =	ssyncadd.s32 @!p0 s1  }
0x615: {  	[bflag:$0x3] =	sbarrier.arrive $0xFFFF  }
0x616: {  	_ =	shalt  }

// kernel: kernel.9.cloned.1.call-start
scs
__scs_entry_jumppad:
0x0: {  	(pc) =	sbr.rel $0x88, $3  }
0x1: {  	(tag) =	ssettag $0x0;
	lr =	simm.s32 $0x1  }
0x2: {  	[smem:$0x3F97] =	sst lr;
	_ =	strace $0xD0000000  }
0x3: {  	_ = 	snop  }
0x4: {  	_ = 	snop  }
0x5: {  	_ = 	snop  }
0x6: {  	_ = 	snop  }
0x7: {  	_ = 	snop  }
__scs_overlays_trampoline_lowered:
0x8: {  	[smem:$0x3FA6] =	sst s0  }
0x9: {  	[smem:$0x3FA7] =	sst s1  }
0xa: {  	[smem:$0x3FA8] =	sst s2  }
0xb: {  	[smem:$0x3FA9] =	sst s3  }
0xc: {  	[smem:$0x3FAA] =	sst s4  }
0xd: {  	[smem:$0x3FAB] =	sst s5  }
0xe: {  	[smem:$0x3FAC] =	sst s6  }
0xf: {  	[smem:$0x3FAD] =	sst s7  }
0x10: {  	[smem:$0x3FAE] =	sst s8  }
0x11: {  	[smem:$0x3FAF] =	sst s9;
	s0 =	simm.s32 @!p0 $0x0  }
0x12: {  	s1 =	sld [smem:$0x3F95];
	s0 =	simm.s32 @p0 $0x1  }
0x13: {  	[smem:$0x3FB0] =	sst s0;
	s0 =	simm.s32 @!p1 $0x0  }
0x14: {  	s2 =	sld [smem:$0x3F94];
	s0 =	simm.s32 @p1 $0x1  }
0x15: {  	[smem:$0x3FB1] =	sst s0;
	s0 =	simm.s32 @!p2 $0x0  }
0x16: {  	s3 =	sld [smem:$0x3FDB];
	s0 =	simm.s32 @p2 $0x1  }
0x17: {  	s4 =	simm.s32 $0x1BF5;
	[smem:$0x3FB3] =	sst s0  }
0x18: {  	s0 =	sld [smem:$0x3F96];
	_ =	swait.ge [sflag:s4], $0x0  }
0x19: {  	s7 =	sld [smem:$0x3F97]  }
0x1a: {  	s8 =	sadd.s32 $0xFFFFE003, lr  }
0x1b: {  	s9 =	sadd.s32 $0xFFFFFEF7, lr;
	s5 =	simm.s32 $0xFFFFFFFF;
	p2 =	slt.u32 s8, $0xFFFFF086  }
0x1c: {  	p1 =	slt.u32 s9, $0xF7A;
	s5 =	simm.s32 @!p2 $0x0  }
0x1d: {  	s5 =	simm.s32 @p1 $0x1;
	p0 =	seq.s32 s7, s2  }
0x1e: {  	s7 =	smul.u32 @!p0 $0xF7A, s2;
	p2 =	seq.s32 @!p0 s5, $0x0  }
0x1f: {  	s9 =	smul.u32 $0xF7A, s1;
	s8 =	simm.s32 @!p0 $0x1BF5;
	p2 =	por !p2, p0  }
0x20: {  	[sflag:s8] =	ssyncset.s32 @!p0 $0xFFFFF086;
	s6 =	sadd.s32 @!p0 s3, s7;
	s7 =	simm.s32 @!p0 $0x108  }
0x21: {  	s3 =	sadd.s32 s3, s9;
	s6 =	sadd.s32 @!p0 $0x88, s6;
	s7 =	simm.s32 @p2 $0x1082  }
0x22: {  	[simem:s7], [sflag:s8] =	dma.local @!p0 [hbm:s6], $0xF7A  }
0x23: {  	s9 =	sor.u32 $0xD0000000, s2;
	s6 =	simm.s32 $0x108;
	_ =	swait.ge @!p0 [sflag:s8], $0x0  }
0x24: {  	s3 =	sadd.s32 $0x88, s3;
	s6 =	simm.s32 @!p1 $0x1082;
	[sflag:s4] =	ssyncset.s32 $0xFFFFF086  }
0x25: {  	[simem:s6], [sflag:s4] =	dma.local [hbm:s3], $0xF7A  }
0x26: {  	[smem:$0x3F97] =	sst s1;
	(tag) =	ssettag s2;
	_ =	strace s9  }
0x27: {  	s1 =	sld [smem:$0x3FA7]  }
0x28: {  	s2 =	sld [smem:$0x3FA8]  }
0x29: {  	s4 =	sld [smem:$0x3FAA]  }
0x2a: {  	p0 =	seq.s32 s5, $0x0;
	s5 =	sld [smem:$0x3FAB]  }
0x2b: {  	s6 =	sld [smem:$0x3FAC]  }
0x2c: {  	s7 =	sld [smem:$0x3FAD]  }
0x2d: {  	s3 =	simm.s32 $0x108;
	s8 =	sld [smem:$0x3FAE]  }
0x2e: {  	s3 =	simm.s32 @!p0 $0x1082;
	s9 =	sld [smem:$0x3FAF]  }
0x2f: {  	lr =	sadd.s32 s0, s3;
	s0 =	sld [smem:$0x3FA6]  }
0x30: {  	s3 =	sld [smem:$0x3FA9]  }
0x31: {  	[smem:$0x3FB2] =	sst s10  }
0x32: {  	s10 =	sld [smem:$0x3FB0];
	_ =	sdelay $0x3  }
0x33: {  	p0 =	seq.s32 s10, $0x1;
	s10 =	sld [smem:$0x3FB2];
	_ =	sdelay $0x3  }
0x34: {  	[smem:$0x3FB2] =	sst s10  }
0x35: {  	s10 =	sld [smem:$0x3FB1];
	_ =	sdelay $0x3  }
0x36: {  	p1 =	seq.s32 s10, $0x1;
	s10 =	sld [smem:$0x3FB2];
	_ =	sdelay $0x3  }
0x37: {  	[smem:$0x3FB2] =	sst s10  }
0x38: {  	s10 =	sld [smem:$0x3FB3]  }
0x39: {  	_ = 	snop;
	(pc) =	sbr.ind lr, $3  }
0x3a: {  	_ = 	snop  }
0x3b: {  	_ = 	snop  }
0x3c: {  	p2 =	seq.s32 s10, $0x1;
	s10 =	sld [smem:$0x3FB2]  }
0x3d: {  	_ =	shalt  }
0x3e: {  	_ =	shalt  }
0x3f: {  	_ =	shalt  }
0x40: {  	_ =	shalt  }
0x41: {  	_ =	shalt  }
0x42: {  	_ =	shalt  }
0x43: {  	_ =	shalt  }
0x44: {  	_ =	shalt  }
0x45: {  	_ =	shalt  }
0x46: {  	_ =	shalt  }
0x47: {  	_ =	shalt  }
0x48: {  	_ =	shalt  }
0x49: {  	_ =	shalt  }
0x4a: {  	_ =	shalt  }
0x4b: {  	_ =	shalt  }
0x4c: {  	_ =	shalt  }
0x4d: {  	_ =	shalt  }
0x4e: {  	_ =	shalt  }
0x4f: {  	_ =	shalt  }
0x50: {  	_ =	shalt  }
0x51: {  	_ =	shalt  }
0x52: {  	_ =	shalt  }
0x53: {  	_ =	shalt  }
0x54: {  	_ =	shalt  }
0x55: {  	_ =	shalt  }
0x56: {  	_ =	shalt  }
0x57: {  	_ =	shalt  }
0x58: {  	_ =	shalt  }
0x59: {  	_ =	shalt  }
0x5a: {  	_ =	shalt  }
0x5b: {  	_ =	shalt  }
0x5c: {  	_ =	shalt  }
0x5d: {  	_ =	shalt  }
0x5e: {  	_ =	shalt  }
0x5f: {  	_ =	shalt  }
0x60: {  	_ =	shalt  }
0x61: {  	_ =	shalt  }
0x62: {  	_ =	shalt  }
0x63: {  	_ =	shalt  }
0x64: {  	_ =	shalt  }
0x65: {  	_ =	shalt  }
0x66: {  	_ =	shalt  }
0x67: {  	_ =	shalt  }
0x68: {  	_ =	shalt  }
0x69: {  	_ =	shalt  }
0x6a: {  	_ =	shalt  }
0x6b: {  	_ =	shalt  }
0x6c: {  	_ =	shalt  }
0x6d: {  	_ =	shalt  }
0x6e: {  	_ =	shalt  }
0x6f: {  	_ =	shalt  }
0x70: {  	_ =	shalt  }
0x71: {  	_ =	shalt  }
0x72: {  	_ =	shalt  }
0x73: {  	_ =	shalt  }
0x74: {  	_ =	shalt  }
0x75: {  	_ =	shalt  }
0x76: {  	_ =	shalt  }
0x77: {  	_ =	shalt  }
0x78: {  	_ =	shalt  }
0x79: {  	_ =	shalt  }
0x7a: {  	_ =	shalt  }
0x7b: {  	_ =	shalt  }
0x7c: {  	_ =	shalt  }
0x7d: {  	_ =	shalt  }
0x7e: {  	_ =	shalt  }
0x7f: {  	_ =	shalt  }
0x80: {  	_ =	shalt  }
0x81: {  	_ =	shalt  }
0x82: {  	_ =	shalt  }
0x83: {  	_ =	shalt  }
0x84: {  	_ =	shalt  }
0x85: {  	_ =	shalt  }
0x86: {  	_ =	shalt  }
0x87: {  	_ =	shalt  }
.Lfunc_end0:
.L_simem_size_0:
called_computation.1_lowered:
.L_overlay_start_0:
0x88: {  	s2 =	sld [smem:$0x3FD9]  }
0x89: {  	s3 =	sld [smem:$0x3FFE];
	_ =	sdelay $0x1  }
0x8a: {  	s1 =	srdreg.scid  }
0x8b: {  	s0 =	sand.u32 $0x1, s1  }
0x8c: {  	s17 =	sshll.u32 s0, $0xA;
	s2 =	sadd.s32 s3, s2  }
0x8d: {  	s2 =	sadd.s32 s2, s17  }
0x8e: {  	[smem:$0x3FBE] =	sst s2  }
0x8f: {  	_ = 	snop  }
0x90: {  	s2 =	sld [smem:$0x3FD0];
	(tm) =	ssettm $0x1  }
0x91: {  	s18 =	sld [smem:$0x3FFB];
	_ =	sdelay $0x3  }
0x92: {  	_ =	strace s18  }
0x93: {  	s3 =	sld [smem:$0x3FFC];
	_ =	sdelay $0x3  }
0x94: {  	_ =	strace s3  }
0x95: {  	s3 =	sld [smem:$0x3FFD];
	_ =	sdelay $0x3  }
0x96: {  	_ =	strace s3  }
0x97: {  	_ =	strace $0x8FFFFFFF  }
0x98: {  	s19 =	sld [smem:$0x3FDB];
	_ =	sdelay $0x1  }
0x99: {  	s4 =	simm.s32 $_scs_section_size  }
0x9a: {  	s5 =	simm.s32 $_size__tile_overlayer_lowered;
	s6 =	simm.s32 $_tile_overlayer_lowered  }
0x9b: {  	s22 =	simm.s32 $0x1BFF;
	s21 =	sshll.u32 s6, $0x1;
	s3 =	sadd.s32 s4, s19  }
0x9c: {  	s7 =	simm.s32 $0x0;
	s20 =	sshll.u32 s5, $0x1;
	s5 =	sadd.s32 s21, s3  }
0x9d: {  	[timem:s7], [sflag:s22] =	dma.local [hbm:s5], s20  }
0x9e: {  	_ =	swait.ge [sflag:s22], s20  }
0x9f: {  	s4 =	ssub.s32 $0x0, s20;
	[sflag:s22] =	ssyncset.done $0x0  }
0xa0: {  	[sflag:s22] =	ssyncadd.s32 s4;
	_ =	sdelay $0x1  }
0xa1: {  	s23 =	simm.s32 $0x1B8B  }
0xa2: {  	_ =	swait.ge [sflag:s23], $0x1  }
0xa3: {  	[sflag:s23] =	ssyncset.done $0x0  }
0xa4: {  	s25 =	simm.s32 $0x1B8E;
	s24 =	sld [smem:$0x3FFE];
	[sflag:s23] =	ssyncadd.s32 $0xFFFFFFFF  }
0xa5: {  	s26 =	simm.s32 $execute0_lowered;
	[smem:$0x3FD2] =	sst s25  }
0xa6: {  	s5 =	sshll.u32 s26, $0x1;
	_ =	strace $0x80000049;
	[dreg:$0x1] =	wrdreg $0xFFFFFFFF  }
0xa7: {  	s28 =	simm.s32 $_size_execute0_lowered;
	s3 =	sadd.s32 s3, s5;
	[dreg:$0x0] =	wrdreg $0x0  }
0xa8: {  	s5 =	sshll.u32 s28, $0x1;
	[dreg:$0x2] =	wrdreg s3  }
0xa9: {  	[dreg:$0x3] =	wrdreg s5  }
0xaa: {  	[dreg:$0x4] =	wrdreg $0xC0  }
0xab: {  	_ =	task [dreg:s7], $0x5FFFF  }
0xac: {  	[dreg:$0x1] =	wrdreg $0xFFFFFFFF  }
0xad: {  	[dreg:$0x0] =	wrdreg $0x60  }
0xae: {  	[dreg:$0x2] =	wrdreg s24  }
0xaf: {  	[dreg:$0x3] =	wrdreg s2  }
0xb0: {  	[dreg:$0x4] =	wrdreg $0x9  }
0xb1: {  	_ =	task.clear_ibuf [dreg:s7], $0x5FFFF;
	_ =	strace $0x90000049  }
0xb2: {  	s29 =	simm.s32 $0x9;
	_ =	strace $0x8000004B  }
0xb3: {  	_ =	swait.ge [sflag:s29], $0x1  }
0xb4: {  	[sflag:s29] =	ssyncadd.s32 $0xFFFFFFFF  }
0xb5: {  	_ =	strace $0x9000004B  }
0xb6: {  	_ =	sfence  }
0xb7: {  	s30 =	sld [smem:$0x0];
	_ =	sdelay $0x2  }
0xb8: {  	s31 =	sshll.u32 s1, $0xD;
	s1 =	sshrl.u32 s1, $0x2  }
0xb9: {  	s3 =	sand.u32 $0x4000, s31;
	s1 =	sadd.s32 s1, s30  }
0xba: {  	s0 =	sor.u32 s3, s0;
	s1 =	sshll.u32 s1, $0x11  }
0xbb: {  	s0 =	sor.u32 s1, s0  }
0xbc: {  	s0 =	sadd.s32 $0x8F2B, s0  }
0xbd: {  	[sflag:s0] =	ssyncadd.remote.s32 $0x1  }
0xbe: {  	_ =	sfence.sel $0xFFFF  }
0xbf: {  	[dreg:$0x0] =	wrdreg $0xFFFFFFFF;
	(pc) =	sbr.abs _section_cstart, $3  }
0xc0: {  	[dreg:$0x1] =	wrdreg $0xFFFFFFFF  }
0xc1: {  	_ =	task.clear_ibuf [dreg:s7], $0x2FFFF;
	_ =	strace $0x9FFFFFFF  }
0xc2: {  	(tm) =	ssettm $0x7FFFFFFF  }
0xc3: {  	_ =	shalt  }
tec
execute0_lowered:
.L_overlay_start_1:
0x0: {  	(tag) =	ssettag $0x1  }
0x1: {  	s0 =	srdreg.scid;
	s2 =	stileid.u32  }
0x2: {  	s3 =	rddreg [dreg:$0x0];
	s5 =	smul.u32 $0xA00, s2  }
0x3: {  	s4 =	rddreg [dreg:$0x1];
	s6 =	smul.u32 $0x500, s2  }
0x4: {  	s11 =	simm.s32 $0x0;
	s0 =	sand.u32 $0x1, s0;
	s8 =	smul.u32 $0xA000, s2  }
0x5: {  	[smem:$0x7FF] =	sst s11;
	s1 =	sshll.u32 s0, $0x4;
	s7 =	smul.u32 $0xA0000, s0  }
0x6: {  	_ =	strace $0x8000004A;
	s10 =	sshll.u32 s0, $0x7;
	s20 =	ssub.s32 $0x2, s0  }
0x7: {  	s0 =	smul.u32 $0xA000, s0;
	s1 =	sor.u32 s2, s1;
	s9 =	sshrl.u32 s5, $0x3  }
0x8: {  	s6 =	sor.u32 s10, s6;
	s21 =	sshrl.u32 s20, $0x1;
	s1 =	smul.u32 $0x4E2, s1  }
0x9: {  	s9 =	sadd.s32 s9, s3;
	s7 =	sadd.s32 s8, s7;
	s6 =	sshrl.u32 s6, $0x3  }
0xa: {  	s8 =	ssub.s32 s20, s21;
	s26 =	sadd.s32 s5, s0;
	s23 =	sadd.s32 $0x42C00, s9  }
0xb: {  	s0 =	sshrl.u32 s0, $0x3;
	s24 =	sadd.s32 $0x44000, s9;
	[dreg:$0x5] =	wrdreg s23  }
0xc: {  	s7 =	sshrl.u32 s7, $0x3;
	s28 =	sadd.s32 $0x17000, s9;
	[dreg:$0x6] =	wrdreg s24  }
0xd: {  	s6 =	sadd.s32 s6, s3;
	s31 =	smax.u32 s8, $0x1;
	[dreg:$0x8] =	wrdreg s28  }
0xe: {  	s1 =	sadd.s32 s1, s3;
	s25 =	sadd.s32 $0x45400, s6;
	[dreg:$0xd] =	wrdreg s31  }
0xf: {  	s7 =	sadd.s32 s7, s3;
	s22 =	sadd.s32 $0xBE00, s1;
	[dreg:$0x7] =	wrdreg s25  }
0x10: {  	s3 =	sadd.s32 $0x18400, s3;
	s1 =	sadd.s32 $0x2000, s1;
	[dreg:$0x3] =	wrdreg s22  }
0x11: {  	s21 =	simm.s32 $0x1;
	s0 =	sadd.s32 s3, s0;
	[dreg:$0x4] =	wrdreg s1  }
0x12: {  	s30 =	sadd.s32 $0x1AC00, s7;
	s1 =	sshrl.u32 s26, $0x3;
	[dreg:$0xb] =	wrdreg s0  }
0x13: {  	s24 =	simm.s32 $0xEF00;
	[dreg:$0xc] =	wrdreg s30;
	s29 =	sadd.s32 s4, s1  }
0x14: {  	s25 =	simm.s32 $0x4F00;
	s1 =	sadd.s32 s3, s1;
	[dreg:$0x9] =	wrdreg s29  }
0x15: {  	v0 =	vimm.f32 $0.0e+00;
	s26 =	simm.s32 $0x0;
	s4 =	simm.s32 $0x19180;
	[dreg:$0xa] =	wrdreg s1  }
.LBB2_1:
0x16: {  	s0 =	rddreg [dreg:$0x3]  }
0x17: {  	s19 =	rddreg [dreg:$0x4]  }
0x18: {  	[tilespmem:s11], [sflag:$0x1] =	stream.linear.gather [hbm4b:s0+s11], $0x2710, $0x38;
	[tilespmem:$0x1CD80] =	vst v63  }
0x19: {  	s1 =	simm.s32 $0x2780;
	s20 =	rddreg [dreg:$0x5]  }
0x1a: {  	[tilespmem:s1], [sflag:$0x1] =	stream.linear.gather [hbm4b:s19+s11], $0x2710, $0x38;
	[tilespmem:$0x1CD80] =	vst v63  }
0x1b: {  	s22 =	simm.s32 $0x1A580;
	s23 =	rddreg [dreg:$0x6]  }
0x1c: {  	[tilespmem:s22], [sflag:$0x1] =	stream.linear.gather [hbm4b:s20+s11], $0xA00, $0x38;
	[tilespmem:$0x1CD80] =	vst v63  }
0x1d: {  	s28 =	simm.s32 $0x1AF80;
	s29 =	rddreg [dreg:$0x7]  }
0x1e: {  	[tilespmem:s28], [sflag:$0x1] =	stream.linear.gather [hbm4b:s23+s11], $0xA00, $0x38;
	[tilespmem:$0x1CD80] =	vst v63  }
0x1f: {  	s30 =	simm.s32 $0x80;
	s2 =	simm.s32 $0x100;
	s3 =	simm.s32 $0x18F00  }
0x20: {  	[tilespmem:s3], [sflag:$0x1] =	stream.strided.gather [hbm4b:s29+s30], $0x280, s2, s30, $0x38;
	[tilespmem:$0x1CD80] =	vst v63  }
0x21: {  	s31 =	rddreg [dreg:$0x8];
	s0 =	simm.s32 $0x5000  }
0x22: {  	[tilespmem:s4], [sflag:$0x1] =	stream.linear.gather [hbm4b:s31+s11], $0xA00, $0x38;
	[tilespmem:$0x1CD80] =	vst v63  }
0x23: {  	[tilespmem:s0+$0xFFFFFF00] =	vst v0  }
0x24: {  	[tilespmem:s0+$0xF0] =	vst v0  }
0x25: {  	[tilespmem:s0+$0x70] =	vst v0  }
0x26: {  	[tilespmem:s0+$0xFFFFFFF0] =	vst v0  }
0x27: {  	[tilespmem:s0+$0xFFFFFF70] =	vst v0  }
0x28: {  	[tilespmem:s0+$0xE0] =	vst v0  }
0x29: {  	[tilespmem:s0+$0x60] =	vst v0  }
0x2a: {  	[tilespmem:s0+$0xFFFFFFE0] =	vst v0  }
0x2b: {  	[tilespmem:s0+$0xFFFFFF60] =	vst v0  }
0x2c: {  	[tilespmem:s0+$0xD0] =	vst v0  }
0x2d: {  	[tilespmem:s0+$0x50] =	vst v0  }
0x2e: {  	[tilespmem:s0+$0xFFFFFFD0] =	vst v0  }
0x2f: {  	[tilespmem:s0+$0xFFFFFF50] =	vst v0  }
0x30: {  	[tilespmem:s0+$0xC0] =	vst v0  }
0x31: {  	[tilespmem:s0+$0x40] =	vst v0  }
0x32: {  	[tilespmem:s0+$0xFFFFFFC0] =	vst v0  }
0x33: {  	[tilespmem:s0+$0xFFFFFF40] =	vst v0  }
0x34: {  	[tilespmem:s0+$0xB0] =	vst v0  }
0x35: {  	[tilespmem:s0+$0x30] =	vst v0  }
0x36: {  	[tilespmem:s0+$0xFFFFFFB0] =	vst v0  }
0x37: {  	[tilespmem:s0+$0xFFFFFF30] =	vst v0  }
0x38: {  	[tilespmem:s0+$0xA0] =	vst v0  }
0x39: {  	[tilespmem:s0+$0x20] =	vst v0  }
0x3a: {  	[tilespmem:s0+$0xFFFFFFA0] =	vst v0  }
0x3b: {  	[tilespmem:s0+$0xFFFFFF20] =	vst v0  }
0x3c: {  	[tilespmem:s0+$0x90] =	vst v0  }
0x3d: {  	[tilespmem:s0+$0x10] =	vst v0  }
0x3e: {  	[tilespmem:s0+$0xFFFFFF90] =	vst v0  }
0x3f: {  	[tilespmem:s0+$0xFFFFFF10] =	vst v0  }
0x40: {  	[tilespmem:s0+$0x80] =	vst v0  }
0x41: {  	s1 =	simm.s32 $0x0;
	[tilespmem:s0+$0x0] =	vst v0  }
.LBB2_2:
0x42: {  	s1 =	sadd.s32 $0x80, s1;
	[tilespmem:s0+$0xFFFFFF80] =	vst v0;
	s0 =	sadd.s32 $0x200, s0  }
0x43: {  	[tilespmem:s0+$0xFFFFFF00] =	vst v0;
	p0 =	slt.u32 s1, $0x2780  }
0x44: {  	[tilespmem:s0+$0xF0] =	vst v0  }
0x45: {  	[tilespmem:s0+$0x70] =	vst v0  }
0x46: {  	[tilespmem:s0+$0xFFFFFFF0] =	vst v0  }
0x47: {  	[tilespmem:s0+$0xFFFFFF70] =	vst v0  }
0x48: {  	[tilespmem:s0+$0xE0] =	vst v0  }
0x49: {  	[tilespmem:s0+$0x60] =	vst v0  }
0x4a: {  	[tilespmem:s0+$0xFFFFFFE0] =	vst v0  }
0x4b: {  	[tilespmem:s0+$0xFFFFFF60] =	vst v0  }
0x4c: {  	[tilespmem:s0+$0xD0] =	vst v0  }
0x4d: {  	[tilespmem:s0+$0x50] =	vst v0  }
0x4e: {  	[tilespmem:s0+$0xFFFFFFD0] =	vst v0  }
0x4f: {  	[tilespmem:s0+$0xFFFFFF50] =	vst v0  }
0x50: {  	[tilespmem:s0+$0xC0] =	vst v0  }
0x51: {  	[tilespmem:s0+$0x40] =	vst v0  }
0x52: {  	[tilespmem:s0+$0xFFFFFFC0] =	vst v0  }
0x53: {  	[tilespmem:s0+$0xFFFFFF40] =	vst v0  }
0x54: {  	[tilespmem:s0+$0xB0] =	vst v0  }
0x55: {  	[tilespmem:s0+$0x30] =	vst v0  }
0x56: {  	[tilespmem:s0+$0xFFFFFFB0] =	vst v0  }
0x57: {  	[tilespmem:s0+$0xFFFFFF30] =	vst v0  }
0x58: {  	[tilespmem:s0+$0xA0] =	vst v0  }
0x59: {  	[tilespmem:s0+$0x20] =	vst v0  }
0x5a: {  	[tilespmem:s0+$0xFFFFFFA0] =	vst v0  }
0x5b: {  	[tilespmem:s0+$0xFFFFFF20] =	vst v0  }
0x5c: {  	[tilespmem:s0+$0x90] =	vst v0  }
.Ltmp0:
0x5d: {  	[tilespmem:s0+$0x10] =	vst v0;
	(pc) =	sbr.rel @p0 .LBB2_2-.Ltmp0, $4  }
0x5e: {  	[tilespmem:s0+$0xFFFFFF90] =	vst v0  }
0x5f: {  	[tilespmem:s0+$0xFFFFFF10] =	vst v0  }
0x60: {  	[tilespmem:s0+$0x80] =	vst v0  }
0x61: {  	[tilespmem:s0+$0x0] =	vst v0  }
0x62: {  	[tilespmem:s0+$0xFFFFFF80] =	vst v0  }
0x63: {  	_ =	swait.ge [sflag:s21], $0x2710  }
0x64: {  	[sflag:s21] =	ssyncset.done $0x0  }
0x65: {  	[sflag:s21] =	ssyncadd.s32 $0xFFFFD8F0  }
0x66: {  	_ =	swait.ge [sflag:s21], $0x2710  }
0x67: {  	[sflag:s21] =	ssyncset.done $0x0  }
0x68: {  	[sflag:s21] =	ssyncadd.s32 $0xFFFFD8F0  }
0x69: {  	_ =	swait.ge [sflag:s21], $0xA00  }
0x6a: {  	[sflag:s21] =	ssyncset.done $0x0  }
0x6b: {  	[sflag:s21] =	ssyncadd.s32 $0xFFFFF600  }
0x6c: {  	_ =	swait.ge [sflag:s21], $0xA00  }
0x6d: {  	[sflag:s21] =	ssyncset.done $0x0  }
0x6e: {  	[sflag:s21] =	ssyncadd.s32 $0xFFFFF600  }
0x6f: {  	_ =	swait.ge [sflag:s21], $0x280  }
0x70: {  	[sflag:s21] =	ssyncset.done $0x0  }
0x71: {  	s11 =	simm.s32 $0x0;
	[sflag:s21] =	ssyncadd.s32 $0xFFFFFD80  }
0x72: {  	s1 =	simm.s32 $0x0;
	s16 =	sand.u32 $0x40, s11;
	_ =	swait.ge [sflag:s21], $0xA00  }
0x73: {  	s3 =	sand.u32 $0xE00, s1;
	s12 =	sor.u32 $0x30, s16;
	[sflag:s21] =	ssyncset.done $0x0  }
0x74: {  	s5 =	sadd.s32 $0x1AF80, s3;
	s4 =	sor.u32 s12, s3;
	[sflag:s21] =	ssyncadd.s32 $0xFFFFF600  }
0x75: {  	s6 =	sand.u32 $0x380, s11;
	s14 =	sor.u32 $0x10, s16;
	s7 =	sor.u32 s12, s5;
	v1 =	vld [tilespmem:s4+$0x1A580]  }
0x76: {  	s6 =	sadd.s32 $0x18F00, s6;
	s13 =	sor.u32 s14, s3;
	v2 =	vld [tilespmem:s7+$0x0]  }
0x77: {  	s18 =	sor.u32 s12, s6;
	v3 =	vld [tilespmem:s13+$0x1A580]  }
0x78: {  	s8 =	sor.u32 s14, s5;
	v8 =	vld [tilespmem:s18+$0x0]  }
0x79: {  	v4 =	vld [tilespmem:s8+$0x0]  }
0x7a: {  	s19 =	sor.u32 s14, s6;
	v5 =	vld [tilespmem:s4+$0x19180]  }
0x7b: {  	s17 =	sor.u32 $0x20, s16;
	v2 =	vadd.f32 v2, v1;
	v1 =	vld [tilespmem:s19+$0x0]  }
0x7c: {  	s20 =	sor.u32 s17, s5;
	v7 =	vld [tilespmem:s13+$0x19180]  }
0x7d: {  	s18 =	sor.u32 s17, s3;
	v9 =	vld [tilespmem:s20+$0x0];
	v2 =	vmul.f32 v2, v8  }
0x7e: {  	s15 =	sor.u32 s16, s3;
	v6 =	vld [tilespmem:s18+$0x1A580];
	v3 =	vadd.f32 v4, v3  }
0x7f: {  	s5 =	sor.u32 s16, s5;
	v4 =	vld [tilespmem:s15+$0x1A580];
	v2 =	vsub.f32 v5, v2  }
0x80: {  	s6 =	sor.u32 s17, s6;
	v5 =	vld [tilespmem:s5+$0x0];
	v10 =	vmul.f32 v3, v1  }
0x81: {  	s22 =	simm.s32 $0x0;
	v3 =	vld [tilespmem:s6+$0x0];
	v11 =	vmax.f32 v2, $0.0e+00  }
0x82: {  	v2 =	vld [tilespmem:s22+$0x18F00];
	v12 =	vmul.f32 v11, v8;
	v7 =	vsub.f32 v7, v10  }
0x83: {  	s23 =	sor.u32 $0x1B000, s3;
	v10 =	vld [tilespmem:s18+$0x19180];
	[tilespmem:s4+$0x19B80] =	vst v11  }
0x84: {  	s2 =	sor.u32 s12, s23;
	v11 =	vld [tilespmem:s4+$0x1A600];
	[tilespmem:s4+$0x19180] =	vst v12;
	v7 =	vmax.f32 v7, $0.0e+00  }
0x85: {  	v12 =	vld [tilespmem:s2+$0x0];
	v13 =	vmul.f32 v7, v1  }
0x86: {  	v6 =	vadd.f32 v9, v6;
	v9 =	vld [tilespmem:s15+$0x19180];
	[tilespmem:s13+$0x19B80] =	vst v7  }
0x87: {  	s7 =	sor.u32 s14, s23;
	v4 =	vadd.f32 v5, v4;
	v7 =	vld [tilespmem:s13+$0x1A600];
	[tilespmem:s13+$0x19180] =	vst v13  }
0x88: {  	v5 =	vmul.f32 v6, v3;
	v6 =	vld [tilespmem:s7+$0x0]  }
0x89: {  	v4 =	vmul.f32 v4, v2;
	v13 =	vld [tilespmem:s4+$0x19200]  }
0x8a: {  	v5 =	vsub.f32 v10, v5;
	v10 =	vadd.f32 v12, v11  }
0x8b: {  	v4 =	vsub.f32 v9, v4  }
0x8c: {  	v9 =	vld [tilespmem:s13+$0x19200];
	v5 =	vmax.f32 v5, $0.0e+00;
	v10 =	vmul.f32 v10, v8  }
0x8d: {  	p0 =	por $0x0, $0x0;
	v14 =	vld [tilespmem:s15+$0x19200];
	v11 =	vmul.f32 v5, v3;
	[tilespmem:s18+$0x19B80] =	vst v5;
	v4 =	vmax.f32 v4, $0.0e+00;
	v6 =	vadd.f32 v6, v7  }
0x8e: {  	s29 =	simm.s32 $0x40;
	s30 =	simm.s32 $0x100;
	s6 =	simm.s32 $0x1;
	v12 =	vld [tilespmem:s18+$0x1A600];
	[tilespmem:s15+$0x19B80] =	vst v4;
	v7 =	vmul.f32 v4, v2;
	v5 =	vsub.f32 v13, v10  }
0x8f: {  	s8 =	sor.u32 s17, s23;
	s5 =	sor.u32 s16, s23;
	s6 =	simm.s32 @!p0 $0x0;
	[tilespmem:s18+$0x19180] =	vst v11;
	v11 =	vld [tilespmem:s18+$0x19200];
	v6 =	vmul.f32 v6, v1  }
0x90: {  	s6 =	sshll.u32 s6, $0x6;
	s7 =	sor.u32 $0x1B080, s3;
	s3 =	sand.u32 $0xE00, s30;
	v10 =	vld [tilespmem:s15+$0x1A600];
	[tilespmem:s15+$0x19180] =	vst v7;
	v4 =	vmax.f32 v5, $0.0e+00  }
0x91: {  	s6 =	sadd.s32 $0x0, s6;
	s22 =	sadd.s32 $0x1AF80, s3;
	v5 =	vmul.f32 v4, v8;
	v6 =	vsub.f32 v9, v6;
	v9 =	vld [tilespmem:s5+$0x0];
	s5 =	sand.u32 $0x40, s29  }
0x92: {  	s9 =	sadd.s32 $0x30, s6;
	s1 =	sor.u32 s12, s7;
	v13 =	vld [tilespmem:s8+$0x0];
	[tilespmem:s4+$0x19C00] =	vst v4;
	s12 =	sor.u32 s5, s22  }
0x93: {  	[tilespmem:s4+$0x19200] =	vst v5;
	s4 =	sor.u32 $0x100, s9;
	v25 =	vld [tilespmem:s12+$0x0]  }
0x94: {  	v15 =	vld [tilespmem:s4+$0x1A580]  }
0x95: {  	s19 =	sor.u32 $0x30, s5;
	v4 =	vmax.f32 v6, $0.0e+00;
	v16 =	vld [tilespmem:s1+$0x0]  }
0x96: {  	s11 =	sand.u32 $0x380, s29;
	s10 =	sadd.s32 $0x10, s6;
	s20 =	sor.u32 s19, s3;
	v5 =	vmul.f32 v4, v1;
	v17 =	vld [tilespmem:s4+$0x19180]  }
0x97: {  	s28 =	sor.u32 $0x100, s10;
	s10 =	sadd.s32 $0x18F00, s11;
	s9 =	sor.u32 s19, s22;
	[tilespmem:s13+$0x19C00] =	vst v4;
	v4 =	vld [tilespmem:s20+$0x1A580]  }
0x98: {  	s8 =	sor.u32 $0x10, s5;
	s0 =	sor.u32 s19, s10;
	[tilespmem:s13+$0x19200] =	vst v5;
	v5 =	vld [tilespmem:s9+$0x0]  }
0x99: {  	s31 =	sor.u32 s8, s22;
	v6 =	vld [tilespmem:s0+$0x0]  }
0x9a: {  	v20 =	vld [tilespmem:s31+$0x0]  }
0x9b: {  	v21 =	vld [tilespmem:s20+$0x19180]  }
0x9c: {  	v54 =	vld [tilespmem:s20+$0x1A600]  }
0x9d: {  	s1 =	sor.u32 s8, s3;
	v58 =	vld [tilespmem:s20+$0x19200];
	v4 =	vadd.f32 v5, v4  }
0x9e: {  	s31 =	sor.u32 s5, s3;
	v19 =	vld [tilespmem:s1+$0x1A580];
	s9 =	sor.u32 $0x20, s5  }
0x9f: {  	v24 =	vld [tilespmem:s31+$0x1A580];
	s0 =	sor.u32 s9, s3;
	v4 =	vmul.f32 v4, v6  }
0xa0: {  	s11 =	sor.u32 s9, s22;
	v22 =	vld [tilespmem:s0+$0x1A580]  }
0xa1: {  	s13 =	sor.u32 s8, s10;
	v23 =	vld [tilespmem:s11+$0x0];
	v21 =	vsub.f32 v21, v4  }
0xa2: {  	s10 =	sor.u32 s9, s10;
	v7 =	vld [tilespmem:s13+$0x0]  }
0xa3: {  	v5 =	vld [tilespmem:s10+$0x0];
	v21 =	vmax.f32 v21, $0.0e+00  }
0xa4: {  	v12 =	vadd.f32 v13, v12;
	v26 =	vld [tilespmem:s1+$0x19180];
	v27 =	vmul.f32 v21, v6  }
0xa5: {  	s23 =	simm.s32 $0x40;
	v19 =	vadd.f32 v20, v19;
	v20 =	vld [tilespmem:s0+$0x19180];
	s10 =	sor.u32 $0x1B000, s3;
	[tilespmem:s20+$0x19B80] =	vst v21  }
0xa6: {  	v12 =	vmul.f32 v12, v3;
	s2 =	sor.u32 s19, s10;
	v53 =	vadd.f32 v23, v22;
	v4 =	vld [tilespmem:s23+$0x18F00];
	[tilespmem:s20+$0x19180] =	vst v27  }
0xa7: {  	v19 =	vmul.f32 v19, v7;
	v55 =	vld [tilespmem:s2+$0x0]  }
0xa8: {  	v56 =	vld [tilespmem:s31+$0x19180];
	v11 =	vsub.f32 v11, v12;
	v13 =	vmul.f32 v53, v5  }
0xa9: {  	v57 =	vld [tilespmem:s1+$0x1A600];
	v24 =	vadd.f32 v25, v24;
	v19 =	vsub.f32 v26, v19  }
0xaa: {  	v59 =	vld [tilespmem:s31+$0x1A600];
	v11 =	vmax.f32 v11, $0.0e+00;
	v13 =	vsub.f32 v20, v13  }
0xab: {  	v60 =	vld [tilespmem:s1+$0x19200];
	[tilespmem:s18+$0x19C00] =	vst v11;
	v19 =	vmax.f32 v19, $0.0e+00;
	v24 =	vmul.f32 v24, v4  }
0xac: {  	v18 =	vld [tilespmem:s28+$0x1A580];
	[tilespmem:s1+$0x19B80] =	vst v19;
	v19 =	vmul.f32 v19, v7;
	v13 =	vmax.f32 v13, $0.0e+00;
	v22 =	vadd.f32 v55, v54  }
0xad: {  	v9 =	vadd.f32 v9, v10;
	v12 =	vld [tilespmem:s0+$0x19200];
	[tilespmem:s0+$0x19B80] =	vst v13;
	v13 =	vmul.f32 v13, v5;
	v10 =	vsub.f32 v56, v24  }
0xae: {  	v11 =	vmul.f32 v11, v3;
	s12 =	sor.u32 s8, s10;
	v20 =	vld [tilespmem:s0+$0x1A600];
	[tilespmem:s1+$0x19180] =	vst v19;
	v19 =	vmul.f32 v22, v6  }
0xaf: {  	p0 =	por !p0, !p0;
	v61 =	vmul.f32 v9, v2;
	s13 =	sor.u32 s9, s10;
	[tilespmem:s0+$0x19180] =	vst v13;
	v9 =	vmax.f32 v10, $0.0e+00;
	v10 =	vld [tilespmem:s12+$0x0]  }
0xb0: {  	s14 =	sor.u32 s14, s7;
	s11 =	simm.s32 $0x1;
	[tilespmem:s18+$0x19200] =	vst v11;
	s23 =	sadd.s32 $0x20, s6;
	v62 =	vld [tilespmem:s13+$0x0];
	v13 =	vmul.f32 v9, v4;
	v19 =	vsub.f32 v58, v19  }
0xb1: {  	v15 =	vadd.f32 v16, v15;
	s11 =	simm.s32 @!p0 $0x0;
	v16 =	vld [tilespmem:s14+$0x0];
	s14 =	sor.u32 $0x100, s23;
	[tilespmem:s31+$0x19B80] =	vst v9  }
0xb2: {  	v14 =	vsub.f32 v14, v61;
	s11 =	sshll.u32 s11, $0x6;
	s10 =	sor.u32 s5, s10;
	v63 =	vld [tilespmem:s14+$0x1A580];
	[tilespmem:s31+$0x19180] =	vst v13;
	v13 =	vmax.f32 v19, $0.0e+00  }
0xb3: {  	s11 =	sadd.s32 $0x100, s11;
	v11 =	vmul.f32 v15, v8;
	v19 =	vld [tilespmem:s10+$0x0];
	v15 =	vmul.f32 v13, v6  }
0xb4: {  	v14 =	vmax.f32 v14, $0.0e+00;
	s2 =	sor.u32 s17, s7;
	s13 =	sadd.s32 $0x30, s11;
	v9 =	vld [tilespmem:s31+$0x19200];
	v10 =	vadd.f32 v10, v57;
	[tilespmem:s20+$0x19C00] =	vst v13  }
0xb5: {  	v11 =	vsub.f32 v17, v11;
	v17 =	vmul.f32 v14, v2;
	s12 =	sor.u32 $0x1B080, s3;
	s3 =	sor.u32 $0x100, s13;
	v13 =	vadd.f32 v62, v20;
	v20 =	vld [tilespmem:s2+$0x0];
	[tilespmem:s20+$0x19200] =	vst v15  }
0xb6: {  	[tilespmem:s15+$0x19C00] =	vst v14;
	s17 =	sor.u32 s19, s12;
	v14 =	vmul.f32 v10, v7;
	v10 =	vld [tilespmem:s3+$0x1A580]  }
0xb7: {  	v18 =	vadd.f32 v16, v18;
	[tilespmem:s15+$0x19200] =	vst v17;
	s15 =	sor.u32 $0x100, s6;
	v17 =	vmax.f32 v11, $0.0e+00;
	v13 =	vmul.f32 v13, v5;
	v15 =	vld [tilespmem:s17+$0x0]  }
0xb8: {  	s18 =	sor.u32 s16, s7;
	s22 =	sadd.s32 $0x10, s11;
	s23 =	sadd.s32 $0x20, s11;
	v8 =	vmul.f32 v17, v8;
	v11 =	vld [tilespmem:s15+$0x1A580];
	v14 =	vsub.f32 v60, v14;
	v19 =	vadd.f32 v19, v59  }
0xb9: {  	[tilespmem:s4+$0x19B80] =	vst v17;
	s19 =	sor.u32 $0x100, s11;
	s16 =	sor.u32 s5, s12;
	s20 =	sor.u32 $0x100, s22;
	v16 =	vsub.f32 v12, v13;
	v13 =	vld [tilespmem:s18+$0x0];
	v12 =	vmul.f32 v18, v1  }
0xba: {  	[tilespmem:s4+$0x19180] =	vst v8;
	s22 =	sor.u32 $0x100, s23;
	s17 =	sor.u32 s9, s12;
	s18 =	sor.u32 s8, s12;
	v18 =	vmax.f32 v14, $0.0e+00;
	v14 =	vld [tilespmem:s28+$0x19180];
	v8 =	vadd.f32 v20, v63;
	v17 =	vmul.f32 v19, v4  }
.LBB2_4:
0xbb: {  	s29 =	sadd.s32 $0x40, s29;
	[tilespmem:s1+$0x19C00] =	vst v18;
	v18 =	vmul.f32 v18, v7;
	v16 =	vmax.f32 v16, $0.0e+00;
	v19 =	vld [tilespmem:s3+$0x19180]  }
0xbc: {  	s30 =	sadd.s32 $0x100, s30;
	s4 =	sand.u32 $0x40, s29;
	v9 =	vsub.f32 v9, v17;
	[tilespmem:s0+$0x19C00] =	vst v16;
	v16 =	vmul.f32 v16, v5;
	v10 =	vadd.f32 v15, v10;
	v15 =	vld [tilespmem:s14+$0x19180]  }
0xbd: {  	s8 =	sand.u32 $0xE00, s30;
	s5 =	sor.u32 $0x10, s4;
	s6 =	sor.u32 $0x30, s4;
	[tilespmem:s1+$0x19200] =	vst v18;
	v17 =	vld [tilespmem:s15+$0x19180];
	v18 =	vmul.f32 v8, v3  }
0xbe: {  	s10 =	sadd.s32 $0x1AF80, s8;
	s7 =	sor.u32 $0x20, s4;
	s9 =	sor.u32 s6, s8;
	v9 =	vmax.f32 v9, $0.0e+00;
	v8 =	vld [tilespmem:s20+$0x1A580];
	[tilespmem:s0+$0x19200] =	vst v16;
	v10 =	vmul.f32 v10, v6;
	v11 =	vadd.f32 v13, v11  }
0xbf: {  	s0 =	sand.u32 $0x380, s29;
	s1 =	sor.u32 s5, s8;
	s11 =	sor.u32 s6, s10;
	v13 =	vld [tilespmem:s9+$0x1A580];
	[tilespmem:s31+$0x19C00] =	vst v9;
	v9 =	vmul.f32 v9, v4;
	v12 =	vsub.f32 v14, v12  }
0xc0: {  	s13 =	sor.u32 s5, s10;
	s12 =	sadd.s32 $0x18F00, s0;
	s0 =	sor.u32 s7, s8;
	v14 =	vld [tilespmem:s11+$0x0];
	v10 =	vsub.f32 v19, v10;
	v11 =	vmul.f32 v11, v2  }
0xc1: {  	s11 =	sor.u32 s7, s10;
	s2 =	sor.u32 s6, s12;
	v16 =	vld [tilespmem:s1+$0x1A580];
	[tilespmem:s31+$0x19200] =	vst v9;
	s31 =	sor.u32 s4, s8;
	v9 =	vmax.f32 v12, $0.0e+00;
	v12 =	vsub.f32 v15, v18  }
0xc2: {  	s10 =	sor.u32 s4, s10;
	s23 =	sor.u32 s5, s12;
	s12 =	sor.u32 s7, s12;
	v15 =	vld [tilespmem:s2+$0x0];
	v10 =	vmax.f32 v10, $0.0e+00;
	v11 =	vsub.f32 v17, v11;
	[tilespmem:s28+$0x19B80] =	vst v9;
	v9 =	vmul.f32 v9, v1;
	v1 =	vmovc v7  }
0xc3: {  	p1 =	slt.u32 s29, $0x240;
	s2 =	sshra.s32 s30, $0x2;
	v7 =	vld [tilespmem:s13+$0x0];
	[tilespmem:s3+$0x19B80] =	vst v10;
	v6 =	vmul.f32 v10, v6;
	v10 =	vmax.f32 v12, $0.0e+00  }
0xc4: {  	v12 =	vld [tilespmem:s9+$0x19180];
	v11 =	vmax.f32 v11, $0.0e+00;
	[tilespmem:s28+$0x19180] =	vst v9;
	v9 =	vmul.f32 v10, v3;
	v3 =	vmov v5;
	s28 =	smov.u32 s20  }
0xc5: {  	v17 =	vld [tilespmem:s0+$0x1A580];
	v5 =	vadd.f32 v14, v13;
	[tilespmem:s3+$0x19180] =	vst v6;
	v14 =	vmul.f32 v11, v2;
	v2 =	vmov v4  }
0xc6: {  	v13 =	vld [tilespmem:s11+$0x0];
	[tilespmem:s14+$0x19180] =	vst v9  }
0xc7: {  	v9 =	vld [tilespmem:s31+$0x1A580];
	v4 =	vmul.f32 v5, v15;
	[tilespmem:s15+$0x19180] =	vst v14;
	v6 =	vmov v15  }
0xc8: {  	v14 =	vld [tilespmem:s10+$0x0];
	v15 =	vadd.f32 v7, v16;
	[tilespmem:s14+$0x19B80] =	vst v10;
	s14 =	smov.u32 s22  }
0xc9: {  	v7 =	vld [tilespmem:s23+$0x0];
	v10 =	vsub.f32 v12, v4;
	[tilespmem:s15+$0x19B80] =	vst v11;
	s15 =	smov.u32 s19  }
0xca: {  	v5 =	vld [tilespmem:s12+$0x0]  }
0xcb: {  	v4 =	vld [tilespmem:s2+$0x18F00];
	v11 =	vadd.f32 v13, v17;
	v10 =	vmax.f32 v10, $0.0e+00  }
0xcc: {  	v12 =	vld [tilespmem:s1+$0x19180];
	v13 =	vmul.f32 v10, v6  }
0xcd: {  	s2 =	sor.u32 $0x1B000, s8;
	v9 =	vadd.f32 v14, v9;
	v14 =	vld [tilespmem:s0+$0x19180];
	[tilespmem:s9+$0x19B80] =	vst v10  }
0xce: {  	s3 =	sor.u32 s5, s2;
	s10 =	sor.u32 s7, s2;
	s11 =	sor.u32 s6, s2;
	v10 =	vmul.f32 v15, v7;
	[tilespmem:s9+$0x19180] =	vst v13;
	v13 =	vld [tilespmem:s9+$0x1A600]  }
0xcf: {  	s2 =	sor.u32 s4, s2;
	v11 =	vmul.f32 v11, v5;
	v15 =	vld [tilespmem:s11+$0x0]  }
0xd0: {  	v16 =	vld [tilespmem:s31+$0x19180];
	v9 =	vmul.f32 v9, v4  }
0xd1: {  	v10 =	vsub.f32 v12, v10;
	v12 =	vld [tilespmem:s1+$0x1A600]  }
0xd2: {  	v11 =	vsub.f32 v14, v11;
	v14 =	vld [tilespmem:s0+$0x1A600]  }
0xd3: {  	v10 =	vmax.f32 v10, $0.0e+00;
	v17 =	vld [tilespmem:s9+$0x19200]  }
0xd4: {  	v18 =	vld [tilespmem:s31+$0x1A600];
	[tilespmem:s1+$0x19B80] =	vst v10;
	v10 =	vmul.f32 v10, v7;
	v11 =	vmax.f32 v11, $0.0e+00;
	v13 =	vadd.f32 v15, v13  }
0xd5: {  	v9 =	vsub.f32 v16, v9;
	v16 =	vld [tilespmem:s1+$0x19200];
	[tilespmem:s0+$0x19B80] =	vst v11;
	v11 =	vmul.f32 v11, v5  }
0xd6: {  	[tilespmem:s1+$0x19180] =	vst v10;
	v19 =	vld [tilespmem:s0+$0x19200];
	v10 =	vmul.f32 v13, v6  }
0xd7: {  	v9 =	vmax.f32 v9, $0.0e+00;
	v13 =	vld [tilespmem:s3+$0x0];
	[tilespmem:s0+$0x19180] =	vst v11  }
0xd8: {  	p0 =	por !p0, !p0;
	s3 =	simm.s32 $0x1;
	[tilespmem:s31+$0x19B80] =	vst v9;
	v11 =	vmul.f32 v9, v4;
	v15 =	vld [tilespmem:s10+$0x0];
	v10 =	vsub.f32 v17, v10  }
0xd9: {  	s3 =	simm.s32 @!p0 $0x0;
	v9 =	vld [tilespmem:s31+$0x19200]  }
0xda: {  	s3 =	sshll.u32 s3, $0x6;
	[tilespmem:s31+$0x19180] =	vst v11;
	v10 =	vmax.f32 v10, $0.0e+00;
	v11 =	vld [tilespmem:s18+$0x0]  }
0xdb: {  	s8 =	sor.u32 $0x1B080, s8;
	s10 =	sadd.s32 s3, s30;
	v17 =	vld [tilespmem:s2+$0x0];
	v20 =	vmul.f32 v10, v6  }
0xdc: {  	s2 =	sadd.s32 $0x10, s10;
	s11 =	sadd.s32 $0x20, s10;
	s3 =	sadd.s32 $0x30, s10;
	v12 =	vadd.f32 v13, v12;
	[tilespmem:s9+$0x19C00] =	vst v10;
	v21 =	vld [tilespmem:s14+$0x1A580]  }
0xdd: {  	s19 =	sor.u32 $0x100, s10;
	s20 =	sor.u32 $0x100, s2;
	s3 =	sor.u32 $0x100, s3;
	v13 =	vadd.f32 v15, v14;
	[tilespmem:s9+$0x19200] =	vst v20;
	v20 =	vld [tilespmem:s17+$0x0]  }
.Ltmp1:
0xde: {  	s22 =	sor.u32 $0x100, s11;
	s2 =	sor.u32 s6, s8;
	v12 =	vmul.f32 v12, v7;
	v10 =	vld [tilespmem:s3+$0x1A580];
	(pc) =	sbr.rel @p1 .LBB2_4-.Ltmp1, $4  }
0xdf: {  	s4 =	sor.u32 s4, s8;
	s18 =	sor.u32 s5, s8;
	s17 =	sor.u32 s7, s8;
	v13 =	vmul.f32 v13, v5;
	v15 =	vld [tilespmem:s2+$0x0];
	v8 =	vadd.f32 v11, v8  }
0xe0: {  	v14 =	vadd.f32 v17, v18;
	v18 =	vsub.f32 v16, v12;
	v11 =	vld [tilespmem:s15+$0x1A580]  }
0xe1: {  	v16 =	vsub.f32 v19, v13;
	v13 =	vld [tilespmem:s16+$0x0];
	v12 =	vmul.f32 v8, v1;
	s16 =	smov.u32 s4  }
0xe2: {  	v17 =	vmul.f32 v14, v4;
	v18 =	vmax.f32 v18, $0.0e+00;
	v14 =	vld [tilespmem:s28+$0x19180];
	v8 =	vadd.f32 v20, v21  }
0xe3: {  	v19 =	vmul.f32 v18, v7;
	v20 =	vld [tilespmem:s3+$0x19180]  }
0xe4: {  	[tilespmem:s1+$0x19C00] =	vst v18;
	v16 =	vmax.f32 v16, $0.0e+00;
	v9 =	vsub.f32 v9, v17;
	v17 =	vld [tilespmem:s14+$0x19180]  }
0xe5: {  	v18 =	vmul.f32 v16, v5;
	[tilespmem:s1+$0x19200] =	vst v19;
	v19 =	vld [tilespmem:s15+$0x19180]  }
0xe6: {  	[tilespmem:s0+$0x19C00] =	vst v16;
	v10 =	vadd.f32 v15, v10;
	v9 =	vmax.f32 v9, $0.0e+00;
	v16 =	vld [tilespmem:s20+$0x1A580]  }
0xe7: {  	[tilespmem:s0+$0x19200] =	vst v18;
	v18 =	vld [tilespmem:s18+$0x0];
	v15 =	vmul.f32 v9, v4  }
0xe8: {  	v10 =	vmul.f32 v10, v6;
	[tilespmem:s31+$0x19C00] =	vst v9;
	v9 =	vld [tilespmem:s22+$0x1A580]  }
0xe9: {  	v11 =	vadd.f32 v13, v11;
	v13 =	vld [tilespmem:s17+$0x0];
	v12 =	vsub.f32 v14, v12;
	[tilespmem:s31+$0x19200] =	vst v15  }
0xea: {  	v8 =	vmul.f32 v8, v3;
	v10 =	vsub.f32 v20, v10;
	v14 =	vld [tilespmem:s19+$0x1A580]  }
0xeb: {  	v11 =	vmul.f32 v11, v2;
	v12 =	vmax.f32 v12, $0.0e+00;
	v15 =	vld [tilespmem:s16+$0x0]  }
0xec: {  	v8 =	vsub.f32 v17, v8;
	v17 =	vld [tilespmem:s20+$0x19180];
	v10 =	vmax.f32 v10, $0.0e+00;
	[tilespmem:s28+$0x19B80] =	vst v12;
	v1 =	vmul.f32 v12, v1  }
0xed: {  	v11 =	vsub.f32 v19, v11;
	v12 =	vadd.f32 v18, v16;
	v16 =	vld [tilespmem:s22+$0x19180];
	[tilespmem:s3+$0x19B80] =	vst v10  }
0xee: {  	v6 =	vmul.f32 v10, v6;
	v8 =	vmax.f32 v8, $0.0e+00;
	v9 =	vadd.f32 v13, v9;
	[tilespmem:s28+$0x19180] =	vst v1  }
0xef: {  	v10 =	vmax.f32 v11, $0.0e+00;
	v11 =	vld [tilespmem:s19+$0x19180];
	v1 =	vmul.f32 v8, v3;
	[tilespmem:s14+$0x19B80] =	vst v8;
	v3 =	vmul.f32 v12, v7  }
0xf0: {  	[tilespmem:s3+$0x19180] =	vst v6;
	v2 =	vmul.f32 v10, v2;
	v6 =	vmul.f32 v9, v5;
	v12 =	vadd.f32 v15, v14  }
0xf1: {  	[tilespmem:s14+$0x19180] =	vst v1;
	v1 =	vsub.f32 v17, v3  }
0xf2: {  	[tilespmem:s15+$0x19180] =	vst v2;
	v2 =	vsub.f32 v16, v6;
	v3 =	vmul.f32 v12, v4  }
0xf3: {  	[tilespmem:s15+$0x19B80] =	vst v10;
	v1 =	vmax.f32 v1, $0.0e+00  }
0xf4: {  	v6 =	vmul.f32 v1, v7;
	v2 =	vmax.f32 v2, $0.0e+00;
	[tilespmem:s20+$0x19B80] =	vst v1;
	v3 =	vsub.f32 v11, v3  }
0xf5: {  	[tilespmem:s22+$0x19B80] =	vst v2  }
0xf6: {  	[tilespmem:s20+$0x19180] =	vst v6;
	v1 =	vmax.f32 v3, $0.0e+00;
	v3 =	vmul.f32 v2, v5  }
0xf7: {  	v4 =	vmul.f32 v1, v4;
	[tilespmem:s19+$0x19B80] =	vst v1  }
0xf8: {  	[tilespmem:s22+$0x19180] =	vst v3  }
0xf9: {  	s11 =	simm.s32 $0x0;
	[tilespmem:s19+$0x19180] =	vst v4  }
0xfa: {  	s23 =	simm.s32 $0x19B80;
	s1 =	simm.s32 $0x2;
	s0 =	rddreg [dreg:$0x9]  }
0xfb: {  	[hbm4b:s0+s11] =	stream.linear.scatter [tilespmem:s23], [sflag:$0x2], $0xA00, $0x38;
	[tilespmem:$0x1CD80] =	vst v63  }
0xfc: {  	_ =	swait.ge [sflag:s1], $0xA00  }
0xfd: {  	[sflag:s1] =	ssyncset.done $0x0  }
0xfe: {  	s4 =	simm.s32 $0x19180;
	s30 =	rddreg [dreg:$0xa];
	[sflag:s1] =	ssyncadd.s32 $0xFFFFF600  }
0xff: {  	[hbm4b:s30+s11] =	stream.linear.scatter [tilespmem:s4], [sflag:$0x2], $0xA00, $0x38;
	[tilespmem:$0x1CD80] =	vst v63  }
0x100: {  	_ =	swait.ge [sflag:s1], $0xA00  }
0x101: {  	[sflag:s1] =	ssyncset.done $0x0  }
0x102: {  	[sflag:s1] =	ssyncadd.s32 $0xFFFFF600  }
0x103: {  	[bflag:$0x0] =	sbarrier.arrive $0xFFFF  }
0x104: {  	s31 =	rddreg [dreg:$0xb]  }
0x105: {  	[tilespmem:s24], [sflag:$0x2] =	stream.linear.gather [hbm4b:s31+s11], $0xA000, $0x38;
	[tilespmem:$0x1CD80] =	vst v63  }
0x106: {  	_ =	swait.ge [sflag:s1], $0xA000  }
0x107: {  	[sflag:s1] =	ssyncset.done $0x0  }
0x108: {  	s29 =	simm.s32 $0x40;
	[sflag:s1] =	ssyncadd.s32 $0xFFFF6000  }
0x109: {  	s28 =	simm.s32 $0x27C0;
	v3 =	vld [tilespmem:s29+$0xFFFFFFC0]  }
0x10a: {  	v4 =	vld [tilespmem:s28+$0x30]  }
0x10b: {  	v5 =	vld [tilespmem:s29+$0x30]  }
0x10c: {  	v6 =	vld [tilespmem:s28+$0xFFFFFFC0]  }
0x10d: {  	v7 =	vld [tilespmem:s29+$0x20]  }
0x10e: {  	v14 =	vld [tilespmem:s28+$0x20]  }
0x10f: {  	v20 =	vld [tilespmem:s29+$0x0]  }
0x110: {  	v1 =	vshll.u32 v3, $0x2  }
0x111: {  	v2 =	vand.u32 $0x7F, v3;
	v9 =	vshll.u32 v4, $0x2;
	v12 =	vshll.u32 v5, $0x2  }
0x112: {  	v21 =	vld [tilespmem:s28+$0x0];
	v16 =	vand.u32 $0x7F, v4;
	v17 =	vand.u32 $0x7F, v6;
	v1 =	vand.u32 $0xFFFFFE00, v1  }
0x113: {  	v10 =	vld [tilespmem:s29+$0x10];
	vm5 =	vne.s32 v3, v6;
	vm1 =	vne.s32 v5, v4;
	v15 =	vor.u32 v2, v1  }
0x114: {  	v4 =	vshll.u32 v7, $0x2;
	vm0 =	vne.s32 v7, v14;
	v22 =	vshll.u32 v20, $0x2  }
0x115: {  	v8 =	vld [tilespmem:s28+$0xFFFFFFD0];
	v12 =	vand.u32 $0xFFFFFE00, v12;
	v1 =	vand.u32 $0xFFFFFE00, v9;
	v9 =	vand.u32 $0x7F, v5  }
0x116: {  	v25 =	vshll.u32 v14, $0x2;
	v2 =	vld [tilespmem:s29+$0xFFFFFFF0];
	v18 =	vor.u32 v9, v12;
	v9 =	vshll.u32 v6, $0x2  }
0x117: {  	v13 =	vld [tilespmem:s29+$0xFFFFFFE0];
	vm4 =	vne.s32 v20, v21;
	v4 =	vand.u32 $0xFFFFFE00, v4;
	v3 =	vand.u32 $0xFFFFFE00, v9  }
0x118: {  	v1 =	vor.u32 v16, v1;
	v6 =	vshll.u32 v10, $0x2;
	v17 =	vor.u32 v17, v3;
	v5 =	vld.idx.msk [tilespmem:v15+s24+$0x0], $0xffff  }
0x119: {  	v11 =	vld [tilespmem:s29+$0xFFFFFFD0];
	v30 =	vor.u32 $0x100, v15;
	v3 =	vand.u32 $0x7F, v7;
	v7 =	vor.u32 $0x80, v15  }
0x11a: {  	v24 =	vld [tilespmem:s28+$0xFFFFFFE0];
	v9 =	vor.u32 v3, v4;
	v3 =	vand.u32 $0x7F, v10;
	v4 =	vand.u32 $0xFFFFFE00, v6  }
0x11b: {  	v16 =	vld [tilespmem:s28+$0x10];
	v26 =	vor.u32 $0x80, v18;
	v23 =	vshll.u32 v2, $0x2;
	v6 =	vor.u32 v3, v4  }
0x11c: {  	v3 =	vand.u32 $0xFFFFFE00, v22;
	v4 =	vshll.u32 v13, $0x2;
	v22 =	vand.u32 $0x7F, v20;
	v19 =	vld.idx.msk [tilespmem:v18+s24+$0x0], $0xffff  }
0x11d: {  	v4 =	vand.u32 $0xFFFFFE00, v4;
	v3 =	vor.u32 v22, v3;
	[tilespmem:v17+s25+$0x0] =	vst.idx.add.f32.msk vm5, v5;
	v5 =	vand.u32 $0x7F, v13  }
0x11e: {  	v4 =	vor.u32 v5, v4;
	v27 =	vld.idx.msk [tilespmem:v7+s24+$0x0], $0xffff;
	v5 =	vand.u32 $0x7F, v14;
	v7 =	vand.u32 $0xFFFFFE00, v25  }
0x11f: {  	v28 =	vand.u32 $0x7F, v2;
	v15 =	vshll.u32 v21, $0x2;
	v22 =	vld.idx.msk [tilespmem:v9+s24+$0x0], $0xffff;
	v14 =	vor.u32 v5, v7  }
0x120: {  	v12 =	vld [tilespmem:s28+$0xFFFFFFF0];
	v21 =	vand.u32 $0x7F, v21;
	v23 =	vand.u32 $0xFFFFFE00, v23;
	v15 =	vand.u32 $0xFFFFFE00, v15  }
0x121: {  	vm2 =	vne.s32 v10, v16;
	v15 =	vor.u32 v21, v15;
	[tilespmem:v1+s25+$0x0] =	vst.idx.add.f32.msk vm1, v19;
	v19 =	vshll.u32 v16, $0x2  }
0x122: {  	v5 =	vor.u32 v28, v23;
	v23 =	vld.idx.msk [tilespmem:v3+s24+$0x0], $0xffff;
	v10 =	vand.u32 $0xFFFFFE00, v19;
	v19 =	vand.u32 $0x7F, v16  }
0x123: {  	v29 =	vld.idx.msk [tilespmem:v6+s24+$0x0], $0xffff;
	v10 =	vor.u32 v19, v10  }
0x124: {  	v25 =	vshll.u32 v11, $0x2;
	[tilespmem:v14+s25+$0x0] =	vst.idx.add.f32.msk vm0, v22;
	v22 =	vor.u32 $0x80, v17  }
0x125: {  	v7 =	vand.u32 $0x7F, v11;
	v25 =	vand.u32 $0xFFFFFE00, v25;
	v26 =	vld.idx.msk [tilespmem:v26+s24+$0x0], $0xffff  }
0x126: {  	v7 =	vor.u32 v7, v25;
	v25 =	vor.u32 $0x80, v9;
	v16 =	vld.idx.msk [tilespmem:v4+s24+$0x0], $0xffff  }
0x127: {  	vm3 =	vmmov vm1;
	[tilespmem:v15+s25+$0x0] =	vst.idx.add.f32.msk vm4, v23  }
0x128: {  	[tilespmem:v10+s25+$0x0] =	vst.idx.add.f32.msk vm2, v29;
	v29 =	vor.u32 $0x80, v1  }
0x129: {  	[tilespmem:v22+s25+$0x0] =	vst.idx.add.f32.msk vm5, v27;
	v22 =	vor.u32 $0x80, v3  }
0x12a: {  	vm1 =	vne.s32 v11, v8;
	v11 =	vor.u32 $0x100, v17;
	v30 =	vld.idx.msk [tilespmem:v30+s24+$0x0], $0xffff  }
0x12b: {  	v21 =	vshll.u32 v8, $0x2;
	v31 =	vld.idx.msk [tilespmem:v25+s24+$0x0], $0xffff  }
0x12c: {  	v21 =	vand.u32 $0xFFFFFE00, v21;
	v8 =	vand.u32 $0x7F, v8;
	v28 =	vor.u32 $0x80, v6;
	v20 =	vld.idx.msk [tilespmem:v7+s24+$0x0], $0xffff  }
0x12d: {  	v21 =	vor.u32 v8, v21;
	v8 =	vshll.u32 v12, $0x2;
	v32 =	vor.u32 $0x80, v14;
	[tilespmem:v29+s25+$0x0] =	vst.idx.add.f32.msk vm3, v26  }
0x12e: {  	v18 =	vor.u32 $0x100, v18;
	v23 =	vshll.u32 v24, $0x2;
	v27 =	vand.u32 $0xFFFFFE00, v8;
	v26 =	vld.idx.msk [tilespmem:v22+s24+$0x0], $0xffff  }
0x12f: {  	v8 =	vand.u32 $0xFFFFFE00, v23;
	v22 =	vand.u32 $0x7F, v24;
	[tilespmem:v11+s25+$0x0] =	vst.idx.add.f32.msk vm5, v30;
	vm5 =	vne.s32 v13, v24  }
0x130: {  	v19 =	vld.idx.msk [tilespmem:v5+s24+$0x0], $0xffff;
	v22 =	vor.u32 v22, v8  }
0x131: {  	v25 =	vld.idx.msk [tilespmem:v28+s24+$0x0], $0xffff  }
0x132: {  	[tilespmem:v32+s25+$0x0] =	vst.idx.add.f32.msk vm0, v31  }
0x133: {  	[tilespmem:v21+s25+$0x0] =	vst.idx.add.f32.msk vm1, v20  }
0x134: {  	s0 =	simm.s32 $0x0;
	v28 =	vand.u32 $0x7F, v12;
	v29 =	vor.u32 $0x80, v7;
	v17 =	vld.idx.msk [tilespmem:v18+s24+$0x0], $0xffff  }
.LBB2_6:
0x135: {  	s0 =	sadd.s32 $0x80, s0;
	[tilespmem:v22+s25+$0x0] =	vst.idx.add.f32.msk vm5, v16;
	s29 =	sadd.s32 $0x80, s29;
	s28 =	sadd.s32 $0x80, s28  }
0x136: {  	v8 =	vld [tilespmem:s28+$0xFFFFFFD0];
	p0 =	slt.u32 s0, $0x2680  }
0x137: {  	v24 =	vld [tilespmem:s29+$0xFFFFFFD0]  }
0x138: {  	v13 =	vld [tilespmem:s29+$0xFFFFFFE0]  }
0x139: {  	v16 =	vld [tilespmem:s28+$0x10]  }
0x13a: {  	v30 =	vld [tilespmem:s29+$0xFFFFFFF0]  }
0x13b: {  	v11 =	vshll.u32 v8, $0x2;
	v18 =	vld [tilespmem:s29+$0x0]  }
0x13c: {  	v11 =	vand.u32 $0xFFFFFE00, v11;
	v23 =	vld [tilespmem:s29+$0x10]  }
0x13d: {  	v20 =	vld [tilespmem:s28+$0x20]  }
0x13e: {  	v9 =	vor.u32 $0x100, v9;
	v31 =	vld [tilespmem:s29+$0x20]  }
0x13f: {  	vm7 =	vne.s32 v2, v12;
	v32 =	vld [tilespmem:s28+$0x30];
	v2 =	vmov v30  }
0x140: {  	v27 =	vor.u32 v28, v27;
	v12 =	vld [tilespmem:s29+$0x30]  }
0x141: {  	v30 =	vor.u32 $0x80, v5;
	v28 =	vld [tilespmem:s29+$0xFFFFFFC0]  }
0x142: {  	v34 =	vor.u32 $0x80, v10;
	v33 =	vld [tilespmem:s28+$0xFFFFFFC0]  }
0x143: {  	v6 =	vor.u32 $0x100, v6;
	v9 =	vld.idx.msk [tilespmem:v9+s24+$0x0], $0xffff  }
0x144: {  	v14 =	vor.u32 $0x100, v14;
	v35 =	vshll.u32 v32, $0x2;
	v29 =	vld.idx.msk [tilespmem:v29+s24+$0x0], $0xffff  }
0x145: {  	v36 =	vor.u32 $0x80, v4;
	v35 =	vand.u32 $0xFFFFFE00, v35;
	[tilespmem:v27+s25+$0x0] =	vst.idx.add.f32.msk vm7, v19  }
0x146: {  	v19 =	vor.u32 $0x80, v21;
	v30 =	vld.idx.msk [tilespmem:v30+s24+$0x0], $0xffff  }
0x147: {  	v37 =	vor.u32 $0x80, v15;
	[tilespmem:v34+s25+$0x0] =	vst.idx.add.f32.msk vm2, v25  }
0x148: {  	v7 =	vor.u32 $0x100, v7;
	v6 =	vld.idx.msk [tilespmem:v6+s24+$0x0], $0xffff  }
0x149: {  	v25 =	vor.u32 $0x80, v27;
	[tilespmem:v14+s25+$0x0] =	vst.idx.add.f32.msk vm0, v9  }
0x14a: {  	v3 =	vor.u32 $0x100, v3;
	v9 =	vld.idx.msk [tilespmem:v36+s24+$0x0], $0xffff  }
0x14b: {  	v14 =	vor.u32 $0x80, v22;
	[tilespmem:v19+s25+$0x0] =	vst.idx.add.f32.msk vm1, v29  }
0x14c: {  	v4 =	vor.u32 $0x100, v4;
	v5 =	vor.u32 $0x100, v5;
	[tilespmem:v37+s25+$0x0] =	vst.idx.add.f32.msk vm4, v26  }
0x14d: {  	v19 =	vor.u32 $0x100, v1;
	v7 =	vld.idx.msk [tilespmem:v7+s24+$0x0], $0xffff  }
0x14e: {  	v10 =	vor.u32 $0x100, v10;
	v21 =	vor.u32 $0x100, v21;
	[tilespmem:v25+s25+$0x0] =	vst.idx.add.f32.msk vm7, v30;
	v25 =	vor.u32 $0x100, v27  }
0x14f: {  	v15 =	vor.u32 $0x100, v15;
	v22 =	vor.u32 $0x100, v22;
	v1 =	vand.u32 $0x7F, v32;
	v3 =	vld.idx.msk [tilespmem:v3+s24+$0x0], $0xffff  }
0x150: {  	v26 =	vand.u32 $0x7F, v33;
	v1 =	vor.u32 v1, v35;
	v27 =	vshll.u32 v33, $0x2;
	[tilespmem:v14+s25+$0x0] =	vst.idx.add.f32.msk vm5, v9  }
0x151: {  	vm6 =	vne.s32 v28, v33;
	v9 =	vand.u32 $0x7F, v28;
	v14 =	vshll.u32 v28, $0x2;
	v4 =	vld.idx.msk [tilespmem:v4+s24+$0x0], $0xffff  }
0x152: {  	v29 =	vshll.u32 v12, $0x2;
	v28 =	vand.u32 $0x7F, v12;
	v14 =	vand.u32 $0xFFFFFE00, v14;
	v5 =	vld.idx.msk [tilespmem:v5+s24+$0x0], $0xffff  }
0x153: {  	vm8 =	vne.s32 v12, v32;
	v30 =	vor.u32 v9, v14;
	v9 =	vand.u32 $0xFFFFFE00, v29;
	[tilespmem:v10+s25+$0x0] =	vst.idx.add.f32.msk vm2, v6  }
0x154: {  	vm0 =	vne.s32 v31, v20;
	v6 =	vand.u32 $0xFFFFFE00, v27;
	v10 =	vshll.u32 v31, $0x2;
	[tilespmem:v19+s25+$0x0] =	vst.idx.add.f32.msk vm3, v17  }
0x155: {  	v17 =	vor.u32 v26, v6;
	v6 =	vand.u32 $0x7F, v31;
	v10 =	vand.u32 $0xFFFFFE00, v10;
	[tilespmem:v15+s25+$0x0] =	vst.idx.add.f32.msk vm4, v3  }
0x156: {  	v12 =	vshll.u32 v23, $0x2;
	v26 =	vor.u32 v28, v9;
	v3 =	vand.u32 $0x7F, v23;
	[tilespmem:v21+s25+$0x0] =	vst.idx.add.f32.msk vm1, v7  }
0x157: {  	v12 =	vand.u32 $0xFFFFFE00, v12;
	v14 =	vor.u32 $0x80, v30;
	v7 =	vshll.u32 v18, $0x2;
	[tilespmem:v22+s25+$0x0] =	vst.idx.add.f32.msk vm5, v4  }
0x158: {  	v9 =	vshll.u32 v2, $0x2;
	v19 =	vshll.u32 v16, $0x2;
	v15 =	vand.u32 $0xFFFFFE00, v7;
	v4 =	vld.idx.msk [tilespmem:v30+s24+$0x0], $0xffff  }
0x159: {  	v21 =	vand.u32 $0xFFFFFE00, v9;
	v7 =	vshll.u32 v13, $0x2;
	v22 =	vand.u32 $0x7F, v18;
	[tilespmem:v25+s25+$0x0] =	vst.idx.add.f32.msk vm7, v5  }
0x15a: {  	v9 =	vor.u32 v6, v10;
	v5 =	vand.u32 $0x7F, v24;
	v25 =	vshll.u32 v24, $0x2;
	v31 =	vld [tilespmem:s28+$0x0]  }
0x15b: {  	vm1 =	vne.s32 v24, v8;
	v6 =	vor.u32 v3, v12;
	v10 =	vand.u32 $0xFFFFFE00, v7;
	v24 =	vld.idx.msk [tilespmem:v26+s24+$0x0], $0xffff  }
0x15c: {  	v27 =	vand.u32 $0x7F, v2;
	v3 =	vand.u32 $0xFFFFFE00, v25;
	v25 =	vand.u32 $0x7F, v13;
	v12 =	vld [tilespmem:s28+$0xFFFFFFF0]  }
0x15d: {  	vm2 =	vne.s32 v23, v16;
	v7 =	vor.u32 v5, v3;
	v3 =	vor.u32 v22, v15;
	v32 =	vld [tilespmem:s28+$0xFFFFFFE0]  }
0x15e: {  	vm3 =	vmmov vm8;
	[tilespmem:v17+s25+$0x0] =	vst.idx.add.f32.msk vm6, v4;
	v4 =	vor.u32 v25, v10;
	v10 =	vand.u32 $0xFFFFFE00, v19  }
0x15f: {  	v5 =	vor.u32 v27, v21;
	v21 =	vor.u32 $0x80, v26;
	v19 =	vshll.u32 v20, $0x2;
	v15 =	vld.idx.msk [tilespmem:v9+s24+$0x0], $0xffff  }
0x160: {  	vm4 =	vne.s32 v18, v31;
	v18 =	vand.u32 $0xFFFFFE00, v19;
	v22 =	vld.idx.msk [tilespmem:v14+s24+$0x0], $0xffff;
	v14 =	vand.u32 $0x7F, v20  }
0x161: {  	v20 =	vshll.u32 v31, $0x2;
	v19 =	vshll.u32 v12, $0x2;
	v23 =	vld.idx.msk [tilespmem:v6+s24+$0x0], $0xffff;
	v14 =	vor.u32 v14, v18  }
0x162: {  	v18 =	vand.u32 $0x7F, v32;
	v33 =	vshll.u32 v32, $0x2;
	v27 =	vand.u32 $0xFFFFFE00, v19;
	[tilespmem:v1+s25+$0x0] =	vst.idx.add.f32.msk vm8, v24  }
0x163: {  	v25 =	vor.u32 $0x80, v9;
	v28 =	vand.u32 $0x7F, v12;
	v24 =	vld.idx.msk [tilespmem:v3+s24+$0x0], $0xffff  }
0x164: {  	v19 =	vand.u32 $0x7F, v16;
	v34 =	vld.idx.msk [tilespmem:v21+s24+$0x0], $0xffff  }
0x165: {  	v10 =	vor.u32 v19, v10;
	v16 =	vld.idx.msk [tilespmem:v4+s24+$0x0], $0xffff  }
0x166: {  	v21 =	vor.u32 $0x80, v6;
	[tilespmem:v14+s25+$0x0] =	vst.idx.add.f32.msk vm0, v15  }
0x167: {  	v35 =	vor.u32 $0x80, v17;
	v19 =	vld.idx.msk [tilespmem:v5+s24+$0x0], $0xffff  }
0x168: {  	v30 =	vor.u32 $0x100, v30;
	v29 =	vor.u32 $0x80, v7;
	vm5 =	vne.s32 v13, v32;
	v13 =	vld.idx.msk [tilespmem:v25+s24+$0x0], $0xffff  }
0x169: {  	v36 =	vor.u32 $0x80, v14;
	v32 =	vld.idx.msk [tilespmem:v7+s24+$0x0], $0xffff  }
0x16a: {  	v20 =	vand.u32 $0xFFFFFE00, v20;
	v15 =	vand.u32 $0x7F, v31;
	[tilespmem:v10+s25+$0x0] =	vst.idx.add.f32.msk vm2, v23;
	v23 =	vor.u32 $0x80, v1  }
0x16b: {  	v15 =	vor.u32 v15, v20;
	v25 =	vld.idx.msk [tilespmem:v21+s24+$0x0], $0xffff  }
0x16c: {  	v20 =	vor.u32 $0x80, v3;
	[tilespmem:v35+s25+$0x0] =	vst.idx.add.f32.msk vm6, v22  }
0x16d: {  	v31 =	vor.u32 $0x100, v26;
	v30 =	vld.idx.msk [tilespmem:v30+s24+$0x0], $0xffff  }
0x16e: {  	v8 =	vand.u32 $0x7F, v8;
	v35 =	vor.u32 $0x100, v17;
	[tilespmem:v36+s25+$0x0] =	vst.idx.add.f32.msk vm0, v13  }
0x16f: {  	v21 =	vor.u32 v8, v11;
	v8 =	vand.u32 $0xFFFFFE00, v33;
	[tilespmem:v23+s25+$0x0] =	vst.idx.add.f32.msk vm3, v34  }
.Ltmp2:
0x170: {  	v22 =	vor.u32 v18, v8;
	[tilespmem:v15+s25+$0x0] =	vst.idx.add.f32.msk vm4, v24;
	(pc) =	sbr.rel @p0 .LBB2_6-.Ltmp2, $4  }
0x171: {  	v26 =	vld.idx.msk [tilespmem:v20+s24+$0x0], $0xffff  }
0x172: {  	v17 =	vld.idx.msk [tilespmem:v31+s24+$0x0], $0xffff  }
0x173: {  	[tilespmem:v35+s25+$0x0] =	vst.idx.add.f32.msk vm6, v30  }
0x174: {  	[tilespmem:v21+s25+$0x0] =	vst.idx.add.f32.msk vm1, v32  }
0x175: {  	_ = 	snop  }
0x176: {  	v8 =	vor.u32 $0x100, v9  }
0x177: {  	v11 =	vor.u32 $0x80, v10  }
0x178: {  	v49 =	vor.u32 $0x80, v4  }
0x179: {  	v48 =	vld.idx.msk [tilespmem:v29+s24+$0x0], $0xffff;
	v50 =	vor.u32 $0x80, v21  }
0x17a: {  	[tilespmem:v22+s25+$0x0] =	vst.idx.add.f32.msk vm5, v16;
	v18 =	vor.u32 $0x80, v15  }
0x17b: {  	vm6 =	vne.s32 v2, v12;
	v1 =	vor.u32 $0x100, v1;
	v8 =	vld.idx.msk [tilespmem:v8+s24+$0x0], $0xffff  }
0x17c: {  	v2 =	vor.u32 v28, v27;
	[tilespmem:v11+s25+$0x0] =	vst.idx.add.f32.msk vm2, v25  }
0x17d: {  	v6 =	vor.u32 $0x100, v6;
	v52 =	vld.idx.msk [tilespmem:v49+s24+$0x0], $0xffff  }
0x17e: {  	v7 =	vor.u32 $0x100, v7;
	[tilespmem:v50+s25+$0x0] =	vst.idx.add.f32.msk vm1, v48  }
0x17f: {  	v47 =	vor.u32 $0x80, v5;
	[tilespmem:v18+s25+$0x0] =	vst.idx.add.f32.msk vm4, v26  }
0x180: {  	v3 =	vor.u32 $0x100, v3;
	[tilespmem:v1+s25+$0x0] =	vst.idx.add.f32.msk vm3, v17  }
0x181: {  	v13 =	vor.u32 $0x100, v14;
	[tilespmem:v2+s25+$0x0] =	vst.idx.add.f32.msk vm6, v19  }
0x182: {  	v53 =	vor.u32 $0x80, v22;
	v6 =	vld.idx.msk [tilespmem:v6+s24+$0x0], $0xffff  }
0x183: {  	v54 =	vor.u32 $0x100, v4;
	v7 =	vld.idx.msk [tilespmem:v7+s24+$0x0], $0xffff  }
0x184: {  	v51 =	vor.u32 $0x80, v2;
	v9 =	vld.idx.msk [tilespmem:v47+s24+$0x0], $0xffff  }
0x185: {  	v55 =	vor.u32 $0x100, v5;
	v3 =	vld.idx.msk [tilespmem:v3+s24+$0x0], $0xffff  }
0x186: {  	v56 =	vor.u32 $0x100, v10;
	[tilespmem:v13+s25+$0x0] =	vst.idx.add.f32.msk vm0, v8  }
0x187: {  	v57 =	vor.u32 $0x100, v15;
	[tilespmem:v53+s25+$0x0] =	vst.idx.add.f32.msk vm5, v52  }
0x188: {  	v58 =	vor.u32 $0x100, v21;
	v4 =	vld.idx.msk [tilespmem:v54+s24+$0x0], $0xffff  }
0x189: {  	v59 =	vor.u32 $0x100, v22;
	[tilespmem:v51+s25+$0x0] =	vst.idx.add.f32.msk vm6, v9  }
0x18a: {  	v2 =	vor.u32 $0x100, v2;
	v5 =	vld.idx.msk [tilespmem:v55+s24+$0x0], $0xffff  }
0x18b: {  	[tilespmem:v56+s25+$0x0] =	vst.idx.add.f32.msk vm2, v6  }
0x18c: {  	[tilespmem:v57+s25+$0x0] =	vst.idx.add.f32.msk vm4, v3  }
0x18d: {  	[tilespmem:v58+s25+$0x0] =	vst.idx.add.f32.msk vm1, v7  }
0x18e: {  	[tilespmem:v59+s25+$0x0] =	vst.idx.add.f32.msk vm5, v4  }
0x18f: {  	[tilespmem:v2+s25+$0x0] =	vst.idx.add.f32.msk vm6, v5  }
0x190: {  	v1 =	vld [tilespmem:$0x2700];
	_ =	sdelay $0x4  }
0x191: {  	v2 =	vld [tilespmem:$0x4E80];
	v3 =	vshll.u32 v1, $0x2  }
0x192: {  	v60 =	vand.u32 $0x7F, v1;
	v3 =	vand.u32 $0xFFFFFE00, v3  }
0x193: {  	v3 =	vor.u32 v60, v3;
	_ =	sdelay $0x2  }
0x194: {  	v61 =	vshll.u32 v2, $0x2  }
0x195: {  	vm15 =	vne.s32 v1, v2;
	v1 =	vand.u32 $0x7F, v2;
	v2 =	vand.u32 $0xFFFFFE00, v61  }
0x196: {  	v1 =	vor.u32 v1, v2;
	v62 =	vld.idx.msk [tilespmem:v3+s24+$0x0], $0xffff  }
0x197: {  	v2 =	vor.u32 $0x80, v3;
	_ =	sdelay $0x3  }
0x198: {  	[tilespmem:v1+s25+$0x0] =	vst.idx.add.f32.msk vm15, v62  }
0x199: {  	v63 =	vor.u32 $0x80, v1;
	v2 =	vld.idx.msk [tilespmem:v2+s24+$0x0], $0xffff  }
0x19a: {  	v3 =	vor.u32 $0x100, v3;
	_ =	sdelay $0x3  }
0x19b: {  	[tilespmem:v63+s25+$0x0] =	vst.idx.add.f32.msk vm15, v2  }
0x19c: {  	v1 =	vor.u32 $0x100, v1;
	v2 =	vld.idx.msk [tilespmem:v3+s24+$0x0], $0xffff;
	_ =	sdelay $0x4  }
0x19d: {  	s0 =	rddreg [dreg:$0xc];
	[tilespmem:v1+s25+$0x0] =	vst.idx.add.f32.msk vm15, v2  }
0x19e: {  	[hbm4b:s0+s11] =	stream.linear.scatter [tilespmem:s25], [sflag:$0x2], $0xA000, $0x38;
	[tilespmem:$0x1CD80] =	vst v63  }
0x19f: {  	_ =	swait.ge [sflag:s1], $0xA000  }
0x1a0: {  	s26 =	sadd.s32 $0x1, s26;
	s31 =	rddreg [dreg:$0xd]  }
0x1a1: {  	p0 =	sne.s32 s26, s31  }
.Ltmp3:
0x1a2: {  	_ = 	snop;
	(pc) =	sbr.rel @p0 .LBB2_1-.Ltmp3, $3  }
0x1a3: {  	_ =	sdelay $0x1  }
0x1a4: {  	[sflag:s1] =	ssyncset.done $0x0  }
0x1a5: {  	[sflag:s1] =	ssyncadd.s32 $0xFFFF6000  }
0x1a6: {  	_ =	sfence.sel $0x180000  }
0x1a7: {  	[bflag:$0x0] =	sbarrier.arrive $0xFFFF  }
0x1a8: {  	_ =	strace $0x9000004A  }
0x1a9: {  	s0 =	stileid.u32;
	[bflag:$0x2] =	sbarrier.arrive $0xFFFF  }
0x1aa: {  	p0 =	sne.s32 s0, $0x0;
	s0 =	rddreg [dreg:$0x2]  }
0x1ab: {  	s0 =	sadd.s32 @!p0 $0x100000, s0  }
0x1ac: {  	[sflag:s0] =	ssyncadd.tile.s32 @!p0 $0x1;
	_ =	shalt  }
.Lfunc_end2:
_tile_overlayer_lowered:
.L_overlay_start_2:
0x1ad: {  	(tag) =	ssettag $0x2  }
0x1ae: {  	s0 =	rddreg [dreg:$0x0];
	s2 =	stileid.u32  }
0x1af: {  	s1 =	rddreg [dreg:$0x1];
	p0 =	sne.s32 s2, $0x0  }
0x1b0: {  	s3 =	rddreg [dreg:$0x2];
	[bflag:$0x3] =	sbarrier.arrive $0xFFFF;
	s2 =	simm.s32 @!p0 $0x1C02  }
0x1b1: {  	[timem:s3], [sflag:s2] =	dma.local @!p0 [hbm:s0], s1  }
0x1b2: {  	s0 =	simm.s32 @!p0 $0x2  }
0x1b3: {  	_ =	swait.ge @!p0 [sflag:s0], s1  }
0x1b4: {  	s1 =	ssub.s32 @!p0 $0x0, s1;
	[sflag:s0] =	ssyncset.done @!p0 $0x0  }
0x1b5: {  	[sflag:s0] =	ssyncadd.s32 @!p0 s1  }
0x1b6: {  	[bflag:$0x3] =	sbarrier.arrive $0xFFFF  }
0x1b7: {  	_ =	shalt  }

</sc_bundles>
